<compile_context>
chip_gen: v7x
topology: tpu7x:2x2x1
jax: 0.10.2.dev20260603
libtpu: 0.0.44.dev20260713+nightly
codegen_flags: <defaults>
</compile_context>

<pallas_src>
import functools

import jax
import jax.numpy as jnp
from jax import lax
from jax.experimental import pallas as pl
from jax.experimental.pallas import tpu as pltpu
from jax.experimental.pallas import tpu_sc as plsc

ROWS = 64
COLS = 32768
K = 64
NVREG = COLS // 16
NGROUP = NVREG // 16
NEG = float("-inf")

_info = plsc.get_sparse_core_info()
NC, NS = _info.num_cores, _info.num_subcores
NW = NC * NS
ROWS_PER_W = ROWS // NW


def _sort_asc(v):
    return lax.sort(v, dimension=0)


def _merge(A, b):
    b_desc = lax.rev(_sort_asc(b), dimensions=(0,))
    h0 = jnp.maximum(A[0], b_desc)
    p0 = jnp.minimum(h0, A[2])
    p2 = jnp.maximum(h0, A[2])
    q0 = jnp.minimum(p0, A[1])
    q1 = jnp.maximum(p0, A[1])
    q2 = jnp.minimum(p2, A[3])
    q3 = jnp.maximum(p2, A[3])
    return (_sort_asc(q0), _sort_asc(q1), _sort_asc(q2), _sort_asc(q3))


def _neg_buf():
    z = jnp.full((16,), NEG, jnp.float32)
    return (z, z, z, z)


_GDN = lax.GatherDimensionNumbers(
    offset_dims=(), collapsed_slice_dims=(0,), start_index_map=(0,))


def _bcast0(v):
    idx = jnp.zeros((16, 1), jnp.int32)
    return lax.gather(v, idx, _GDN, (1,),
                      mode=lax.GatherScatterMode.PROMISE_IN_BOUNDS)


@functools.partial(
    pl.kernel,
    out_type=jax.ShapeDtypeStruct((ROWS, K), jnp.float32),
    mesh=plsc.VectorSubcoreMesh(core_axis_name="c", subcore_axis_name="s"),
    compiler_params=pltpu.CompilerParams(needs_layout_passes=False),
    scratch_types=[
        pltpu.VMEM((COLS,), jnp.float32),
        pltpu.VMEM((COLS,), jnp.float32),
        pltpu.VMEM((NGROUP * 16,), jnp.float32),
        pltpu.VMEM((NGROUP * 16 + 16,), jnp.int32),
        pltpu.VMEM((K,), jnp.float32),
        pltpu.SemaphoreType.DMA,
        pltpu.SemaphoreType.DMA,
    ],
)
def _topk_sc(x_hbm, out_hbm, x_v0, x_v1, m_v, cand_v, res_v, sem0, sem1):
    wid = lax.axis_index("s") * NC + lax.axis_index("c")
    lane = lax.iota(jnp.int32, 16)

    row0 = wid * ROWS_PER_W
    cp0 = pltpu.async_copy(x_hbm.at[row0], x_v0, sem0)
    cp1 = pltpu.async_copy(x_hbm.at[row0 + 1], x_v1, sem1)

    def process_row(x_v, r):
        def bucket_body(g, T):
            base = g * 256
            acc = x_v[pl.ds(base, 16)]
            for j in range(1, 16):
                acc = jnp.maximum(acc, x_v[pl.ds(base + j * 16, 16)])
            m_v[pl.ds(g * 16, 16)] = acc
            t = acc
            T2 = []
            for s in range(8):
                T2.append(jnp.maximum(T[s], t))
                t = jnp.minimum(T[s], t)
            return tuple(T2)

        z = jnp.full((16,), NEG, jnp.float32)
        T = lax.fori_loop(0, NGROUP, bucket_body, (z,) * 8)

        AM = _neg_buf()
        for s in range(8):
            AM = _merge(AM, T[s])
        tau_v = _bcast0(AM[0])

        def comp_body(gq, offs):
            new_offs = []
            for u in range(4):
                g = u * (NGROUP // 4) + gq
                mg = m_v[pl.ds(g * 16, 16)]
                m = mg >= tau_v
                ids = g * 16 + lane
                plsc.store_compressed(
                    cand_v.at[pl.ds(u * 512 + offs[u], 16)], ids, mask=m)
                new_offs.append(
                    offs[u] + plsc.all_reduce_population_count(m)[0])
            return tuple(new_offs)

        zero = jnp.int32(0)
        counts = lax.fori_loop(0, NGROUP // 4, comp_body,
                               (zero, zero, zero, zero))

        mcount = jnp.maximum(jnp.maximum(counts[0], counts[1]),
                             jnp.maximum(counts[2], counts[3]))
        count_vs = [jnp.full((16,), c, jnp.int32) for c in counts]
        negv = jnp.full((16,), NEG, jnp.float32)

        def cand_body(i, Fs):
            i_v = jnp.full((16,), i, jnp.int32)
            new_Fs = []
            for u in range(4):
                cid = cand_v[pl.ds(u * 512 + i, 16)][0]
                idx = ((cid // 16) * 256 + lane * 16 + (cid % 16)) & (COLS - 1)
                b = plsc.load_gather(x_v, [idx])
                b = jnp.where(i_v < count_vs[u], b, negv)
                new_Fs.append(_merge(Fs[u], b))
            return tuple(new_Fs)

        Fs = lax.fori_loop(0, mcount, cand_body, (_neg_buf(),) * 4)

        def merge64(A, B):
            k = [jnp.maximum(A[i], lax.rev(B[3 - i], dimensions=(0,)))
                 for i in range(4)]
            p0 = jnp.minimum(k[0], k[2])
            p2 = jnp.maximum(k[0], k[2])
            p1 = jnp.minimum(k[1], k[3])
            p3 = jnp.maximum(k[1], k[3])
            q0 = jnp.minimum(p0, p1)
            q1 = jnp.maximum(p0, p1)
            q2 = jnp.minimum(p2, p3)
            q3 = jnp.maximum(p2, p3)
            return (_sort_asc(q0), _sort_asc(q1),
                    _sort_asc(q2), _sort_asc(q3))

        F = merge64(merge64(Fs[0], Fs[1]), merge64(Fs[2], Fs[3]))

        for j in range(4):
            res_v[pl.ds(j * 16, 16)] = lax.rev(F[3 - j], dimensions=(0,))
        pltpu.sync_copy(res_v, out_hbm.at[r])

    cp0.wait()
    process_row(x_v0, row0)
    cp1.wait()
    process_row(x_v1, row0 + 1)


def kernel(x):
    return _topk_sc(x).reshape(1, ROWS * K)

# --- scband reference (transcript-rebuilt; emitter-appended) ---
"""Pipeline reference for scband-kmax-pooling-83537113907431 (READ-ONLY COPY).

The authoritative reference and input builder live on the scoring server;
editing this copy changes nothing except your own understanding.
"""

import jax, jax.numpy as jnp
import numpy as np

K = 64

def setup_inputs(seed: int = 0) -> dict:
    key = jax.random.key(seed)
    x = jax.random.normal(key, (64, 32768), dtype=jnp.float32)
    return {"x": x}

def reference(x):
    # torch: x.topk(self.k)[0].view(1, -1)
    # topk along last dim, values sorted descending (lax.top_k matches)
    vals, _ = jax.lax.top_k(x, K)
    return vals.reshape(1, -1)

if __name__ == "__main__":
    import jax
    _d = setup_inputs()
    print(jax.jit(kernel)(*tuple(_d.values())))

</pallas_src>

<mosaic_0001>
#map = affine_map<(d0, d1) -> (0, 0)>
module attributes {stable_mosaic.version = 14 : i64} {
  func.func @_topk_sc(%arg0: i32, %arg1: i32, %arg2: memref<64x32768xf32, #tpu.memory_space<hbm>>, %arg3: memref<64x64xf32, #tpu.memory_space<hbm>>, %arg4: memref<32768xf32, #tpu.memory_space<vmem>>, %arg5: memref<32768xf32, #tpu.memory_space<vmem>>, %arg6: memref<2048xf32, #tpu.memory_space<vmem>>, %arg7: memref<2064xi32, #tpu.memory_space<vmem>>, %arg8: memref<64xf32, #tpu.memory_space<vmem>>, %arg9: memref<!tpu.dma_semaphore, #tpu.memory_space<semaphore_mem>>, %arg10: memref<!tpu.dma_semaphore, #tpu.memory_space<semaphore_mem>>) attributes {dimension_semantics = [#tpu.dimension_semantics<core_parallel>, #tpu.dimension_semantics<subcore_parallel>], iteration_bounds = array<i64: 2, 16>, scalar_prefetch = 0 : i64, scratch_operands = 7 : i64, tpu.core_type = #tpu.core_type<sc_vector_subcore>, window_params = [{transform_indices = #map}, {transform_indices = #map}]} {
    %mul3A = arith.constant 2 : i32
    %mul3A_0 = arith.muli %arg1, %mul3A : i32
    %add3A = arith.addi %mul3A_0, %arg0 : i32
    %iota3A = tpu.iota {dimensions = array<i32: 0>} : vector<16xi32>
    %mul3A_1 = arith.constant 2 : i32
    %mul3A_2 = arith.muli %add3A, %mul3A_1 : i32
    %dma_start3A = arith.constant 0 : i32
    %dma_start3A_3 = tpu.memref_slice %arg2[%mul3A_2, %dma_start3A] : memref<64x32768xf32, #tpu.memory_space<hbm>> -> memref<1x32768xf32, #tpu.memory_space<hbm>>
    %dma_start3A_4 = tpu.memref_squeeze %dma_start3A_3 : memref<1x32768xf32, #tpu.memory_space<hbm>> -> memref<32768xf32, #tpu.memory_space<hbm>>
    %dma_start3A_5 = arith.constant 0 : i32
    %dma_start3A_6 = tpu.memref_slice %arg2[%mul3A_2, %dma_start3A_5] : memref<64x32768xf32, #tpu.memory_space<hbm>> -> memref<1x32768xf32, #tpu.memory_space<hbm>>
    %dma_start3A_7 = tpu.memref_squeeze %dma_start3A_6 : memref<1x32768xf32, #tpu.memory_space<hbm>> -> memref<32768xf32, #tpu.memory_space<hbm>>
    tpu.enqueue_dma source(%dma_start3A_7 : memref<32768xf32, #tpu.memory_space<hbm>>) target(%arg4 : memref<32768xf32, #tpu.memory_space<vmem>>) target_semaphore(%arg9 : memref<!tpu.dma_semaphore, #tpu.memory_space<semaphore_mem>>)
    %add3A_8 = arith.constant 1 : i32
    %add3A_9 = arith.addi %mul3A_2, %add3A_8 : i32
    %dma_start3A_10 = arith.constant 0 : i32
    %dma_start3A_11 = tpu.memref_slice %arg2[%add3A_9, %dma_start3A_10] : memref<64x32768xf32, #tpu.memory_space<hbm>> -> memref<1x32768xf32, #tpu.memory_space<hbm>>
    %dma_start3A_12 = tpu.memref_squeeze %dma_start3A_11 : memref<1x32768xf32, #tpu.memory_space<hbm>> -> memref<32768xf32, #tpu.memory_space<hbm>>
    %dma_start3A_13 = arith.constant 0 : i32
    %dma_start3A_14 = tpu.memref_slice %arg2[%add3A_9, %dma_start3A_13] : memref<64x32768xf32, #tpu.memory_space<hbm>> -> memref<1x32768xf32, #tpu.memory_space<hbm>>
    %dma_start3A_15 = tpu.memref_squeeze %dma_start3A_14 : memref<1x32768xf32, #tpu.memory_space<hbm>> -> memref<32768xf32, #tpu.memory_space<hbm>>
    tpu.enqueue_dma source(%dma_start3A_15 : memref<32768xf32, #tpu.memory_space<hbm>>) target(%arg5 : memref<32768xf32, #tpu.memory_space<vmem>>) target_semaphore(%arg10 : memref<!tpu.dma_semaphore, #tpu.memory_space<semaphore_mem>>)
    %dma_wait3A = arith.constant 0 : i32
    %dma_wait3A_16 = tpu.memref_slice %arg2[%mul3A_2, %dma_wait3A] : memref<64x32768xf32, #tpu.memory_space<hbm>> -> memref<1x32768xf32, #tpu.memory_space<hbm>>
    %dma_wait3A_17 = tpu.memref_squeeze %dma_wait3A_16 : memref<1x32768xf32, #tpu.memory_space<hbm>> -> memref<32768xf32, #tpu.memory_space<hbm>>
    %dma_wait3A_18 = arith.constant 0 : i32
    %dma_wait3A_19 = tpu.memref_slice %arg2[%mul3A_2, %dma_wait3A_18] : memref<64x32768xf32, #tpu.memory_space<hbm>> -> memref<1x32768xf32, #tpu.memory_space<hbm>>
    %dma_wait3A_20 = tpu.memref_squeeze %dma_wait3A_19 : memref<1x32768xf32, #tpu.memory_space<hbm>> -> memref<32768xf32, #tpu.memory_space<hbm>>
    tpu.wait_dma2 semaphore(%arg9 : memref<!tpu.dma_semaphore, #tpu.memory_space<semaphore_mem>>) src(%dma_wait3A_20 : memref<32768xf32, #tpu.memory_space<hbm>>) dst(%arg4 : memref<32768xf32, #tpu.memory_space<vmem>>)
    %broadcast_in_dim3A = arith.constant 0xFF800000 : f32
    %broadcast_in_dim3A_21 = vector.broadcast %broadcast_in_dim3A : f32 to vector<16xf32>
    %scan3A = arith.constant 0 : i32
    %scan3A_22 = arith.constant 128 : i32
    %scan3A_23 = arith.addi %scan3A, %scan3A_22 : i32
    %scan3A_24 = arith.constant 1 : i32
    %scan3A_25:8 = scf.for %scan3A_968 = %scan3A to %scan3A_23 step %scan3A_24 iter_args(%scan3A_969 = %broadcast_in_dim3A_21, %scan3A_970 = %broadcast_in_dim3A_21, %scan3A_971 = %broadcast_in_dim3A_21, %scan3A_972 = %broadcast_in_dim3A_21, %scan3A_973 = %broadcast_in_dim3A_21, %scan3A_974 = %broadcast_in_dim3A_21, %scan3A_975 = %broadcast_in_dim3A_21, %scan3A_976 = %broadcast_in_dim3A_21) -> (vector<16xf32>, vector<16xf32>, vector<16xf32>, vector<16xf32>, vector<16xf32>, vector<16xf32>, vector<16xf32>, vector<16xf32>)  : i32 {
      %mul3A_977 = arith.constant 256 : i32
      %mul3A_978 = arith.muli %scan3A_968, %mul3A_977 : i32
      %get3A = arith.index_cast %mul3A_978 : i32 to index
      %get3A_979 = tpu.vector_load %arg4[%get3A] {strides = array<i32>} : memref<32768xf32, #tpu.memory_space<vmem>>, vector<16xf32>,
      %add3A_980 = arith.constant 16 : i32
      %add3A_981 = arith.addi %mul3A_978, %add3A_980 : i32
      %get3A_982 = arith.index_cast %add3A_981 : i32 to index
      %get3A_983 = tpu.vector_load %arg4[%get3A_982] {strides = array<i32>} : memref<32768xf32, #tpu.memory_space<vmem>>, vector<16xf32>,
      %max3A_984 = arith.maximumf %get3A_979, %get3A_983 : vector<16xf32>
      %add3A_985 = arith.constant 32 : i32
      %add3A_986 = arith.addi %mul3A_978, %add3A_985 : i32
      %get3A_987 = arith.index_cast %add3A_986 : i32 to index
      %get3A_988 = tpu.vector_load %arg4[%get3A_987] {strides = array<i32>} : memref<32768xf32, #tpu.memory_space<vmem>>, vector<16xf32>,
      %max3A_989 = arith.maximumf %max3A_984, %get3A_988 : vector<16xf32>
      %add3A_990 = arith.constant 48 : i32
      %add3A_991 = arith.addi %mul3A_978, %add3A_990 : i32
      %get3A_992 = arith.index_cast %add3A_991 : i32 to index
      %get3A_993 = tpu.vector_load %arg4[%get3A_992] {strides = array<i32>} : memref<32768xf32, #tpu.memory_space<vmem>>, vector<16xf32>,
      %max3A_994 = arith.maximumf %max3A_989, %get3A_993 : vector<16xf32>
      %add3A_995 = arith.constant 64 : i32
      %add3A_996 = arith.addi %mul3A_978, %add3A_995 : i32
      %get3A_997 = arith.index_cast %add3A_996 : i32 to index
      %get3A_998 = tpu.vector_load %arg4[%get3A_997] {strides = array<i32>} : memref<32768xf32, #tpu.memory_space<vmem>>, vector<16xf32>,
      %max3A_999 = arith.maximumf %max3A_994, %get3A_998 : vector<16xf32>
      %add3A_1000 = arith.constant 80 : i32
      %add3A_1001 = arith.addi %mul3A_978, %add3A_1000 : i32
      %get3A_1002 = arith.index_cast %add3A_1001 : i32 to index
      %get3A_1003 = tpu.vector_load %arg4[%get3A_1002] {strides = array<i32>} : memref<32768xf32, #tpu.memory_space<vmem>>, vector<16xf32>,
      %max3A_1004 = arith.maximumf %max3A_999, %get3A_1003 : vector<16xf32>
      %add3A_1005 = arith.constant 96 : i32
      %add3A_1006 = arith.addi %mul3A_978, %add3A_1005 : i32
      %get3A_1007 = arith.index_cast %add3A_1006 : i32 to index
      %get3A_1008 = tpu.vector_load %arg4[%get3A_1007] {strides = array<i32>} : memref<32768xf32, #tpu.memory_space<vmem>>, vector<16xf32>,
      %max3A_1009 = arith.maximumf %max3A_1004, %get3A_1008 : vector<16xf32>
      %add3A_1010 = arith.constant 112 : i32
      %add3A_1011 = arith.addi %mul3A_978, %add3A_1010 : i32
      %get3A_1012 = arith.index_cast %add3A_1011 : i32 to index
      %get3A_1013 = tpu.vector_load %arg4[%get3A_1012] {strides = array<i32>} : memref<32768xf32, #tpu.memory_space<vmem>>, vector<16xf32>,
      %max3A_1014 = arith.maximumf %max3A_1009, %get3A_1013 : vector<16xf32>
      %add3A_1015 = arith.constant 128 : i32
      %add3A_1016 = arith.addi %mul3A_978, %add3A_1015 : i32
      %get3A_1017 = arith.index_cast %add3A_1016 : i32 to index
      %get3A_1018 = tpu.vector_load %arg4[%get3A_1017] {strides = array<i32>} : memref<32768xf32, #tpu.memory_space<vmem>>, vector<16xf32>,
      %max3A_1019 = arith.maximumf %max3A_1014, %get3A_1018 : vector<16xf32>
      %add3A_1020 = arith.constant 144 : i32
      %add3A_1021 = arith.addi %mul3A_978, %add3A_1020 : i32
      %get3A_1022 = arith.index_cast %add3A_1021 : i32 to index
      %get3A_1023 = tpu.vector_load %arg4[%get3A_1022] {strides = array<i32>} : memref<32768xf32, #tpu.memory_space<vmem>>, vector<16xf32>,
      %max3A_1024 = arith.maximumf %max3A_1019, %get3A_1023 : vector<16xf32>
      %add3A_1025 = arith.constant 160 : i32
      %add3A_1026 = arith.addi %mul3A_978, %add3A_1025 : i32
      %get3A_1027 = arith.index_cast %add3A_1026 : i32 to index
      %get3A_1028 = tpu.vector_load %arg4[%get3A_1027] {strides = array<i32>} : memref<32768xf32, #tpu.memory_space<vmem>>, vector<16xf32>,
      %max3A_1029 = arith.maximumf %max3A_1024, %get3A_1028 : vector<16xf32>
      %add3A_1030 = arith.constant 176 : i32
      %add3A_1031 = arith.addi %mul3A_978, %add3A_1030 : i32
      %get3A_1032 = arith.index_cast %add3A_1031 : i32 to index
      %get3A_1033 = tpu.vector_load %arg4[%get3A_1032] {strides = array<i32>} : memref<32768xf32, #tpu.memory_space<vmem>>, vector<16xf32>,
      %max3A_1034 = arith.maximumf %max3A_1029, %get3A_1033 : vector<16xf32>
      %add3A_1035 = arith.constant 192 : i32
      %add3A_1036 = arith.addi %mul3A_978, %add3A_1035 : i32
      %get3A_1037 = arith.index_cast %add3A_1036 : i32 to index
      %get3A_1038 = tpu.vector_load %arg4[%get3A_1037] {strides = array<i32>} : memref<32768xf32, #tpu.memory_space<vmem>>, vector<16xf32>,
      %max3A_1039 = arith.maximumf %max3A_1034, %get3A_1038 : vector<16xf32>
      %add3A_1040 = arith.constant 208 : i32
      %add3A_1041 = arith.addi %mul3A_978, %add3A_1040 : i32
      %get3A_1042 = arith.index_cast %add3A_1041 : i32 to index
      %get3A_1043 = tpu.vector_load %arg4[%get3A_1042] {strides = array<i32>} : memref<32768xf32, #tpu.memory_space<vmem>>, vector<16xf32>,
      %max3A_1044 = arith.maximumf %max3A_1039, %get3A_1043 : vector<16xf32>
      %add3A_1045 = arith.constant 224 : i32
      %add3A_1046 = arith.addi %mul3A_978, %add3A_1045 : i32
      %get3A_1047 = arith.index_cast %add3A_1046 : i32 to index
      %get3A_1048 = tpu.vector_load %arg4[%get3A_1047] {strides = array<i32>} : memref<32768xf32, #tpu.memory_space<vmem>>, vector<16xf32>,
      %max3A_1049 = arith.maximumf %max3A_1044, %get3A_1048 : vector<16xf32>
      %add3A_1050 = arith.constant 240 : i32
      %add3A_1051 = arith.addi %mul3A_978, %add3A_1050 : i32
      %get3A_1052 = arith.index_cast %add3A_1051 : i32 to index
      %get3A_1053 = tpu.vector_load %arg4[%get3A_1052] {strides = array<i32>} : memref<32768xf32, #tpu.memory_space<vmem>>, vector<16xf32>,
      %max3A_1054 = arith.maximumf %max3A_1049, %get3A_1053 : vector<16xf32>
      %mul3A_1055 = arith.constant 16 : i32
      %mul3A_1056 = arith.muli %scan3A_968, %mul3A_1055 : i32
      %swap3A_1057 = arith.index_cast %mul3A_1056 : i32 to index
      %swap3A_1058 = tpu.vector_load %arg6[%swap3A_1057] {strides = array<i32>} : memref<2048xf32, #tpu.memory_space<vmem>>, vector<16xf32>,
      tpu.vector_store %arg6[%swap3A_1057], %max3A_1054 {strides = array<i32>} : memref<2048xf32, #tpu.memory_space<vmem>>, vector<16xf32>,
      %max3A_1059 = arith.maximumf %scan3A_969, %max3A_1054 : vector<16xf32>
      %min3A_1060 = arith.minimumf %scan3A_969, %max3A_1054 : vector<16xf32>
      %max3A_1061 = arith.maximumf %scan3A_970, %min3A_1060 : vector<16xf32>
      %min3A_1062 = arith.minimumf %scan3A_970, %min3A_1060 : vector<16xf32>
      %max3A_1063 = arith.maximumf %scan3A_971, %min3A_1062 : vector<16xf32>
      %min3A_1064 = arith.minimumf %scan3A_971, %min3A_1062 : vector<16xf32>
      %max3A_1065 = arith.maximumf %scan3A_972, %min3A_1064 : vector<16xf32>
      %min3A_1066 = arith.minimumf %scan3A_972, %min3A_1064 : vector<16xf32>
      %max3A_1067 = arith.maximumf %scan3A_973, %min3A_1066 : vector<16xf32>
      %min3A_1068 = arith.minimumf %scan3A_973, %min3A_1066 : vector<16xf32>
      %max3A_1069 = arith.maximumf %scan3A_974, %min3A_1068 : vector<16xf32>
      %min3A_1070 = arith.minimumf %scan3A_974, %min3A_1068 : vector<16xf32>
      %max3A_1071 = arith.maximumf %scan3A_975, %min3A_1070 : vector<16xf32>
      %min3A_1072 = arith.minimumf %scan3A_975, %min3A_1070 : vector<16xf32>
      %max3A_1073 = arith.maximumf %scan3A_976, %min3A_1072 : vector<16xf32>
      %min3A_1074 = arith.minimumf %scan3A_976, %min3A_1072 : vector<16xf32>
      scf.yield %max3A_1059, %max3A_1061, %max3A_1063, %max3A_1065, %max3A_1067, %max3A_1069, %max3A_1071, %max3A_1073 : vector<16xf32>, vector<16xf32>, vector<16xf32>, vector<16xf32>, vector<16xf32>, vector<16xf32>, vector<16xf32>, vector<16xf32>
    }
    %scan3A_26 = arith.constant 128 : i32
    %broadcast_in_dim3A_27 = arith.constant 0xFF800000 : f32
    %broadcast_in_dim3A_28 = vector.broadcast %broadcast_in_dim3A_27 : f32 to vector<16xf32>
    %sort3A = arith.constant dense<true> : vector<16xi1>
    %sort3A_29, %sort3A_30, %sort3A_31 = tpu.sort %scan3A_25#0, %scan3A_25#0 masked %sort3A : (vector<16xf32>, vector<16xf32>, vector<16xi1>) -> (vector<16xi1>, vector<16xf32>, vector<16xf32>)
    %rev3A = arith.constant 15 : i32
    %rev3A_32 = vector.broadcast %rev3A : i32 to vector<16xi32>
    %rev3A_33 = tpu.iota {dimensions = array<i32: 0>} : vector<16xi32>
    %rev3A_34 = arith.subi %rev3A_32, %rev3A_33 : vector<16xi32>
    %rev3A_35 = tpu.dynamic_gather %sort3A_30[%rev3A_34] in [0] : vector<16xf32>, vector<16xi32> -> vector<16xf32>
    %max3A = arith.maximumf %broadcast_in_dim3A_28, %rev3A_35 : vector<16xf32>
    %min3A = arith.minimumf %max3A, %broadcast_in_dim3A_28 : vector<16xf32>
    %max3A_36 = arith.maximumf %max3A, %broadcast_in_dim3A_28 : vector<16xf32>
    %min3A_37 = arith.minimumf %min3A, %broadcast_in_dim3A_28 : vector<16xf32>
    %max3A_38 = arith.maximumf %min3A, %broadcast_in_dim3A_28 : vector<16xf32>
    %min3A_39 = arith.minimumf %max3A_36, %broadcast_in_dim3A_28 : vector<16xf32>
    %max3A_40 = arith.maximumf %max3A_36, %broadcast_in_dim3A_28 : vector<16xf32>
    %sort3A_41 = arith.constant dense<true> : vector<16xi1>
    %sort3A_42, %sort3A_43, %sort3A_44 = tpu.sort %min3A_37, %min3A_37 masked %sort3A_41 : (vector<16xf32>, vector<16xf32>, vector<16xi1>) -> (vector<16xi1>, vector<16xf32>, vector<16xf32>)
    %sort3A_45 = arith.constant dense<true> : vector<16xi1>
    %sort3A_46, %sort3A_47, %sort3A_48 = tpu.sort %max3A_38, %max3A_38 masked %sort3A_45 : (vector<16xf32>, vector<16xf32>, vector<16xi1>) -> (vector<16xi1>, vector<16xf32>, vector<16xf32>)
    %sort3A_49 = arith.constant dense<true> : vector<16xi1>
    %sort3A_50, %sort3A_51, %sort3A_52 = tpu.sort %min3A_39, %min3A_39 masked %sort3A_49 : (vector<16xf32>, vector<16xf32>, vector<16xi1>) -> (vector<16xi1>, vector<16xf32>, vector<16xf32>)
    %sort3A_53 = arith.constant dense<true> : vector<16xi1>
    %sort3A_54, %sort3A_55, %sort3A_56 = tpu.sort %max3A_40, %max3A_40 masked %sort3A_53 : (vector<16xf32>, vector<16xf32>, vector<16xi1>) -> (vector<16xi1>, vector<16xf32>, vector<16xf32>)
    %sort3A_57 = arith.constant dense<true> : vector<16xi1>
    %sort3A_58, %sort3A_59, %sort3A_60 = tpu.sort %scan3A_25#1, %scan3A_25#1 masked %sort3A_57 : (vector<16xf32>, vector<16xf32>, vector<16xi1>) -> (vector<16xi1>, vector<16xf32>, vector<16xf32>)
    %rev3A_61 = arith.constant 15 : i32
    %rev3A_62 = vector.broadcast %rev3A_61 : i32 to vector<16xi32>
    %rev3A_63 = tpu.iota {dimensions = array<i32: 0>} : vector<16xi32>
    %rev3A_64 = arith.subi %rev3A_62, %rev3A_63 : vector<16xi32>
    %rev3A_65 = tpu.dynamic_gather %sort3A_59[%rev3A_64] in [0] : vector<16xf32>, vector<16xi32> -> vector<16xf32>
    %max3A_66 = arith.maximumf %sort3A_43, %rev3A_65 : vector<16xf32>
    %min3A_67 = arith.minimumf %max3A_66, %sort3A_51 : vector<16xf32>
    %max3A_68 = arith.maximumf %max3A_66, %sort3A_51 : vector<16xf32>
    %min3A_69 = arith.minimumf %min3A_67, %sort3A_47 : vector<16xf32>
    %max3A_70 = arith.maximumf %min3A_67, %sort3A_47 : vector<16xf32>
    %min3A_71 = arith.minimumf %max3A_68, %sort3A_55 : vector<16xf32>
    %max3A_72 = arith.maximumf %max3A_68, %sort3A_55 : vector<16xf32>
    %sort3A_73 = arith.constant dense<true> : vector<16xi1>
    %sort3A_74, %sort3A_75, %sort3A_76 = tpu.sort %min3A_69, %min3A_69 masked %sort3A_73 : (vector<16xf32>, vector<16xf32>, vector<16xi1>) -> (vector<16xi1>, vector<16xf32>, vector<16xf32>)
    %sort3A_77 = arith.constant dense<true> : vector<16xi1>
    %sort3A_78, %sort3A_79, %sort3A_80 = tpu.sort %max3A_70, %max3A_70 masked %sort3A_77 : (vector<16xf32>, vector<16xf32>, vector<16xi1>) -> (vector<16xi1>, vector<16xf32>, vector<16xf32>)
    %sort3A_81 = arith.constant dense<true> : vector<16xi1>
    %sort3A_82, %sort3A_83, %sort3A_84 = tpu.sort %min3A_71, %min3A_71 masked %sort3A_81 : (vector<16xf32>, vector<16xf32>, vector<16xi1>) -> (vector<16xi1>, vector<16xf32>, vector<16xf32>)
    %sort3A_85 = arith.constant dense<true> : vector<16xi1>
    %sort3A_86, %sort3A_87, %sort3A_88 = tpu.sort %max3A_72, %max3A_72 masked %sort3A_85 : (vector<16xf32>, vector<16xf32>, vector<16xi1>) -> (vector<16xi1>, vector<16xf32>, vector<16xf32>)
    %sort3A_89 = arith.constant dense<true> : vector<16xi1>
    %sort3A_90, %sort3A_91, %sort3A_92 = tpu.sort %scan3A_25#2, %scan3A_25#2 masked %sort3A_89 : (vector<16xf32>, vector<16xf32>, vector<16xi1>) -> (vector<16xi1>, vector<16xf32>, vector<16xf32>)
    %rev3A_93 = arith.constant 15 : i32
    %rev3A_94 = vector.broadcast %rev3A_93 : i32 to vector<16xi32>
    %rev3A_95 = tpu.iota {dimensions = array<i32: 0>} : vector<16xi32>
    %rev3A_96 = arith.subi %rev3A_94, %rev3A_95 : vector<16xi32>
    %rev3A_97 = tpu.dynamic_gather %sort3A_91[%rev3A_96] in [0] : vector<16xf32>, vector<16xi32> -> vector<16xf32>
    %max3A_98 = arith.maximumf %sort3A_75, %rev3A_97 : vector<16xf32>
    %min3A_99 = arith.minimumf %max3A_98, %sort3A_83 : vector<16xf32>
    %max3A_100 = arith.maximumf %max3A_98, %sort3A_83 : vector<16xf32>
    %min3A_101 = arith.minimumf %min3A_99, %sort3A_79 : vector<16xf32>
    %max3A_102 = arith.maximumf %min3A_99, %sort3A_79 : vector<16xf32>
    %min3A_103 = arith.minimumf %max3A_100, %sort3A_87 : vector<16xf32>
    %max3A_104 = arith.maximumf %max3A_100, %sort3A_87 : vector<16xf32>
    %sort3A_105 = arith.constant dense<true> : vector<16xi1>
    %sort3A_106, %sort3A_107, %sort3A_108 = tpu.sort %min3A_101, %min3A_101 masked %sort3A_105 : (vector<16xf32>, vector<16xf32>, vector<16xi1>) -> (vector<16xi1>, vector<16xf32>, vector<16xf32>)
    %sort3A_109 = arith.constant dense<true> : vector<16xi1>
    %sort3A_110, %sort3A_111, %sort3A_112 = tpu.sort %max3A_102, %max3A_102 masked %sort3A_109 : (vector<16xf32>, vector<16xf32>, vector<16xi1>) -> (vector<16xi1>, vector<16xf32>, vector<16xf32>)
    %sort3A_113 = arith.constant dense<true> : vector<16xi1>
    %sort3A_114, %sort3A_115, %sort3A_116 = tpu.sort %min3A_103, %min3A_103 masked %sort3A_113 : (vector<16xf32>, vector<16xf32>, vector<16xi1>) -> (vector<16xi1>, vector<16xf32>, vector<16xf32>)
    %sort3A_117 = arith.constant dense<true> : vector<16xi1>
    %sort3A_118, %sort3A_119, %sort3A_120 = tpu.sort %max3A_104, %max3A_104 masked %sort3A_117 : (vector<16xf32>, vector<16xf32>, vector<16xi1>) -> (vector<16xi1>, vector<16xf32>, vector<16xf32>)
    %sort3A_121 = arith.constant dense<true> : vector<16xi1>
    %sort3A_122, %sort3A_123, %sort3A_124 = tpu.sort %scan3A_25#3, %scan3A_25#3 masked %sort3A_121 : (vector<16xf32>, vector<16xf32>, vector<16xi1>) -> (vector<16xi1>, vector<16xf32>, vector<16xf32>)
    %rev3A_125 = arith.constant 15 : i32
    %rev3A_126 = vector.broadcast %rev3A_125 : i32 to vector<16xi32>
    %rev3A_127 = tpu.iota {dimensions = array<i32: 0>} : vector<16xi32>
    %rev3A_128 = arith.subi %rev3A_126, %rev3A_127 : vector<16xi32>
    %rev3A_129 = tpu.dynamic_gather %sort3A_123[%rev3A_128] in [0] : vector<16xf32>, vector<16xi32> -> vector<16xf32>
    %max3A_130 = arith.maximumf %sort3A_107, %rev3A_129 : vector<16xf32>
    %min3A_131 = arith.minimumf %max3A_130, %sort3A_115 : vector<16xf32>
    %max3A_132 = arith.maximumf %max3A_130, %sort3A_115 : vector<16xf32>
    %min3A_133 = arith.minimumf %min3A_131, %sort3A_111 : vector<16xf32>
    %max3A_134 = arith.maximumf %min3A_131, %sort3A_111 : vector<16xf32>
    %min3A_135 = arith.minimumf %max3A_132, %sort3A_119 : vector<16xf32>
    %max3A_136 = arith.maximumf %max3A_132, %sort3A_119 : vector<16xf32>
    %sort3A_137 = arith.constant dense<true> : vector<16xi1>
    %sort3A_138, %sort3A_139, %sort3A_140 = tpu.sort %min3A_133, %min3A_133 masked %sort3A_137 : (vector<16xf32>, vector<16xf32>, vector<16xi1>) -> (vector<16xi1>, vector<16xf32>, vector<16xf32>)
    %sort3A_141 = arith.constant dense<true> : vector<16xi1>
    %sort3A_142, %sort3A_143, %sort3A_144 = tpu.sort %max3A_134, %max3A_134 masked %sort3A_141 : (vector<16xf32>, vector<16xf32>, vector<16xi1>) -> (vector<16xi1>, vector<16xf32>, vector<16xf32>)
    %sort3A_145 = arith.constant dense<true> : vector<16xi1>
    %sort3A_146, %sort3A_147, %sort3A_148 = tpu.sort %min3A_135, %min3A_135 masked %sort3A_145 : (vector<16xf32>, vector<16xf32>, vector<16xi1>) -> (vector<16xi1>, vector<16xf32>, vector<16xf32>)
    %sort3A_149 = arith.constant dense<true> : vector<16xi1>
    %sort3A_150, %sort3A_151, %sort3A_152 = tpu.sort %max3A_136, %max3A_136 masked %sort3A_149 : (vector<16xf32>, vector<16xf32>, vector<16xi1>) -> (vector<16xi1>, vector<16xf32>, vector<16xf32>)
    %sort3A_153 = arith.constant dense<true> : vector<16xi1>
    %sort3A_154, %sort3A_155, %sort3A_156 = tpu.sort %scan3A_25#4, %scan3A_25#4 masked %sort3A_153 : (vector<16xf32>, vector<16xf32>, vector<16xi1>) -> (vector<16xi1>, vector<16xf32>, vector<16xf32>)
    %rev3A_157 = arith.constant 15 : i32
    %rev3A_158 = vector.broadcast %rev3A_157 : i32 to vector<16xi32>
    %rev3A_159 = tpu.iota {dimensions = array<i32: 0>} : vector<16xi32>
    %rev3A_160 = arith.subi %rev3A_158, %rev3A_159 : vector<16xi32>
    %rev3A_161 = tpu.dynamic_gather %sort3A_155[%rev3A_160] in [0] : vector<16xf32>, vector<16xi32> -> vector<16xf32>
    %max3A_162 = arith.maximumf %sort3A_139, %rev3A_161 : vector<16xf32>
    %min3A_163 = arith.minimumf %max3A_162, %sort3A_147 : vector<16xf32>
    %max3A_164 = arith.maximumf %max3A_162, %sort3A_147 : vector<16xf32>
    %min3A_165 = arith.minimumf %min3A_163, %sort3A_143 : vector<16xf32>
    %max3A_166 = arith.maximumf %min3A_163, %sort3A_143 : vector<16xf32>
    %min3A_167 = arith.minimumf %max3A_164, %sort3A_151 : vector<16xf32>
    %max3A_168 = arith.maximumf %max3A_164, %sort3A_151 : vector<16xf32>
    %sort3A_169 = arith.constant dense<true> : vector<16xi1>
    %sort3A_170, %sort3A_171, %sort3A_172 = tpu.sort %min3A_165, %min3A_165 masked %sort3A_169 : (vector<16xf32>, vector<16xf32>, vector<16xi1>) -> (vector<16xi1>, vector<16xf32>, vector<16xf32>)
    %sort3A_173 = arith.constant dense<true> : vector<16xi1>
    %sort3A_174, %sort3A_175, %sort3A_176 = tpu.sort %max3A_166, %max3A_166 masked %sort3A_173 : (vector<16xf32>, vector<16xf32>, vector<16xi1>) -> (vector<16xi1>, vector<16xf32>, vector<16xf32>)
    %sort3A_177 = arith.constant dense<true> : vector<16xi1>
    %sort3A_178, %sort3A_179, %sort3A_180 = tpu.sort %min3A_167, %min3A_167 masked %sort3A_177 : (vector<16xf32>, vector<16xf32>, vector<16xi1>) -> (vector<16xi1>, vector<16xf32>, vector<16xf32>)
    %sort3A_181 = arith.constant dense<true> : vector<16xi1>
    %sort3A_182, %sort3A_183, %sort3A_184 = tpu.sort %max3A_168, %max3A_168 masked %sort3A_181 : (vector<16xf32>, vector<16xf32>, vector<16xi1>) -> (vector<16xi1>, vector<16xf32>, vector<16xf32>)
    %sort3A_185 = arith.constant dense<true> : vector<16xi1>
    %sort3A_186, %sort3A_187, %sort3A_188 = tpu.sort %scan3A_25#5, %scan3A_25#5 masked %sort3A_185 : (vector<16xf32>, vector<16xf32>, vector<16xi1>) -> (vector<16xi1>, vector<16xf32>, vector<16xf32>)
    %rev3A_189 = arith.constant 15 : i32
    %rev3A_190 = vector.broadcast %rev3A_189 : i32 to vector<16xi32>
    %rev3A_191 = tpu.iota {dimensions = array<i32: 0>} : vector<16xi32>
    %rev3A_192 = arith.subi %rev3A_190, %rev3A_191 : vector<16xi32>
    %rev3A_193 = tpu.dynamic_gather %sort3A_187[%rev3A_192] in [0] : vector<16xf32>, vector<16xi32> -> vector<16xf32>
    %max3A_194 = arith.maximumf %sort3A_171, %rev3A_193 : vector<16xf32>
    %min3A_195 = arith.minimumf %max3A_194, %sort3A_179 : vector<16xf32>
    %max3A_196 = arith.maximumf %max3A_194, %sort3A_179 : vector<16xf32>
    %min3A_197 = arith.minimumf %min3A_195, %sort3A_175 : vector<16xf32>
    %max3A_198 = arith.maximumf %min3A_195, %sort3A_175 : vector<16xf32>
    %min3A_199 = arith.minimumf %max3A_196, %sort3A_183 : vector<16xf32>
    %max3A_200 = arith.maximumf %max3A_196, %sort3A_183 : vector<16xf32>
    %sort3A_201 = arith.constant dense<true> : vector<16xi1>
    %sort3A_202, %sort3A_203, %sort3A_204 = tpu.sort %min3A_197, %min3A_197 masked %sort3A_201 : (vector<16xf32>, vector<16xf32>, vector<16xi1>) -> (vector<16xi1>, vector<16xf32>, vector<16xf32>)
    %sort3A_205 = arith.constant dense<true> : vector<16xi1>
    %sort3A_206, %sort3A_207, %sort3A_208 = tpu.sort %max3A_198, %max3A_198 masked %sort3A_205 : (vector<16xf32>, vector<16xf32>, vector<16xi1>) -> (vector<16xi1>, vector<16xf32>, vector<16xf32>)
    %sort3A_209 = arith.constant dense<true> : vector<16xi1>
    %sort3A_210, %sort3A_211, %sort3A_212 = tpu.sort %min3A_199, %min3A_199 masked %sort3A_209 : (vector<16xf32>, vector<16xf32>, vector<16xi1>) -> (vector<16xi1>, vector<16xf32>, vector<16xf32>)
    %sort3A_213 = arith.constant dense<true> : vector<16xi1>
    %sort3A_214, %sort3A_215, %sort3A_216 = tpu.sort %max3A_200, %max3A_200 masked %sort3A_213 : (vector<16xf32>, vector<16xf32>, vector<16xi1>) -> (vector<16xi1>, vector<16xf32>, vector<16xf32>)
    %sort3A_217 = arith.constant dense<true> : vector<16xi1>
    %sort3A_218, %sort3A_219, %sort3A_220 = tpu.sort %scan3A_25#6, %scan3A_25#6 masked %sort3A_217 : (vector<16xf32>, vector<16xf32>, vector<16xi1>) -> (vector<16xi1>, vector<16xf32>, vector<16xf32>)
    %rev3A_221 = arith.constant 15 : i32
    %rev3A_222 = vector.broadcast %rev3A_221 : i32 to vector<16xi32>
    %rev3A_223 = tpu.iota {dimensions = array<i32: 0>} : vector<16xi32>
    %rev3A_224 = arith.subi %rev3A_222, %rev3A_223 : vector<16xi32>
    %rev3A_225 = tpu.dynamic_gather %sort3A_219[%rev3A_224] in [0] : vector<16xf32>, vector<16xi32> -> vector<16xf32>
    %max3A_226 = arith.maximumf %sort3A_203, %rev3A_225 : vector<16xf32>
    %min3A_227 = arith.minimumf %max3A_226, %sort3A_211 : vector<16xf32>
    %max3A_228 = arith.maximumf %max3A_226, %sort3A_211 : vector<16xf32>
    %min3A_229 = arith.minimumf %min3A_227, %sort3A_207 : vector<16xf32>
    %max3A_230 = arith.maximumf %min3A_227, %sort3A_207 : vector<16xf32>
    %min3A_231 = arith.minimumf %max3A_228, %sort3A_215 : vector<16xf32>
    %max3A_232 = arith.maximumf %max3A_228, %sort3A_215 : vector<16xf32>
    %sort3A_233 = arith.constant dense<true> : vector<16xi1>
    %sort3A_234, %sort3A_235, %sort3A_236 = tpu.sort %min3A_229, %min3A_229 masked %sort3A_233 : (vector<16xf32>, vector<16xf32>, vector<16xi1>) -> (vector<16xi1>, vector<16xf32>, vector<16xf32>)
    %sort3A_237 = arith.constant dense<true> : vector<16xi1>
    %sort3A_238, %sort3A_239, %sort3A_240 = tpu.sort %max3A_230, %max3A_230 masked %sort3A_237 : (vector<16xf32>, vector<16xf32>, vector<16xi1>) -> (vector<16xi1>, vector<16xf32>, vector<16xf32>)
    %sort3A_241 = arith.constant dense<true> : vector<16xi1>
    %sort3A_242, %sort3A_243, %sort3A_244 = tpu.sort %min3A_231, %min3A_231 masked %sort3A_241 : (vector<16xf32>, vector<16xf32>, vector<16xi1>) -> (vector<16xi1>, vector<16xf32>, vector<16xf32>)
    %sort3A_245 = arith.constant dense<true> : vector<16xi1>
    %sort3A_246, %sort3A_247, %sort3A_248 = tpu.sort %max3A_232, %max3A_232 masked %sort3A_245 : (vector<16xf32>, vector<16xf32>, vector<16xi1>) -> (vector<16xi1>, vector<16xf32>, vector<16xf32>)
    %sort3A_249 = arith.constant dense<true> : vector<16xi1>
    %sort3A_250, %sort3A_251, %sort3A_252 = tpu.sort %scan3A_25#7, %scan3A_25#7 masked %sort3A_249 : (vector<16xf32>, vector<16xf32>, vector<16xi1>) -> (vector<16xi1>, vector<16xf32>, vector<16xf32>)
    %rev3A_253 = arith.constant 15 : i32
    %rev3A_254 = vector.broadcast %rev3A_253 : i32 to vector<16xi32>
    %rev3A_255 = tpu.iota {dimensions = array<i32: 0>} : vector<16xi32>
    %rev3A_256 = arith.subi %rev3A_254, %rev3A_255 : vector<16xi32>
    %rev3A_257 = tpu.dynamic_gather %sort3A_251[%rev3A_256] in [0] : vector<16xf32>, vector<16xi32> -> vector<16xf32>
    %max3A_258 = arith.maximumf %sort3A_235, %rev3A_257 : vector<16xf32>
    %min3A_259 = arith.minimumf %max3A_258, %sort3A_243 : vector<16xf32>
    %max3A_260 = arith.maximumf %max3A_258, %sort3A_243 : vector<16xf32>
    %min3A_261 = arith.minimumf %min3A_259, %sort3A_239 : vector<16xf32>
    %max3A_262 = arith.maximumf %min3A_259, %sort3A_239 : vector<16xf32>
    %min3A_263 = arith.minimumf %max3A_260, %sort3A_247 : vector<16xf32>
    %max3A_264 = arith.maximumf %max3A_260, %sort3A_247 : vector<16xf32>
    %sort3A_265 = arith.constant dense<true> : vector<16xi1>
    %sort3A_266, %sort3A_267, %sort3A_268 = tpu.sort %min3A_261, %min3A_261 masked %sort3A_265 : (vector<16xf32>, vector<16xf32>, vector<16xi1>) -> (vector<16xi1>, vector<16xf32>, vector<16xf32>)
    %sort3A_269 = arith.constant dense<true> : vector<16xi1>
    %sort3A_270, %sort3A_271, %sort3A_272 = tpu.sort %max3A_262, %max3A_262 masked %sort3A_269 : (vector<16xf32>, vector<16xf32>, vector<16xi1>) -> (vector<16xi1>, vector<16xf32>, vector<16xf32>)
    %sort3A_273 = arith.constant dense<true> : vector<16xi1>
    %sort3A_274, %sort3A_275, %sort3A_276 = tpu.sort %min3A_263, %min3A_263 masked %sort3A_273 : (vector<16xf32>, vector<16xf32>, vector<16xi1>) -> (vector<16xi1>, vector<16xf32>, vector<16xf32>)
    %sort3A_277 = arith.constant dense<true> : vector<16xi1>
    %sort3A_278, %sort3A_279, %sort3A_280 = tpu.sort %max3A_264, %max3A_264 masked %sort3A_277 : (vector<16xf32>, vector<16xf32>, vector<16xi1>) -> (vector<16xi1>, vector<16xf32>, vector<16xf32>)
    %broadcast_in_dim3A_281 = arith.constant 0 : i32
    %broadcast_in_dim3A_282 = vector.broadcast %broadcast_in_dim3A_281 : i32 to vector<16x1xi32>
    %gather3A = vector.shape_cast %broadcast_in_dim3A_282 : vector<16x1xi32> to vector<16xi32>
    %gather3A_283 = tpu.dynamic_gather %sort3A_267[%gather3A] in [0] : vector<16xf32>, vector<16xi32> -> vector<16xf32>
    %scan3A_284 = arith.constant 0 : i32
    %scan3A_285 = arith.constant 0 : i32
    %scan3A_286 = arith.constant 0 : i32
    %scan3A_287 = arith.constant 0 : i32
    %scan3A_288 = arith.constant 0 : i32
    %scan3A_289 = arith.constant 32 : i32
    %scan3A_290 = arith.addi %scan3A_288, %scan3A_289 : i32
    %scan3A_291 = arith.constant 1 : i32
    %scan3A_292:4 = scf.for %scan3A_968 = %scan3A_288 to %scan3A_290 step %scan3A_291 iter_args(%scan3A_969 = %scan3A_284, %scan3A_970 = %scan3A_285, %scan3A_971 = %scan3A_286, %scan3A_972 = %scan3A_287) -> (i32, i32, i32, i32)  : i32 {
      %add3A_973 = arith.constant 0 : i32
      %add3A_974 = arith.addi %add3A_973, %scan3A_968 : i32
      %mul3A_975 = arith.constant 16 : i32
      %mul3A_976 = arith.muli %add3A_974, %mul3A_975 : i32
      %get3A = arith.index_cast %mul3A_976 : i32 to index
      %get3A_977 = tpu.vector_load %arg6[%get3A] {strides = array<i32>} : memref<2048xf32, #tpu.memory_space<vmem>>, vector<16xf32>,
      %ge3A = arith.cmpf oge, %get3A_977, %gather3A_283 : vector<16xf32>
      %mul3A_978 = arith.constant 16 : i32
      %mul3A_979 = arith.muli %add3A_974, %mul3A_978 : i32
      %add3A_980 = vector.broadcast %mul3A_979 : i32 to vector<16xi32>
      %add3A_981 = arith.addi %add3A_980, %iota3A : vector<16xi32>
      %add3A_982 = arith.constant 0 : i32
      %add3A_983 = arith.addi %add3A_982, %scan3A_969 : i32
      %swap3A_984 = arith.index_cast %add3A_983 : i32 to index
      %swap3A_985 = tpu.vector_load %arg7[%swap3A_984] masked %ge3A {strides = array<i32>} : memref<2064xi32, #tpu.memory_space<vmem>>, vector<16xi32>, vector<16xi1>
      tpu.vector_store %arg7[%swap3A_984], %add3A_981 masked %ge3A {strides = array<i32>} : memref<2064xi32, #tpu.memory_space<vmem>>, vector<16xi32>, vector<16xi1>
      %all_reduce_population_count3A = tpu.all_reduce %ge3A {dim = 0 : i64, kind = #tpu.reduction_kind<sum>} : vector<16xi1> -> vector<16xi32>
      %slice3A = vector.extract_strided_slice %all_reduce_population_count3A {offsets = [0], sizes = [1], strides = [1]} : vector<16xi32> to vector<1xi32>
      %squeeze3A = vector.extract %slice3A[0] : i32 from vector<1xi32>
      %add3A_986 = arith.addi %scan3A_969, %squeeze3A : i32
      %add3A_987 = arith.constant 32 : i32
      %add3A_988 = arith.addi %add3A_987, %scan3A_968 : i32
      %mul3A_989 = arith.constant 16 : i32
      %mul3A_990 = arith.muli %add3A_988, %mul3A_989 : i32
      %get3A_991 = arith.index_cast %mul3A_990 : i32 to index
      %get3A_992 = tpu.vector_load %arg6[%get3A_991] {strides = array<i32>} : memref<2048xf32, #tpu.memory_space<vmem>>, vector<16xf32>,
      %ge3A_993 = arith.cmpf oge, %get3A_992, %gather3A_283 : vector<16xf32>
      %mul3A_994 = arith.constant 16 : i32
      %mul3A_995 = arith.muli %add3A_988, %mul3A_994 : i32
      %add3A_996 = vector.broadcast %mul3A_995 : i32 to vector<16xi32>
      %add3A_997 = arith.addi %add3A_996, %iota3A : vector<16xi32>
      %add3A_998 = arith.constant 512 : i32
      %add3A_999 = arith.addi %add3A_998, %scan3A_970 : i32
      %swap3A_1000 = arith.index_cast %add3A_999 : i32 to index
      %swap3A_1001 = tpu.vector_load %arg7[%swap3A_1000] masked %ge3A_993 {strides = array<i32>} : memref<2064xi32, #tpu.memory_space<vmem>>, vector<16xi32>, vector<16xi1>
      tpu.vector_store %arg7[%swap3A_1000], %add3A_997 masked %ge3A_993 {strides = array<i32>} : memref<2064xi32, #tpu.memory_space<vmem>>, vector<16xi32>, vector<16xi1>
      %all_reduce_population_count3A_1002 = tpu.all_reduce %ge3A_993 {dim = 0 : i64, kind = #tpu.reduction_kind<sum>} : vector<16xi1> -> vector<16xi32>
      %slice3A_1003 = vector.extract_strided_slice %all_reduce_population_count3A_1002 {offsets = [0], sizes = [1], strides = [1]} : vector<16xi32> to vector<1xi32>
      %squeeze3A_1004 = vector.extract %slice3A_1003[0] : i32 from vector<1xi32>
      %add3A_1005 = arith.addi %scan3A_970, %squeeze3A_1004 : i32
      %add3A_1006 = arith.constant 64 : i32
      %add3A_1007 = arith.addi %add3A_1006, %scan3A_968 : i32
      %mul3A_1008 = arith.constant 16 : i32
      %mul3A_1009 = arith.muli %add3A_1007, %mul3A_1008 : i32
      %get3A_1010 = arith.index_cast %mul3A_1009 : i32 to index
      %get3A_1011 = tpu.vector_load %arg6[%get3A_1010] {strides = array<i32>} : memref<2048xf32, #tpu.memory_space<vmem>>, vector<16xf32>,
      %ge3A_1012 = arith.cmpf oge, %get3A_1011, %gather3A_283 : vector<16xf32>
      %mul3A_1013 = arith.constant 16 : i32
      %mul3A_1014 = arith.muli %add3A_1007, %mul3A_1013 : i32
      %add3A_1015 = vector.broadcast %mul3A_1014 : i32 to vector<16xi32>
      %add3A_1016 = arith.addi %add3A_1015, %iota3A : vector<16xi32>
      %add3A_1017 = arith.constant 1024 : i32
      %add3A_1018 = arith.addi %add3A_1017, %scan3A_971 : i32
      %swap3A_1019 = arith.index_cast %add3A_1018 : i32 to index
      %swap3A_1020 = tpu.vector_load %arg7[%swap3A_1019] masked %ge3A_1012 {strides = array<i32>} : memref<2064xi32, #tpu.memory_space<vmem>>, vector<16xi32>, vector<16xi1>
      tpu.vector_store %arg7[%swap3A_1019], %add3A_1016 masked %ge3A_1012 {strides = array<i32>} : memref<2064xi32, #tpu.memory_space<vmem>>, vector<16xi32>, vector<16xi1>
      %all_reduce_population_count3A_1021 = tpu.all_reduce %ge3A_1012 {dim = 0 : i64, kind = #tpu.reduction_kind<sum>} : vector<16xi1> -> vector<16xi32>
      %slice3A_1022 = vector.extract_strided_slice %all_reduce_population_count3A_1021 {offsets = [0], sizes = [1], strides = [1]} : vector<16xi32> to vector<1xi32>
      %squeeze3A_1023 = vector.extract %slice3A_1022[0] : i32 from vector<1xi32>
      %add3A_1024 = arith.addi %scan3A_971, %squeeze3A_1023 : i32
      %add3A_1025 = arith.constant 96 : i32
      %add3A_1026 = arith.addi %add3A_1025, %scan3A_968 : i32
      %mul3A_1027 = arith.constant 16 : i32
      %mul3A_1028 = arith.muli %add3A_1026, %mul3A_1027 : i32
      %get3A_1029 = arith.index_cast %mul3A_1028 : i32 to index
      %get3A_1030 = tpu.vector_load %arg6[%get3A_1029] {strides = array<i32>} : memref<2048xf32, #tpu.memory_space<vmem>>, vector<16xf32>,
      %ge3A_1031 = arith.cmpf oge, %get3A_1030, %gather3A_283 : vector<16xf32>
      %mul3A_1032 = arith.constant 16 : i32
      %mul3A_1033 = arith.muli %add3A_1026, %mul3A_1032 : i32
      %add3A_1034 = vector.broadcast %mul3A_1033 : i32 to vector<16xi32>
      %add3A_1035 = arith.addi %add3A_1034, %iota3A : vector<16xi32>
      %add3A_1036 = arith.constant 1536 : i32
      %add3A_1037 = arith.addi %add3A_1036, %scan3A_972 : i32
      %swap3A_1038 = arith.index_cast %add3A_1037 : i32 to index
      %swap3A_1039 = tpu.vector_load %arg7[%swap3A_1038] masked %ge3A_1031 {strides = array<i32>} : memref<2064xi32, #tpu.memory_space<vmem>>, vector<16xi32>, vector<16xi1>
      tpu.vector_store %arg7[%swap3A_1038], %add3A_1035 masked %ge3A_1031 {strides = array<i32>} : memref<2064xi32, #tpu.memory_space<vmem>>, vector<16xi32>, vector<16xi1>
      %all_reduce_population_count3A_1040 = tpu.all_reduce %ge3A_1031 {dim = 0 : i64, kind = #tpu.reduction_kind<sum>} : vector<16xi1> -> vector<16xi32>
      %slice3A_1041 = vector.extract_strided_slice %all_reduce_population_count3A_1040 {offsets = [0], sizes = [1], strides = [1]} : vector<16xi32> to vector<1xi32>
      %squeeze3A_1042 = vector.extract %slice3A_1041[0] : i32 from vector<1xi32>
      %add3A_1043 = arith.addi %scan3A_972, %squeeze3A_1042 : i32
      scf.yield %add3A_986, %add3A_1005, %add3A_1024, %add3A_1043 : i32, i32, i32, i32
    }
    %scan3A_293 = arith.constant 32 : i32
    %max3A_294 = arith.maxsi %scan3A_292#0, %scan3A_292#1 : i32
    %max3A_295 = arith.maxsi %scan3A_292#2, %scan3A_292#3 : i32
    %max3A_296 = arith.maxsi %max3A_294, %max3A_295 : i32
    %broadcast_in_dim3A_297 = vector.broadcast %scan3A_292#0 : i32 to vector<16xi32>
    %broadcast_in_dim3A_298 = vector.broadcast %scan3A_292#1 : i32 to vector<16xi32>
    %broadcast_in_dim3A_299 = vector.broadcast %scan3A_292#2 : i32 to vector<16xi32>
    %broadcast_in_dim3A_300 = vector.broadcast %scan3A_292#3 : i32 to vector<16xi32>
    %broadcast_in_dim3A_301 = arith.constant 0xFF800000 : f32
    %broadcast_in_dim3A_302 = vector.broadcast %broadcast_in_dim3A_301 : f32 to vector<16xf32>
    %broadcast_in_dim3A_303 = arith.constant 0xFF800000 : f32
    %broadcast_in_dim3A_304 = vector.broadcast %broadcast_in_dim3A_303 : f32 to vector<16xf32>
    %while3A = arith.constant 0 : i32
    %while3A_305 = arith.subi %max3A_296, %while3A : i32
    %while3A_306 = arith.addi %while3A, %while3A_305 : i32
    %while3A_307 = arith.constant 1 : i32
    %while3A_308 = arith.divsi %while3A_305, %while3A_307 : i32
    %while3A_309 = arith.muli %while3A_308, %while3A_307 : i32
    %while3A_310 = arith.addi %while3A, %while3A_309 : i32
    %while3A_311 = arith.constant 1 : i32
    %while3A_312:16 = scf.for %while3A_968 = %while3A to %while3A_310 step %while3A_311 iter_args(%while3A_969 = %broadcast_in_dim3A_304, %while3A_970 = %broadcast_in_dim3A_304, %while3A_971 = %broadcast_in_dim3A_304, %while3A_972 = %broadcast_in_dim3A_304, %while3A_973 = %broadcast_in_dim3A_304, %while3A_974 = %broadcast_in_dim3A_304, %while3A_975 = %broadcast_in_dim3A_304, %while3A_976 = %broadcast_in_dim3A_304, %while3A_977 = %broadcast_in_dim3A_304, %while3A_978 = %broadcast_in_dim3A_304, %while3A_979 = %broadcast_in_dim3A_304, %while3A_980 = %broadcast_in_dim3A_304, %while3A_981 = %broadcast_in_dim3A_304, %while3A_982 = %broadcast_in_dim3A_304, %while3A_983 = %broadcast_in_dim3A_304, %while3A_984 = %broadcast_in_dim3A_304) -> (vector<16xf32>, vector<16xf32>, vector<16xf32>, vector<16xf32>, vector<16xf32>, vector<16xf32>, vector<16xf32>, vector<16xf32>, vector<16xf32>, vector<16xf32>, vector<16xf32>, vector<16xf32>, vector<16xf32>, vector<16xf32>, vector<16xf32>, vector<16xf32>)  : i32 {
      %broadcast_in_dim3A_985 = vector.broadcast %while3A_968 : i32 to vector<16xi32>
      %add3A_986 = arith.constant 0 : i32
      %add3A_987 = arith.addi %add3A_986, %while3A_968 : i32
      %get3A = arith.index_cast %add3A_987 : i32 to index
      %get3A_988 = tpu.vector_load %arg7[%get3A] {strides = array<i32>} : memref<2064xi32, #tpu.memory_space<vmem>>, vector<16xi32>,
      %slice3A = vector.extract_strided_slice %get3A_988 {offsets = [0], sizes = [1], strides = [1]} : vector<16xi32> to vector<1xi32>
      %squeeze3A = vector.extract %slice3A[0] : i32 from vector<1xi32>
      %jit3A = arith.constant 16 : i32
      %div3A = arith.divsi %squeeze3A, %jit3A : i32
      %sign3A = arith.constant 0 : i32
      %sign3A_989 = arith.cmpi sgt, %squeeze3A, %sign3A : i32
      %sign3A_990 = arith.extui %sign3A_989 : i1 to i32
      %sign3A_991 = arith.constant 0 : i32
      %sign3A_992 = arith.cmpi slt, %squeeze3A, %sign3A_991 : i32
      %sign3A_993 = arith.extui %sign3A_992 : i1 to i32
      %sign3A_994 = arith.subi %sign3A_990, %sign3A_993 : i32
      %sign3A_995 = arith.constant 0 : i32
      %sign3A_996 = arith.cmpi sgt, %jit3A, %sign3A_995 : i32
      %sign3A_997 = arith.extui %sign3A_996 : i1 to i32
      %sign3A_998 = arith.constant 0 : i32
      %sign3A_999 = arith.cmpi slt, %jit3A, %sign3A_998 : i32
      %sign3A_1000 = arith.extui %sign3A_999 : i1 to i32
      %sign3A_1001 = arith.subi %sign3A_997, %sign3A_1000 : i32
      %ne3A = arith.cmpi ne, %sign3A_994, %sign3A_1001 : i32
      %rem3A = arith.remsi %squeeze3A, %jit3A : i32
      %ne3A_1002 = arith.constant 0 : i32
      %ne3A_1003 = arith.cmpi ne, %rem3A, %ne3A_1002 : i32
      %and3A = arith.andi %ne3A, %ne3A_1003 : i1
      %sub3A = arith.constant 1 : i32
      %sub3A_1004 = arith.subi %div3A, %sub3A : i32
      %select_n3A = arith.select %and3A, %sub3A_1004, %div3A : i32
      %mul3A_1005 = arith.constant 256 : i32
      %mul3A_1006 = arith.muli %select_n3A, %mul3A_1005 : i32
      %mul3A_1007 = arith.constant 16 : i32
      %mul3A_1008 = vector.broadcast %mul3A_1007 : i32 to vector<16xi32>
      %mul3A_1009 = arith.muli %iota3A, %mul3A_1008 : vector<16xi32>
      %add3A_1010 = vector.broadcast %mul3A_1006 : i32 to vector<16xi32>
      %add3A_1011 = arith.addi %add3A_1010, %mul3A_1009 : vector<16xi32>
      %jit3A_1012 = arith.constant 16 : i32
      %eq3A = arith.constant 0 : i32
      %eq3A_1013 = arith.cmpi eq, %jit3A_1012, %eq3A : i32
      %jit3A_1014 = arith.constant 1 : i32
      %select_n3A_1015 = arith.select %eq3A_1013, %jit3A_1014, %jit3A_1012 : i32
      %rem3A_1016 = arith.remsi %squeeze3A, %select_n3A_1015 : i32
      %ne3A_1017 = arith.constant 0 : i32
      %ne3A_1018 = arith.cmpi ne, %rem3A_1016, %ne3A_1017 : i32
      %lt3A = arith.constant 0 : i32
      %lt3A_1019 = arith.cmpi slt, %rem3A_1016, %lt3A : i32
      %lt3A_1020 = arith.constant 0 : i32
      %lt3A_1021 = arith.cmpi slt, %select_n3A_1015, %lt3A_1020 : i32
      %ne3A_1022 = arith.xori %lt3A_1019, %lt3A_1021 : i1
      %and3A_1023 = arith.andi %ne3A_1022, %ne3A_1018 : i1
      %add3A_1024 = arith.addi %rem3A_1016, %select_n3A_1015 : i32
      %select_n3A_1025 = arith.select %and3A_1023, %add3A_1024, %rem3A_1016 : i32
      %add3A_1026 = vector.broadcast %select_n3A_1025 : i32 to vector<16xi32>
      %add3A_1027 = arith.addi %add3A_1011, %add3A_1026 : vector<16xi32>
      %and3A_1028 = arith.constant 32767 : i32
      %and3A_1029 = vector.broadcast %and3A_1028 : i32 to vector<16xi32>
      %and3A_1030 = arith.andi %add3A_1027, %and3A_1029 : vector<16xi32>
      %gather3A_1031 = tpu.vector_load_idx %arg4[%and3A_1030] : memref<32768xf32, #tpu.memory_space<vmem>>[vector<16xi32>], vector<16xf32>,
      %lt3A_1032 = arith.cmpi slt, %broadcast_in_dim3A_985, %broadcast_in_dim3A_297 : vector<16xi32>
      %select_n3A_1033 = arith.select %lt3A_1032, %gather3A_1031, %broadcast_in_dim3A_302 : vector<16xi1>, vector<16xf32>
      %sort3A_1034 = arith.constant dense<true> : vector<16xi1>
      %sort3A_1035, %sort3A_1036, %sort3A_1037 = tpu.sort %select_n3A_1033, %select_n3A_1033 masked %sort3A_1034 : (vector<16xf32>, vector<16xf32>, vector<16xi1>) -> (vector<16xi1>, vector<16xf32>, vector<16xf32>)
      %rev3A_1038 = arith.constant 15 : i32
      %rev3A_1039 = vector.broadcast %rev3A_1038 : i32 to vector<16xi32>
      %rev3A_1040 = tpu.iota {dimensions = array<i32: 0>} : vector<16xi32>
      %rev3A_1041 = arith.subi %rev3A_1039, %rev3A_1040 : vector<16xi32>
      %rev3A_1042 = tpu.dynamic_gather %sort3A_1036[%rev3A_1041] in [0] : vector<16xf32>, vector<16xi32> -> vector<16xf32>
      %max3A_1043 = arith.maximumf %while3A_969, %rev3A_1042 : vector<16xf32>
      %min3A_1044 = arith.minimumf %max3A_1043, %while3A_971 : vector<16xf32>
      %max3A_1045 = arith.maximumf %max3A_1043, %while3A_971 : vector<16xf32>
      %min3A_1046 = arith.minimumf %min3A_1044, %while3A_970 : vector<16xf32>
      %max3A_1047 = arith.maximumf %min3A_1044, %while3A_970 : vector<16xf32>
      %min3A_1048 = arith.minimumf %max3A_1045, %while3A_972 : vector<16xf32>
      %max3A_1049 = arith.maximumf %max3A_1045, %while3A_972 : vector<16xf32>
      %sort3A_1050 = arith.constant dense<true> : vector<16xi1>
      %sort3A_1051, %sort3A_1052, %sort3A_1053 = tpu.sort %min3A_1046, %min3A_1046 masked %sort3A_1050 : (vector<16xf32>, vector<16xf32>, vector<16xi1>) -> (vector<16xi1>, vector<16xf32>, vector<16xf32>)
      %sort3A_1054 = arith.constant dense<true> : vector<16xi1>
      %sort3A_1055, %sort3A_1056, %sort3A_1057 = tpu.sort %max3A_1047, %max3A_1047 masked %sort3A_1054 : (vector<16xf32>, vector<16xf32>, vector<16xi1>) -> (vector<16xi1>, vector<16xf32>, vector<16xf32>)
      %sort3A_1058 = arith.constant dense<true> : vector<16xi1>
      %sort3A_1059, %sort3A_1060, %sort3A_1061 = tpu.sort %min3A_1048, %min3A_1048 masked %sort3A_1058 : (vector<16xf32>, vector<16xf32>, vector<16xi1>) -> (vector<16xi1>, vector<16xf32>, vector<16xf32>)
      %sort3A_1062 = arith.constant dense<true> : vector<16xi1>
      %sort3A_1063, %sort3A_1064, %sort3A_1065 = tpu.sort %max3A_1049, %max3A_1049 masked %sort3A_1062 : (vector<16xf32>, vector<16xf32>, vector<16xi1>) -> (vector<16xi1>, vector<16xf32>, vector<16xf32>)
      %add3A_1066 = arith.constant 512 : i32
      %add3A_1067 = arith.addi %add3A_1066, %while3A_968 : i32
      %get3A_1068 = arith.index_cast %add3A_1067 : i32 to index
      %get3A_1069 = tpu.vector_load %arg7[%get3A_1068] {strides = array<i32>} : memref<2064xi32, #tpu.memory_space<vmem>>, vector<16xi32>,
      %slice3A_1070 = vector.extract_strided_slice %get3A_1069 {offsets = [0], sizes = [1], strides = [1]} : vector<16xi32> to vector<1xi32>
      %squeeze3A_1071 = vector.extract %slice3A_1070[0] : i32 from vector<1xi32>
      %jit3A_1072 = arith.constant 16 : i32
      %div3A_1073 = arith.divsi %squeeze3A_1071, %jit3A_1072 : i32
      %sign3A_1074 = arith.constant 0 : i32
      %sign3A_1075 = arith.cmpi sgt, %squeeze3A_1071, %sign3A_1074 : i32
      %sign3A_1076 = arith.extui %sign3A_1075 : i1 to i32
      %sign3A_1077 = arith.constant 0 : i32
      %sign3A_1078 = arith.cmpi slt, %squeeze3A_1071, %sign3A_1077 : i32
      %sign3A_1079 = arith.extui %sign3A_1078 : i1 to i32
      %sign3A_1080 = arith.subi %sign3A_1076, %sign3A_1079 : i32
      %sign3A_1081 = arith.constant 0 : i32
      %sign3A_1082 = arith.cmpi sgt, %jit3A_1072, %sign3A_1081 : i32
      %sign3A_1083 = arith.extui %sign3A_1082 : i1 to i32
      %sign3A_1084 = arith.constant 0 : i32
      %sign3A_1085 = arith.cmpi slt, %jit3A_1072, %sign3A_1084 : i32
      %sign3A_1086 = arith.extui %sign3A_1085 : i1 to i32
      %sign3A_1087 = arith.subi %sign3A_1083, %sign3A_1086 : i32
      %ne3A_1088 = arith.cmpi ne, %sign3A_1080, %sign3A_1087 : i32
      %rem3A_1089 = arith.remsi %squeeze3A_1071, %jit3A_1072 : i32
      %ne3A_1090 = arith.constant 0 : i32
      %ne3A_1091 = arith.cmpi ne, %rem3A_1089, %ne3A_1090 : i32
      %and3A_1092 = arith.andi %ne3A_1088, %ne3A_1091 : i1
      %sub3A_1093 = arith.constant 1 : i32
      %sub3A_1094 = arith.subi %div3A_1073, %sub3A_1093 : i32
      %select_n3A_1095 = arith.select %and3A_1092, %sub3A_1094, %div3A_1073 : i32
      %mul3A_1096 = arith.constant 256 : i32
      %mul3A_1097 = arith.muli %select_n3A_1095, %mul3A_1096 : i32
      %mul3A_1098 = arith.constant 16 : i32
      %mul3A_1099 = vector.broadcast %mul3A_1098 : i32 to vector<16xi32>
      %mul3A_1100 = arith.muli %iota3A, %mul3A_1099 : vector<16xi32>
      %add3A_1101 = vector.broadcast %mul3A_1097 : i32 to vector<16xi32>
      %add3A_1102 = arith.addi %add3A_1101, %mul3A_1100 : vector<16xi32>
      %jit3A_1103 = arith.constant 16 : i32
      %eq3A_1104 = arith.constant 0 : i32
      %eq3A_1105 = arith.cmpi eq, %jit3A_1103, %eq3A_1104 : i32
      %jit3A_1106 = arith.constant 1 : i32
      %select_n3A_1107 = arith.select %eq3A_1105, %jit3A_1106, %jit3A_1103 : i32
      %rem3A_1108 = arith.remsi %squeeze3A_1071, %select_n3A_1107 : i32
      %ne3A_1109 = arith.constant 0 : i32
      %ne3A_1110 = arith.cmpi ne, %rem3A_1108, %ne3A_1109 : i32
      %lt3A_1111 = arith.constant 0 : i32
      %lt3A_1112 = arith.cmpi slt, %rem3A_1108, %lt3A_1111 : i32
      %lt3A_1113 = arith.constant 0 : i32
      %lt3A_1114 = arith.cmpi slt, %select_n3A_1107, %lt3A_1113 : i32
      %ne3A_1115 = arith.xori %lt3A_1112, %lt3A_1114 : i1
      %and3A_1116 = arith.andi %ne3A_1115, %ne3A_1110 : i1
      %add3A_1117 = arith.addi %rem3A_1108, %select_n3A_1107 : i32
      %select_n3A_1118 = arith.select %and3A_1116, %add3A_1117, %rem3A_1108 : i32
      %add3A_1119 = vector.broadcast %select_n3A_1118 : i32 to vector<16xi32>
      %add3A_1120 = arith.addi %add3A_1102, %add3A_1119 : vector<16xi32>
      %and3A_1121 = arith.constant 32767 : i32
      %and3A_1122 = vector.broadcast %and3A_1121 : i32 to vector<16xi32>
      %and3A_1123 = arith.andi %add3A_1120, %and3A_1122 : vector<16xi32>
      %gather3A_1124 = tpu.vector_load_idx %arg4[%and3A_1123] : memref<32768xf32, #tpu.memory_space<vmem>>[vector<16xi32>], vector<16xf32>,
      %lt3A_1125 = arith.cmpi slt, %broadcast_in_dim3A_985, %broadcast_in_dim3A_298 : vector<16xi32>
      %select_n3A_1126 = arith.select %lt3A_1125, %gather3A_1124, %broadcast_in_dim3A_302 : vector<16xi1>, vector<16xf32>
      %sort3A_1127 = arith.constant dense<true> : vector<16xi1>
      %sort3A_1128, %sort3A_1129, %sort3A_1130 = tpu.sort %select_n3A_1126, %select_n3A_1126 masked %sort3A_1127 : (vector<16xf32>, vector<16xf32>, vector<16xi1>) -> (vector<16xi1>, vector<16xf32>, vector<16xf32>)
      %rev3A_1131 = arith.constant 15 : i32
      %rev3A_1132 = vector.broadcast %rev3A_1131 : i32 to vector<16xi32>
      %rev3A_1133 = tpu.iota {dimensions = array<i32: 0>} : vector<16xi32>
      %rev3A_1134 = arith.subi %rev3A_1132, %rev3A_1133 : vector<16xi32>
      %rev3A_1135 = tpu.dynamic_gather %sort3A_1129[%rev3A_1134] in [0] : vector<16xf32>, vector<16xi32> -> vector<16xf32>
      %max3A_1136 = arith.maximumf %while3A_973, %rev3A_1135 : vector<16xf32>
      %min3A_1137 = arith.minimumf %max3A_1136, %while3A_975 : vector<16xf32>
      %max3A_1138 = arith.maximumf %max3A_1136, %while3A_975 : vector<16xf32>
      %min3A_1139 = arith.minimumf %min3A_1137, %while3A_974 : vector<16xf32>
      %max3A_1140 = arith.maximumf %min3A_1137, %while3A_974 : vector<16xf32>
      %min3A_1141 = arith.minimumf %max3A_1138, %while3A_976 : vector<16xf32>
      %max3A_1142 = arith.maximumf %max3A_1138, %while3A_976 : vector<16xf32>
      %sort3A_1143 = arith.constant dense<true> : vector<16xi1>
      %sort3A_1144, %sort3A_1145, %sort3A_1146 = tpu.sort %min3A_1139, %min3A_1139 masked %sort3A_1143 : (vector<16xf32>, vector<16xf32>, vector<16xi1>) -> (vector<16xi1>, vector<16xf32>, vector<16xf32>)
      %sort3A_1147 = arith.constant dense<true> : vector<16xi1>
      %sort3A_1148, %sort3A_1149, %sort3A_1150 = tpu.sort %max3A_1140, %max3A_1140 masked %sort3A_1147 : (vector<16xf32>, vector<16xf32>, vector<16xi1>) -> (vector<16xi1>, vector<16xf32>, vector<16xf32>)
      %sort3A_1151 = arith.constant dense<true> : vector<16xi1>
      %sort3A_1152, %sort3A_1153, %sort3A_1154 = tpu.sort %min3A_1141, %min3A_1141 masked %sort3A_1151 : (vector<16xf32>, vector<16xf32>, vector<16xi1>) -> (vector<16xi1>, vector<16xf32>, vector<16xf32>)
      %sort3A_1155 = arith.constant dense<true> : vector<16xi1>
      %sort3A_1156, %sort3A_1157, %sort3A_1158 = tpu.sort %max3A_1142, %max3A_1142 masked %sort3A_1155 : (vector<16xf32>, vector<16xf32>, vector<16xi1>) -> (vector<16xi1>, vector<16xf32>, vector<16xf32>)
      %add3A_1159 = arith.constant 1024 : i32
      %add3A_1160 = arith.addi %add3A_1159, %while3A_968 : i32
      %get3A_1161 = arith.index_cast %add3A_1160 : i32 to index
      %get3A_1162 = tpu.vector_load %arg7[%get3A_1161] {strides = array<i32>} : memref<2064xi32, #tpu.memory_space<vmem>>, vector<16xi32>,
      %slice3A_1163 = vector.extract_strided_slice %get3A_1162 {offsets = [0], sizes = [1], strides = [1]} : vector<16xi32> to vector<1xi32>
      %squeeze3A_1164 = vector.extract %slice3A_1163[0] : i32 from vector<1xi32>
      %jit3A_1165 = arith.constant 16 : i32
      %div3A_1166 = arith.divsi %squeeze3A_1164, %jit3A_1165 : i32
      %sign3A_1167 = arith.constant 0 : i32
      %sign3A_1168 = arith.cmpi sgt, %squeeze3A_1164, %sign3A_1167 : i32
      %sign3A_1169 = arith.extui %sign3A_1168 : i1 to i32
      %sign3A_1170 = arith.constant 0 : i32
      %sign3A_1171 = arith.cmpi slt, %squeeze3A_1164, %sign3A_1170 : i32
      %sign3A_1172 = arith.extui %sign3A_1171 : i1 to i32
      %sign3A_1173 = arith.subi %sign3A_1169, %sign3A_1172 : i32
      %sign3A_1174 = arith.constant 0 : i32
      %sign3A_1175 = arith.cmpi sgt, %jit3A_1165, %sign3A_1174 : i32
      %sign3A_1176 = arith.extui %sign3A_1175 : i1 to i32
      %sign3A_1177 = arith.constant 0 : i32
      %sign3A_1178 = arith.cmpi slt, %jit3A_1165, %sign3A_1177 : i32
      %sign3A_1179 = arith.extui %sign3A_1178 : i1 to i32
      %sign3A_1180 = arith.subi %sign3A_1176, %sign3A_1179 : i32
      %ne3A_1181 = arith.cmpi ne, %sign3A_1173, %sign3A_1180 : i32
      %rem3A_1182 = arith.remsi %squeeze3A_1164, %jit3A_1165 : i32
      %ne3A_1183 = arith.constant 0 : i32
      %ne3A_1184 = arith.cmpi ne, %rem3A_1182, %ne3A_1183 : i32
      %and3A_1185 = arith.andi %ne3A_1181, %ne3A_1184 : i1
      %sub3A_1186 = arith.constant 1 : i32
      %sub3A_1187 = arith.subi %div3A_1166, %sub3A_1186 : i32
      %select_n3A_1188 = arith.select %and3A_1185, %sub3A_1187, %div3A_1166 : i32
      %mul3A_1189 = arith.constant 256 : i32
      %mul3A_1190 = arith.muli %select_n3A_1188, %mul3A_1189 : i32
      %mul3A_1191 = arith.constant 16 : i32
      %mul3A_1192 = vector.broadcast %mul3A_1191 : i32 to vector<16xi32>
      %mul3A_1193 = arith.muli %iota3A, %mul3A_1192 : vector<16xi32>
      %add3A_1194 = vector.broadcast %mul3A_1190 : i32 to vector<16xi32>
      %add3A_1195 = arith.addi %add3A_1194, %mul3A_1193 : vector<16xi32>
      %jit3A_1196 = arith.constant 16 : i32
      %eq3A_1197 = arith.constant 0 : i32
      %eq3A_1198 = arith.cmpi eq, %jit3A_1196, %eq3A_1197 : i32
      %jit3A_1199 = arith.constant 1 : i32
      %select_n3A_1200 = arith.select %eq3A_1198, %jit3A_1199, %jit3A_1196 : i32
      %rem3A_1201 = arith.remsi %squeeze3A_1164, %select_n3A_1200 : i32
      %ne3A_1202 = arith.constant 0 : i32
      %ne3A_1203 = arith.cmpi ne, %rem3A_1201, %ne3A_1202 : i32
      %lt3A_1204 = arith.constant 0 : i32
      %lt3A_1205 = arith.cmpi slt, %rem3A_1201, %lt3A_1204 : i32
      %lt3A_1206 = arith.constant 0 : i32
      %lt3A_1207 = arith.cmpi slt, %select_n3A_1200, %lt3A_1206 : i32
      %ne3A_1208 = arith.xori %lt3A_1205, %lt3A_1207 : i1
      %and3A_1209 = arith.andi %ne3A_1208, %ne3A_1203 : i1
      %add3A_1210 = arith.addi %rem3A_1201, %select_n3A_1200 : i32
      %select_n3A_1211 = arith.select %and3A_1209, %add3A_1210, %rem3A_1201 : i32
      %add3A_1212 = vector.broadcast %select_n3A_1211 : i32 to vector<16xi32>
      %add3A_1213 = arith.addi %add3A_1195, %add3A_1212 : vector<16xi32>
      %and3A_1214 = arith.constant 32767 : i32
      %and3A_1215 = vector.broadcast %and3A_1214 : i32 to vector<16xi32>
      %and3A_1216 = arith.andi %add3A_1213, %and3A_1215 : vector<16xi32>
      %gather3A_1217 = tpu.vector_load_idx %arg4[%and3A_1216] : memref<32768xf32, #tpu.memory_space<vmem>>[vector<16xi32>], vector<16xf32>,
      %lt3A_1218 = arith.cmpi slt, %broadcast_in_dim3A_985, %broadcast_in_dim3A_299 : vector<16xi32>
      %select_n3A_1219 = arith.select %lt3A_1218, %gather3A_1217, %broadcast_in_dim3A_302 : vector<16xi1>, vector<16xf32>
      %sort3A_1220 = arith.constant dense<true> : vector<16xi1>
      %sort3A_1221, %sort3A_1222, %sort3A_1223 = tpu.sort %select_n3A_1219, %select_n3A_1219 masked %sort3A_1220 : (vector<16xf32>, vector<16xf32>, vector<16xi1>) -> (vector<16xi1>, vector<16xf32>, vector<16xf32>)
      %rev3A_1224 = arith.constant 15 : i32
      %rev3A_1225 = vector.broadcast %rev3A_1224 : i32 to vector<16xi32>
      %rev3A_1226 = tpu.iota {dimensions = array<i32: 0>} : vector<16xi32>
      %rev3A_1227 = arith.subi %rev3A_1225, %rev3A_1226 : vector<16xi32>
      %rev3A_1228 = tpu.dynamic_gather %sort3A_1222[%rev3A_1227] in [0] : vector<16xf32>, vector<16xi32> -> vector<16xf32>
      %max3A_1229 = arith.maximumf %while3A_977, %rev3A_1228 : vector<16xf32>
      %min3A_1230 = arith.minimumf %max3A_1229, %while3A_979 : vector<16xf32>
      %max3A_1231 = arith.maximumf %max3A_1229, %while3A_979 : vector<16xf32>
      %min3A_1232 = arith.minimumf %min3A_1230, %while3A_978 : vector<16xf32>
      %max3A_1233 = arith.maximumf %min3A_1230, %while3A_978 : vector<16xf32>
      %min3A_1234 = arith.minimumf %max3A_1231, %while3A_980 : vector<16xf32>
      %max3A_1235 = arith.maximumf %max3A_1231, %while3A_980 : vector<16xf32>
      %sort3A_1236 = arith.constant dense<true> : vector<16xi1>
      %sort3A_1237, %sort3A_1238, %sort3A_1239 = tpu.sort %min3A_1232, %min3A_1232 masked %sort3A_1236 : (vector<16xf32>, vector<16xf32>, vector<16xi1>) -> (vector<16xi1>, vector<16xf32>, vector<16xf32>)
      %sort3A_1240 = arith.constant dense<true> : vector<16xi1>
      %sort3A_1241, %sort3A_1242, %sort3A_1243 = tpu.sort %max3A_1233, %max3A_1233 masked %sort3A_1240 : (vector<16xf32>, vector<16xf32>, vector<16xi1>) -> (vector<16xi1>, vector<16xf32>, vector<16xf32>)
      %sort3A_1244 = arith.constant dense<true> : vector<16xi1>
      %sort3A_1245, %sort3A_1246, %sort3A_1247 = tpu.sort %min3A_1234, %min3A_1234 masked %sort3A_1244 : (vector<16xf32>, vector<16xf32>, vector<16xi1>) -> (vector<16xi1>, vector<16xf32>, vector<16xf32>)
      %sort3A_1248 = arith.constant dense<true> : vector<16xi1>
      %sort3A_1249, %sort3A_1250, %sort3A_1251 = tpu.sort %max3A_1235, %max3A_1235 masked %sort3A_1248 : (vector<16xf32>, vector<16xf32>, vector<16xi1>) -> (vector<16xi1>, vector<16xf32>, vector<16xf32>)
      %add3A_1252 = arith.constant 1536 : i32
      %add3A_1253 = arith.addi %add3A_1252, %while3A_968 : i32
      %get3A_1254 = arith.index_cast %add3A_1253 : i32 to index
      %get3A_1255 = tpu.vector_load %arg7[%get3A_1254] {strides = array<i32>} : memref<2064xi32, #tpu.memory_space<vmem>>, vector<16xi32>,
      %slice3A_1256 = vector.extract_strided_slice %get3A_1255 {offsets = [0], sizes = [1], strides = [1]} : vector<16xi32> to vector<1xi32>
      %squeeze3A_1257 = vector.extract %slice3A_1256[0] : i32 from vector<1xi32>
      %jit3A_1258 = arith.constant 16 : i32
      %div3A_1259 = arith.divsi %squeeze3A_1257, %jit3A_1258 : i32
      %sign3A_1260 = arith.constant 0 : i32
      %sign3A_1261 = arith.cmpi sgt, %squeeze3A_1257, %sign3A_1260 : i32
      %sign3A_1262 = arith.extui %sign3A_1261 : i1 to i32
      %sign3A_1263 = arith.constant 0 : i32
      %sign3A_1264 = arith.cmpi slt, %squeeze3A_1257, %sign3A_1263 : i32
      %sign3A_1265 = arith.extui %sign3A_1264 : i1 to i32
      %sign3A_1266 = arith.subi %sign3A_1262, %sign3A_1265 : i32
      %sign3A_1267 = arith.constant 0 : i32
      %sign3A_1268 = arith.cmpi sgt, %jit3A_1258, %sign3A_1267 : i32
      %sign3A_1269 = arith.extui %sign3A_1268 : i1 to i32
      %sign3A_1270 = arith.constant 0 : i32
      %sign3A_1271 = arith.cmpi slt, %jit3A_1258, %sign3A_1270 : i32
      %sign3A_1272 = arith.extui %sign3A_1271 : i1 to i32
      %sign3A_1273 = arith.subi %sign3A_1269, %sign3A_1272 : i32
      %ne3A_1274 = arith.cmpi ne, %sign3A_1266, %sign3A_1273 : i32
      %rem3A_1275 = arith.remsi %squeeze3A_1257, %jit3A_1258 : i32
      %ne3A_1276 = arith.constant 0 : i32
      %ne3A_1277 = arith.cmpi ne, %rem3A_1275, %ne3A_1276 : i32
      %and3A_1278 = arith.andi %ne3A_1274, %ne3A_1277 : i1
      %sub3A_1279 = arith.constant 1 : i32
      %sub3A_1280 = arith.subi %div3A_1259, %sub3A_1279 : i32
      %select_n3A_1281 = arith.select %and3A_1278, %sub3A_1280, %div3A_1259 : i32
      %mul3A_1282 = arith.constant 256 : i32
      %mul3A_1283 = arith.muli %select_n3A_1281, %mul3A_1282 : i32
      %mul3A_1284 = arith.constant 16 : i32
      %mul3A_1285 = vector.broadcast %mul3A_1284 : i32 to vector<16xi32>
      %mul3A_1286 = arith.muli %iota3A, %mul3A_1285 : vector<16xi32>
      %add3A_1287 = vector.broadcast %mul3A_1283 : i32 to vector<16xi32>
      %add3A_1288 = arith.addi %add3A_1287, %mul3A_1286 : vector<16xi32>
      %jit3A_1289 = arith.constant 16 : i32
      %eq3A_1290 = arith.constant 0 : i32
      %eq3A_1291 = arith.cmpi eq, %jit3A_1289, %eq3A_1290 : i32
      %jit3A_1292 = arith.constant 1 : i32
      %select_n3A_1293 = arith.select %eq3A_1291, %jit3A_1292, %jit3A_1289 : i32
      %rem3A_1294 = arith.remsi %squeeze3A_1257, %select_n3A_1293 : i32
      %ne3A_1295 = arith.constant 0 : i32
      %ne3A_1296 = arith.cmpi ne, %rem3A_1294, %ne3A_1295 : i32
      %lt3A_1297 = arith.constant 0 : i32
      %lt3A_1298 = arith.cmpi slt, %rem3A_1294, %lt3A_1297 : i32
      %lt3A_1299 = arith.constant 0 : i32
      %lt3A_1300 = arith.cmpi slt, %select_n3A_1293, %lt3A_1299 : i32
      %ne3A_1301 = arith.xori %lt3A_1298, %lt3A_1300 : i1
      %and3A_1302 = arith.andi %ne3A_1301, %ne3A_1296 : i1
      %add3A_1303 = arith.addi %rem3A_1294, %select_n3A_1293 : i32
      %select_n3A_1304 = arith.select %and3A_1302, %add3A_1303, %rem3A_1294 : i32
      %add3A_1305 = vector.broadcast %select_n3A_1304 : i32 to vector<16xi32>
      %add3A_1306 = arith.addi %add3A_1288, %add3A_1305 : vector<16xi32>
      %and3A_1307 = arith.constant 32767 : i32
      %and3A_1308 = vector.broadcast %and3A_1307 : i32 to vector<16xi32>
      %and3A_1309 = arith.andi %add3A_1306, %and3A_1308 : vector<16xi32>
      %gather3A_1310 = tpu.vector_load_idx %arg4[%and3A_1309] : memref<32768xf32, #tpu.memory_space<vmem>>[vector<16xi32>], vector<16xf32>,
      %lt3A_1311 = arith.cmpi slt, %broadcast_in_dim3A_985, %broadcast_in_dim3A_300 : vector<16xi32>
      %select_n3A_1312 = arith.select %lt3A_1311, %gather3A_1310, %broadcast_in_dim3A_302 : vector<16xi1>, vector<16xf32>
      %sort3A_1313 = arith.constant dense<true> : vector<16xi1>
      %sort3A_1314, %sort3A_1315, %sort3A_1316 = tpu.sort %select_n3A_1312, %select_n3A_1312 masked %sort3A_1313 : (vector<16xf32>, vector<16xf32>, vector<16xi1>) -> (vector<16xi1>, vector<16xf32>, vector<16xf32>)
      %rev3A_1317 = arith.constant 15 : i32
      %rev3A_1318 = vector.broadcast %rev3A_1317 : i32 to vector<16xi32>
      %rev3A_1319 = tpu.iota {dimensions = array<i32: 0>} : vector<16xi32>
      %rev3A_1320 = arith.subi %rev3A_1318, %rev3A_1319 : vector<16xi32>
      %rev3A_1321 = tpu.dynamic_gather %sort3A_1315[%rev3A_1320] in [0] : vector<16xf32>, vector<16xi32> -> vector<16xf32>
      %max3A_1322 = arith.maximumf %while3A_981, %rev3A_1321 : vector<16xf32>
      %min3A_1323 = arith.minimumf %max3A_1322, %while3A_983 : vector<16xf32>
      %max3A_1324 = arith.maximumf %max3A_1322, %while3A_983 : vector<16xf32>
      %min3A_1325 = arith.minimumf %min3A_1323, %while3A_982 : vector<16xf32>
      %max3A_1326 = arith.maximumf %min3A_1323, %while3A_982 : vector<16xf32>
      %min3A_1327 = arith.minimumf %max3A_1324, %while3A_984 : vector<16xf32>
      %max3A_1328 = arith.maximumf %max3A_1324, %while3A_984 : vector<16xf32>
      %sort3A_1329 = arith.constant dense<true> : vector<16xi1>
      %sort3A_1330, %sort3A_1331, %sort3A_1332 = tpu.sort %min3A_1325, %min3A_1325 masked %sort3A_1329 : (vector<16xf32>, vector<16xf32>, vector<16xi1>) -> (vector<16xi1>, vector<16xf32>, vector<16xf32>)
      %sort3A_1333 = arith.constant dense<true> : vector<16xi1>
      %sort3A_1334, %sort3A_1335, %sort3A_1336 = tpu.sort %max3A_1326, %max3A_1326 masked %sort3A_1333 : (vector<16xf32>, vector<16xf32>, vector<16xi1>) -> (vector<16xi1>, vector<16xf32>, vector<16xf32>)
      %sort3A_1337 = arith.constant dense<true> : vector<16xi1>
      %sort3A_1338, %sort3A_1339, %sort3A_1340 = tpu.sort %min3A_1327, %min3A_1327 masked %sort3A_1337 : (vector<16xf32>, vector<16xf32>, vector<16xi1>) -> (vector<16xi1>, vector<16xf32>, vector<16xf32>)
      %sort3A_1341 = arith.constant dense<true> : vector<16xi1>
      %sort3A_1342, %sort3A_1343, %sort3A_1344 = tpu.sort %max3A_1328, %max3A_1328 masked %sort3A_1341 : (vector<16xf32>, vector<16xf32>, vector<16xi1>) -> (vector<16xi1>, vector<16xf32>, vector<16xf32>)
      scf.yield %sort3A_1052, %sort3A_1056, %sort3A_1060, %sort3A_1064, %sort3A_1145, %sort3A_1149, %sort3A_1153, %sort3A_1157, %sort3A_1238, %sort3A_1242, %sort3A_1246, %sort3A_1250, %sort3A_1331, %sort3A_1335, %sort3A_1339, %sort3A_1343 : vector<16xf32>, vector<16xf32>, vector<16xf32>, vector<16xf32>, vector<16xf32>, vector<16xf32>, vector<16xf32>, vector<16xf32>, vector<16xf32>, vector<16xf32>, vector<16xf32>, vector<16xf32>, vector<16xf32>, vector<16xf32>, vector<16xf32>, vector<16xf32>
    }
    %while3A_313 = arith.constant 1 : i32
    %while3A_314:16 = scf.for %while3A_968 = %while3A_310 to %while3A_306 step %while3A_313 iter_args(%while3A_969 = %while3A_312#0, %while3A_970 = %while3A_312#1, %while3A_971 = %while3A_312#2, %while3A_972 = %while3A_312#3, %while3A_973 = %while3A_312#4, %while3A_974 = %while3A_312#5, %while3A_975 = %while3A_312#6, %while3A_976 = %while3A_312#7, %while3A_977 = %while3A_312#8, %while3A_978 = %while3A_312#9, %while3A_979 = %while3A_312#10, %while3A_980 = %while3A_312#11, %while3A_981 = %while3A_312#12, %while3A_982 = %while3A_312#13, %while3A_983 = %while3A_312#14, %while3A_984 = %while3A_312#15) -> (vector<16xf32>, vector<16xf32>, vector<16xf32>, vector<16xf32>, vector<16xf32>, vector<16xf32>, vector<16xf32>, vector<16xf32>, vector<16xf32>, vector<16xf32>, vector<16xf32>, vector<16xf32>, vector<16xf32>, vector<16xf32>, vector<16xf32>, vector<16xf32>)  : i32 {
      %broadcast_in_dim3A_985 = vector.broadcast %while3A_968 : i32 to vector<16xi32>
      %add3A_986 = arith.constant 0 : i32
      %add3A_987 = arith.addi %add3A_986, %while3A_968 : i32
      %get3A = arith.index_cast %add3A_987 : i32 to index
      %get3A_988 = tpu.vector_load %arg7[%get3A] {strides = array<i32>} : memref<2064xi32, #tpu.memory_space<vmem>>, vector<16xi32>,
      %slice3A = vector.extract_strided_slice %get3A_988 {offsets = [0], sizes = [1], strides = [1]} : vector<16xi32> to vector<1xi32>
      %squeeze3A = vector.extract %slice3A[0] : i32 from vector<1xi32>
      %jit3A = arith.constant 16 : i32
      %div3A = arith.divsi %squeeze3A, %jit3A : i32
      %sign3A = arith.constant 0 : i32
      %sign3A_989 = arith.cmpi sgt, %squeeze3A, %sign3A : i32
      %sign3A_990 = arith.extui %sign3A_989 : i1 to i32
      %sign3A_991 = arith.constant 0 : i32
      %sign3A_992 = arith.cmpi slt, %squeeze3A, %sign3A_991 : i32
      %sign3A_993 = arith.extui %sign3A_992 : i1 to i32
      %sign3A_994 = arith.subi %sign3A_990, %sign3A_993 : i32
      %sign3A_995 = arith.constant 0 : i32
      %sign3A_996 = arith.cmpi sgt, %jit3A, %sign3A_995 : i32
      %sign3A_997 = arith.extui %sign3A_996 : i1 to i32
      %sign3A_998 = arith.constant 0 : i32
      %sign3A_999 = arith.cmpi slt, %jit3A, %sign3A_998 : i32
      %sign3A_1000 = arith.extui %sign3A_999 : i1 to i32
      %sign3A_1001 = arith.subi %sign3A_997, %sign3A_1000 : i32
      %ne3A = arith.cmpi ne, %sign3A_994, %sign3A_1001 : i32
      %rem3A = arith.remsi %squeeze3A, %jit3A : i32
      %ne3A_1002 = arith.constant 0 : i32
      %ne3A_1003 = arith.cmpi ne, %rem3A, %ne3A_1002 : i32
      %and3A = arith.andi %ne3A, %ne3A_1003 : i1
      %sub3A = arith.constant 1 : i32
      %sub3A_1004 = arith.subi %div3A, %sub3A : i32
      %select_n3A = arith.select %and3A, %sub3A_1004, %div3A : i32
      %mul3A_1005 = arith.constant 256 : i32
      %mul3A_1006 = arith.muli %select_n3A, %mul3A_1005 : i32
      %mul3A_1007 = arith.constant 16 : i32
      %mul3A_1008 = vector.broadcast %mul3A_1007 : i32 to vector<16xi32>
      %mul3A_1009 = arith.muli %iota3A, %mul3A_1008 : vector<16xi32>
      %add3A_1010 = vector.broadcast %mul3A_1006 : i32 to vector<16xi32>
      %add3A_1011 = arith.addi %add3A_1010, %mul3A_1009 : vector<16xi32>
      %jit3A_1012 = arith.constant 16 : i32
      %eq3A = arith.constant 0 : i32
      %eq3A_1013 = arith.cmpi eq, %jit3A_1012, %eq3A : i32
      %jit3A_1014 = arith.constant 1 : i32
      %select_n3A_1015 = arith.select %eq3A_1013, %jit3A_1014, %jit3A_1012 : i32
      %rem3A_1016 = arith.remsi %squeeze3A, %select_n3A_1015 : i32
      %ne3A_1017 = arith.constant 0 : i32
      %ne3A_1018 = arith.cmpi ne, %rem3A_1016, %ne3A_1017 : i32
      %lt3A = arith.constant 0 : i32
      %lt3A_1019 = arith.cmpi slt, %rem3A_1016, %lt3A : i32
      %lt3A_1020 = arith.constant 0 : i32
      %lt3A_1021 = arith.cmpi slt, %select_n3A_1015, %lt3A_1020 : i32
      %ne3A_1022 = arith.xori %lt3A_1019, %lt3A_1021 : i1
      %and3A_1023 = arith.andi %ne3A_1022, %ne3A_1018 : i1
      %add3A_1024 = arith.addi %rem3A_1016, %select_n3A_1015 : i32
      %select_n3A_1025 = arith.select %and3A_1023, %add3A_1024, %rem3A_1016 : i32
      %add3A_1026 = vector.broadcast %select_n3A_1025 : i32 to vector<16xi32>
      %add3A_1027 = arith.addi %add3A_1011, %add3A_1026 : vector<16xi32>
      %and3A_1028 = arith.constant 32767 : i32
      %and3A_1029 = vector.broadcast %and3A_1028 : i32 to vector<16xi32>
      %and3A_1030 = arith.andi %add3A_1027, %and3A_1029 : vector<16xi32>
      %gather3A_1031 = tpu.vector_load_idx %arg4[%and3A_1030] : memref<32768xf32, #tpu.memory_space<vmem>>[vector<16xi32>], vector<16xf32>,
      %lt3A_1032 = arith.cmpi slt, %broadcast_in_dim3A_985, %broadcast_in_dim3A_297 : vector<16xi32>
      %select_n3A_1033 = arith.select %lt3A_1032, %gather3A_1031, %broadcast_in_dim3A_302 : vector<16xi1>, vector<16xf32>
      %sort3A_1034 = arith.constant dense<true> : vector<16xi1>
      %sort3A_1035, %sort3A_1036, %sort3A_1037 = tpu.sort %select_n3A_1033, %select_n3A_1033 masked %sort3A_1034 : (vector<16xf32>, vector<16xf32>, vector<16xi1>) -> (vector<16xi1>, vector<16xf32>, vector<16xf32>)
      %rev3A_1038 = arith.constant 15 : i32
      %rev3A_1039 = vector.broadcast %rev3A_1038 : i32 to vector<16xi32>
      %rev3A_1040 = tpu.iota {dimensions = array<i32: 0>} : vector<16xi32>
      %rev3A_1041 = arith.subi %rev3A_1039, %rev3A_1040 : vector<16xi32>
      %rev3A_1042 = tpu.dynamic_gather %sort3A_1036[%rev3A_1041] in [0] : vector<16xf32>, vector<16xi32> -> vector<16xf32>
      %max3A_1043 = arith.maximumf %while3A_969, %rev3A_1042 : vector<16xf32>
      %min3A_1044 = arith.minimumf %max3A_1043, %while3A_971 : vector<16xf32>
      %max3A_1045 = arith.maximumf %max3A_1043, %while3A_971 : vector<16xf32>
      %min3A_1046 = arith.minimumf %min3A_1044, %while3A_970 : vector<16xf32>
      %max3A_1047 = arith.maximumf %min3A_1044, %while3A_970 : vector<16xf32>
      %min3A_1048 = arith.minimumf %max3A_1045, %while3A_972 : vector<16xf32>
      %max3A_1049 = arith.maximumf %max3A_1045, %while3A_972 : vector<16xf32>
      %sort3A_1050 = arith.constant dense<true> : vector<16xi1>
      %sort3A_1051, %sort3A_1052, %sort3A_1053 = tpu.sort %min3A_1046, %min3A_1046 masked %sort3A_1050 : (vector<16xf32>, vector<16xf32>, vector<16xi1>) -> (vector<16xi1>, vector<16xf32>, vector<16xf32>)
      %sort3A_1054 = arith.constant dense<true> : vector<16xi1>
      %sort3A_1055, %sort3A_1056, %sort3A_1057 = tpu.sort %max3A_1047, %max3A_1047 masked %sort3A_1054 : (vector<16xf32>, vector<16xf32>, vector<16xi1>) -> (vector<16xi1>, vector<16xf32>, vector<16xf32>)
      %sort3A_1058 = arith.constant dense<true> : vector<16xi1>
      %sort3A_1059, %sort3A_1060, %sort3A_1061 = tpu.sort %min3A_1048, %min3A_1048 masked %sort3A_1058 : (vector<16xf32>, vector<16xf32>, vector<16xi1>) -> (vector<16xi1>, vector<16xf32>, vector<16xf32>)
      %sort3A_1062 = arith.constant dense<true> : vector<16xi1>
      %sort3A_1063, %sort3A_1064, %sort3A_1065 = tpu.sort %max3A_1049, %max3A_1049 masked %sort3A_1062 : (vector<16xf32>, vector<16xf32>, vector<16xi1>) -> (vector<16xi1>, vector<16xf32>, vector<16xf32>)
      %add3A_1066 = arith.constant 512 : i32
      %add3A_1067 = arith.addi %add3A_1066, %while3A_968 : i32
      %get3A_1068 = arith.index_cast %add3A_1067 : i32 to index
      %get3A_1069 = tpu.vector_load %arg7[%get3A_1068] {strides = array<i32>} : memref<2064xi32, #tpu.memory_space<vmem>>, vector<16xi32>,
      %slice3A_1070 = vector.extract_strided_slice %get3A_1069 {offsets = [0], sizes = [1], strides = [1]} : vector<16xi32> to vector<1xi32>
      %squeeze3A_1071 = vector.extract %slice3A_1070[0] : i32 from vector<1xi32>
      %jit3A_1072 = arith.constant 16 : i32
      %div3A_1073 = arith.divsi %squeeze3A_1071, %jit3A_1072 : i32
      %sign3A_1074 = arith.constant 0 : i32
      %sign3A_1075 = arith.cmpi sgt, %squeeze3A_1071, %sign3A_1074 : i32
      %sign3A_1076 = arith.extui %sign3A_1075 : i1 to i32
      %sign3A_1077 = arith.constant 0 : i32
      %sign3A_1078 = arith.cmpi slt, %squeeze3A_1071, %sign3A_1077 : i32
      %sign3A_1079 = arith.extui %sign3A_1078 : i1 to i32
      %sign3A_1080 = arith.subi %sign3A_1076, %sign3A_1079 : i32
      %sign3A_1081 = arith.constant 0 : i32
      %sign3A_1082 = arith.cmpi sgt, %jit3A_1072, %sign3A_1081 : i32
      %sign3A_1083 = arith.extui %sign3A_1082 : i1 to i32
      %sign3A_1084 = arith.constant 0 : i32
      %sign3A_1085 = arith.cmpi slt, %jit3A_1072, %sign3A_1084 : i32
      %sign3A_1086 = arith.extui %sign3A_1085 : i1 to i32
      %sign3A_1087 = arith.subi %sign3A_1083, %sign3A_1086 : i32
      %ne3A_1088 = arith.cmpi ne, %sign3A_1080, %sign3A_1087 : i32
      %rem3A_1089 = arith.remsi %squeeze3A_1071, %jit3A_1072 : i32
      %ne3A_1090 = arith.constant 0 : i32
      %ne3A_1091 = arith.cmpi ne, %rem3A_1089, %ne3A_1090 : i32
      %and3A_1092 = arith.andi %ne3A_1088, %ne3A_1091 : i1
      %sub3A_1093 = arith.constant 1 : i32
      %sub3A_1094 = arith.subi %div3A_1073, %sub3A_1093 : i32
      %select_n3A_1095 = arith.select %and3A_1092, %sub3A_1094, %div3A_1073 : i32
      %mul3A_1096 = arith.constant 256 : i32
      %mul3A_1097 = arith.muli %select_n3A_1095, %mul3A_1096 : i32
      %mul3A_1098 = arith.constant 16 : i32
      %mul3A_1099 = vector.broadcast %mul3A_1098 : i32 to vector<16xi32>
      %mul3A_1100 = arith.muli %iota3A, %mul3A_1099 : vector<16xi32>
      %add3A_1101 = vector.broadcast %mul3A_1097 : i32 to vector<16xi32>
      %add3A_1102 = arith.addi %add3A_1101, %mul3A_1100 : vector<16xi32>
      %jit3A_1103 = arith.constant 16 : i32
      %eq3A_1104 = arith.constant 0 : i32
      %eq3A_1105 = arith.cmpi eq, %jit3A_1103, %eq3A_1104 : i32
      %jit3A_1106 = arith.constant 1 : i32
      %select_n3A_1107 = arith.select %eq3A_1105, %jit3A_1106, %jit3A_1103 : i32
      %rem3A_1108 = arith.remsi %squeeze3A_1071, %select_n3A_1107 : i32
      %ne3A_1109 = arith.constant 0 : i32
      %ne3A_1110 = arith.cmpi ne, %rem3A_1108, %ne3A_1109 : i32
      %lt3A_1111 = arith.constant 0 : i32
      %lt3A_1112 = arith.cmpi slt, %rem3A_1108, %lt3A_1111 : i32
      %lt3A_1113 = arith.constant 0 : i32
      %lt3A_1114 = arith.cmpi slt, %select_n3A_1107, %lt3A_1113 : i32
      %ne3A_1115 = arith.xori %lt3A_1112, %lt3A_1114 : i1
      %and3A_1116 = arith.andi %ne3A_1115, %ne3A_1110 : i1
      %add3A_1117 = arith.addi %rem3A_1108, %select_n3A_1107 : i32
      %select_n3A_1118 = arith.select %and3A_1116, %add3A_1117, %rem3A_1108 : i32
      %add3A_1119 = vector.broadcast %select_n3A_1118 : i32 to vector<16xi32>
      %add3A_1120 = arith.addi %add3A_1102, %add3A_1119 : vector<16xi32>
      %and3A_1121 = arith.constant 32767 : i32
      %and3A_1122 = vector.broadcast %and3A_1121 : i32 to vector<16xi32>
      %and3A_1123 = arith.andi %add3A_1120, %and3A_1122 : vector<16xi32>
      %gather3A_1124 = tpu.vector_load_idx %arg4[%and3A_1123] : memref<32768xf32, #tpu.memory_space<vmem>>[vector<16xi32>], vector<16xf32>,
      %lt3A_1125 = arith.cmpi slt, %broadcast_in_dim3A_985, %broadcast_in_dim3A_298 : vector<16xi32>
      %select_n3A_1126 = arith.select %lt3A_1125, %gather3A_1124, %broadcast_in_dim3A_302 : vector<16xi1>, vector<16xf32>
      %sort3A_1127 = arith.constant dense<true> : vector<16xi1>
      %sort3A_1128, %sort3A_1129, %sort3A_1130 = tpu.sort %select_n3A_1126, %select_n3A_1126 masked %sort3A_1127 : (vector<16xf32>, vector<16xf32>, vector<16xi1>) -> (vector<16xi1>, vector<16xf32>, vector<16xf32>)
      %rev3A_1131 = arith.constant 15 : i32
      %rev3A_1132 = vector.broadcast %rev3A_1131 : i32 to vector<16xi32>
      %rev3A_1133 = tpu.iota {dimensions = array<i32: 0>} : vector<16xi32>
      %rev3A_1134 = arith.subi %rev3A_1132, %rev3A_1133 : vector<16xi32>
      %rev3A_1135 = tpu.dynamic_gather %sort3A_1129[%rev3A_1134] in [0] : vector<16xf32>, vector<16xi32> -> vector<16xf32>
      %max3A_1136 = arith.maximumf %while3A_973, %rev3A_1135 : vector<16xf32>
      %min3A_1137 = arith.minimumf %max3A_1136, %while3A_975 : vector<16xf32>
      %max3A_1138 = arith.maximumf %max3A_1136, %while3A_975 : vector<16xf32>
      %min3A_1139 = arith.minimumf %min3A_1137, %while3A_974 : vector<16xf32>
      %max3A_1140 = arith.maximumf %min3A_1137, %while3A_974 : vector<16xf32>
      %min3A_1141 = arith.minimumf %max3A_1138, %while3A_976 : vector<16xf32>
      %max3A_1142 = arith.maximumf %max3A_1138, %while3A_976 : vector<16xf32>
      %sort3A_1143 = arith.constant dense<true> : vector<16xi1>
      %sort3A_1144, %sort3A_1145, %sort3A_1146 = tpu.sort %min3A_1139, %min3A_1139 masked %sort3A_1143 : (vector<16xf32>, vector<16xf32>, vector<16xi1>) -> (vector<16xi1>, vector<16xf32>, vector<16xf32>)
      %sort3A_1147 = arith.constant dense<true> : vector<16xi1>
      %sort3A_1148, %sort3A_1149, %sort3A_1150 = tpu.sort %max3A_1140, %max3A_1140 masked %sort3A_1147 : (vector<16xf32>, vector<16xf32>, vector<16xi1>) -> (vector<16xi1>, vector<16xf32>, vector<16xf32>)
      %sort3A_1151 = arith.constant dense<true> : vector<16xi1>
      %sort3A_1152, %sort3A_1153, %sort3A_1154 = tpu.sort %min3A_1141, %min3A_1141 masked %sort3A_1151 : (vector<16xf32>, vector<16xf32>, vector<16xi1>) -> (vector<16xi1>, vector<16xf32>, vector<16xf32>)
      %sort3A_1155 = arith.constant dense<true> : vector<16xi1>
      %sort3A_1156, %sort3A_1157, %sort3A_1158 = tpu.sort %max3A_1142, %max3A_1142 masked %sort3A_1155 : (vector<16xf32>, vector<16xf32>, vector<16xi1>) -> (vector<16xi1>, vector<16xf32>, vector<16xf32>)
      %add3A_1159 = arith.constant 1024 : i32
      %add3A_1160 = arith.addi %add3A_1159, %while3A_968 : i32
      %get3A_1161 = arith.index_cast %add3A_1160 : i32 to index
      %get3A_1162 = tpu.vector_load %arg7[%get3A_1161] {strides = array<i32>} : memref<2064xi32, #tpu.memory_space<vmem>>, vector<16xi32>,
      %slice3A_1163 = vector.extract_strided_slice %get3A_1162 {offsets = [0], sizes = [1], strides = [1]} : vector<16xi32> to vector<1xi32>
      %squeeze3A_1164 = vector.extract %slice3A_1163[0] : i32 from vector<1xi32>
      %jit3A_1165 = arith.constant 16 : i32
      %div3A_1166 = arith.divsi %squeeze3A_1164, %jit3A_1165 : i32
      %sign3A_1167 = arith.constant 0 : i32
      %sign3A_1168 = arith.cmpi sgt, %squeeze3A_1164, %sign3A_1167 : i32
      %sign3A_1169 = arith.extui %sign3A_1168 : i1 to i32
      %sign3A_1170 = arith.constant 0 : i32
      %sign3A_1171 = arith.cmpi slt, %squeeze3A_1164, %sign3A_1170 : i32
      %sign3A_1172 = arith.extui %sign3A_1171 : i1 to i32
      %sign3A_1173 = arith.subi %sign3A_1169, %sign3A_1172 : i32
      %sign3A_1174 = arith.constant 0 : i32
      %sign3A_1175 = arith.cmpi sgt, %jit3A_1165, %sign3A_1174 : i32
      %sign3A_1176 = arith.extui %sign3A_1175 : i1 to i32
      %sign3A_1177 = arith.constant 0 : i32
      %sign3A_1178 = arith.cmpi slt, %jit3A_1165, %sign3A_1177 : i32
      %sign3A_1179 = arith.extui %sign3A_1178 : i1 to i32
      %sign3A_1180 = arith.subi %sign3A_1176, %sign3A_1179 : i32
      %ne3A_1181 = arith.cmpi ne, %sign3A_1173, %sign3A_1180 : i32
      %rem3A_1182 = arith.remsi %squeeze3A_1164, %jit3A_1165 : i32
      %ne3A_1183 = arith.constant 0 : i32
      %ne3A_1184 = arith.cmpi ne, %rem3A_1182, %ne3A_1183 : i32
      %and3A_1185 = arith.andi %ne3A_1181, %ne3A_1184 : i1
      %sub3A_1186 = arith.constant 1 : i32
      %sub3A_1187 = arith.subi %div3A_1166, %sub3A_1186 : i32
      %select_n3A_1188 = arith.select %and3A_1185, %sub3A_1187, %div3A_1166 : i32
      %mul3A_1189 = arith.constant 256 : i32
      %mul3A_1190 = arith.muli %select_n3A_1188, %mul3A_1189 : i32
      %mul3A_1191 = arith.constant 16 : i32
      %mul3A_1192 = vector.broadcast %mul3A_1191 : i32 to vector<16xi32>
      %mul3A_1193 = arith.muli %iota3A, %mul3A_1192 : vector<16xi32>
      %add3A_1194 = vector.broadcast %mul3A_1190 : i32 to vector<16xi32>
      %add3A_1195 = arith.addi %add3A_1194, %mul3A_1193 : vector<16xi32>
      %jit3A_1196 = arith.constant 16 : i32
      %eq3A_1197 = arith.constant 0 : i32
      %eq3A_1198 = arith.cmpi eq, %jit3A_1196, %eq3A_1197 : i32
      %jit3A_1199 = arith.constant 1 : i32
      %select_n3A_1200 = arith.select %eq3A_1198, %jit3A_1199, %jit3A_1196 : i32
      %rem3A_1201 = arith.remsi %squeeze3A_1164, %select_n3A_1200 : i32
      %ne3A_1202 = arith.constant 0 : i32
      %ne3A_1203 = arith.cmpi ne, %rem3A_1201, %ne3A_1202 : i32
      %lt3A_1204 = arith.constant 0 : i32
      %lt3A_1205 = arith.cmpi slt, %rem3A_1201, %lt3A_1204 : i32
      %lt3A_1206 = arith.constant 0 : i32
      %lt3A_1207 = arith.cmpi slt, %select_n3A_1200, %lt3A_1206 : i32
      %ne3A_1208 = arith.xori %lt3A_1205, %lt3A_1207 : i1
      %and3A_1209 = arith.andi %ne3A_1208, %ne3A_1203 : i1
      %add3A_1210 = arith.addi %rem3A_1201, %select_n3A_1200 : i32
      %select_n3A_1211 = arith.select %and3A_1209, %add3A_1210, %rem3A_1201 : i32
      %add3A_1212 = vector.broadcast %select_n3A_1211 : i32 to vector<16xi32>
      %add3A_1213 = arith.addi %add3A_1195, %add3A_1212 : vector<16xi32>
      %and3A_1214 = arith.constant 32767 : i32
      %and3A_1215 = vector.broadcast %and3A_1214 : i32 to vector<16xi32>
      %and3A_1216 = arith.andi %add3A_1213, %and3A_1215 : vector<16xi32>
      %gather3A_1217 = tpu.vector_load_idx %arg4[%and3A_1216] : memref<32768xf32, #tpu.memory_space<vmem>>[vector<16xi32>], vector<16xf32>,
      %lt3A_1218 = arith.cmpi slt, %broadcast_in_dim3A_985, %broadcast_in_dim3A_299 : vector<16xi32>
      %select_n3A_1219 = arith.select %lt3A_1218, %gather3A_1217, %broadcast_in_dim3A_302 : vector<16xi1>, vector<16xf32>
      %sort3A_1220 = arith.constant dense<true> : vector<16xi1>
      %sort3A_1221, %sort3A_1222, %sort3A_1223 = tpu.sort %select_n3A_1219, %select_n3A_1219 masked %sort3A_1220 : (vector<16xf32>, vector<16xf32>, vector<16xi1>) -> (vector<16xi1>, vector<16xf32>, vector<16xf32>)
      %rev3A_1224 = arith.constant 15 : i32
      %rev3A_1225 = vector.broadcast %rev3A_1224 : i32 to vector<16xi32>
      %rev3A_1226 = tpu.iota {dimensions = array<i32: 0>} : vector<16xi32>
      %rev3A_1227 = arith.subi %rev3A_1225, %rev3A_1226 : vector<16xi32>
      %rev3A_1228 = tpu.dynamic_gather %sort3A_1222[%rev3A_1227] in [0] : vector<16xf32>, vector<16xi32> -> vector<16xf32>
      %max3A_1229 = arith.maximumf %while3A_977, %rev3A_1228 : vector<16xf32>
      %min3A_1230 = arith.minimumf %max3A_1229, %while3A_979 : vector<16xf32>
      %max3A_1231 = arith.maximumf %max3A_1229, %while3A_979 : vector<16xf32>
      %min3A_1232 = arith.minimumf %min3A_1230, %while3A_978 : vector<16xf32>
      %max3A_1233 = arith.maximumf %min3A_1230, %while3A_978 : vector<16xf32>
      %min3A_1234 = arith.minimumf %max3A_1231, %while3A_980 : vector<16xf32>
      %max3A_1235 = arith.maximumf %max3A_1231, %while3A_980 : vector<16xf32>
      %sort3A_1236 = arith.constant dense<true> : vector<16xi1>
      %sort3A_1237, %sort3A_1238, %sort3A_1239 = tpu.sort %min3A_1232, %min3A_1232 masked %sort3A_1236 : (vector<16xf32>, vector<16xf32>, vector<16xi1>) -> (vector<16xi1>, vector<16xf32>, vector<16xf32>)
      %sort3A_1240 = arith.constant dense<true> : vector<16xi1>
      %sort3A_1241, %sort3A_1242, %sort3A_1243 = tpu.sort %max3A_1233, %max3A_1233 masked %sort3A_1240 : (vector<16xf32>, vector<16xf32>, vector<16xi1>) -> (vector<16xi1>, vector<16xf32>, vector<16xf32>)
      %sort3A_1244 = arith.constant dense<true> : vector<16xi1>
      %sort3A_1245, %sort3A_1246, %sort3A_1247 = tpu.sort %min3A_1234, %min3A_1234 masked %sort3A_1244 : (vector<16xf32>, vector<16xf32>, vector<16xi1>) -> (vector<16xi1>, vector<16xf32>, vector<16xf32>)
      %sort3A_1248 = arith.constant dense<true> : vector<16xi1>
      %sort3A_1249, %sort3A_1250, %sort3A_1251 = tpu.sort %max3A_1235, %max3A_1235 masked %sort3A_1248 : (vector<16xf32>, vector<16xf32>, vector<16xi1>) -> (vector<16xi1>, vector<16xf32>, vector<16xf32>)
      %add3A_1252 = arith.constant 1536 : i32
      %add3A_1253 = arith.addi %add3A_1252, %while3A_968 : i32
      %get3A_1254 = arith.index_cast %add3A_1253 : i32 to index
      %get3A_1255 = tpu.vector_load %arg7[%get3A_1254] {strides = array<i32>} : memref<2064xi32, #tpu.memory_space<vmem>>, vector<16xi32>,
      %slice3A_1256 = vector.extract_strided_slice %get3A_1255 {offsets = [0], sizes = [1], strides = [1]} : vector<16xi32> to vector<1xi32>
      %squeeze3A_1257 = vector.extract %slice3A_1256[0] : i32 from vector<1xi32>
      %jit3A_1258 = arith.constant 16 : i32
      %div3A_1259 = arith.divsi %squeeze3A_1257, %jit3A_1258 : i32
      %sign3A_1260 = arith.constant 0 : i32
      %sign3A_1261 = arith.cmpi sgt, %squeeze3A_1257, %sign3A_1260 : i32
      %sign3A_1262 = arith.extui %sign3A_1261 : i1 to i32
      %sign3A_1263 = arith.constant 0 : i32
      %sign3A_1264 = arith.cmpi slt, %squeeze3A_1257, %sign3A_1263 : i32
      %sign3A_1265 = arith.extui %sign3A_1264 : i1 to i32
      %sign3A_1266 = arith.subi %sign3A_1262, %sign3A_1265 : i32
      %sign3A_1267 = arith.constant 0 : i32
      %sign3A_1268 = arith.cmpi sgt, %jit3A_1258, %sign3A_1267 : i32
      %sign3A_1269 = arith.extui %sign3A_1268 : i1 to i32
      %sign3A_1270 = arith.constant 0 : i32
      %sign3A_1271 = arith.cmpi slt, %jit3A_1258, %sign3A_1270 : i32
      %sign3A_1272 = arith.extui %sign3A_1271 : i1 to i32
      %sign3A_1273 = arith.subi %sign3A_1269, %sign3A_1272 : i32
      %ne3A_1274 = arith.cmpi ne, %sign3A_1266, %sign3A_1273 : i32
      %rem3A_1275 = arith.remsi %squeeze3A_1257, %jit3A_1258 : i32
      %ne3A_1276 = arith.constant 0 : i32
      %ne3A_1277 = arith.cmpi ne, %rem3A_1275, %ne3A_1276 : i32
      %and3A_1278 = arith.andi %ne3A_1274, %ne3A_1277 : i1
      %sub3A_1279 = arith.constant 1 : i32
      %sub3A_1280 = arith.subi %div3A_1259, %sub3A_1279 : i32
      %select_n3A_1281 = arith.select %and3A_1278, %sub3A_1280, %div3A_1259 : i32
      %mul3A_1282 = arith.constant 256 : i32
      %mul3A_1283 = arith.muli %select_n3A_1281, %mul3A_1282 : i32
      %mul3A_1284 = arith.constant 16 : i32
      %mul3A_1285 = vector.broadcast %mul3A_1284 : i32 to vector<16xi32>
      %mul3A_1286 = arith.muli %iota3A, %mul3A_1285 : vector<16xi32>
      %add3A_1287 = vector.broadcast %mul3A_1283 : i32 to vector<16xi32>
      %add3A_1288 = arith.addi %add3A_1287, %mul3A_1286 : vector<16xi32>
      %jit3A_1289 = arith.constant 16 : i32
      %eq3A_1290 = arith.constant 0 : i32
      %eq3A_1291 = arith.cmpi eq, %jit3A_1289, %eq3A_1290 : i32
      %jit3A_1292 = arith.constant 1 : i32
      %select_n3A_1293 = arith.select %eq3A_1291, %jit3A_1292, %jit3A_1289 : i32
      %rem3A_1294 = arith.remsi %squeeze3A_1257, %select_n3A_1293 : i32
      %ne3A_1295 = arith.constant 0 : i32
      %ne3A_1296 = arith.cmpi ne, %rem3A_1294, %ne3A_1295 : i32
      %lt3A_1297 = arith.constant 0 : i32
      %lt3A_1298 = arith.cmpi slt, %rem3A_1294, %lt3A_1297 : i32
      %lt3A_1299 = arith.constant 0 : i32
      %lt3A_1300 = arith.cmpi slt, %select_n3A_1293, %lt3A_1299 : i32
      %ne3A_1301 = arith.xori %lt3A_1298, %lt3A_1300 : i1
      %and3A_1302 = arith.andi %ne3A_1301, %ne3A_1296 : i1
      %add3A_1303 = arith.addi %rem3A_1294, %select_n3A_1293 : i32
      %select_n3A_1304 = arith.select %and3A_1302, %add3A_1303, %rem3A_1294 : i32
      %add3A_1305 = vector.broadcast %select_n3A_1304 : i32 to vector<16xi32>
      %add3A_1306 = arith.addi %add3A_1288, %add3A_1305 : vector<16xi32>
      %and3A_1307 = arith.constant 32767 : i32
      %and3A_1308 = vector.broadcast %and3A_1307 : i32 to vector<16xi32>
      %and3A_1309 = arith.andi %add3A_1306, %and3A_1308 : vector<16xi32>
      %gather3A_1310 = tpu.vector_load_idx %arg4[%and3A_1309] : memref<32768xf32, #tpu.memory_space<vmem>>[vector<16xi32>], vector<16xf32>,
      %lt3A_1311 = arith.cmpi slt, %broadcast_in_dim3A_985, %broadcast_in_dim3A_300 : vector<16xi32>
      %select_n3A_1312 = arith.select %lt3A_1311, %gather3A_1310, %broadcast_in_dim3A_302 : vector<16xi1>, vector<16xf32>
      %sort3A_1313 = arith.constant dense<true> : vector<16xi1>
      %sort3A_1314, %sort3A_1315, %sort3A_1316 = tpu.sort %select_n3A_1312, %select_n3A_1312 masked %sort3A_1313 : (vector<16xf32>, vector<16xf32>, vector<16xi1>) -> (vector<16xi1>, vector<16xf32>, vector<16xf32>)
      %rev3A_1317 = arith.constant 15 : i32
      %rev3A_1318 = vector.broadcast %rev3A_1317 : i32 to vector<16xi32>
      %rev3A_1319 = tpu.iota {dimensions = array<i32: 0>} : vector<16xi32>
      %rev3A_1320 = arith.subi %rev3A_1318, %rev3A_1319 : vector<16xi32>
      %rev3A_1321 = tpu.dynamic_gather %sort3A_1315[%rev3A_1320] in [0] : vector<16xf32>, vector<16xi32> -> vector<16xf32>
      %max3A_1322 = arith.maximumf %while3A_981, %rev3A_1321 : vector<16xf32>
      %min3A_1323 = arith.minimumf %max3A_1322, %while3A_983 : vector<16xf32>
      %max3A_1324 = arith.maximumf %max3A_1322, %while3A_983 : vector<16xf32>
      %min3A_1325 = arith.minimumf %min3A_1323, %while3A_982 : vector<16xf32>
      %max3A_1326 = arith.maximumf %min3A_1323, %while3A_982 : vector<16xf32>
      %min3A_1327 = arith.minimumf %max3A_1324, %while3A_984 : vector<16xf32>
      %max3A_1328 = arith.maximumf %max3A_1324, %while3A_984 : vector<16xf32>
      %sort3A_1329 = arith.constant dense<true> : vector<16xi1>
      %sort3A_1330, %sort3A_1331, %sort3A_1332 = tpu.sort %min3A_1325, %min3A_1325 masked %sort3A_1329 : (vector<16xf32>, vector<16xf32>, vector<16xi1>) -> (vector<16xi1>, vector<16xf32>, vector<16xf32>)
      %sort3A_1333 = arith.constant dense<true> : vector<16xi1>
      %sort3A_1334, %sort3A_1335, %sort3A_1336 = tpu.sort %max3A_1326, %max3A_1326 masked %sort3A_1333 : (vector<16xf32>, vector<16xf32>, vector<16xi1>) -> (vector<16xi1>, vector<16xf32>, vector<16xf32>)
      %sort3A_1337 = arith.constant dense<true> : vector<16xi1>
      %sort3A_1338, %sort3A_1339, %sort3A_1340 = tpu.sort %min3A_1327, %min3A_1327 masked %sort3A_1337 : (vector<16xf32>, vector<16xf32>, vector<16xi1>) -> (vector<16xi1>, vector<16xf32>, vector<16xf32>)
      %sort3A_1341 = arith.constant dense<true> : vector<16xi1>
      %sort3A_1342, %sort3A_1343, %sort3A_1344 = tpu.sort %max3A_1328, %max3A_1328 masked %sort3A_1341 : (vector<16xf32>, vector<16xf32>, vector<16xi1>) -> (vector<16xi1>, vector<16xf32>, vector<16xf32>)
      scf.yield %sort3A_1052, %sort3A_1056, %sort3A_1060, %sort3A_1064, %sort3A_1145, %sort3A_1149, %sort3A_1153, %sort3A_1157, %sort3A_1238, %sort3A_1242, %sort3A_1246, %sort3A_1250, %sort3A_1331, %sort3A_1335, %sort3A_1339, %sort3A_1343 : vector<16xf32>, vector<16xf32>, vector<16xf32>, vector<16xf32>, vector<16xf32>, vector<16xf32>, vector<16xf32>, vector<16xf32>, vector<16xf32>, vector<16xf32>, vector<16xf32>, vector<16xf32>, vector<16xf32>, vector<16xf32>, vector<16xf32>, vector<16xf32>
    }
    %rev3A_315 = arith.constant 15 : i32
    %rev3A_316 = vector.broadcast %rev3A_315 : i32 to vector<16xi32>
    %rev3A_317 = tpu.iota {dimensions = array<i32: 0>} : vector<16xi32>
    %rev3A_318 = arith.subi %rev3A_316, %rev3A_317 : vector<16xi32>
    %rev3A_319 = tpu.dynamic_gather %while3A_314#7[%rev3A_318] in [0] : vector<16xf32>, vector<16xi32> -> vector<16xf32>
    %max3A_320 = arith.maximumf %while3A_314#0, %rev3A_319 : vector<16xf32>
    %rev3A_321 = arith.constant 15 : i32
    %rev3A_322 = vector.broadcast %rev3A_321 : i32 to vector<16xi32>
    %rev3A_323 = tpu.iota {dimensions = array<i32: 0>} : vector<16xi32>
    %rev3A_324 = arith.subi %rev3A_322, %rev3A_323 : vector<16xi32>
    %rev3A_325 = tpu.dynamic_gather %while3A_314#6[%rev3A_324] in [0] : vector<16xf32>, vector<16xi32> -> vector<16xf32>
    %max3A_326 = arith.maximumf %while3A_314#1, %rev3A_325 : vector<16xf32>
    %rev3A_327 = arith.constant 15 : i32
    %rev3A_328 = vector.broadcast %rev3A_327 : i32 to vector<16xi32>
    %rev3A_329 = tpu.iota {dimensions = array<i32: 0>} : vector<16xi32>
    %rev3A_330 = arith.subi %rev3A_328, %rev3A_329 : vector<16xi32>
    %rev3A_331 = tpu.dynamic_gather %while3A_314#5[%rev3A_330] in [0] : vector<16xf32>, vector<16xi32> -> vector<16xf32>
    %max3A_332 = arith.maximumf %while3A_314#2, %rev3A_331 : vector<16xf32>
    %rev3A_333 = arith.constant 15 : i32
    %rev3A_334 = vector.broadcast %rev3A_333 : i32 to vector<16xi32>
    %rev3A_335 = tpu.iota {dimensions = array<i32: 0>} : vector<16xi32>
    %rev3A_336 = arith.subi %rev3A_334, %rev3A_335 : vector<16xi32>
    %rev3A_337 = tpu.dynamic_gather %while3A_314#4[%rev3A_336] in [0] : vector<16xf32>, vector<16xi32> -> vector<16xf32>
    %max3A_338 = arith.maximumf %while3A_314#3, %rev3A_337 : vector<16xf32>
    %min3A_339 = arith.minimumf %max3A_320, %max3A_332 : vector<16xf32>
    %max3A_340 = arith.maximumf %max3A_320, %max3A_332 : vector<16xf32>
    %min3A_341 = arith.minimumf %max3A_326, %max3A_338 : vector<16xf32>
    %max3A_342 = arith.maximumf %max3A_326, %max3A_338 : vector<16xf32>
    %min3A_343 = arith.minimumf %min3A_339, %min3A_341 : vector<16xf32>
    %max3A_344 = arith.maximumf %min3A_339, %min3A_341 : vector<16xf32>
    %min3A_345 = arith.minimumf %max3A_340, %max3A_342 : vector<16xf32>
    %max3A_346 = arith.maximumf %max3A_340, %max3A_342 : vector<16xf32>
    %sort3A_347 = arith.constant dense<true> : vector<16xi1>
    %sort3A_348, %sort3A_349, %sort3A_350 = tpu.sort %min3A_343, %min3A_343 masked %sort3A_347 : (vector<16xf32>, vector<16xf32>, vector<16xi1>) -> (vector<16xi1>, vector<16xf32>, vector<16xf32>)
    %sort3A_351 = arith.constant dense<true> : vector<16xi1>
    %sort3A_352, %sort3A_353, %sort3A_354 = tpu.sort %max3A_344, %max3A_344 masked %sort3A_351 : (vector<16xf32>, vector<16xf32>, vector<16xi1>) -> (vector<16xi1>, vector<16xf32>, vector<16xf32>)
    %sort3A_355 = arith.constant dense<true> : vector<16xi1>
    %sort3A_356, %sort3A_357, %sort3A_358 = tpu.sort %min3A_345, %min3A_345 masked %sort3A_355 : (vector<16xf32>, vector<16xf32>, vector<16xi1>) -> (vector<16xi1>, vector<16xf32>, vector<16xf32>)
    %sort3A_359 = arith.constant dense<true> : vector<16xi1>
    %sort3A_360, %sort3A_361, %sort3A_362 = tpu.sort %max3A_346, %max3A_346 masked %sort3A_359 : (vector<16xf32>, vector<16xf32>, vector<16xi1>) -> (vector<16xi1>, vector<16xf32>, vector<16xf32>)
    %rev3A_363 = arith.constant 15 : i32
    %rev3A_364 = vector.broadcast %rev3A_363 : i32 to vector<16xi32>
    %rev3A_365 = tpu.iota {dimensions = array<i32: 0>} : vector<16xi32>
    %rev3A_366 = arith.subi %rev3A_364, %rev3A_365 : vector<16xi32>
    %rev3A_367 = tpu.dynamic_gather %while3A_314#15[%rev3A_366] in [0] : vector<16xf32>, vector<16xi32> -> vector<16xf32>
    %max3A_368 = arith.maximumf %while3A_314#8, %rev3A_367 : vector<16xf32>
    %rev3A_369 = arith.constant 15 : i32
    %rev3A_370 = vector.broadcast %rev3A_369 : i32 to vector<16xi32>
    %rev3A_371 = tpu.iota {dimensions = array<i32: 0>} : vector<16xi32>
    %rev3A_372 = arith.subi %rev3A_370, %rev3A_371 : vector<16xi32>
    %rev3A_373 = tpu.dynamic_gather %while3A_314#14[%rev3A_372] in [0] : vector<16xf32>, vector<16xi32> -> vector<16xf32>
    %max3A_374 = arith.maximumf %while3A_314#9, %rev3A_373 : vector<16xf32>
    %rev3A_375 = arith.constant 15 : i32
    %rev3A_376 = vector.broadcast %rev3A_375 : i32 to vector<16xi32>
    %rev3A_377 = tpu.iota {dimensions = array<i32: 0>} : vector<16xi32>
    %rev3A_378 = arith.subi %rev3A_376, %rev3A_377 : vector<16xi32>
    %rev3A_379 = tpu.dynamic_gather %while3A_314#13[%rev3A_378] in [0] : vector<16xf32>, vector<16xi32> -> vector<16xf32>
    %max3A_380 = arith.maximumf %while3A_314#10, %rev3A_379 : vector<16xf32>
    %rev3A_381 = arith.constant 15 : i32
    %rev3A_382 = vector.broadcast %rev3A_381 : i32 to vector<16xi32>
    %rev3A_383 = tpu.iota {dimensions = array<i32: 0>} : vector<16xi32>
    %rev3A_384 = arith.subi %rev3A_382, %rev3A_383 : vector<16xi32>
    %rev3A_385 = tpu.dynamic_gather %while3A_314#12[%rev3A_384] in [0] : vector<16xf32>, vector<16xi32> -> vector<16xf32>
    %max3A_386 = arith.maximumf %while3A_314#11, %rev3A_385 : vector<16xf32>
    %min3A_387 = arith.minimumf %max3A_368, %max3A_380 : vector<16xf32>
    %max3A_388 = arith.maximumf %max3A_368, %max3A_380 : vector<16xf32>
    %min3A_389 = arith.minimumf %max3A_374, %max3A_386 : vector<16xf32>
    %max3A_390 = arith.maximumf %max3A_374, %max3A_386 : vector<16xf32>
    %min3A_391 = arith.minimumf %min3A_387, %min3A_389 : vector<16xf32>
    %max3A_392 = arith.maximumf %min3A_387, %min3A_389 : vector<16xf32>
    %min3A_393 = arith.minimumf %max3A_388, %max3A_390 : vector<16xf32>
    %max3A_394 = arith.maximumf %max3A_388, %max3A_390 : vector<16xf32>
    %sort3A_395 = arith.constant dense<true> : vector<16xi1>
    %sort3A_396, %sort3A_397, %sort3A_398 = tpu.sort %min3A_391, %min3A_391 masked %sort3A_395 : (vector<16xf32>, vector<16xf32>, vector<16xi1>) -> (vector<16xi1>, vector<16xf32>, vector<16xf32>)
    %sort3A_399 = arith.constant dense<true> : vector<16xi1>
    %sort3A_400, %sort3A_401, %sort3A_402 = tpu.sort %max3A_392, %max3A_392 masked %sort3A_399 : (vector<16xf32>, vector<16xf32>, vector<16xi1>) -> (vector<16xi1>, vector<16xf32>, vector<16xf32>)
    %sort3A_403 = arith.constant dense<true> : vector<16xi1>
    %sort3A_404, %sort3A_405, %sort3A_406 = tpu.sort %min3A_393, %min3A_393 masked %sort3A_403 : (vector<16xf32>, vector<16xf32>, vector<16xi1>) -> (vector<16xi1>, vector<16xf32>, vector<16xf32>)
    %sort3A_407 = arith.constant dense<true> : vector<16xi1>
    %sort3A_408, %sort3A_409, %sort3A_410 = tpu.sort %max3A_394, %max3A_394 masked %sort3A_407 : (vector<16xf32>, vector<16xf32>, vector<16xi1>) -> (vector<16xi1>, vector<16xf32>, vector<16xf32>)
    %rev3A_411 = arith.constant 15 : i32
    %rev3A_412 = vector.broadcast %rev3A_411 : i32 to vector<16xi32>
    %rev3A_413 = tpu.iota {dimensions = array<i32: 0>} : vector<16xi32>
    %rev3A_414 = arith.subi %rev3A_412, %rev3A_413 : vector<16xi32>
    %rev3A_415 = tpu.dynamic_gather %sort3A_409[%rev3A_414] in [0] : vector<16xf32>, vector<16xi32> -> vector<16xf32>
    %max3A_416 = arith.maximumf %sort3A_349, %rev3A_415 : vector<16xf32>
    %rev3A_417 = arith.constant 15 : i32
    %rev3A_418 = vector.broadcast %rev3A_417 : i32 to vector<16xi32>
    %rev3A_419 = tpu.iota {dimensions = array<i32: 0>} : vector<16xi32>
    %rev3A_420 = arith.subi %rev3A_418, %rev3A_419 : vector<16xi32>
    %rev3A_421 = tpu.dynamic_gather %sort3A_405[%rev3A_420] in [0] : vector<16xf32>, vector<16xi32> -> vector<16xf32>
    %max3A_422 = arith.maximumf %sort3A_353, %rev3A_421 : vector<16xf32>
    %rev3A_423 = arith.constant 15 : i32
    %rev3A_424 = vector.broadcast %rev3A_423 : i32 to vector<16xi32>
    %rev3A_425 = tpu.iota {dimensions = array<i32: 0>} : vector<16xi32>
    %rev3A_426 = arith.subi %rev3A_424, %rev3A_425 : vector<16xi32>
    %rev3A_427 = tpu.dynamic_gather %sort3A_401[%rev3A_426] in [0] : vector<16xf32>, vector<16xi32> -> vector<16xf32>
    %max3A_428 = arith.maximumf %sort3A_357, %rev3A_427 : vector<16xf32>
    %rev3A_429 = arith.constant 15 : i32
    %rev3A_430 = vector.broadcast %rev3A_429 : i32 to vector<16xi32>
    %rev3A_431 = tpu.iota {dimensions = array<i32: 0>} : vector<16xi32>
    %rev3A_432 = arith.subi %rev3A_430, %rev3A_431 : vector<16xi32>
    %rev3A_433 = tpu.dynamic_gather %sort3A_397[%rev3A_432] in [0] : vector<16xf32>, vector<16xi32> -> vector<16xf32>
    %max3A_434 = arith.maximumf %sort3A_361, %rev3A_433 : vector<16xf32>
    %min3A_435 = arith.minimumf %max3A_416, %max3A_428 : vector<16xf32>
    %max3A_436 = arith.maximumf %max3A_416, %max3A_428 : vector<16xf32>
    %min3A_437 = arith.minimumf %max3A_422, %max3A_434 : vector<16xf32>
    %max3A_438 = arith.maximumf %max3A_422, %max3A_434 : vector<16xf32>
    %min3A_439 = arith.minimumf %min3A_435, %min3A_437 : vector<16xf32>
    %max3A_440 = arith.maximumf %min3A_435, %min3A_437 : vector<16xf32>
    %min3A_441 = arith.minimumf %max3A_436, %max3A_438 : vector<16xf32>
    %max3A_442 = arith.maximumf %max3A_436, %max3A_438 : vector<16xf32>
    %sort3A_443 = arith.constant dense<true> : vector<16xi1>
    %sort3A_444, %sort3A_445, %sort3A_446 = tpu.sort %min3A_439, %min3A_439 masked %sort3A_443 : (vector<16xf32>, vector<16xf32>, vector<16xi1>) -> (vector<16xi1>, vector<16xf32>, vector<16xf32>)
    %sort3A_447 = arith.constant dense<true> : vector<16xi1>
    %sort3A_448, %sort3A_449, %sort3A_450 = tpu.sort %max3A_440, %max3A_440 masked %sort3A_447 : (vector<16xf32>, vector<16xf32>, vector<16xi1>) -> (vector<16xi1>, vector<16xf32>, vector<16xf32>)
    %sort3A_451 = arith.constant dense<true> : vector<16xi1>
    %sort3A_452, %sort3A_453, %sort3A_454 = tpu.sort %min3A_441, %min3A_441 masked %sort3A_451 : (vector<16xf32>, vector<16xf32>, vector<16xi1>) -> (vector<16xi1>, vector<16xf32>, vector<16xf32>)
    %sort3A_455 = arith.constant dense<true> : vector<16xi1>
    %sort3A_456, %sort3A_457, %sort3A_458 = tpu.sort %max3A_442, %max3A_442 masked %sort3A_455 : (vector<16xf32>, vector<16xf32>, vector<16xi1>) -> (vector<16xi1>, vector<16xf32>, vector<16xf32>)
    %rev3A_459 = arith.constant 15 : i32
    %rev3A_460 = vector.broadcast %rev3A_459 : i32 to vector<16xi32>
    %rev3A_461 = tpu.iota {dimensions = array<i32: 0>} : vector<16xi32>
    %rev3A_462 = arith.subi %rev3A_460, %rev3A_461 : vector<16xi32>
    %rev3A_463 = tpu.dynamic_gather %sort3A_457[%rev3A_462] in [0] : vector<16xf32>, vector<16xi32> -> vector<16xf32>
    %swap3A = arith.constant 0 : index
    %swap3A_464 = tpu.vector_load %arg8[%swap3A] {strides = array<i32>} : memref<64xf32, #tpu.memory_space<vmem>>, vector<16xf32>,
    tpu.vector_store %arg8[%swap3A], %rev3A_463 {strides = array<i32>} : memref<64xf32, #tpu.memory_space<vmem>>, vector<16xf32>,
    %rev3A_465 = arith.constant 15 : i32
    %rev3A_466 = vector.broadcast %rev3A_465 : i32 to vector<16xi32>
    %rev3A_467 = tpu.iota {dimensions = array<i32: 0>} : vector<16xi32>
    %rev3A_468 = arith.subi %rev3A_466, %rev3A_467 : vector<16xi32>
    %rev3A_469 = tpu.dynamic_gather %sort3A_453[%rev3A_468] in [0] : vector<16xf32>, vector<16xi32> -> vector<16xf32>
    %swap3A_470 = arith.constant 16 : index
    %swap3A_471 = tpu.vector_load %arg8[%swap3A_470] {strides = array<i32>} : memref<64xf32, #tpu.memory_space<vmem>>, vector<16xf32>,
    tpu.vector_store %arg8[%swap3A_470], %rev3A_469 {strides = array<i32>} : memref<64xf32, #tpu.memory_space<vmem>>, vector<16xf32>,
    %rev3A_472 = arith.constant 15 : i32
    %rev3A_473 = vector.broadcast %rev3A_472 : i32 to vector<16xi32>
    %rev3A_474 = tpu.iota {dimensions = array<i32: 0>} : vector<16xi32>
    %rev3A_475 = arith.subi %rev3A_473, %rev3A_474 : vector<16xi32>
    %rev3A_476 = tpu.dynamic_gather %sort3A_449[%rev3A_475] in [0] : vector<16xf32>, vector<16xi32> -> vector<16xf32>
    %swap3A_477 = arith.constant 32 : index
    %swap3A_478 = tpu.vector_load %arg8[%swap3A_477] {strides = array<i32>} : memref<64xf32, #tpu.memory_space<vmem>>, vector<16xf32>,
    tpu.vector_store %arg8[%swap3A_477], %rev3A_476 {strides = array<i32>} : memref<64xf32, #tpu.memory_space<vmem>>, vector<16xf32>,
    %rev3A_479 = arith.constant 15 : i32
    %rev3A_480 = vector.broadcast %rev3A_479 : i32 to vector<16xi32>
    %rev3A_481 = tpu.iota {dimensions = array<i32: 0>} : vector<16xi32>
    %rev3A_482 = arith.subi %rev3A_480, %rev3A_481 : vector<16xi32>
    %rev3A_483 = tpu.dynamic_gather %sort3A_445[%rev3A_482] in [0] : vector<16xf32>, vector<16xi32> -> vector<16xf32>
    %swap3A_484 = arith.constant 48 : index
    %swap3A_485 = tpu.vector_load %arg8[%swap3A_484] {strides = array<i32>} : memref<64xf32, #tpu.memory_space<vmem>>, vector<16xf32>,
    tpu.vector_store %arg8[%swap3A_484], %rev3A_483 {strides = array<i32>} : memref<64xf32, #tpu.memory_space<vmem>>, vector<16xf32>,
    "tpu.region"() ({
      %run_scoped3A = tpu.sem_alloc : memref<!tpu.dma_semaphore, #tpu.memory_space<semaphore_mem>>
      %dma_start3A_968 = arith.constant 0 : i32
      %dma_start3A_969 = tpu.memref_slice %arg3[%mul3A_2, %dma_start3A_968] : memref<64x64xf32, #tpu.memory_space<hbm>> -> memref<1x64xf32, #tpu.memory_space<hbm>>
      %dma_start3A_970 = tpu.memref_squeeze %dma_start3A_969 : memref<1x64xf32, #tpu.memory_space<hbm>> -> memref<64xf32, #tpu.memory_space<hbm>>
      %dma_start3A_971 = arith.constant 0 : i32
      %dma_start3A_972 = tpu.memref_slice %arg3[%mul3A_2, %dma_start3A_971] : memref<64x64xf32, #tpu.memory_space<hbm>> -> memref<1x64xf32, #tpu.memory_space<hbm>>
      %dma_start3A_973 = tpu.memref_squeeze %dma_start3A_972 : memref<1x64xf32, #tpu.memory_space<hbm>> -> memref<64xf32, #tpu.memory_space<hbm>>
      tpu.enqueue_dma source(%arg8 : memref<64xf32, #tpu.memory_space<vmem>>) target(%dma_start3A_973 : memref<64xf32, #tpu.memory_space<hbm>>) target_semaphore(%run_scoped3A : memref<!tpu.dma_semaphore, #tpu.memory_space<semaphore_mem>>)
      %dma_wait3A_974 = arith.constant 0 : i32
      %dma_wait3A_975 = tpu.memref_slice %arg3[%mul3A_2, %dma_wait3A_974] : memref<64x64xf32, #tpu.memory_space<hbm>> -> memref<1x64xf32, #tpu.memory_space<hbm>>
      %dma_wait3A_976 = tpu.memref_squeeze %dma_wait3A_975 : memref<1x64xf32, #tpu.memory_space<hbm>> -> memref<64xf32, #tpu.memory_space<hbm>>
      %dma_wait3A_977 = arith.constant 0 : i32
      %dma_wait3A_978 = tpu.memref_slice %arg3[%mul3A_2, %dma_wait3A_977] : memref<64x64xf32, #tpu.memory_space<hbm>> -> memref<1x64xf32, #tpu.memory_space<hbm>>
      %dma_wait3A_979 = tpu.memref_squeeze %dma_wait3A_978 : memref<1x64xf32, #tpu.memory_space<hbm>> -> memref<64xf32, #tpu.memory_space<hbm>>
      tpu.wait_dma2 semaphore(%run_scoped3A : memref<!tpu.dma_semaphore, #tpu.memory_space<semaphore_mem>>) src(%arg8 : memref<64xf32, #tpu.memory_space<vmem>>) dst(%dma_wait3A_979 : memref<64xf32, #tpu.memory_space<hbm>>)
      tpu.yield
    }) : () -> ()
    %dma_wait3A_486 = arith.constant 0 : i32
    %dma_wait3A_487 = tpu.memref_slice %arg2[%add3A_9, %dma_wait3A_486] : memref<64x32768xf32, #tpu.memory_space<hbm>> -> memref<1x32768xf32, #tpu.memory_space<hbm>>
    %dma_wait3A_488 = tpu.memref_squeeze %dma_wait3A_487 : memref<1x32768xf32, #tpu.memory_space<hbm>> -> memref<32768xf32, #tpu.memory_space<hbm>>
    %dma_wait3A_489 = arith.constant 0 : i32
    %dma_wait3A_490 = tpu.memref_slice %arg2[%add3A_9, %dma_wait3A_489] : memref<64x32768xf32, #tpu.memory_space<hbm>> -> memref<1x32768xf32, #tpu.memory_space<hbm>>
    %dma_wait3A_491 = tpu.memref_squeeze %dma_wait3A_490 : memref<1x32768xf32, #tpu.memory_space<hbm>> -> memref<32768xf32, #tpu.memory_space<hbm>>
    tpu.wait_dma2 semaphore(%arg10 : memref<!tpu.dma_semaphore, #tpu.memory_space<semaphore_mem>>) src(%dma_wait3A_491 : memref<32768xf32, #tpu.memory_space<hbm>>) dst(%arg5 : memref<32768xf32, #tpu.memory_space<vmem>>)
    %add3A_492 = arith.constant 1 : i32
    %add3A_493 = arith.addi %mul3A_2, %add3A_492 : i32
    %broadcast_in_dim3A_494 = arith.constant 0xFF800000 : f32
    %broadcast_in_dim3A_495 = vector.broadcast %broadcast_in_dim3A_494 : f32 to vector<16xf32>
    %scan3A_496 = arith.constant 0 : i32
    %scan3A_497 = arith.constant 128 : i32
    %scan3A_498 = arith.addi %scan3A_496, %scan3A_497 : i32
    %scan3A_499 = arith.constant 1 : i32
    %scan3A_500:8 = scf.for %scan3A_968 = %scan3A_496 to %scan3A_498 step %scan3A_499 iter_args(%scan3A_969 = %broadcast_in_dim3A_495, %scan3A_970 = %broadcast_in_dim3A_495, %scan3A_971 = %broadcast_in_dim3A_495, %scan3A_972 = %broadcast_in_dim3A_495, %scan3A_973 = %broadcast_in_dim3A_495, %scan3A_974 = %broadcast_in_dim3A_495, %scan3A_975 = %broadcast_in_dim3A_495, %scan3A_976 = %broadcast_in_dim3A_495) -> (vector<16xf32>, vector<16xf32>, vector<16xf32>, vector<16xf32>, vector<16xf32>, vector<16xf32>, vector<16xf32>, vector<16xf32>)  : i32 {
      %mul3A_977 = arith.constant 256 : i32
      %mul3A_978 = arith.muli %scan3A_968, %mul3A_977 : i32
      %get3A = arith.index_cast %mul3A_978 : i32 to index
      %get3A_979 = tpu.vector_load %arg5[%get3A] {strides = array<i32>} : memref<32768xf32, #tpu.memory_space<vmem>>, vector<16xf32>,
      %add3A_980 = arith.constant 16 : i32
      %add3A_981 = arith.addi %mul3A_978, %add3A_980 : i32
      %get3A_982 = arith.index_cast %add3A_981 : i32 to index
      %get3A_983 = tpu.vector_load %arg5[%get3A_982] {strides = array<i32>} : memref<32768xf32, #tpu.memory_space<vmem>>, vector<16xf32>,
      %max3A_984 = arith.maximumf %get3A_979, %get3A_983 : vector<16xf32>
      %add3A_985 = arith.constant 32 : i32
      %add3A_986 = arith.addi %mul3A_978, %add3A_985 : i32
      %get3A_987 = arith.index_cast %add3A_986 : i32 to index
      %get3A_988 = tpu.vector_load %arg5[%get3A_987] {strides = array<i32>} : memref<32768xf32, #tpu.memory_space<vmem>>, vector<16xf32>,
      %max3A_989 = arith.maximumf %max3A_984, %get3A_988 : vector<16xf32>
      %add3A_990 = arith.constant 48 : i32
      %add3A_991 = arith.addi %mul3A_978, %add3A_990 : i32
      %get3A_992 = arith.index_cast %add3A_991 : i32 to index
      %get3A_993 = tpu.vector_load %arg5[%get3A_992] {strides = array<i32>} : memref<32768xf32, #tpu.memory_space<vmem>>, vector<16xf32>,
      %max3A_994 = arith.maximumf %max3A_989, %get3A_993 : vector<16xf32>
      %add3A_995 = arith.constant 64 : i32
      %add3A_996 = arith.addi %mul3A_978, %add3A_995 : i32
      %get3A_997 = arith.index_cast %add3A_996 : i32 to index
      %get3A_998 = tpu.vector_load %arg5[%get3A_997] {strides = array<i32>} : memref<32768xf32, #tpu.memory_space<vmem>>, vector<16xf32>,
      %max3A_999 = arith.maximumf %max3A_994, %get3A_998 : vector<16xf32>
      %add3A_1000 = arith.constant 80 : i32
      %add3A_1001 = arith.addi %mul3A_978, %add3A_1000 : i32
      %get3A_1002 = arith.index_cast %add3A_1001 : i32 to index
      %get3A_1003 = tpu.vector_load %arg5[%get3A_1002] {strides = array<i32>} : memref<32768xf32, #tpu.memory_space<vmem>>, vector<16xf32>,
      %max3A_1004 = arith.maximumf %max3A_999, %get3A_1003 : vector<16xf32>
      %add3A_1005 = arith.constant 96 : i32
      %add3A_1006 = arith.addi %mul3A_978, %add3A_1005 : i32
      %get3A_1007 = arith.index_cast %add3A_1006 : i32 to index
      %get3A_1008 = tpu.vector_load %arg5[%get3A_1007] {strides = array<i32>} : memref<32768xf32, #tpu.memory_space<vmem>>, vector<16xf32>,
      %max3A_1009 = arith.maximumf %max3A_1004, %get3A_1008 : vector<16xf32>
      %add3A_1010 = arith.constant 112 : i32
      %add3A_1011 = arith.addi %mul3A_978, %add3A_1010 : i32
      %get3A_1012 = arith.index_cast %add3A_1011 : i32 to index
      %get3A_1013 = tpu.vector_load %arg5[%get3A_1012] {strides = array<i32>} : memref<32768xf32, #tpu.memory_space<vmem>>, vector<16xf32>,
      %max3A_1014 = arith.maximumf %max3A_1009, %get3A_1013 : vector<16xf32>
      %add3A_1015 = arith.constant 128 : i32
      %add3A_1016 = arith.addi %mul3A_978, %add3A_1015 : i32
      %get3A_1017 = arith.index_cast %add3A_1016 : i32 to index
      %get3A_1018 = tpu.vector_load %arg5[%get3A_1017] {strides = array<i32>} : memref<32768xf32, #tpu.memory_space<vmem>>, vector<16xf32>,
      %max3A_1019 = arith.maximumf %max3A_1014, %get3A_1018 : vector<16xf32>
      %add3A_1020 = arith.constant 144 : i32
      %add3A_1021 = arith.addi %mul3A_978, %add3A_1020 : i32
      %get3A_1022 = arith.index_cast %add3A_1021 : i32 to index
      %get3A_1023 = tpu.vector_load %arg5[%get3A_1022] {strides = array<i32>} : memref<32768xf32, #tpu.memory_space<vmem>>, vector<16xf32>,
      %max3A_1024 = arith.maximumf %max3A_1019, %get3A_1023 : vector<16xf32>
      %add3A_1025 = arith.constant 160 : i32
      %add3A_1026 = arith.addi %mul3A_978, %add3A_1025 : i32
      %get3A_1027 = arith.index_cast %add3A_1026 : i32 to index
      %get3A_1028 = tpu.vector_load %arg5[%get3A_1027] {strides = array<i32>} : memref<32768xf32, #tpu.memory_space<vmem>>, vector<16xf32>,
      %max3A_1029 = arith.maximumf %max3A_1024, %get3A_1028 : vector<16xf32>
      %add3A_1030 = arith.constant 176 : i32
      %add3A_1031 = arith.addi %mul3A_978, %add3A_1030 : i32
      %get3A_1032 = arith.index_cast %add3A_1031 : i32 to index
      %get3A_1033 = tpu.vector_load %arg5[%get3A_1032] {strides = array<i32>} : memref<32768xf32, #tpu.memory_space<vmem>>, vector<16xf32>,
      %max3A_1034 = arith.maximumf %max3A_1029, %get3A_1033 : vector<16xf32>
      %add3A_1035 = arith.constant 192 : i32
      %add3A_1036 = arith.addi %mul3A_978, %add3A_1035 : i32
      %get3A_1037 = arith.index_cast %add3A_1036 : i32 to index
      %get3A_1038 = tpu.vector_load %arg5[%get3A_1037] {strides = array<i32>} : memref<32768xf32, #tpu.memory_space<vmem>>, vector<16xf32>,
      %max3A_1039 = arith.maximumf %max3A_1034, %get3A_1038 : vector<16xf32>
      %add3A_1040 = arith.constant 208 : i32
      %add3A_1041 = arith.addi %mul3A_978, %add3A_1040 : i32
      %get3A_1042 = arith.index_cast %add3A_1041 : i32 to index
      %get3A_1043 = tpu.vector_load %arg5[%get3A_1042] {strides = array<i32>} : memref<32768xf32, #tpu.memory_space<vmem>>, vector<16xf32>,
      %max3A_1044 = arith.maximumf %max3A_1039, %get3A_1043 : vector<16xf32>
      %add3A_1045 = arith.constant 224 : i32
      %add3A_1046 = arith.addi %mul3A_978, %add3A_1045 : i32
      %get3A_1047 = arith.index_cast %add3A_1046 : i32 to index
      %get3A_1048 = tpu.vector_load %arg5[%get3A_1047] {strides = array<i32>} : memref<32768xf32, #tpu.memory_space<vmem>>, vector<16xf32>,
      %max3A_1049 = arith.maximumf %max3A_1044, %get3A_1048 : vector<16xf32>
      %add3A_1050 = arith.constant 240 : i32
      %add3A_1051 = arith.addi %mul3A_978, %add3A_1050 : i32
      %get3A_1052 = arith.index_cast %add3A_1051 : i32 to index
      %get3A_1053 = tpu.vector_load %arg5[%get3A_1052] {strides = array<i32>} : memref<32768xf32, #tpu.memory_space<vmem>>, vector<16xf32>,
      %max3A_1054 = arith.maximumf %max3A_1049, %get3A_1053 : vector<16xf32>
      %mul3A_1055 = arith.constant 16 : i32
      %mul3A_1056 = arith.muli %scan3A_968, %mul3A_1055 : i32
      %swap3A_1057 = arith.index_cast %mul3A_1056 : i32 to index
      %swap3A_1058 = tpu.vector_load %arg6[%swap3A_1057] {strides = array<i32>} : memref<2048xf32, #tpu.memory_space<vmem>>, vector<16xf32>,
      tpu.vector_store %arg6[%swap3A_1057], %max3A_1054 {strides = array<i32>} : memref<2048xf32, #tpu.memory_space<vmem>>, vector<16xf32>,
      %max3A_1059 = arith.maximumf %scan3A_969, %max3A_1054 : vector<16xf32>
      %min3A_1060 = arith.minimumf %scan3A_969, %max3A_1054 : vector<16xf32>
      %max3A_1061 = arith.maximumf %scan3A_970, %min3A_1060 : vector<16xf32>
      %min3A_1062 = arith.minimumf %scan3A_970, %min3A_1060 : vector<16xf32>
      %max3A_1063 = arith.maximumf %scan3A_971, %min3A_1062 : vector<16xf32>
      %min3A_1064 = arith.minimumf %scan3A_971, %min3A_1062 : vector<16xf32>
      %max3A_1065 = arith.maximumf %scan3A_972, %min3A_1064 : vector<16xf32>
      %min3A_1066 = arith.minimumf %scan3A_972, %min3A_1064 : vector<16xf32>
      %max3A_1067 = arith.maximumf %scan3A_973, %min3A_1066 : vector<16xf32>
      %min3A_1068 = arith.minimumf %scan3A_973, %min3A_1066 : vector<16xf32>
      %max3A_1069 = arith.maximumf %scan3A_974, %min3A_1068 : vector<16xf32>
      %min3A_1070 = arith.minimumf %scan3A_974, %min3A_1068 : vector<16xf32>
      %max3A_1071 = arith.maximumf %scan3A_975, %min3A_1070 : vector<16xf32>
      %min3A_1072 = arith.minimumf %scan3A_975, %min3A_1070 : vector<16xf32>
      %max3A_1073 = arith.maximumf %scan3A_976, %min3A_1072 : vector<16xf32>
      %min3A_1074 = arith.minimumf %scan3A_976, %min3A_1072 : vector<16xf32>
      scf.yield %max3A_1059, %max3A_1061, %max3A_1063, %max3A_1065, %max3A_1067, %max3A_1069, %max3A_1071, %max3A_1073 : vector<16xf32>, vector<16xf32>, vector<16xf32>, vector<16xf32>, vector<16xf32>, vector<16xf32>, vector<16xf32>, vector<16xf32>
    }
    %scan3A_501 = arith.constant 128 : i32
    %broadcast_in_dim3A_502 = arith.constant 0xFF800000 : f32
    %broadcast_in_dim3A_503 = vector.broadcast %broadcast_in_dim3A_502 : f32 to vector<16xf32>
    %sort3A_504 = arith.constant dense<true> : vector<16xi1>
    %sort3A_505, %sort3A_506, %sort3A_507 = tpu.sort %scan3A_500#0, %scan3A_500#0 masked %sort3A_504 : (vector<16xf32>, vector<16xf32>, vector<16xi1>) -> (vector<16xi1>, vector<16xf32>, vector<16xf32>)
    %rev3A_508 = arith.constant 15 : i32
    %rev3A_509 = vector.broadcast %rev3A_508 : i32 to vector<16xi32>
    %rev3A_510 = tpu.iota {dimensions = array<i32: 0>} : vector<16xi32>
    %rev3A_511 = arith.subi %rev3A_509, %rev3A_510 : vector<16xi32>
    %rev3A_512 = tpu.dynamic_gather %sort3A_506[%rev3A_511] in [0] : vector<16xf32>, vector<16xi32> -> vector<16xf32>
    %max3A_513 = arith.maximumf %broadcast_in_dim3A_503, %rev3A_512 : vector<16xf32>
    %min3A_514 = arith.minimumf %max3A_513, %broadcast_in_dim3A_503 : vector<16xf32>
    %max3A_515 = arith.maximumf %max3A_513, %broadcast_in_dim3A_503 : vector<16xf32>
    %min3A_516 = arith.minimumf %min3A_514, %broadcast_in_dim3A_503 : vector<16xf32>
    %max3A_517 = arith.maximumf %min3A_514, %broadcast_in_dim3A_503 : vector<16xf32>
    %min3A_518 = arith.minimumf %max3A_515, %broadcast_in_dim3A_503 : vector<16xf32>
    %max3A_519 = arith.maximumf %max3A_515, %broadcast_in_dim3A_503 : vector<16xf32>
    %sort3A_520 = arith.constant dense<true> : vector<16xi1>
    %sort3A_521, %sort3A_522, %sort3A_523 = tpu.sort %min3A_516, %min3A_516 masked %sort3A_520 : (vector<16xf32>, vector<16xf32>, vector<16xi1>) -> (vector<16xi1>, vector<16xf32>, vector<16xf32>)
    %sort3A_524 = arith.constant dense<true> : vector<16xi1>
    %sort3A_525, %sort3A_526, %sort3A_527 = tpu.sort %max3A_517, %max3A_517 masked %sort3A_524 : (vector<16xf32>, vector<16xf32>, vector<16xi1>) -> (vector<16xi1>, vector<16xf32>, vector<16xf32>)
    %sort3A_528 = arith.constant dense<true> : vector<16xi1>
    %sort3A_529, %sort3A_530, %sort3A_531 = tpu.sort %min3A_518, %min3A_518 masked %sort3A_528 : (vector<16xf32>, vector<16xf32>, vector<16xi1>) -> (vector<16xi1>, vector<16xf32>, vector<16xf32>)
    %sort3A_532 = arith.constant dense<true> : vector<16xi1>
    %sort3A_533, %sort3A_534, %sort3A_535 = tpu.sort %max3A_519, %max3A_519 masked %sort3A_532 : (vector<16xf32>, vector<16xf32>, vector<16xi1>) -> (vector<16xi1>, vector<16xf32>, vector<16xf32>)
    %sort3A_536 = arith.constant dense<true> : vector<16xi1>
    %sort3A_537, %sort3A_538, %sort3A_539 = tpu.sort %scan3A_500#1, %scan3A_500#1 masked %sort3A_536 : (vector<16xf32>, vector<16xf32>, vector<16xi1>) -> (vector<16xi1>, vector<16xf32>, vector<16xf32>)
    %rev3A_540 = arith.constant 15 : i32
    %rev3A_541 = vector.broadcast %rev3A_540 : i32 to vector<16xi32>
    %rev3A_542 = tpu.iota {dimensions = array<i32: 0>} : vector<16xi32>
    %rev3A_543 = arith.subi %rev3A_541, %rev3A_542 : vector<16xi32>
    %rev3A_544 = tpu.dynamic_gather %sort3A_538[%rev3A_543] in [0] : vector<16xf32>, vector<16xi32> -> vector<16xf32>
    %max3A_545 = arith.maximumf %sort3A_522, %rev3A_544 : vector<16xf32>
    %min3A_546 = arith.minimumf %max3A_545, %sort3A_530 : vector<16xf32>
    %max3A_547 = arith.maximumf %max3A_545, %sort3A_530 : vector<16xf32>
    %min3A_548 = arith.minimumf %min3A_546, %sort3A_526 : vector<16xf32>
    %max3A_549 = arith.maximumf %min3A_546, %sort3A_526 : vector<16xf32>
    %min3A_550 = arith.minimumf %max3A_547, %sort3A_534 : vector<16xf32>
    %max3A_551 = arith.maximumf %max3A_547, %sort3A_534 : vector<16xf32>
    %sort3A_552 = arith.constant dense<true> : vector<16xi1>
    %sort3A_553, %sort3A_554, %sort3A_555 = tpu.sort %min3A_548, %min3A_548 masked %sort3A_552 : (vector<16xf32>, vector<16xf32>, vector<16xi1>) -> (vector<16xi1>, vector<16xf32>, vector<16xf32>)
    %sort3A_556 = arith.constant dense<true> : vector<16xi1>
    %sort3A_557, %sort3A_558, %sort3A_559 = tpu.sort %max3A_549, %max3A_549 masked %sort3A_556 : (vector<16xf32>, vector<16xf32>, vector<16xi1>) -> (vector<16xi1>, vector<16xf32>, vector<16xf32>)
    %sort3A_560 = arith.constant dense<true> : vector<16xi1>
    %sort3A_561, %sort3A_562, %sort3A_563 = tpu.sort %min3A_550, %min3A_550 masked %sort3A_560 : (vector<16xf32>, vector<16xf32>, vector<16xi1>) -> (vector<16xi1>, vector<16xf32>, vector<16xf32>)
    %sort3A_564 = arith.constant dense<true> : vector<16xi1>
    %sort3A_565, %sort3A_566, %sort3A_567 = tpu.sort %max3A_551, %max3A_551 masked %sort3A_564 : (vector<16xf32>, vector<16xf32>, vector<16xi1>) -> (vector<16xi1>, vector<16xf32>, vector<16xf32>)
    %sort3A_568 = arith.constant dense<true> : vector<16xi1>
    %sort3A_569, %sort3A_570, %sort3A_571 = tpu.sort %scan3A_500#2, %scan3A_500#2 masked %sort3A_568 : (vector<16xf32>, vector<16xf32>, vector<16xi1>) -> (vector<16xi1>, vector<16xf32>, vector<16xf32>)
    %rev3A_572 = arith.constant 15 : i32
    %rev3A_573 = vector.broadcast %rev3A_572 : i32 to vector<16xi32>
    %rev3A_574 = tpu.iota {dimensions = array<i32: 0>} : vector<16xi32>
    %rev3A_575 = arith.subi %rev3A_573, %rev3A_574 : vector<16xi32>
    %rev3A_576 = tpu.dynamic_gather %sort3A_570[%rev3A_575] in [0] : vector<16xf32>, vector<16xi32> -> vector<16xf32>
    %max3A_577 = arith.maximumf %sort3A_554, %rev3A_576 : vector<16xf32>
    %min3A_578 = arith.minimumf %max3A_577, %sort3A_562 : vector<16xf32>
    %max3A_579 = arith.maximumf %max3A_577, %sort3A_562 : vector<16xf32>
    %min3A_580 = arith.minimumf %min3A_578, %sort3A_558 : vector<16xf32>
    %max3A_581 = arith.maximumf %min3A_578, %sort3A_558 : vector<16xf32>
    %min3A_582 = arith.minimumf %max3A_579, %sort3A_566 : vector<16xf32>
    %max3A_583 = arith.maximumf %max3A_579, %sort3A_566 : vector<16xf32>
    %sort3A_584 = arith.constant dense<true> : vector<16xi1>
    %sort3A_585, %sort3A_586, %sort3A_587 = tpu.sort %min3A_580, %min3A_580 masked %sort3A_584 : (vector<16xf32>, vector<16xf32>, vector<16xi1>) -> (vector<16xi1>, vector<16xf32>, vector<16xf32>)
    %sort3A_588 = arith.constant dense<true> : vector<16xi1>
    %sort3A_589, %sort3A_590, %sort3A_591 = tpu.sort %max3A_581, %max3A_581 masked %sort3A_588 : (vector<16xf32>, vector<16xf32>, vector<16xi1>) -> (vector<16xi1>, vector<16xf32>, vector<16xf32>)
    %sort3A_592 = arith.constant dense<true> : vector<16xi1>
    %sort3A_593, %sort3A_594, %sort3A_595 = tpu.sort %min3A_582, %min3A_582 masked %sort3A_592 : (vector<16xf32>, vector<16xf32>, vector<16xi1>) -> (vector<16xi1>, vector<16xf32>, vector<16xf32>)
    %sort3A_596 = arith.constant dense<true> : vector<16xi1>
    %sort3A_597, %sort3A_598, %sort3A_599 = tpu.sort %max3A_583, %max3A_583 masked %sort3A_596 : (vector<16xf32>, vector<16xf32>, vector<16xi1>) -> (vector<16xi1>, vector<16xf32>, vector<16xf32>)
    %sort3A_600 = arith.constant dense<true> : vector<16xi1>
    %sort3A_601, %sort3A_602, %sort3A_603 = tpu.sort %scan3A_500#3, %scan3A_500#3 masked %sort3A_600 : (vector<16xf32>, vector<16xf32>, vector<16xi1>) -> (vector<16xi1>, vector<16xf32>, vector<16xf32>)
    %rev3A_604 = arith.constant 15 : i32
    %rev3A_605 = vector.broadcast %rev3A_604 : i32 to vector<16xi32>
    %rev3A_606 = tpu.iota {dimensions = array<i32: 0>} : vector<16xi32>
    %rev3A_607 = arith.subi %rev3A_605, %rev3A_606 : vector<16xi32>
    %rev3A_608 = tpu.dynamic_gather %sort3A_602[%rev3A_607] in [0] : vector<16xf32>, vector<16xi32> -> vector<16xf32>
    %max3A_609 = arith.maximumf %sort3A_586, %rev3A_608 : vector<16xf32>
    %min3A_610 = arith.minimumf %max3A_609, %sort3A_594 : vector<16xf32>
    %max3A_611 = arith.maximumf %max3A_609, %sort3A_594 : vector<16xf32>
    %min3A_612 = arith.minimumf %min3A_610, %sort3A_590 : vector<16xf32>
    %max3A_613 = arith.maximumf %min3A_610, %sort3A_590 : vector<16xf32>
    %min3A_614 = arith.minimumf %max3A_611, %sort3A_598 : vector<16xf32>
    %max3A_615 = arith.maximumf %max3A_611, %sort3A_598 : vector<16xf32>
    %sort3A_616 = arith.constant dense<true> : vector<16xi1>
    %sort3A_617, %sort3A_618, %sort3A_619 = tpu.sort %min3A_612, %min3A_612 masked %sort3A_616 : (vector<16xf32>, vector<16xf32>, vector<16xi1>) -> (vector<16xi1>, vector<16xf32>, vector<16xf32>)
    %sort3A_620 = arith.constant dense<true> : vector<16xi1>
    %sort3A_621, %sort3A_622, %sort3A_623 = tpu.sort %max3A_613, %max3A_613 masked %sort3A_620 : (vector<16xf32>, vector<16xf32>, vector<16xi1>) -> (vector<16xi1>, vector<16xf32>, vector<16xf32>)
    %sort3A_624 = arith.constant dense<true> : vector<16xi1>
    %sort3A_625, %sort3A_626, %sort3A_627 = tpu.sort %min3A_614, %min3A_614 masked %sort3A_624 : (vector<16xf32>, vector<16xf32>, vector<16xi1>) -> (vector<16xi1>, vector<16xf32>, vector<16xf32>)
    %sort3A_628 = arith.constant dense<true> : vector<16xi1>
    %sort3A_629, %sort3A_630, %sort3A_631 = tpu.sort %max3A_615, %max3A_615 masked %sort3A_628 : (vector<16xf32>, vector<16xf32>, vector<16xi1>) -> (vector<16xi1>, vector<16xf32>, vector<16xf32>)
    %sort3A_632 = arith.constant dense<true> : vector<16xi1>
    %sort3A_633, %sort3A_634, %sort3A_635 = tpu.sort %scan3A_500#4, %scan3A_500#4 masked %sort3A_632 : (vector<16xf32>, vector<16xf32>, vector<16xi1>) -> (vector<16xi1>, vector<16xf32>, vector<16xf32>)
    %rev3A_636 = arith.constant 15 : i32
    %rev3A_637 = vector.broadcast %rev3A_636 : i32 to vector<16xi32>
    %rev3A_638 = tpu.iota {dimensions = array<i32: 0>} : vector<16xi32>
    %rev3A_639 = arith.subi %rev3A_637, %rev3A_638 : vector<16xi32>
    %rev3A_640 = tpu.dynamic_gather %sort3A_634[%rev3A_639] in [0] : vector<16xf32>, vector<16xi32> -> vector<16xf32>
    %max3A_641 = arith.maximumf %sort3A_618, %rev3A_640 : vector<16xf32>
    %min3A_642 = arith.minimumf %max3A_641, %sort3A_626 : vector<16xf32>
    %max3A_643 = arith.maximumf %max3A_641, %sort3A_626 : vector<16xf32>
    %min3A_644 = arith.minimumf %min3A_642, %sort3A_622 : vector<16xf32>
    %max3A_645 = arith.maximumf %min3A_642, %sort3A_622 : vector<16xf32>
    %min3A_646 = arith.minimumf %max3A_643, %sort3A_630 : vector<16xf32>
    %max3A_647 = arith.maximumf %max3A_643, %sort3A_630 : vector<16xf32>
    %sort3A_648 = arith.constant dense<true> : vector<16xi1>
    %sort3A_649, %sort3A_650, %sort3A_651 = tpu.sort %min3A_644, %min3A_644 masked %sort3A_648 : (vector<16xf32>, vector<16xf32>, vector<16xi1>) -> (vector<16xi1>, vector<16xf32>, vector<16xf32>)
    %sort3A_652 = arith.constant dense<true> : vector<16xi1>
    %sort3A_653, %sort3A_654, %sort3A_655 = tpu.sort %max3A_645, %max3A_645 masked %sort3A_652 : (vector<16xf32>, vector<16xf32>, vector<16xi1>) -> (vector<16xi1>, vector<16xf32>, vector<16xf32>)
    %sort3A_656 = arith.constant dense<true> : vector<16xi1>
    %sort3A_657, %sort3A_658, %sort3A_659 = tpu.sort %min3A_646, %min3A_646 masked %sort3A_656 : (vector<16xf32>, vector<16xf32>, vector<16xi1>) -> (vector<16xi1>, vector<16xf32>, vector<16xf32>)
    %sort3A_660 = arith.constant dense<true> : vector<16xi1>
    %sort3A_661, %sort3A_662, %sort3A_663 = tpu.sort %max3A_647, %max3A_647 masked %sort3A_660 : (vector<16xf32>, vector<16xf32>, vector<16xi1>) -> (vector<16xi1>, vector<16xf32>, vector<16xf32>)
    %sort3A_664 = arith.constant dense<true> : vector<16xi1>
    %sort3A_665, %sort3A_666, %sort3A_667 = tpu.sort %scan3A_500#5, %scan3A_500#5 masked %sort3A_664 : (vector<16xf32>, vector<16xf32>, vector<16xi1>) -> (vector<16xi1>, vector<16xf32>, vector<16xf32>)
    %rev3A_668 = arith.constant 15 : i32
    %rev3A_669 = vector.broadcast %rev3A_668 : i32 to vector<16xi32>
    %rev3A_670 = tpu.iota {dimensions = array<i32: 0>} : vector<16xi32>
    %rev3A_671 = arith.subi %rev3A_669, %rev3A_670 : vector<16xi32>
    %rev3A_672 = tpu.dynamic_gather %sort3A_666[%rev3A_671] in [0] : vector<16xf32>, vector<16xi32> -> vector<16xf32>
    %max3A_673 = arith.maximumf %sort3A_650, %rev3A_672 : vector<16xf32>
    %min3A_674 = arith.minimumf %max3A_673, %sort3A_658 : vector<16xf32>
    %max3A_675 = arith.maximumf %max3A_673, %sort3A_658 : vector<16xf32>
    %min3A_676 = arith.minimumf %min3A_674, %sort3A_654 : vector<16xf32>
    %max3A_677 = arith.maximumf %min3A_674, %sort3A_654 : vector<16xf32>
    %min3A_678 = arith.minimumf %max3A_675, %sort3A_662 : vector<16xf32>
    %max3A_679 = arith.maximumf %max3A_675, %sort3A_662 : vector<16xf32>
    %sort3A_680 = arith.constant dense<true> : vector<16xi1>
    %sort3A_681, %sort3A_682, %sort3A_683 = tpu.sort %min3A_676, %min3A_676 masked %sort3A_680 : (vector<16xf32>, vector<16xf32>, vector<16xi1>) -> (vector<16xi1>, vector<16xf32>, vector<16xf32>)
    %sort3A_684 = arith.constant dense<true> : vector<16xi1>
    %sort3A_685, %sort3A_686, %sort3A_687 = tpu.sort %max3A_677, %max3A_677 masked %sort3A_684 : (vector<16xf32>, vector<16xf32>, vector<16xi1>) -> (vector<16xi1>, vector<16xf32>, vector<16xf32>)
    %sort3A_688 = arith.constant dense<true> : vector<16xi1>
    %sort3A_689, %sort3A_690, %sort3A_691 = tpu.sort %min3A_678, %min3A_678 masked %sort3A_688 : (vector<16xf32>, vector<16xf32>, vector<16xi1>) -> (vector<16xi1>, vector<16xf32>, vector<16xf32>)
    %sort3A_692 = arith.constant dense<true> : vector<16xi1>
    %sort3A_693, %sort3A_694, %sort3A_695 = tpu.sort %max3A_679, %max3A_679 masked %sort3A_692 : (vector<16xf32>, vector<16xf32>, vector<16xi1>) -> (vector<16xi1>, vector<16xf32>, vector<16xf32>)
    %sort3A_696 = arith.constant dense<true> : vector<16xi1>
    %sort3A_697, %sort3A_698, %sort3A_699 = tpu.sort %scan3A_500#6, %scan3A_500#6 masked %sort3A_696 : (vector<16xf32>, vector<16xf32>, vector<16xi1>) -> (vector<16xi1>, vector<16xf32>, vector<16xf32>)
    %rev3A_700 = arith.constant 15 : i32
    %rev3A_701 = vector.broadcast %rev3A_700 : i32 to vector<16xi32>
    %rev3A_702 = tpu.iota {dimensions = array<i32: 0>} : vector<16xi32>
    %rev3A_703 = arith.subi %rev3A_701, %rev3A_702 : vector<16xi32>
    %rev3A_704 = tpu.dynamic_gather %sort3A_698[%rev3A_703] in [0] : vector<16xf32>, vector<16xi32> -> vector<16xf32>
    %max3A_705 = arith.maximumf %sort3A_682, %rev3A_704 : vector<16xf32>
    %min3A_706 = arith.minimumf %max3A_705, %sort3A_690 : vector<16xf32>
    %max3A_707 = arith.maximumf %max3A_705, %sort3A_690 : vector<16xf32>
    %min3A_708 = arith.minimumf %min3A_706, %sort3A_686 : vector<16xf32>
    %max3A_709 = arith.maximumf %min3A_706, %sort3A_686 : vector<16xf32>
    %min3A_710 = arith.minimumf %max3A_707, %sort3A_694 : vector<16xf32>
    %max3A_711 = arith.maximumf %max3A_707, %sort3A_694 : vector<16xf32>
    %sort3A_712 = arith.constant dense<true> : vector<16xi1>
    %sort3A_713, %sort3A_714, %sort3A_715 = tpu.sort %min3A_708, %min3A_708 masked %sort3A_712 : (vector<16xf32>, vector<16xf32>, vector<16xi1>) -> (vector<16xi1>, vector<16xf32>, vector<16xf32>)
    %sort3A_716 = arith.constant dense<true> : vector<16xi1>
    %sort3A_717, %sort3A_718, %sort3A_719 = tpu.sort %max3A_709, %max3A_709 masked %sort3A_716 : (vector<16xf32>, vector<16xf32>, vector<16xi1>) -> (vector<16xi1>, vector<16xf32>, vector<16xf32>)
    %sort3A_720 = arith.constant dense<true> : vector<16xi1>
    %sort3A_721, %sort3A_722, %sort3A_723 = tpu.sort %min3A_710, %min3A_710 masked %sort3A_720 : (vector<16xf32>, vector<16xf32>, vector<16xi1>) -> (vector<16xi1>, vector<16xf32>, vector<16xf32>)
    %sort3A_724 = arith.constant dense<true> : vector<16xi1>
    %sort3A_725, %sort3A_726, %sort3A_727 = tpu.sort %max3A_711, %max3A_711 masked %sort3A_724 : (vector<16xf32>, vector<16xf32>, vector<16xi1>) -> (vector<16xi1>, vector<16xf32>, vector<16xf32>)
    %sort3A_728 = arith.constant dense<true> : vector<16xi1>
    %sort3A_729, %sort3A_730, %sort3A_731 = tpu.sort %scan3A_500#7, %scan3A_500#7 masked %sort3A_728 : (vector<16xf32>, vector<16xf32>, vector<16xi1>) -> (vector<16xi1>, vector<16xf32>, vector<16xf32>)
    %rev3A_732 = arith.constant 15 : i32
    %rev3A_733 = vector.broadcast %rev3A_732 : i32 to vector<16xi32>
    %rev3A_734 = tpu.iota {dimensions = array<i32: 0>} : vector<16xi32>
    %rev3A_735 = arith.subi %rev3A_733, %rev3A_734 : vector<16xi32>
    %rev3A_736 = tpu.dynamic_gather %sort3A_730[%rev3A_735] in [0] : vector<16xf32>, vector<16xi32> -> vector<16xf32>
    %max3A_737 = arith.maximumf %sort3A_714, %rev3A_736 : vector<16xf32>
    %min3A_738 = arith.minimumf %max3A_737, %sort3A_722 : vector<16xf32>
    %max3A_739 = arith.maximumf %max3A_737, %sort3A_722 : vector<16xf32>
    %min3A_740 = arith.minimumf %min3A_738, %sort3A_718 : vector<16xf32>
    %max3A_741 = arith.maximumf %min3A_738, %sort3A_718 : vector<16xf32>
    %min3A_742 = arith.minimumf %max3A_739, %sort3A_726 : vector<16xf32>
    %max3A_743 = arith.maximumf %max3A_739, %sort3A_726 : vector<16xf32>
    %sort3A_744 = arith.constant dense<true> : vector<16xi1>
    %sort3A_745, %sort3A_746, %sort3A_747 = tpu.sort %min3A_740, %min3A_740 masked %sort3A_744 : (vector<16xf32>, vector<16xf32>, vector<16xi1>) -> (vector<16xi1>, vector<16xf32>, vector<16xf32>)
    %sort3A_748 = arith.constant dense<true> : vector<16xi1>
    %sort3A_749, %sort3A_750, %sort3A_751 = tpu.sort %max3A_741, %max3A_741 masked %sort3A_748 : (vector<16xf32>, vector<16xf32>, vector<16xi1>) -> (vector<16xi1>, vector<16xf32>, vector<16xf32>)
    %sort3A_752 = arith.constant dense<true> : vector<16xi1>
    %sort3A_753, %sort3A_754, %sort3A_755 = tpu.sort %min3A_742, %min3A_742 masked %sort3A_752 : (vector<16xf32>, vector<16xf32>, vector<16xi1>) -> (vector<16xi1>, vector<16xf32>, vector<16xf32>)
    %sort3A_756 = arith.constant dense<true> : vector<16xi1>
    %sort3A_757, %sort3A_758, %sort3A_759 = tpu.sort %max3A_743, %max3A_743 masked %sort3A_756 : (vector<16xf32>, vector<16xf32>, vector<16xi1>) -> (vector<16xi1>, vector<16xf32>, vector<16xf32>)
    %broadcast_in_dim3A_760 = arith.constant 0 : i32
    %broadcast_in_dim3A_761 = vector.broadcast %broadcast_in_dim3A_760 : i32 to vector<16x1xi32>
    %gather3A_762 = vector.shape_cast %broadcast_in_dim3A_761 : vector<16x1xi32> to vector<16xi32>
    %gather3A_763 = tpu.dynamic_gather %sort3A_746[%gather3A_762] in [0] : vector<16xf32>, vector<16xi32> -> vector<16xf32>
    %scan3A_764 = arith.constant 0 : i32
    %scan3A_765 = arith.constant 0 : i32
    %scan3A_766 = arith.constant 0 : i32
    %scan3A_767 = arith.constant 0 : i32
    %scan3A_768 = arith.constant 0 : i32
    %scan3A_769 = arith.constant 32 : i32
    %scan3A_770 = arith.addi %scan3A_768, %scan3A_769 : i32
    %scan3A_771 = arith.constant 1 : i32
    %scan3A_772:4 = scf.for %scan3A_968 = %scan3A_768 to %scan3A_770 step %scan3A_771 iter_args(%scan3A_969 = %scan3A_764, %scan3A_970 = %scan3A_765, %scan3A_971 = %scan3A_766, %scan3A_972 = %scan3A_767) -> (i32, i32, i32, i32)  : i32 {
      %add3A_973 = arith.constant 0 : i32
      %add3A_974 = arith.addi %add3A_973, %scan3A_968 : i32
      %mul3A_975 = arith.constant 16 : i32
      %mul3A_976 = arith.muli %add3A_974, %mul3A_975 : i32
      %get3A = arith.index_cast %mul3A_976 : i32 to index
      %get3A_977 = tpu.vector_load %arg6[%get3A] {strides = array<i32>} : memref<2048xf32, #tpu.memory_space<vmem>>, vector<16xf32>,
      %ge3A = arith.cmpf oge, %get3A_977, %gather3A_763 : vector<16xf32>
      %mul3A_978 = arith.constant 16 : i32
      %mul3A_979 = arith.muli %add3A_974, %mul3A_978 : i32
      %add3A_980 = vector.broadcast %mul3A_979 : i32 to vector<16xi32>
      %add3A_981 = arith.addi %add3A_980, %iota3A : vector<16xi32>
      %add3A_982 = arith.constant 0 : i32
      %add3A_983 = arith.addi %add3A_982, %scan3A_969 : i32
      %swap3A_984 = arith.index_cast %add3A_983 : i32 to index
      %swap3A_985 = tpu.vector_load %arg7[%swap3A_984] masked %ge3A {strides = array<i32>} : memref<2064xi32, #tpu.memory_space<vmem>>, vector<16xi32>, vector<16xi1>
      tpu.vector_store %arg7[%swap3A_984], %add3A_981 masked %ge3A {strides = array<i32>} : memref<2064xi32, #tpu.memory_space<vmem>>, vector<16xi32>, vector<16xi1>
      %all_reduce_population_count3A = tpu.all_reduce %ge3A {dim = 0 : i64, kind = #tpu.reduction_kind<sum>} : vector<16xi1> -> vector<16xi32>
      %slice3A = vector.extract_strided_slice %all_reduce_population_count3A {offsets = [0], sizes = [1], strides = [1]} : vector<16xi32> to vector<1xi32>
      %squeeze3A = vector.extract %slice3A[0] : i32 from vector<1xi32>
      %add3A_986 = arith.addi %scan3A_969, %squeeze3A : i32
      %add3A_987 = arith.constant 32 : i32
      %add3A_988 = arith.addi %add3A_987, %scan3A_968 : i32
      %mul3A_989 = arith.constant 16 : i32
      %mul3A_990 = arith.muli %add3A_988, %mul3A_989 : i32
      %get3A_991 = arith.index_cast %mul3A_990 : i32 to index
      %get3A_992 = tpu.vector_load %arg6[%get3A_991] {strides = array<i32>} : memref<2048xf32, #tpu.memory_space<vmem>>, vector<16xf32>,
      %ge3A_993 = arith.cmpf oge, %get3A_992, %gather3A_763 : vector<16xf32>
      %mul3A_994 = arith.constant 16 : i32
      %mul3A_995 = arith.muli %add3A_988, %mul3A_994 : i32
      %add3A_996 = vector.broadcast %mul3A_995 : i32 to vector<16xi32>
      %add3A_997 = arith.addi %add3A_996, %iota3A : vector<16xi32>
      %add3A_998 = arith.constant 512 : i32
      %add3A_999 = arith.addi %add3A_998, %scan3A_970 : i32
      %swap3A_1000 = arith.index_cast %add3A_999 : i32 to index
      %swap3A_1001 = tpu.vector_load %arg7[%swap3A_1000] masked %ge3A_993 {strides = array<i32>} : memref<2064xi32, #tpu.memory_space<vmem>>, vector<16xi32>, vector<16xi1>
      tpu.vector_store %arg7[%swap3A_1000], %add3A_997 masked %ge3A_993 {strides = array<i32>} : memref<2064xi32, #tpu.memory_space<vmem>>, vector<16xi32>, vector<16xi1>
      %all_reduce_population_count3A_1002 = tpu.all_reduce %ge3A_993 {dim = 0 : i64, kind = #tpu.reduction_kind<sum>} : vector<16xi1> -> vector<16xi32>
      %slice3A_1003 = vector.extract_strided_slice %all_reduce_population_count3A_1002 {offsets = [0], sizes = [1], strides = [1]} : vector<16xi32> to vector<1xi32>
      %squeeze3A_1004 = vector.extract %slice3A_1003[0] : i32 from vector<1xi32>
      %add3A_1005 = arith.addi %scan3A_970, %squeeze3A_1004 : i32
      %add3A_1006 = arith.constant 64 : i32
      %add3A_1007 = arith.addi %add3A_1006, %scan3A_968 : i32
      %mul3A_1008 = arith.constant 16 : i32
      %mul3A_1009 = arith.muli %add3A_1007, %mul3A_1008 : i32
      %get3A_1010 = arith.index_cast %mul3A_1009 : i32 to index
      %get3A_1011 = tpu.vector_load %arg6[%get3A_1010] {strides = array<i32>} : memref<2048xf32, #tpu.memory_space<vmem>>, vector<16xf32>,
      %ge3A_1012 = arith.cmpf oge, %get3A_1011, %gather3A_763 : vector<16xf32>
      %mul3A_1013 = arith.constant 16 : i32
      %mul3A_1014 = arith.muli %add3A_1007, %mul3A_1013 : i32
      %add3A_1015 = vector.broadcast %mul3A_1014 : i32 to vector<16xi32>
      %add3A_1016 = arith.addi %add3A_1015, %iota3A : vector<16xi32>
      %add3A_1017 = arith.constant 1024 : i32
      %add3A_1018 = arith.addi %add3A_1017, %scan3A_971 : i32
      %swap3A_1019 = arith.index_cast %add3A_1018 : i32 to index
      %swap3A_1020 = tpu.vector_load %arg7[%swap3A_1019] masked %ge3A_1012 {strides = array<i32>} : memref<2064xi32, #tpu.memory_space<vmem>>, vector<16xi32>, vector<16xi1>
      tpu.vector_store %arg7[%swap3A_1019], %add3A_1016 masked %ge3A_1012 {strides = array<i32>} : memref<2064xi32, #tpu.memory_space<vmem>>, vector<16xi32>, vector<16xi1>
      %all_reduce_population_count3A_1021 = tpu.all_reduce %ge3A_1012 {dim = 0 : i64, kind = #tpu.reduction_kind<sum>} : vector<16xi1> -> vector<16xi32>
      %slice3A_1022 = vector.extract_strided_slice %all_reduce_population_count3A_1021 {offsets = [0], sizes = [1], strides = [1]} : vector<16xi32> to vector<1xi32>
      %squeeze3A_1023 = vector.extract %slice3A_1022[0] : i32 from vector<1xi32>
      %add3A_1024 = arith.addi %scan3A_971, %squeeze3A_1023 : i32
      %add3A_1025 = arith.constant 96 : i32
      %add3A_1026 = arith.addi %add3A_1025, %scan3A_968 : i32
      %mul3A_1027 = arith.constant 16 : i32
      %mul3A_1028 = arith.muli %add3A_1026, %mul3A_1027 : i32
      %get3A_1029 = arith.index_cast %mul3A_1028 : i32 to index
      %get3A_1030 = tpu.vector_load %arg6[%get3A_1029] {strides = array<i32>} : memref<2048xf32, #tpu.memory_space<vmem>>, vector<16xf32>,
      %ge3A_1031 = arith.cmpf oge, %get3A_1030, %gather3A_763 : vector<16xf32>
      %mul3A_1032 = arith.constant 16 : i32
      %mul3A_1033 = arith.muli %add3A_1026, %mul3A_1032 : i32
      %add3A_1034 = vector.broadcast %mul3A_1033 : i32 to vector<16xi32>
      %add3A_1035 = arith.addi %add3A_1034, %iota3A : vector<16xi32>
      %add3A_1036 = arith.constant 1536 : i32
      %add3A_1037 = arith.addi %add3A_1036, %scan3A_972 : i32
      %swap3A_1038 = arith.index_cast %add3A_1037 : i32 to index
      %swap3A_1039 = tpu.vector_load %arg7[%swap3A_1038] masked %ge3A_1031 {strides = array<i32>} : memref<2064xi32, #tpu.memory_space<vmem>>, vector<16xi32>, vector<16xi1>
      tpu.vector_store %arg7[%swap3A_1038], %add3A_1035 masked %ge3A_1031 {strides = array<i32>} : memref<2064xi32, #tpu.memory_space<vmem>>, vector<16xi32>, vector<16xi1>
      %all_reduce_population_count3A_1040 = tpu.all_reduce %ge3A_1031 {dim = 0 : i64, kind = #tpu.reduction_kind<sum>} : vector<16xi1> -> vector<16xi32>
      %slice3A_1041 = vector.extract_strided_slice %all_reduce_population_count3A_1040 {offsets = [0], sizes = [1], strides = [1]} : vector<16xi32> to vector<1xi32>
      %squeeze3A_1042 = vector.extract %slice3A_1041[0] : i32 from vector<1xi32>
      %add3A_1043 = arith.addi %scan3A_972, %squeeze3A_1042 : i32
      scf.yield %add3A_986, %add3A_1005, %add3A_1024, %add3A_1043 : i32, i32, i32, i32
    }
    %scan3A_773 = arith.constant 32 : i32
    %max3A_774 = arith.maxsi %scan3A_772#0, %scan3A_772#1 : i32
    %max3A_775 = arith.maxsi %scan3A_772#2, %scan3A_772#3 : i32
    %max3A_776 = arith.maxsi %max3A_774, %max3A_775 : i32
    %broadcast_in_dim3A_777 = vector.broadcast %scan3A_772#0 : i32 to vector<16xi32>
    %broadcast_in_dim3A_778 = vector.broadcast %scan3A_772#1 : i32 to vector<16xi32>
    %broadcast_in_dim3A_779 = vector.broadcast %scan3A_772#2 : i32 to vector<16xi32>
    %broadcast_in_dim3A_780 = vector.broadcast %scan3A_772#3 : i32 to vector<16xi32>
    %broadcast_in_dim3A_781 = arith.constant 0xFF800000 : f32
    %broadcast_in_dim3A_782 = vector.broadcast %broadcast_in_dim3A_781 : f32 to vector<16xf32>
    %broadcast_in_dim3A_783 = arith.constant 0xFF800000 : f32
    %broadcast_in_dim3A_784 = vector.broadcast %broadcast_in_dim3A_783 : f32 to vector<16xf32>
    %while3A_785 = arith.constant 0 : i32
    %while3A_786 = arith.subi %max3A_776, %while3A_785 : i32
    %while3A_787 = arith.addi %while3A_785, %while3A_786 : i32
    %while3A_788 = arith.constant 1 : i32
    %while3A_789 = arith.divsi %while3A_786, %while3A_788 : i32
    %while3A_790 = arith.muli %while3A_789, %while3A_788 : i32
    %while3A_791 = arith.addi %while3A_785, %while3A_790 : i32
    %while3A_792 = arith.constant 1 : i32
    %while3A_793:16 = scf.for %while3A_968 = %while3A_785 to %while3A_791 step %while3A_792 iter_args(%while3A_969 = %broadcast_in_dim3A_784, %while3A_970 = %broadcast_in_dim3A_784, %while3A_971 = %broadcast_in_dim3A_784, %while3A_972 = %broadcast_in_dim3A_784, %while3A_973 = %broadcast_in_dim3A_784, %while3A_974 = %broadcast_in_dim3A_784, %while3A_975 = %broadcast_in_dim3A_784, %while3A_976 = %broadcast_in_dim3A_784, %while3A_977 = %broadcast_in_dim3A_784, %while3A_978 = %broadcast_in_dim3A_784, %while3A_979 = %broadcast_in_dim3A_784, %while3A_980 = %broadcast_in_dim3A_784, %while3A_981 = %broadcast_in_dim3A_784, %while3A_982 = %broadcast_in_dim3A_784, %while3A_983 = %broadcast_in_dim3A_784, %while3A_984 = %broadcast_in_dim3A_784) -> (vector<16xf32>, vector<16xf32>, vector<16xf32>, vector<16xf32>, vector<16xf32>, vector<16xf32>, vector<16xf32>, vector<16xf32>, vector<16xf32>, vector<16xf32>, vector<16xf32>, vector<16xf32>, vector<16xf32>, vector<16xf32>, vector<16xf32>, vector<16xf32>)  : i32 {
      %broadcast_in_dim3A_985 = vector.broadcast %while3A_968 : i32 to vector<16xi32>
      %add3A_986 = arith.constant 0 : i32
      %add3A_987 = arith.addi %add3A_986, %while3A_968 : i32
      %get3A = arith.index_cast %add3A_987 : i32 to index
      %get3A_988 = tpu.vector_load %arg7[%get3A] {strides = array<i32>} : memref<2064xi32, #tpu.memory_space<vmem>>, vector<16xi32>,
      %slice3A = vector.extract_strided_slice %get3A_988 {offsets = [0], sizes = [1], strides = [1]} : vector<16xi32> to vector<1xi32>
      %squeeze3A = vector.extract %slice3A[0] : i32 from vector<1xi32>
      %jit3A = arith.constant 16 : i32
      %div3A = arith.divsi %squeeze3A, %jit3A : i32
      %sign3A = arith.constant 0 : i32
      %sign3A_989 = arith.cmpi sgt, %squeeze3A, %sign3A : i32
      %sign3A_990 = arith.extui %sign3A_989 : i1 to i32
      %sign3A_991 = arith.constant 0 : i32
      %sign3A_992 = arith.cmpi slt, %squeeze3A, %sign3A_991 : i32
      %sign3A_993 = arith.extui %sign3A_992 : i1 to i32
      %sign3A_994 = arith.subi %sign3A_990, %sign3A_993 : i32
      %sign3A_995 = arith.constant 0 : i32
      %sign3A_996 = arith.cmpi sgt, %jit3A, %sign3A_995 : i32
      %sign3A_997 = arith.extui %sign3A_996 : i1 to i32
      %sign3A_998 = arith.constant 0 : i32
      %sign3A_999 = arith.cmpi slt, %jit3A, %sign3A_998 : i32
      %sign3A_1000 = arith.extui %sign3A_999 : i1 to i32
      %sign3A_1001 = arith.subi %sign3A_997, %sign3A_1000 : i32
      %ne3A = arith.cmpi ne, %sign3A_994, %sign3A_1001 : i32
      %rem3A = arith.remsi %squeeze3A, %jit3A : i32
      %ne3A_1002 = arith.constant 0 : i32
      %ne3A_1003 = arith.cmpi ne, %rem3A, %ne3A_1002 : i32
      %and3A = arith.andi %ne3A, %ne3A_1003 : i1
      %sub3A = arith.constant 1 : i32
      %sub3A_1004 = arith.subi %div3A, %sub3A : i32
      %select_n3A = arith.select %and3A, %sub3A_1004, %div3A : i32
      %mul3A_1005 = arith.constant 256 : i32
      %mul3A_1006 = arith.muli %select_n3A, %mul3A_1005 : i32
      %mul3A_1007 = arith.constant 16 : i32
      %mul3A_1008 = vector.broadcast %mul3A_1007 : i32 to vector<16xi32>
      %mul3A_1009 = arith.muli %iota3A, %mul3A_1008 : vector<16xi32>
      %add3A_1010 = vector.broadcast %mul3A_1006 : i32 to vector<16xi32>
      %add3A_1011 = arith.addi %add3A_1010, %mul3A_1009 : vector<16xi32>
      %jit3A_1012 = arith.constant 16 : i32
      %eq3A = arith.constant 0 : i32
      %eq3A_1013 = arith.cmpi eq, %jit3A_1012, %eq3A : i32
      %jit3A_1014 = arith.constant 1 : i32
      %select_n3A_1015 = arith.select %eq3A_1013, %jit3A_1014, %jit3A_1012 : i32
      %rem3A_1016 = arith.remsi %squeeze3A, %select_n3A_1015 : i32
      %ne3A_1017 = arith.constant 0 : i32
      %ne3A_1018 = arith.cmpi ne, %rem3A_1016, %ne3A_1017 : i32
      %lt3A = arith.constant 0 : i32
      %lt3A_1019 = arith.cmpi slt, %rem3A_1016, %lt3A : i32
      %lt3A_1020 = arith.constant 0 : i32
      %lt3A_1021 = arith.cmpi slt, %select_n3A_1015, %lt3A_1020 : i32
      %ne3A_1022 = arith.xori %lt3A_1019, %lt3A_1021 : i1
      %and3A_1023 = arith.andi %ne3A_1022, %ne3A_1018 : i1
      %add3A_1024 = arith.addi %rem3A_1016, %select_n3A_1015 : i32
      %select_n3A_1025 = arith.select %and3A_1023, %add3A_1024, %rem3A_1016 : i32
      %add3A_1026 = vector.broadcast %select_n3A_1025 : i32 to vector<16xi32>
      %add3A_1027 = arith.addi %add3A_1011, %add3A_1026 : vector<16xi32>
      %and3A_1028 = arith.constant 32767 : i32
      %and3A_1029 = vector.broadcast %and3A_1028 : i32 to vector<16xi32>
      %and3A_1030 = arith.andi %add3A_1027, %and3A_1029 : vector<16xi32>
      %gather3A_1031 = tpu.vector_load_idx %arg5[%and3A_1030] : memref<32768xf32, #tpu.memory_space<vmem>>[vector<16xi32>], vector<16xf32>,
      %lt3A_1032 = arith.cmpi slt, %broadcast_in_dim3A_985, %broadcast_in_dim3A_777 : vector<16xi32>
      %select_n3A_1033 = arith.select %lt3A_1032, %gather3A_1031, %broadcast_in_dim3A_782 : vector<16xi1>, vector<16xf32>
      %sort3A_1034 = arith.constant dense<true> : vector<16xi1>
      %sort3A_1035, %sort3A_1036, %sort3A_1037 = tpu.sort %select_n3A_1033, %select_n3A_1033 masked %sort3A_1034 : (vector<16xf32>, vector<16xf32>, vector<16xi1>) -> (vector<16xi1>, vector<16xf32>, vector<16xf32>)
      %rev3A_1038 = arith.constant 15 : i32
      %rev3A_1039 = vector.broadcast %rev3A_1038 : i32 to vector<16xi32>
      %rev3A_1040 = tpu.iota {dimensions = array<i32: 0>} : vector<16xi32>
      %rev3A_1041 = arith.subi %rev3A_1039, %rev3A_1040 : vector<16xi32>
      %rev3A_1042 = tpu.dynamic_gather %sort3A_1036[%rev3A_1041] in [0] : vector<16xf32>, vector<16xi32> -> vector<16xf32>
      %max3A_1043 = arith.maximumf %while3A_969, %rev3A_1042 : vector<16xf32>
      %min3A_1044 = arith.minimumf %max3A_1043, %while3A_971 : vector<16xf32>
      %max3A_1045 = arith.maximumf %max3A_1043, %while3A_971 : vector<16xf32>
      %min3A_1046 = arith.minimumf %min3A_1044, %while3A_970 : vector<16xf32>
      %max3A_1047 = arith.maximumf %min3A_1044, %while3A_970 : vector<16xf32>
      %min3A_1048 = arith.minimumf %max3A_1045, %while3A_972 : vector<16xf32>
      %max3A_1049 = arith.maximumf %max3A_1045, %while3A_972 : vector<16xf32>
      %sort3A_1050 = arith.constant dense<true> : vector<16xi1>
      %sort3A_1051, %sort3A_1052, %sort3A_1053 = tpu.sort %min3A_1046, %min3A_1046 masked %sort3A_1050 : (vector<16xf32>, vector<16xf32>, vector<16xi1>) -> (vector<16xi1>, vector<16xf32>, vector<16xf32>)
      %sort3A_1054 = arith.constant dense<true> : vector<16xi1>
      %sort3A_1055, %sort3A_1056, %sort3A_1057 = tpu.sort %max3A_1047, %max3A_1047 masked %sort3A_1054 : (vector<16xf32>, vector<16xf32>, vector<16xi1>) -> (vector<16xi1>, vector<16xf32>, vector<16xf32>)
      %sort3A_1058 = arith.constant dense<true> : vector<16xi1>
      %sort3A_1059, %sort3A_1060, %sort3A_1061 = tpu.sort %min3A_1048, %min3A_1048 masked %sort3A_1058 : (vector<16xf32>, vector<16xf32>, vector<16xi1>) -> (vector<16xi1>, vector<16xf32>, vector<16xf32>)
      %sort3A_1062 = arith.constant dense<true> : vector<16xi1>
      %sort3A_1063, %sort3A_1064, %sort3A_1065 = tpu.sort %max3A_1049, %max3A_1049 masked %sort3A_1062 : (vector<16xf32>, vector<16xf32>, vector<16xi1>) -> (vector<16xi1>, vector<16xf32>, vector<16xf32>)
      %add3A_1066 = arith.constant 512 : i32
      %add3A_1067 = arith.addi %add3A_1066, %while3A_968 : i32
      %get3A_1068 = arith.index_cast %add3A_1067 : i32 to index
      %get3A_1069 = tpu.vector_load %arg7[%get3A_1068] {strides = array<i32>} : memref<2064xi32, #tpu.memory_space<vmem>>, vector<16xi32>,
      %slice3A_1070 = vector.extract_strided_slice %get3A_1069 {offsets = [0], sizes = [1], strides = [1]} : vector<16xi32> to vector<1xi32>
      %squeeze3A_1071 = vector.extract %slice3A_1070[0] : i32 from vector<1xi32>
      %jit3A_1072 = arith.constant 16 : i32
      %div3A_1073 = arith.divsi %squeeze3A_1071, %jit3A_1072 : i32
      %sign3A_1074 = arith.constant 0 : i32
      %sign3A_1075 = arith.cmpi sgt, %squeeze3A_1071, %sign3A_1074 : i32
      %sign3A_1076 = arith.extui %sign3A_1075 : i1 to i32
      %sign3A_1077 = arith.constant 0 : i32
      %sign3A_1078 = arith.cmpi slt, %squeeze3A_1071, %sign3A_1077 : i32
      %sign3A_1079 = arith.extui %sign3A_1078 : i1 to i32
      %sign3A_1080 = arith.subi %sign3A_1076, %sign3A_1079 : i32
      %sign3A_1081 = arith.constant 0 : i32
      %sign3A_1082 = arith.cmpi sgt, %jit3A_1072, %sign3A_1081 : i32
      %sign3A_1083 = arith.extui %sign3A_1082 : i1 to i32
      %sign3A_1084 = arith.constant 0 : i32
      %sign3A_1085 = arith.cmpi slt, %jit3A_1072, %sign3A_1084 : i32
      %sign3A_1086 = arith.extui %sign3A_1085 : i1 to i32
      %sign3A_1087 = arith.subi %sign3A_1083, %sign3A_1086 : i32
      %ne3A_1088 = arith.cmpi ne, %sign3A_1080, %sign3A_1087 : i32
      %rem3A_1089 = arith.remsi %squeeze3A_1071, %jit3A_1072 : i32
      %ne3A_1090 = arith.constant 0 : i32
      %ne3A_1091 = arith.cmpi ne, %rem3A_1089, %ne3A_1090 : i32
      %and3A_1092 = arith.andi %ne3A_1088, %ne3A_1091 : i1
      %sub3A_1093 = arith.constant 1 : i32
      %sub3A_1094 = arith.subi %div3A_1073, %sub3A_1093 : i32
      %select_n3A_1095 = arith.select %and3A_1092, %sub3A_1094, %div3A_1073 : i32
      %mul3A_1096 = arith.constant 256 : i32
      %mul3A_1097 = arith.muli %select_n3A_1095, %mul3A_1096 : i32
      %mul3A_1098 = arith.constant 16 : i32
      %mul3A_1099 = vector.broadcast %mul3A_1098 : i32 to vector<16xi32>
      %mul3A_1100 = arith.muli %iota3A, %mul3A_1099 : vector<16xi32>
      %add3A_1101 = vector.broadcast %mul3A_1097 : i32 to vector<16xi32>
      %add3A_1102 = arith.addi %add3A_1101, %mul3A_1100 : vector<16xi32>
      %jit3A_1103 = arith.constant 16 : i32
      %eq3A_1104 = arith.constant 0 : i32
      %eq3A_1105 = arith.cmpi eq, %jit3A_1103, %eq3A_1104 : i32
      %jit3A_1106 = arith.constant 1 : i32
      %select_n3A_1107 = arith.select %eq3A_1105, %jit3A_1106, %jit3A_1103 : i32
      %rem3A_1108 = arith.remsi %squeeze3A_1071, %select_n3A_1107 : i32
      %ne3A_1109 = arith.constant 0 : i32
      %ne3A_1110 = arith.cmpi ne, %rem3A_1108, %ne3A_1109 : i32
      %lt3A_1111 = arith.constant 0 : i32
      %lt3A_1112 = arith.cmpi slt, %rem3A_1108, %lt3A_1111 : i32
      %lt3A_1113 = arith.constant 0 : i32
      %lt3A_1114 = arith.cmpi slt, %select_n3A_1107, %lt3A_1113 : i32
      %ne3A_1115 = arith.xori %lt3A_1112, %lt3A_1114 : i1
      %and3A_1116 = arith.andi %ne3A_1115, %ne3A_1110 : i1
      %add3A_1117 = arith.addi %rem3A_1108, %select_n3A_1107 : i32
      %select_n3A_1118 = arith.select %and3A_1116, %add3A_1117, %rem3A_1108 : i32
      %add3A_1119 = vector.broadcast %select_n3A_1118 : i32 to vector<16xi32>
      %add3A_1120 = arith.addi %add3A_1102, %add3A_1119 : vector<16xi32>
      %and3A_1121 = arith.constant 32767 : i32
      %and3A_1122 = vector.broadcast %and3A_1121 : i32 to vector<16xi32>
      %and3A_1123 = arith.andi %add3A_1120, %and3A_1122 : vector<16xi32>
      %gather3A_1124 = tpu.vector_load_idx %arg5[%and3A_1123] : memref<32768xf32, #tpu.memory_space<vmem>>[vector<16xi32>], vector<16xf32>,
      %lt3A_1125 = arith.cmpi slt, %broadcast_in_dim3A_985, %broadcast_in_dim3A_778 : vector<16xi32>
      %select_n3A_1126 = arith.select %lt3A_1125, %gather3A_1124, %broadcast_in_dim3A_782 : vector<16xi1>, vector<16xf32>
      %sort3A_1127 = arith.constant dense<true> : vector<16xi1>
      %sort3A_1128, %sort3A_1129, %sort3A_1130 = tpu.sort %select_n3A_1126, %select_n3A_1126 masked %sort3A_1127 : (vector<16xf32>, vector<16xf32>, vector<16xi1>) -> (vector<16xi1>, vector<16xf32>, vector<16xf32>)
      %rev3A_1131 = arith.constant 15 : i32
      %rev3A_1132 = vector.broadcast %rev3A_1131 : i32 to vector<16xi32>
      %rev3A_1133 = tpu.iota {dimensions = array<i32: 0>} : vector<16xi32>
      %rev3A_1134 = arith.subi %rev3A_1132, %rev3A_1133 : vector<16xi32>
      %rev3A_1135 = tpu.dynamic_gather %sort3A_1129[%rev3A_1134] in [0] : vector<16xf32>, vector<16xi32> -> vector<16xf32>
      %max3A_1136 = arith.maximumf %while3A_973, %rev3A_1135 : vector<16xf32>
      %min3A_1137 = arith.minimumf %max3A_1136, %while3A_975 : vector<16xf32>
      %max3A_1138 = arith.maximumf %max3A_1136, %while3A_975 : vector<16xf32>
      %min3A_1139 = arith.minimumf %min3A_1137, %while3A_974 : vector<16xf32>
      %max3A_1140 = arith.maximumf %min3A_1137, %while3A_974 : vector<16xf32>
      %min3A_1141 = arith.minimumf %max3A_1138, %while3A_976 : vector<16xf32>
      %max3A_1142 = arith.maximumf %max3A_1138, %while3A_976 : vector<16xf32>
      %sort3A_1143 = arith.constant dense<true> : vector<16xi1>
      %sort3A_1144, %sort3A_1145, %sort3A_1146 = tpu.sort %min3A_1139, %min3A_1139 masked %sort3A_1143 : (vector<16xf32>, vector<16xf32>, vector<16xi1>) -> (vector<16xi1>, vector<16xf32>, vector<16xf32>)
      %sort3A_1147 = arith.constant dense<true> : vector<16xi1>
      %sort3A_1148, %sort3A_1149, %sort3A_1150 = tpu.sort %max3A_1140, %max3A_1140 masked %sort3A_1147 : (vector<16xf32>, vector<16xf32>, vector<16xi1>) -> (vector<16xi1>, vector<16xf32>, vector<16xf32>)
      %sort3A_1151 = arith.constant dense<true> : vector<16xi1>
      %sort3A_1152, %sort3A_1153, %sort3A_1154 = tpu.sort %min3A_1141, %min3A_1141 masked %sort3A_1151 : (vector<16xf32>, vector<16xf32>, vector<16xi1>) -> (vector<16xi1>, vector<16xf32>, vector<16xf32>)
      %sort3A_1155 = arith.constant dense<true> : vector<16xi1>
      %sort3A_1156, %sort3A_1157, %sort3A_1158 = tpu.sort %max3A_1142, %max3A_1142 masked %sort3A_1155 : (vector<16xf32>, vector<16xf32>, vector<16xi1>) -> (vector<16xi1>, vector<16xf32>, vector<16xf32>)
      %add3A_1159 = arith.constant 1024 : i32
      %add3A_1160 = arith.addi %add3A_1159, %while3A_968 : i32
      %get3A_1161 = arith.index_cast %add3A_1160 : i32 to index
      %get3A_1162 = tpu.vector_load %arg7[%get3A_1161] {strides = array<i32>} : memref<2064xi32, #tpu.memory_space<vmem>>, vector<16xi32>,
      %slice3A_1163 = vector.extract_strided_slice %get3A_1162 {offsets = [0], sizes = [1], strides = [1]} : vector<16xi32> to vector<1xi32>
      %squeeze3A_1164 = vector.extract %slice3A_1163[0] : i32 from vector<1xi32>
      %jit3A_1165 = arith.constant 16 : i32
      %div3A_1166 = arith.divsi %squeeze3A_1164, %jit3A_1165 : i32
      %sign3A_1167 = arith.constant 0 : i32
      %sign3A_1168 = arith.cmpi sgt, %squeeze3A_1164, %sign3A_1167 : i32
      %sign3A_1169 = arith.extui %sign3A_1168 : i1 to i32
      %sign3A_1170 = arith.constant 0 : i32
      %sign3A_1171 = arith.cmpi slt, %squeeze3A_1164, %sign3A_1170 : i32
      %sign3A_1172 = arith.extui %sign3A_1171 : i1 to i32
      %sign3A_1173 = arith.subi %sign3A_1169, %sign3A_1172 : i32
      %sign3A_1174 = arith.constant 0 : i32
      %sign3A_1175 = arith.cmpi sgt, %jit3A_1165, %sign3A_1174 : i32
      %sign3A_1176 = arith.extui %sign3A_1175 : i1 to i32
      %sign3A_1177 = arith.constant 0 : i32
      %sign3A_1178 = arith.cmpi slt, %jit3A_1165, %sign3A_1177 : i32
      %sign3A_1179 = arith.extui %sign3A_1178 : i1 to i32
      %sign3A_1180 = arith.subi %sign3A_1176, %sign3A_1179 : i32
      %ne3A_1181 = arith.cmpi ne, %sign3A_1173, %sign3A_1180 : i32
      %rem3A_1182 = arith.remsi %squeeze3A_1164, %jit3A_1165 : i32
      %ne3A_1183 = arith.constant 0 : i32
      %ne3A_1184 = arith.cmpi ne, %rem3A_1182, %ne3A_1183 : i32
      %and3A_1185 = arith.andi %ne3A_1181, %ne3A_1184 : i1
      %sub3A_1186 = arith.constant 1 : i32
      %sub3A_1187 = arith.subi %div3A_1166, %sub3A_1186 : i32
      %select_n3A_1188 = arith.select %and3A_1185, %sub3A_1187, %div3A_1166 : i32
      %mul3A_1189 = arith.constant 256 : i32
      %mul3A_1190 = arith.muli %select_n3A_1188, %mul3A_1189 : i32
      %mul3A_1191 = arith.constant 16 : i32
      %mul3A_1192 = vector.broadcast %mul3A_1191 : i32 to vector<16xi32>
      %mul3A_1193 = arith.muli %iota3A, %mul3A_1192 : vector<16xi32>
      %add3A_1194 = vector.broadcast %mul3A_1190 : i32 to vector<16xi32>
      %add3A_1195 = arith.addi %add3A_1194, %mul3A_1193 : vector<16xi32>
      %jit3A_1196 = arith.constant 16 : i32
      %eq3A_1197 = arith.constant 0 : i32
      %eq3A_1198 = arith.cmpi eq, %jit3A_1196, %eq3A_1197 : i32
      %jit3A_1199 = arith.constant 1 : i32
      %select_n3A_1200 = arith.select %eq3A_1198, %jit3A_1199, %jit3A_1196 : i32
      %rem3A_1201 = arith.remsi %squeeze3A_1164, %select_n3A_1200 : i32
      %ne3A_1202 = arith.constant 0 : i32
      %ne3A_1203 = arith.cmpi ne, %rem3A_1201, %ne3A_1202 : i32
      %lt3A_1204 = arith.constant 0 : i32
      %lt3A_1205 = arith.cmpi slt, %rem3A_1201, %lt3A_1204 : i32
      %lt3A_1206 = arith.constant 0 : i32
      %lt3A_1207 = arith.cmpi slt, %select_n3A_1200, %lt3A_1206 : i32
      %ne3A_1208 = arith.xori %lt3A_1205, %lt3A_1207 : i1
      %and3A_1209 = arith.andi %ne3A_1208, %ne3A_1203 : i1
      %add3A_1210 = arith.addi %rem3A_1201, %select_n3A_1200 : i32
      %select_n3A_1211 = arith.select %and3A_1209, %add3A_1210, %rem3A_1201 : i32
      %add3A_1212 = vector.broadcast %select_n3A_1211 : i32 to vector<16xi32>
      %add3A_1213 = arith.addi %add3A_1195, %add3A_1212 : vector<16xi32>
      %and3A_1214 = arith.constant 32767 : i32
      %and3A_1215 = vector.broadcast %and3A_1214 : i32 to vector<16xi32>
      %and3A_1216 = arith.andi %add3A_1213, %and3A_1215 : vector<16xi32>
      %gather3A_1217 = tpu.vector_load_idx %arg5[%and3A_1216] : memref<32768xf32, #tpu.memory_space<vmem>>[vector<16xi32>], vector<16xf32>,
      %lt3A_1218 = arith.cmpi slt, %broadcast_in_dim3A_985, %broadcast_in_dim3A_779 : vector<16xi32>
      %select_n3A_1219 = arith.select %lt3A_1218, %gather3A_1217, %broadcast_in_dim3A_782 : vector<16xi1>, vector<16xf32>
      %sort3A_1220 = arith.constant dense<true> : vector<16xi1>
      %sort3A_1221, %sort3A_1222, %sort3A_1223 = tpu.sort %select_n3A_1219, %select_n3A_1219 masked %sort3A_1220 : (vector<16xf32>, vector<16xf32>, vector<16xi1>) -> (vector<16xi1>, vector<16xf32>, vector<16xf32>)
      %rev3A_1224 = arith.constant 15 : i32
      %rev3A_1225 = vector.broadcast %rev3A_1224 : i32 to vector<16xi32>
      %rev3A_1226 = tpu.iota {dimensions = array<i32: 0>} : vector<16xi32>
      %rev3A_1227 = arith.subi %rev3A_1225, %rev3A_1226 : vector<16xi32>
      %rev3A_1228 = tpu.dynamic_gather %sort3A_1222[%rev3A_1227] in [0] : vector<16xf32>, vector<16xi32> -> vector<16xf32>
      %max3A_1229 = arith.maximumf %while3A_977, %rev3A_1228 : vector<16xf32>
      %min3A_1230 = arith.minimumf %max3A_1229, %while3A_979 : vector<16xf32>
      %max3A_1231 = arith.maximumf %max3A_1229, %while3A_979 : vector<16xf32>
      %min3A_1232 = arith.minimumf %min3A_1230, %while3A_978 : vector<16xf32>
      %max3A_1233 = arith.maximumf %min3A_1230, %while3A_978 : vector<16xf32>
      %min3A_1234 = arith.minimumf %max3A_1231, %while3A_980 : vector<16xf32>
      %max3A_1235 = arith.maximumf %max3A_1231, %while3A_980 : vector<16xf32>
      %sort3A_1236 = arith.constant dense<true> : vector<16xi1>
      %sort3A_1237, %sort3A_1238, %sort3A_1239 = tpu.sort %min3A_1232, %min3A_1232 masked %sort3A_1236 : (vector<16xf32>, vector<16xf32>, vector<16xi1>) -> (vector<16xi1>, vector<16xf32>, vector<16xf32>)
      %sort3A_1240 = arith.constant dense<true> : vector<16xi1>
      %sort3A_1241, %sort3A_1242, %sort3A_1243 = tpu.sort %max3A_1233, %max3A_1233 masked %sort3A_1240 : (vector<16xf32>, vector<16xf32>, vector<16xi1>) -> (vector<16xi1>, vector<16xf32>, vector<16xf32>)
      %sort3A_1244 = arith.constant dense<true> : vector<16xi1>
      %sort3A_1245, %sort3A_1246, %sort3A_1247 = tpu.sort %min3A_1234, %min3A_1234 masked %sort3A_1244 : (vector<16xf32>, vector<16xf32>, vector<16xi1>) -> (vector<16xi1>, vector<16xf32>, vector<16xf32>)
      %sort3A_1248 = arith.constant dense<true> : vector<16xi1>
      %sort3A_1249, %sort3A_1250, %sort3A_1251 = tpu.sort %max3A_1235, %max3A_1235 masked %sort3A_1248 : (vector<16xf32>, vector<16xf32>, vector<16xi1>) -> (vector<16xi1>, vector<16xf32>, vector<16xf32>)
      %add3A_1252 = arith.constant 1536 : i32
      %add3A_1253 = arith.addi %add3A_1252, %while3A_968 : i32
      %get3A_1254 = arith.index_cast %add3A_1253 : i32 to index
      %get3A_1255 = tpu.vector_load %arg7[%get3A_1254] {strides = array<i32>} : memref<2064xi32, #tpu.memory_space<vmem>>, vector<16xi32>,
      %slice3A_1256 = vector.extract_strided_slice %get3A_1255 {offsets = [0], sizes = [1], strides = [1]} : vector<16xi32> to vector<1xi32>
      %squeeze3A_1257 = vector.extract %slice3A_1256[0] : i32 from vector<1xi32>
      %jit3A_1258 = arith.constant 16 : i32
      %div3A_1259 = arith.divsi %squeeze3A_1257, %jit3A_1258 : i32
      %sign3A_1260 = arith.constant 0 : i32
      %sign3A_1261 = arith.cmpi sgt, %squeeze3A_1257, %sign3A_1260 : i32
      %sign3A_1262 = arith.extui %sign3A_1261 : i1 to i32
      %sign3A_1263 = arith.constant 0 : i32
      %sign3A_1264 = arith.cmpi slt, %squeeze3A_1257, %sign3A_1263 : i32
      %sign3A_1265 = arith.extui %sign3A_1264 : i1 to i32
      %sign3A_1266 = arith.subi %sign3A_1262, %sign3A_1265 : i32
      %sign3A_1267 = arith.constant 0 : i32
      %sign3A_1268 = arith.cmpi sgt, %jit3A_1258, %sign3A_1267 : i32
      %sign3A_1269 = arith.extui %sign3A_1268 : i1 to i32
      %sign3A_1270 = arith.constant 0 : i32
      %sign3A_1271 = arith.cmpi slt, %jit3A_1258, %sign3A_1270 : i32
      %sign3A_1272 = arith.extui %sign3A_1271 : i1 to i32
      %sign3A_1273 = arith.subi %sign3A_1269, %sign3A_1272 : i32
      %ne3A_1274 = arith.cmpi ne, %sign3A_1266, %sign3A_1273 : i32
      %rem3A_1275 = arith.remsi %squeeze3A_1257, %jit3A_1258 : i32
      %ne3A_1276 = arith.constant 0 : i32
      %ne3A_1277 = arith.cmpi ne, %rem3A_1275, %ne3A_1276 : i32
      %and3A_1278 = arith.andi %ne3A_1274, %ne3A_1277 : i1
      %sub3A_1279 = arith.constant 1 : i32
      %sub3A_1280 = arith.subi %div3A_1259, %sub3A_1279 : i32
      %select_n3A_1281 = arith.select %and3A_1278, %sub3A_1280, %div3A_1259 : i32
      %mul3A_1282 = arith.constant 256 : i32
      %mul3A_1283 = arith.muli %select_n3A_1281, %mul3A_1282 : i32
      %mul3A_1284 = arith.constant 16 : i32
      %mul3A_1285 = vector.broadcast %mul3A_1284 : i32 to vector<16xi32>
      %mul3A_1286 = arith.muli %iota3A, %mul3A_1285 : vector<16xi32>
      %add3A_1287 = vector.broadcast %mul3A_1283 : i32 to vector<16xi32>
      %add3A_1288 = arith.addi %add3A_1287, %mul3A_1286 : vector<16xi32>
      %jit3A_1289 = arith.constant 16 : i32
      %eq3A_1290 = arith.constant 0 : i32
      %eq3A_1291 = arith.cmpi eq, %jit3A_1289, %eq3A_1290 : i32
      %jit3A_1292 = arith.constant 1 : i32
      %select_n3A_1293 = arith.select %eq3A_1291, %jit3A_1292, %jit3A_1289 : i32
      %rem3A_1294 = arith.remsi %squeeze3A_1257, %select_n3A_1293 : i32
      %ne3A_1295 = arith.constant 0 : i32
      %ne3A_1296 = arith.cmpi ne, %rem3A_1294, %ne3A_1295 : i32
      %lt3A_1297 = arith.constant 0 : i32
      %lt3A_1298 = arith.cmpi slt, %rem3A_1294, %lt3A_1297 : i32
      %lt3A_1299 = arith.constant 0 : i32
      %lt3A_1300 = arith.cmpi slt, %select_n3A_1293, %lt3A_1299 : i32
      %ne3A_1301 = arith.xori %lt3A_1298, %lt3A_1300 : i1
      %and3A_1302 = arith.andi %ne3A_1301, %ne3A_1296 : i1
      %add3A_1303 = arith.addi %rem3A_1294, %select_n3A_1293 : i32
      %select_n3A_1304 = arith.select %and3A_1302, %add3A_1303, %rem3A_1294 : i32
      %add3A_1305 = vector.broadcast %select_n3A_1304 : i32 to vector<16xi32>
      %add3A_1306 = arith.addi %add3A_1288, %add3A_1305 : vector<16xi32>
      %and3A_1307 = arith.constant 32767 : i32
      %and3A_1308 = vector.broadcast %and3A_1307 : i32 to vector<16xi32>
      %and3A_1309 = arith.andi %add3A_1306, %and3A_1308 : vector<16xi32>
      %gather3A_1310 = tpu.vector_load_idx %arg5[%and3A_1309] : memref<32768xf32, #tpu.memory_space<vmem>>[vector<16xi32>], vector<16xf32>,
      %lt3A_1311 = arith.cmpi slt, %broadcast_in_dim3A_985, %broadcast_in_dim3A_780 : vector<16xi32>
      %select_n3A_1312 = arith.select %lt3A_1311, %gather3A_1310, %broadcast_in_dim3A_782 : vector<16xi1>, vector<16xf32>
      %sort3A_1313 = arith.constant dense<true> : vector<16xi1>
      %sort3A_1314, %sort3A_1315, %sort3A_1316 = tpu.sort %select_n3A_1312, %select_n3A_1312 masked %sort3A_1313 : (vector<16xf32>, vector<16xf32>, vector<16xi1>) -> (vector<16xi1>, vector<16xf32>, vector<16xf32>)
      %rev3A_1317 = arith.constant 15 : i32
      %rev3A_1318 = vector.broadcast %rev3A_1317 : i32 to vector<16xi32>
      %rev3A_1319 = tpu.iota {dimensions = array<i32: 0>} : vector<16xi32>
      %rev3A_1320 = arith.subi %rev3A_1318, %rev3A_1319 : vector<16xi32>
      %rev3A_1321 = tpu.dynamic_gather %sort3A_1315[%rev3A_1320] in [0] : vector<16xf32>, vector<16xi32> -> vector<16xf32>
      %max3A_1322 = arith.maximumf %while3A_981, %rev3A_1321 : vector<16xf32>
      %min3A_1323 = arith.minimumf %max3A_1322, %while3A_983 : vector<16xf32>
      %max3A_1324 = arith.maximumf %max3A_1322, %while3A_983 : vector<16xf32>
      %min3A_1325 = arith.minimumf %min3A_1323, %while3A_982 : vector<16xf32>
      %max3A_1326 = arith.maximumf %min3A_1323, %while3A_982 : vector<16xf32>
      %min3A_1327 = arith.minimumf %max3A_1324, %while3A_984 : vector<16xf32>
      %max3A_1328 = arith.maximumf %max3A_1324, %while3A_984 : vector<16xf32>
      %sort3A_1329 = arith.constant dense<true> : vector<16xi1>
      %sort3A_1330, %sort3A_1331, %sort3A_1332 = tpu.sort %min3A_1325, %min3A_1325 masked %sort3A_1329 : (vector<16xf32>, vector<16xf32>, vector<16xi1>) -> (vector<16xi1>, vector<16xf32>, vector<16xf32>)
      %sort3A_1333 = arith.constant dense<true> : vector<16xi1>
      %sort3A_1334, %sort3A_1335, %sort3A_1336 = tpu.sort %max3A_1326, %max3A_1326 masked %sort3A_1333 : (vector<16xf32>, vector<16xf32>, vector<16xi1>) -> (vector<16xi1>, vector<16xf32>, vector<16xf32>)
      %sort3A_1337 = arith.constant dense<true> : vector<16xi1>
      %sort3A_1338, %sort3A_1339, %sort3A_1340 = tpu.sort %min3A_1327, %min3A_1327 masked %sort3A_1337 : (vector<16xf32>, vector<16xf32>, vector<16xi1>) -> (vector<16xi1>, vector<16xf32>, vector<16xf32>)
      %sort3A_1341 = arith.constant dense<true> : vector<16xi1>
      %sort3A_1342, %sort3A_1343, %sort3A_1344 = tpu.sort %max3A_1328, %max3A_1328 masked %sort3A_1341 : (vector<16xf32>, vector<16xf32>, vector<16xi1>) -> (vector<16xi1>, vector<16xf32>, vector<16xf32>)
      scf.yield %sort3A_1052, %sort3A_1056, %sort3A_1060, %sort3A_1064, %sort3A_1145, %sort3A_1149, %sort3A_1153, %sort3A_1157, %sort3A_1238, %sort3A_1242, %sort3A_1246, %sort3A_1250, %sort3A_1331, %sort3A_1335, %sort3A_1339, %sort3A_1343 : vector<16xf32>, vector<16xf32>, vector<16xf32>, vector<16xf32>, vector<16xf32>, vector<16xf32>, vector<16xf32>, vector<16xf32>, vector<16xf32>, vector<16xf32>, vector<16xf32>, vector<16xf32>, vector<16xf32>, vector<16xf32>, vector<16xf32>, vector<16xf32>
    }
    %while3A_794 = arith.constant 1 : i32
    %while3A_795:16 = scf.for %while3A_968 = %while3A_791 to %while3A_787 step %while3A_794 iter_args(%while3A_969 = %while3A_793#0, %while3A_970 = %while3A_793#1, %while3A_971 = %while3A_793#2, %while3A_972 = %while3A_793#3, %while3A_973 = %while3A_793#4, %while3A_974 = %while3A_793#5, %while3A_975 = %while3A_793#6, %while3A_976 = %while3A_793#7, %while3A_977 = %while3A_793#8, %while3A_978 = %while3A_793#9, %while3A_979 = %while3A_793#10, %while3A_980 = %while3A_793#11, %while3A_981 = %while3A_793#12, %while3A_982 = %while3A_793#13, %while3A_983 = %while3A_793#14, %while3A_984 = %while3A_793#15) -> (vector<16xf32>, vector<16xf32>, vector<16xf32>, vector<16xf32>, vector<16xf32>, vector<16xf32>, vector<16xf32>, vector<16xf32>, vector<16xf32>, vector<16xf32>, vector<16xf32>, vector<16xf32>, vector<16xf32>, vector<16xf32>, vector<16xf32>, vector<16xf32>)  : i32 {
      %broadcast_in_dim3A_985 = vector.broadcast %while3A_968 : i32 to vector<16xi32>
      %add3A_986 = arith.constant 0 : i32
      %add3A_987 = arith.addi %add3A_986, %while3A_968 : i32
      %get3A = arith.index_cast %add3A_987 : i32 to index
      %get3A_988 = tpu.vector_load %arg7[%get3A] {strides = array<i32>} : memref<2064xi32, #tpu.memory_space<vmem>>, vector<16xi32>,
      %slice3A = vector.extract_strided_slice %get3A_988 {offsets = [0], sizes = [1], strides = [1]} : vector<16xi32> to vector<1xi32>
      %squeeze3A = vector.extract %slice3A[0] : i32 from vector<1xi32>
      %jit3A = arith.constant 16 : i32
      %div3A = arith.divsi %squeeze3A, %jit3A : i32
      %sign3A = arith.constant 0 : i32
      %sign3A_989 = arith.cmpi sgt, %squeeze3A, %sign3A : i32
      %sign3A_990 = arith.extui %sign3A_989 : i1 to i32
      %sign3A_991 = arith.constant 0 : i32
      %sign3A_992 = arith.cmpi slt, %squeeze3A, %sign3A_991 : i32
      %sign3A_993 = arith.extui %sign3A_992 : i1 to i32
      %sign3A_994 = arith.subi %sign3A_990, %sign3A_993 : i32
      %sign3A_995 = arith.constant 0 : i32
      %sign3A_996 = arith.cmpi sgt, %jit3A, %sign3A_995 : i32
      %sign3A_997 = arith.extui %sign3A_996 : i1 to i32
      %sign3A_998 = arith.constant 0 : i32
      %sign3A_999 = arith.cmpi slt, %jit3A, %sign3A_998 : i32
      %sign3A_1000 = arith.extui %sign3A_999 : i1 to i32
      %sign3A_1001 = arith.subi %sign3A_997, %sign3A_1000 : i32
      %ne3A = arith.cmpi ne, %sign3A_994, %sign3A_1001 : i32
      %rem3A = arith.remsi %squeeze3A, %jit3A : i32
      %ne3A_1002 = arith.constant 0 : i32
      %ne3A_1003 = arith.cmpi ne, %rem3A, %ne3A_1002 : i32
      %and3A = arith.andi %ne3A, %ne3A_1003 : i1
      %sub3A = arith.constant 1 : i32
      %sub3A_1004 = arith.subi %div3A, %sub3A : i32
      %select_n3A = arith.select %and3A, %sub3A_1004, %div3A : i32
      %mul3A_1005 = arith.constant 256 : i32
      %mul3A_1006 = arith.muli %select_n3A, %mul3A_1005 : i32
      %mul3A_1007 = arith.constant 16 : i32
      %mul3A_1008 = vector.broadcast %mul3A_1007 : i32 to vector<16xi32>
      %mul3A_1009 = arith.muli %iota3A, %mul3A_1008 : vector<16xi32>
      %add3A_1010 = vector.broadcast %mul3A_1006 : i32 to vector<16xi32>
      %add3A_1011 = arith.addi %add3A_1010, %mul3A_1009 : vector<16xi32>
      %jit3A_1012 = arith.constant 16 : i32
      %eq3A = arith.constant 0 : i32
      %eq3A_1013 = arith.cmpi eq, %jit3A_1012, %eq3A : i32
      %jit3A_1014 = arith.constant 1 : i32
      %select_n3A_1015 = arith.select %eq3A_1013, %jit3A_1014, %jit3A_1012 : i32
      %rem3A_1016 = arith.remsi %squeeze3A, %select_n3A_1015 : i32
      %ne3A_1017 = arith.constant 0 : i32
      %ne3A_1018 = arith.cmpi ne, %rem3A_1016, %ne3A_1017 : i32
      %lt3A = arith.constant 0 : i32
      %lt3A_1019 = arith.cmpi slt, %rem3A_1016, %lt3A : i32
      %lt3A_1020 = arith.constant 0 : i32
      %lt3A_1021 = arith.cmpi slt, %select_n3A_1015, %lt3A_1020 : i32
      %ne3A_1022 = arith.xori %lt3A_1019, %lt3A_1021 : i1
      %and3A_1023 = arith.andi %ne3A_1022, %ne3A_1018 : i1
      %add3A_1024 = arith.addi %rem3A_1016, %select_n3A_1015 : i32
      %select_n3A_1025 = arith.select %and3A_1023, %add3A_1024, %rem3A_1016 : i32
      %add3A_1026 = vector.broadcast %select_n3A_1025 : i32 to vector<16xi32>
      %add3A_1027 = arith.addi %add3A_1011, %add3A_1026 : vector<16xi32>
      %and3A_1028 = arith.constant 32767 : i32
      %and3A_1029 = vector.broadcast %and3A_1028 : i32 to vector<16xi32>
      %and3A_1030 = arith.andi %add3A_1027, %and3A_1029 : vector<16xi32>
      %gather3A_1031 = tpu.vector_load_idx %arg5[%and3A_1030] : memref<32768xf32, #tpu.memory_space<vmem>>[vector<16xi32>], vector<16xf32>,
      %lt3A_1032 = arith.cmpi slt, %broadcast_in_dim3A_985, %broadcast_in_dim3A_777 : vector<16xi32>
      %select_n3A_1033 = arith.select %lt3A_1032, %gather3A_1031, %broadcast_in_dim3A_782 : vector<16xi1>, vector<16xf32>
      %sort3A_1034 = arith.constant dense<true> : vector<16xi1>
      %sort3A_1035, %sort3A_1036, %sort3A_1037 = tpu.sort %select_n3A_1033, %select_n3A_1033 masked %sort3A_1034 : (vector<16xf32>, vector<16xf32>, vector<16xi1>) -> (vector<16xi1>, vector<16xf32>, vector<16xf32>)
      %rev3A_1038 = arith.constant 15 : i32
      %rev3A_1039 = vector.broadcast %rev3A_1038 : i32 to vector<16xi32>
      %rev3A_1040 = tpu.iota {dimensions = array<i32: 0>} : vector<16xi32>
      %rev3A_1041 = arith.subi %rev3A_1039, %rev3A_1040 : vector<16xi32>
      %rev3A_1042 = tpu.dynamic_gather %sort3A_1036[%rev3A_1041] in [0] : vector<16xf32>, vector<16xi32> -> vector<16xf32>
      %max3A_1043 = arith.maximumf %while3A_969, %rev3A_1042 : vector<16xf32>
      %min3A_1044 = arith.minimumf %max3A_1043, %while3A_971 : vector<16xf32>
      %max3A_1045 = arith.maximumf %max3A_1043, %while3A_971 : vector<16xf32>
      %min3A_1046 = arith.minimumf %min3A_1044, %while3A_970 : vector<16xf32>
      %max3A_1047 = arith.maximumf %min3A_1044, %while3A_970 : vector<16xf32>
      %min3A_1048 = arith.minimumf %max3A_1045, %while3A_972 : vector<16xf32>
      %max3A_1049 = arith.maximumf %max3A_1045, %while3A_972 : vector<16xf32>
      %sort3A_1050 = arith.constant dense<true> : vector<16xi1>
      %sort3A_1051, %sort3A_1052, %sort3A_1053 = tpu.sort %min3A_1046, %min3A_1046 masked %sort3A_1050 : (vector<16xf32>, vector<16xf32>, vector<16xi1>) -> (vector<16xi1>, vector<16xf32>, vector<16xf32>)
      %sort3A_1054 = arith.constant dense<true> : vector<16xi1>
      %sort3A_1055, %sort3A_1056, %sort3A_1057 = tpu.sort %max3A_1047, %max3A_1047 masked %sort3A_1054 : (vector<16xf32>, vector<16xf32>, vector<16xi1>) -> (vector<16xi1>, vector<16xf32>, vector<16xf32>)
      %sort3A_1058 = arith.constant dense<true> : vector<16xi1>
      %sort3A_1059, %sort3A_1060, %sort3A_1061 = tpu.sort %min3A_1048, %min3A_1048 masked %sort3A_1058 : (vector<16xf32>, vector<16xf32>, vector<16xi1>) -> (vector<16xi1>, vector<16xf32>, vector<16xf32>)
      %sort3A_1062 = arith.constant dense<true> : vector<16xi1>
      %sort3A_1063, %sort3A_1064, %sort3A_1065 = tpu.sort %max3A_1049, %max3A_1049 masked %sort3A_1062 : (vector<16xf32>, vector<16xf32>, vector<16xi1>) -> (vector<16xi1>, vector<16xf32>, vector<16xf32>)
      %add3A_1066 = arith.constant 512 : i32
      %add3A_1067 = arith.addi %add3A_1066, %while3A_968 : i32
      %get3A_1068 = arith.index_cast %add3A_1067 : i32 to index
      %get3A_1069 = tpu.vector_load %arg7[%get3A_1068] {strides = array<i32>} : memref<2064xi32, #tpu.memory_space<vmem>>, vector<16xi32>,
      %slice3A_1070 = vector.extract_strided_slice %get3A_1069 {offsets = [0], sizes = [1], strides = [1]} : vector<16xi32> to vector<1xi32>
      %squeeze3A_1071 = vector.extract %slice3A_1070[0] : i32 from vector<1xi32>
      %jit3A_1072 = arith.constant 16 : i32
      %div3A_1073 = arith.divsi %squeeze3A_1071, %jit3A_1072 : i32
      %sign3A_1074 = arith.constant 0 : i32
      %sign3A_1075 = arith.cmpi sgt, %squeeze3A_1071, %sign3A_1074 : i32
      %sign3A_1076 = arith.extui %sign3A_1075 : i1 to i32
      %sign3A_1077 = arith.constant 0 : i32
      %sign3A_1078 = arith.cmpi slt, %squeeze3A_1071, %sign3A_1077 : i32
      %sign3A_1079 = arith.extui %sign3A_1078 : i1 to i32
      %sign3A_1080 = arith.subi %sign3A_1076, %sign3A_1079 : i32
      %sign3A_1081 = arith.constant 0 : i32
      %sign3A_1082 = arith.cmpi sgt, %jit3A_1072, %sign3A_1081 : i32
      %sign3A_1083 = arith.extui %sign3A_1082 : i1 to i32
      %sign3A_1084 = arith.constant 0 : i32
      %sign3A_1085 = arith.cmpi slt, %jit3A_1072, %sign3A_1084 : i32
      %sign3A_1086 = arith.extui %sign3A_1085 : i1 to i32
      %sign3A_1087 = arith.subi %sign3A_1083, %sign3A_1086 : i32
      %ne3A_1088 = arith.cmpi ne, %sign3A_1080, %sign3A_1087 : i32
      %rem3A_1089 = arith.remsi %squeeze3A_1071, %jit3A_1072 : i32
      %ne3A_1090 = arith.constant 0 : i32
      %ne3A_1091 = arith.cmpi ne, %rem3A_1089, %ne3A_1090 : i32
      %and3A_1092 = arith.andi %ne3A_1088, %ne3A_1091 : i1
      %sub3A_1093 = arith.constant 1 : i32
      %sub3A_1094 = arith.subi %div3A_1073, %sub3A_1093 : i32
      %select_n3A_1095 = arith.select %and3A_1092, %sub3A_1094, %div3A_1073 : i32
      %mul3A_1096 = arith.constant 256 : i32
      %mul3A_1097 = arith.muli %select_n3A_1095, %mul3A_1096 : i32
      %mul3A_1098 = arith.constant 16 : i32
      %mul3A_1099 = vector.broadcast %mul3A_1098 : i32 to vector<16xi32>
      %mul3A_1100 = arith.muli %iota3A, %mul3A_1099 : vector<16xi32>
      %add3A_1101 = vector.broadcast %mul3A_1097 : i32 to vector<16xi32>
      %add3A_1102 = arith.addi %add3A_1101, %mul3A_1100 : vector<16xi32>
      %jit3A_1103 = arith.constant 16 : i32
      %eq3A_1104 = arith.constant 0 : i32
      %eq3A_1105 = arith.cmpi eq, %jit3A_1103, %eq3A_1104 : i32
      %jit3A_1106 = arith.constant 1 : i32
      %select_n3A_1107 = arith.select %eq3A_1105, %jit3A_1106, %jit3A_1103 : i32
      %rem3A_1108 = arith.remsi %squeeze3A_1071, %select_n3A_1107 : i32
      %ne3A_1109 = arith.constant 0 : i32
      %ne3A_1110 = arith.cmpi ne, %rem3A_1108, %ne3A_1109 : i32
      %lt3A_1111 = arith.constant 0 : i32
      %lt3A_1112 = arith.cmpi slt, %rem3A_1108, %lt3A_1111 : i32
      %lt3A_1113 = arith.constant 0 : i32
      %lt3A_1114 = arith.cmpi slt, %select_n3A_1107, %lt3A_1113 : i32
      %ne3A_1115 = arith.xori %lt3A_1112, %lt3A_1114 : i1
      %and3A_1116 = arith.andi %ne3A_1115, %ne3A_1110 : i1
      %add3A_1117 = arith.addi %rem3A_1108, %select_n3A_1107 : i32
      %select_n3A_1118 = arith.select %and3A_1116, %add3A_1117, %rem3A_1108 : i32
      %add3A_1119 = vector.broadcast %select_n3A_1118 : i32 to vector<16xi32>
      %add3A_1120 = arith.addi %add3A_1102, %add3A_1119 : vector<16xi32>
      %and3A_1121 = arith.constant 32767 : i32
      %and3A_1122 = vector.broadcast %and3A_1121 : i32 to vector<16xi32>
      %and3A_1123 = arith.andi %add3A_1120, %and3A_1122 : vector<16xi32>
      %gather3A_1124 = tpu.vector_load_idx %arg5[%and3A_1123] : memref<32768xf32, #tpu.memory_space<vmem>>[vector<16xi32>], vector<16xf32>,
      %lt3A_1125 = arith.cmpi slt, %broadcast_in_dim3A_985, %broadcast_in_dim3A_778 : vector<16xi32>
      %select_n3A_1126 = arith.select %lt3A_1125, %gather3A_1124, %broadcast_in_dim3A_782 : vector<16xi1>, vector<16xf32>
      %sort3A_1127 = arith.constant dense<true> : vector<16xi1>
      %sort3A_1128, %sort3A_1129, %sort3A_1130 = tpu.sort %select_n3A_1126, %select_n3A_1126 masked %sort3A_1127 : (vector<16xf32>, vector<16xf32>, vector<16xi1>) -> (vector<16xi1>, vector<16xf32>, vector<16xf32>)
      %rev3A_1131 = arith.constant 15 : i32
      %rev3A_1132 = vector.broadcast %rev3A_1131 : i32 to vector<16xi32>
      %rev3A_1133 = tpu.iota {dimensions = array<i32: 0>} : vector<16xi32>
      %rev3A_1134 = arith.subi %rev3A_1132, %rev3A_1133 : vector<16xi32>
      %rev3A_1135 = tpu.dynamic_gather %sort3A_1129[%rev3A_1134] in [0] : vector<16xf32>, vector<16xi32> -> vector<16xf32>
      %max3A_1136 = arith.maximumf %while3A_973, %rev3A_1135 : vector<16xf32>
      %min3A_1137 = arith.minimumf %max3A_1136, %while3A_975 : vector<16xf32>
      %max3A_1138 = arith.maximumf %max3A_1136, %while3A_975 : vector<16xf32>
      %min3A_1139 = arith.minimumf %min3A_1137, %while3A_974 : vector<16xf32>
      %max3A_1140 = arith.maximumf %min3A_1137, %while3A_974 : vector<16xf32>
      %min3A_1141 = arith.minimumf %max3A_1138, %while3A_976 : vector<16xf32>
      %max3A_1142 = arith.maximumf %max3A_1138, %while3A_976 : vector<16xf32>
      %sort3A_1143 = arith.constant dense<true> : vector<16xi1>
      %sort3A_1144, %sort3A_1145, %sort3A_1146 = tpu.sort %min3A_1139, %min3A_1139 masked %sort3A_1143 : (vector<16xf32>, vector<16xf32>, vector<16xi1>) -> (vector<16xi1>, vector<16xf32>, vector<16xf32>)
      %sort3A_1147 = arith.constant dense<true> : vector<16xi1>
      %sort3A_1148, %sort3A_1149, %sort3A_1150 = tpu.sort %max3A_1140, %max3A_1140 masked %sort3A_1147 : (vector<16xf32>, vector<16xf32>, vector<16xi1>) -> (vector<16xi1>, vector<16xf32>, vector<16xf32>)
      %sort3A_1151 = arith.constant dense<true> : vector<16xi1>
      %sort3A_1152, %sort3A_1153, %sort3A_1154 = tpu.sort %min3A_1141, %min3A_1141 masked %sort3A_1151 : (vector<16xf32>, vector<16xf32>, vector<16xi1>) -> (vector<16xi1>, vector<16xf32>, vector<16xf32>)
      %sort3A_1155 = arith.constant dense<true> : vector<16xi1>
      %sort3A_1156, %sort3A_1157, %sort3A_1158 = tpu.sort %max3A_1142, %max3A_1142 masked %sort3A_1155 : (vector<16xf32>, vector<16xf32>, vector<16xi1>) -> (vector<16xi1>, vector<16xf32>, vector<16xf32>)
      %add3A_1159 = arith.constant 1024 : i32
      %add3A_1160 = arith.addi %add3A_1159, %while3A_968 : i32
      %get3A_1161 = arith.index_cast %add3A_1160 : i32 to index
      %get3A_1162 = tpu.vector_load %arg7[%get3A_1161] {strides = array<i32>} : memref<2064xi32, #tpu.memory_space<vmem>>, vector<16xi32>,
      %slice3A_1163 = vector.extract_strided_slice %get3A_1162 {offsets = [0], sizes = [1], strides = [1]} : vector<16xi32> to vector<1xi32>
      %squeeze3A_1164 = vector.extract %slice3A_1163[0] : i32 from vector<1xi32>
      %jit3A_1165 = arith.constant 16 : i32
      %div3A_1166 = arith.divsi %squeeze3A_1164, %jit3A_1165 : i32
      %sign3A_1167 = arith.constant 0 : i32
      %sign3A_1168 = arith.cmpi sgt, %squeeze3A_1164, %sign3A_1167 : i32
      %sign3A_1169 = arith.extui %sign3A_1168 : i1 to i32
      %sign3A_1170 = arith.constant 0 : i32
      %sign3A_1171 = arith.cmpi slt, %squeeze3A_1164, %sign3A_1170 : i32
      %sign3A_1172 = arith.extui %sign3A_1171 : i1 to i32
      %sign3A_1173 = arith.subi %sign3A_1169, %sign3A_1172 : i32
      %sign3A_1174 = arith.constant 0 : i32
      %sign3A_1175 = arith.cmpi sgt, %jit3A_1165, %sign3A_1174 : i32
      %sign3A_1176 = arith.extui %sign3A_1175 : i1 to i32
      %sign3A_1177 = arith.constant 0 : i32
      %sign3A_1178 = arith.cmpi slt, %jit3A_1165, %sign3A_1177 : i32
      %sign3A_1179 = arith.extui %sign3A_1178 : i1 to i32
      %sign3A_1180 = arith.subi %sign3A_1176, %sign3A_1179 : i32
      %ne3A_1181 = arith.cmpi ne, %sign3A_1173, %sign3A_1180 : i32
      %rem3A_1182 = arith.remsi %squeeze3A_1164, %jit3A_1165 : i32
      %ne3A_1183 = arith.constant 0 : i32
      %ne3A_1184 = arith.cmpi ne, %rem3A_1182, %ne3A_1183 : i32
      %and3A_1185 = arith.andi %ne3A_1181, %ne3A_1184 : i1
      %sub3A_1186 = arith.constant 1 : i32
      %sub3A_1187 = arith.subi %div3A_1166, %sub3A_1186 : i32
      %select_n3A_1188 = arith.select %and3A_1185, %sub3A_1187, %div3A_1166 : i32
      %mul3A_1189 = arith.constant 256 : i32
      %mul3A_1190 = arith.muli %select_n3A_1188, %mul3A_1189 : i32
      %mul3A_1191 = arith.constant 16 : i32
      %mul3A_1192 = vector.broadcast %mul3A_1191 : i32 to vector<16xi32>
      %mul3A_1193 = arith.muli %iota3A, %mul3A_1192 : vector<16xi32>
      %add3A_1194 = vector.broadcast %mul3A_1190 : i32 to vector<16xi32>
      %add3A_1195 = arith.addi %add3A_1194, %mul3A_1193 : vector<16xi32>
      %jit3A_1196 = arith.constant 16 : i32
      %eq3A_1197 = arith.constant 0 : i32
      %eq3A_1198 = arith.cmpi eq, %jit3A_1196, %eq3A_1197 : i32
      %jit3A_1199 = arith.constant 1 : i32
      %select_n3A_1200 = arith.select %eq3A_1198, %jit3A_1199, %jit3A_1196 : i32
      %rem3A_1201 = arith.remsi %squeeze3A_1164, %select_n3A_1200 : i32
      %ne3A_1202 = arith.constant 0 : i32
      %ne3A_1203 = arith.cmpi ne, %rem3A_1201, %ne3A_1202 : i32
      %lt3A_1204 = arith.constant 0 : i32
      %lt3A_1205 = arith.cmpi slt, %rem3A_1201, %lt3A_1204 : i32
      %lt3A_1206 = arith.constant 0 : i32
      %lt3A_1207 = arith.cmpi slt, %select_n3A_1200, %lt3A_1206 : i32
      %ne3A_1208 = arith.xori %lt3A_1205, %lt3A_1207 : i1
      %and3A_1209 = arith.andi %ne3A_1208, %ne3A_1203 : i1
      %add3A_1210 = arith.addi %rem3A_1201, %select_n3A_1200 : i32
      %select_n3A_1211 = arith.select %and3A_1209, %add3A_1210, %rem3A_1201 : i32
      %add3A_1212 = vector.broadcast %select_n3A_1211 : i32 to vector<16xi32>
      %add3A_1213 = arith.addi %add3A_1195, %add3A_1212 : vector<16xi32>
      %and3A_1214 = arith.constant 32767 : i32
      %and3A_1215 = vector.broadcast %and3A_1214 : i32 to vector<16xi32>
      %and3A_1216 = arith.andi %add3A_1213, %and3A_1215 : vector<16xi32>
      %gather3A_1217 = tpu.vector_load_idx %arg5[%and3A_1216] : memref<32768xf32, #tpu.memory_space<vmem>>[vector<16xi32>], vector<16xf32>,
      %lt3A_1218 = arith.cmpi slt, %broadcast_in_dim3A_985, %broadcast_in_dim3A_779 : vector<16xi32>
      %select_n3A_1219 = arith.select %lt3A_1218, %gather3A_1217, %broadcast_in_dim3A_782 : vector<16xi1>, vector<16xf32>
      %sort3A_1220 = arith.constant dense<true> : vector<16xi1>
      %sort3A_1221, %sort3A_1222, %sort3A_1223 = tpu.sort %select_n3A_1219, %select_n3A_1219 masked %sort3A_1220 : (vector<16xf32>, vector<16xf32>, vector<16xi1>) -> (vector<16xi1>, vector<16xf32>, vector<16xf32>)
      %rev3A_1224 = arith.constant 15 : i32
      %rev3A_1225 = vector.broadcast %rev3A_1224 : i32 to vector<16xi32>
      %rev3A_1226 = tpu.iota {dimensions = array<i32: 0>} : vector<16xi32>
      %rev3A_1227 = arith.subi %rev3A_1225, %rev3A_1226 : vector<16xi32>
      %rev3A_1228 = tpu.dynamic_gather %sort3A_1222[%rev3A_1227] in [0] : vector<16xf32>, vector<16xi32> -> vector<16xf32>
      %max3A_1229 = arith.maximumf %while3A_977, %rev3A_1228 : vector<16xf32>
      %min3A_1230 = arith.minimumf %max3A_1229, %while3A_979 : vector<16xf32>
      %max3A_1231 = arith.maximumf %max3A_1229, %while3A_979 : vector<16xf32>
      %min3A_1232 = arith.minimumf %min3A_1230, %while3A_978 : vector<16xf32>
      %max3A_1233 = arith.maximumf %min3A_1230, %while3A_978 : vector<16xf32>
      %min3A_1234 = arith.minimumf %max3A_1231, %while3A_980 : vector<16xf32>
      %max3A_1235 = arith.maximumf %max3A_1231, %while3A_980 : vector<16xf32>
      %sort3A_1236 = arith.constant dense<true> : vector<16xi1>
      %sort3A_1237, %sort3A_1238, %sort3A_1239 = tpu.sort %min3A_1232, %min3A_1232 masked %sort3A_1236 : (vector<16xf32>, vector<16xf32>, vector<16xi1>) -> (vector<16xi1>, vector<16xf32>, vector<16xf32>)
      %sort3A_1240 = arith.constant dense<true> : vector<16xi1>
      %sort3A_1241, %sort3A_1242, %sort3A_1243 = tpu.sort %max3A_1233, %max3A_1233 masked %sort3A_1240 : (vector<16xf32>, vector<16xf32>, vector<16xi1>) -> (vector<16xi1>, vector<16xf32>, vector<16xf32>)
      %sort3A_1244 = arith.constant dense<true> : vector<16xi1>
      %sort3A_1245, %sort3A_1246, %sort3A_1247 = tpu.sort %min3A_1234, %min3A_1234 masked %sort3A_1244 : (vector<16xf32>, vector<16xf32>, vector<16xi1>) -> (vector<16xi1>, vector<16xf32>, vector<16xf32>)
      %sort3A_1248 = arith.constant dense<true> : vector<16xi1>
      %sort3A_1249, %sort3A_1250, %sort3A_1251 = tpu.sort %max3A_1235, %max3A_1235 masked %sort3A_1248 : (vector<16xf32>, vector<16xf32>, vector<16xi1>) -> (vector<16xi1>, vector<16xf32>, vector<16xf32>)
      %add3A_1252 = arith.constant 1536 : i32
      %add3A_1253 = arith.addi %add3A_1252, %while3A_968 : i32
      %get3A_1254 = arith.index_cast %add3A_1253 : i32 to index
      %get3A_1255 = tpu.vector_load %arg7[%get3A_1254] {strides = array<i32>} : memref<2064xi32, #tpu.memory_space<vmem>>, vector<16xi32>,
      %slice3A_1256 = vector.extract_strided_slice %get3A_1255 {offsets = [0], sizes = [1], strides = [1]} : vector<16xi32> to vector<1xi32>
      %squeeze3A_1257 = vector.extract %slice3A_1256[0] : i32 from vector<1xi32>
      %jit3A_1258 = arith.constant 16 : i32
      %div3A_1259 = arith.divsi %squeeze3A_1257, %jit3A_1258 : i32
      %sign3A_1260 = arith.constant 0 : i32
      %sign3A_1261 = arith.cmpi sgt, %squeeze3A_1257, %sign3A_1260 : i32
      %sign3A_1262 = arith.extui %sign3A_1261 : i1 to i32
      %sign3A_1263 = arith.constant 0 : i32
      %sign3A_1264 = arith.cmpi slt, %squeeze3A_1257, %sign3A_1263 : i32
      %sign3A_1265 = arith.extui %sign3A_1264 : i1 to i32
      %sign3A_1266 = arith.subi %sign3A_1262, %sign3A_1265 : i32
      %sign3A_1267 = arith.constant 0 : i32
      %sign3A_1268 = arith.cmpi sgt, %jit3A_1258, %sign3A_1267 : i32
      %sign3A_1269 = arith.extui %sign3A_1268 : i1 to i32
      %sign3A_1270 = arith.constant 0 : i32
      %sign3A_1271 = arith.cmpi slt, %jit3A_1258, %sign3A_1270 : i32
      %sign3A_1272 = arith.extui %sign3A_1271 : i1 to i32
      %sign3A_1273 = arith.subi %sign3A_1269, %sign3A_1272 : i32
      %ne3A_1274 = arith.cmpi ne, %sign3A_1266, %sign3A_1273 : i32
      %rem3A_1275 = arith.remsi %squeeze3A_1257, %jit3A_1258 : i32
      %ne3A_1276 = arith.constant 0 : i32
      %ne3A_1277 = arith.cmpi ne, %rem3A_1275, %ne3A_1276 : i32
      %and3A_1278 = arith.andi %ne3A_1274, %ne3A_1277 : i1
      %sub3A_1279 = arith.constant 1 : i32
      %sub3A_1280 = arith.subi %div3A_1259, %sub3A_1279 : i32
      %select_n3A_1281 = arith.select %and3A_1278, %sub3A_1280, %div3A_1259 : i32
      %mul3A_1282 = arith.constant 256 : i32
      %mul3A_1283 = arith.muli %select_n3A_1281, %mul3A_1282 : i32
      %mul3A_1284 = arith.constant 16 : i32
      %mul3A_1285 = vector.broadcast %mul3A_1284 : i32 to vector<16xi32>
      %mul3A_1286 = arith.muli %iota3A, %mul3A_1285 : vector<16xi32>
      %add3A_1287 = vector.broadcast %mul3A_1283 : i32 to vector<16xi32>
      %add3A_1288 = arith.addi %add3A_1287, %mul3A_1286 : vector<16xi32>
      %jit3A_1289 = arith.constant 16 : i32
      %eq3A_1290 = arith.constant 0 : i32
      %eq3A_1291 = arith.cmpi eq, %jit3A_1289, %eq3A_1290 : i32
      %jit3A_1292 = arith.constant 1 : i32
      %select_n3A_1293 = arith.select %eq3A_1291, %jit3A_1292, %jit3A_1289 : i32
      %rem3A_1294 = arith.remsi %squeeze3A_1257, %select_n3A_1293 : i32
      %ne3A_1295 = arith.constant 0 : i32
      %ne3A_1296 = arith.cmpi ne, %rem3A_1294, %ne3A_1295 : i32
      %lt3A_1297 = arith.constant 0 : i32
      %lt3A_1298 = arith.cmpi slt, %rem3A_1294, %lt3A_1297 : i32
      %lt3A_1299 = arith.constant 0 : i32
      %lt3A_1300 = arith.cmpi slt, %select_n3A_1293, %lt3A_1299 : i32
      %ne3A_1301 = arith.xori %lt3A_1298, %lt3A_1300 : i1
      %and3A_1302 = arith.andi %ne3A_1301, %ne3A_1296 : i1
      %add3A_1303 = arith.addi %rem3A_1294, %select_n3A_1293 : i32
      %select_n3A_1304 = arith.select %and3A_1302, %add3A_1303, %rem3A_1294 : i32
      %add3A_1305 = vector.broadcast %select_n3A_1304 : i32 to vector<16xi32>
      %add3A_1306 = arith.addi %add3A_1288, %add3A_1305 : vector<16xi32>
      %and3A_1307 = arith.constant 32767 : i32
      %and3A_1308 = vector.broadcast %and3A_1307 : i32 to vector<16xi32>
      %and3A_1309 = arith.andi %add3A_1306, %and3A_1308 : vector<16xi32>
      %gather3A_1310 = tpu.vector_load_idx %arg5[%and3A_1309] : memref<32768xf32, #tpu.memory_space<vmem>>[vector<16xi32>], vector<16xf32>,
      %lt3A_1311 = arith.cmpi slt, %broadcast_in_dim3A_985, %broadcast_in_dim3A_780 : vector<16xi32>
      %select_n3A_1312 = arith.select %lt3A_1311, %gather3A_1310, %broadcast_in_dim3A_782 : vector<16xi1>, vector<16xf32>
      %sort3A_1313 = arith.constant dense<true> : vector<16xi1>
      %sort3A_1314, %sort3A_1315, %sort3A_1316 = tpu.sort %select_n3A_1312, %select_n3A_1312 masked %sort3A_1313 : (vector<16xf32>, vector<16xf32>, vector<16xi1>) -> (vector<16xi1>, vector<16xf32>, vector<16xf32>)
      %rev3A_1317 = arith.constant 15 : i32
      %rev3A_1318 = vector.broadcast %rev3A_1317 : i32 to vector<16xi32>
      %rev3A_1319 = tpu.iota {dimensions = array<i32: 0>} : vector<16xi32>
      %rev3A_1320 = arith.subi %rev3A_1318, %rev3A_1319 : vector<16xi32>
      %rev3A_1321 = tpu.dynamic_gather %sort3A_1315[%rev3A_1320] in [0] : vector<16xf32>, vector<16xi32> -> vector<16xf32>
      %max3A_1322 = arith.maximumf %while3A_981, %rev3A_1321 : vector<16xf32>
      %min3A_1323 = arith.minimumf %max3A_1322, %while3A_983 : vector<16xf32>
      %max3A_1324 = arith.maximumf %max3A_1322, %while3A_983 : vector<16xf32>
      %min3A_1325 = arith.minimumf %min3A_1323, %while3A_982 : vector<16xf32>
      %max3A_1326 = arith.maximumf %min3A_1323, %while3A_982 : vector<16xf32>
      %min3A_1327 = arith.minimumf %max3A_1324, %while3A_984 : vector<16xf32>
      %max3A_1328 = arith.maximumf %max3A_1324, %while3A_984 : vector<16xf32>
      %sort3A_1329 = arith.constant dense<true> : vector<16xi1>
      %sort3A_1330, %sort3A_1331, %sort3A_1332 = tpu.sort %min3A_1325, %min3A_1325 masked %sort3A_1329 : (vector<16xf32>, vector<16xf32>, vector<16xi1>) -> (vector<16xi1>, vector<16xf32>, vector<16xf32>)
      %sort3A_1333 = arith.constant dense<true> : vector<16xi1>
      %sort3A_1334, %sort3A_1335, %sort3A_1336 = tpu.sort %max3A_1326, %max3A_1326 masked %sort3A_1333 : (vector<16xf32>, vector<16xf32>, vector<16xi1>) -> (vector<16xi1>, vector<16xf32>, vector<16xf32>)
      %sort3A_1337 = arith.constant dense<true> : vector<16xi1>
      %sort3A_1338, %sort3A_1339, %sort3A_1340 = tpu.sort %min3A_1327, %min3A_1327 masked %sort3A_1337 : (vector<16xf32>, vector<16xf32>, vector<16xi1>) -> (vector<16xi1>, vector<16xf32>, vector<16xf32>)
      %sort3A_1341 = arith.constant dense<true> : vector<16xi1>
      %sort3A_1342, %sort3A_1343, %sort3A_1344 = tpu.sort %max3A_1328, %max3A_1328 masked %sort3A_1341 : (vector<16xf32>, vector<16xf32>, vector<16xi1>) -> (vector<16xi1>, vector<16xf32>, vector<16xf32>)
      scf.yield %sort3A_1052, %sort3A_1056, %sort3A_1060, %sort3A_1064, %sort3A_1145, %sort3A_1149, %sort3A_1153, %sort3A_1157, %sort3A_1238, %sort3A_1242, %sort3A_1246, %sort3A_1250, %sort3A_1331, %sort3A_1335, %sort3A_1339, %sort3A_1343 : vector<16xf32>, vector<16xf32>, vector<16xf32>, vector<16xf32>, vector<16xf32>, vector<16xf32>, vector<16xf32>, vector<16xf32>, vector<16xf32>, vector<16xf32>, vector<16xf32>, vector<16xf32>, vector<16xf32>, vector<16xf32>, vector<16xf32>, vector<16xf32>
    }
    %rev3A_796 = arith.constant 15 : i32
    %rev3A_797 = vector.broadcast %rev3A_796 : i32 to vector<16xi32>
    %rev3A_798 = tpu.iota {dimensions = array<i32: 0>} : vector<16xi32>
    %rev3A_799 = arith.subi %rev3A_797, %rev3A_798 : vector<16xi32>
    %rev3A_800 = tpu.dynamic_gather %while3A_795#7[%rev3A_799] in [0] : vector<16xf32>, vector<16xi32> -> vector<16xf32>
    %max3A_801 = arith.maximumf %while3A_795#0, %rev3A_800 : vector<16xf32>
    %rev3A_802 = arith.constant 15 : i32
    %rev3A_803 = vector.broadcast %rev3A_802 : i32 to vector<16xi32>
    %rev3A_804 = tpu.iota {dimensions = array<i32: 0>} : vector<16xi32>
    %rev3A_805 = arith.subi %rev3A_803, %rev3A_804 : vector<16xi32>
    %rev3A_806 = tpu.dynamic_gather %while3A_795#6[%rev3A_805] in [0] : vector<16xf32>, vector<16xi32> -> vector<16xf32>
    %max3A_807 = arith.maximumf %while3A_795#1, %rev3A_806 : vector<16xf32>
    %rev3A_808 = arith.constant 15 : i32
    %rev3A_809 = vector.broadcast %rev3A_808 : i32 to vector<16xi32>
    %rev3A_810 = tpu.iota {dimensions = array<i32: 0>} : vector<16xi32>
    %rev3A_811 = arith.subi %rev3A_809, %rev3A_810 : vector<16xi32>
    %rev3A_812 = tpu.dynamic_gather %while3A_795#5[%rev3A_811] in [0] : vector<16xf32>, vector<16xi32> -> vector<16xf32>
    %max3A_813 = arith.maximumf %while3A_795#2, %rev3A_812 : vector<16xf32>
    %rev3A_814 = arith.constant 15 : i32
    %rev3A_815 = vector.broadcast %rev3A_814 : i32 to vector<16xi32>
    %rev3A_816 = tpu.iota {dimensions = array<i32: 0>} : vector<16xi32>
    %rev3A_817 = arith.subi %rev3A_815, %rev3A_816 : vector<16xi32>
    %rev3A_818 = tpu.dynamic_gather %while3A_795#4[%rev3A_817] in [0] : vector<16xf32>, vector<16xi32> -> vector<16xf32>
    %max3A_819 = arith.maximumf %while3A_795#3, %rev3A_818 : vector<16xf32>
    %min3A_820 = arith.minimumf %max3A_801, %max3A_813 : vector<16xf32>
    %max3A_821 = arith.maximumf %max3A_801, %max3A_813 : vector<16xf32>
    %min3A_822 = arith.minimumf %max3A_807, %max3A_819 : vector<16xf32>
    %max3A_823 = arith.maximumf %max3A_807, %max3A_819 : vector<16xf32>
    %min3A_824 = arith.minimumf %min3A_820, %min3A_822 : vector<16xf32>
    %max3A_825 = arith.maximumf %min3A_820, %min3A_822 : vector<16xf32>
    %min3A_826 = arith.minimumf %max3A_821, %max3A_823 : vector<16xf32>
    %max3A_827 = arith.maximumf %max3A_821, %max3A_823 : vector<16xf32>
    %sort3A_828 = arith.constant dense<true> : vector<16xi1>
    %sort3A_829, %sort3A_830, %sort3A_831 = tpu.sort %min3A_824, %min3A_824 masked %sort3A_828 : (vector<16xf32>, vector<16xf32>, vector<16xi1>) -> (vector<16xi1>, vector<16xf32>, vector<16xf32>)
    %sort3A_832 = arith.constant dense<true> : vector<16xi1>
    %sort3A_833, %sort3A_834, %sort3A_835 = tpu.sort %max3A_825, %max3A_825 masked %sort3A_832 : (vector<16xf32>, vector<16xf32>, vector<16xi1>) -> (vector<16xi1>, vector<16xf32>, vector<16xf32>)
    %sort3A_836 = arith.constant dense<true> : vector<16xi1>
    %sort3A_837, %sort3A_838, %sort3A_839 = tpu.sort %min3A_826, %min3A_826 masked %sort3A_836 : (vector<16xf32>, vector<16xf32>, vector<16xi1>) -> (vector<16xi1>, vector<16xf32>, vector<16xf32>)
    %sort3A_840 = arith.constant dense<true> : vector<16xi1>
    %sort3A_841, %sort3A_842, %sort3A_843 = tpu.sort %max3A_827, %max3A_827 masked %sort3A_840 : (vector<16xf32>, vector<16xf32>, vector<16xi1>) -> (vector<16xi1>, vector<16xf32>, vector<16xf32>)
    %rev3A_844 = arith.constant 15 : i32
    %rev3A_845 = vector.broadcast %rev3A_844 : i32 to vector<16xi32>
    %rev3A_846 = tpu.iota {dimensions = array<i32: 0>} : vector<16xi32>
    %rev3A_847 = arith.subi %rev3A_845, %rev3A_846 : vector<16xi32>
    %rev3A_848 = tpu.dynamic_gather %while3A_795#15[%rev3A_847] in [0] : vector<16xf32>, vector<16xi32> -> vector<16xf32>
    %max3A_849 = arith.maximumf %while3A_795#8, %rev3A_848 : vector<16xf32>
    %rev3A_850 = arith.constant 15 : i32
    %rev3A_851 = vector.broadcast %rev3A_850 : i32 to vector<16xi32>
    %rev3A_852 = tpu.iota {dimensions = array<i32: 0>} : vector<16xi32>
    %rev3A_853 = arith.subi %rev3A_851, %rev3A_852 : vector<16xi32>
    %rev3A_854 = tpu.dynamic_gather %while3A_795#14[%rev3A_853] in [0] : vector<16xf32>, vector<16xi32> -> vector<16xf32>
    %max3A_855 = arith.maximumf %while3A_795#9, %rev3A_854 : vector<16xf32>
    %rev3A_856 = arith.constant 15 : i32
    %rev3A_857 = vector.broadcast %rev3A_856 : i32 to vector<16xi32>
    %rev3A_858 = tpu.iota {dimensions = array<i32: 0>} : vector<16xi32>
    %rev3A_859 = arith.subi %rev3A_857, %rev3A_858 : vector<16xi32>
    %rev3A_860 = tpu.dynamic_gather %while3A_795#13[%rev3A_859] in [0] : vector<16xf32>, vector<16xi32> -> vector<16xf32>
    %max3A_861 = arith.maximumf %while3A_795#10, %rev3A_860 : vector<16xf32>
    %rev3A_862 = arith.constant 15 : i32
    %rev3A_863 = vector.broadcast %rev3A_862 : i32 to vector<16xi32>
    %rev3A_864 = tpu.iota {dimensions = array<i32: 0>} : vector<16xi32>
    %rev3A_865 = arith.subi %rev3A_863, %rev3A_864 : vector<16xi32>
    %rev3A_866 = tpu.dynamic_gather %while3A_795#12[%rev3A_865] in [0] : vector<16xf32>, vector<16xi32> -> vector<16xf32>
    %max3A_867 = arith.maximumf %while3A_795#11, %rev3A_866 : vector<16xf32>
    %min3A_868 = arith.minimumf %max3A_849, %max3A_861 : vector<16xf32>
    %max3A_869 = arith.maximumf %max3A_849, %max3A_861 : vector<16xf32>
    %min3A_870 = arith.minimumf %max3A_855, %max3A_867 : vector<16xf32>
    %max3A_871 = arith.maximumf %max3A_855, %max3A_867 : vector<16xf32>
    %min3A_872 = arith.minimumf %min3A_868, %min3A_870 : vector<16xf32>
    %max3A_873 = arith.maximumf %min3A_868, %min3A_870 : vector<16xf32>
    %min3A_874 = arith.minimumf %max3A_869, %max3A_871 : vector<16xf32>
    %max3A_875 = arith.maximumf %max3A_869, %max3A_871 : vector<16xf32>
    %sort3A_876 = arith.constant dense<true> : vector<16xi1>
    %sort3A_877, %sort3A_878, %sort3A_879 = tpu.sort %min3A_872, %min3A_872 masked %sort3A_876 : (vector<16xf32>, vector<16xf32>, vector<16xi1>) -> (vector<16xi1>, vector<16xf32>, vector<16xf32>)
    %sort3A_880 = arith.constant dense<true> : vector<16xi1>
    %sort3A_881, %sort3A_882, %sort3A_883 = tpu.sort %max3A_873, %max3A_873 masked %sort3A_880 : (vector<16xf32>, vector<16xf32>, vector<16xi1>) -> (vector<16xi1>, vector<16xf32>, vector<16xf32>)
    %sort3A_884 = arith.constant dense<true> : vector<16xi1>
    %sort3A_885, %sort3A_886, %sort3A_887 = tpu.sort %min3A_874, %min3A_874 masked %sort3A_884 : (vector<16xf32>, vector<16xf32>, vector<16xi1>) -> (vector<16xi1>, vector<16xf32>, vector<16xf32>)
    %sort3A_888 = arith.constant dense<true> : vector<16xi1>
    %sort3A_889, %sort3A_890, %sort3A_891 = tpu.sort %max3A_875, %max3A_875 masked %sort3A_888 : (vector<16xf32>, vector<16xf32>, vector<16xi1>) -> (vector<16xi1>, vector<16xf32>, vector<16xf32>)
    %rev3A_892 = arith.constant 15 : i32
    %rev3A_893 = vector.broadcast %rev3A_892 : i32 to vector<16xi32>
    %rev3A_894 = tpu.iota {dimensions = array<i32: 0>} : vector<16xi32>
    %rev3A_895 = arith.subi %rev3A_893, %rev3A_894 : vector<16xi32>
    %rev3A_896 = tpu.dynamic_gather %sort3A_890[%rev3A_895] in [0] : vector<16xf32>, vector<16xi32> -> vector<16xf32>
    %max3A_897 = arith.maximumf %sort3A_830, %rev3A_896 : vector<16xf32>
    %rev3A_898 = arith.constant 15 : i32
    %rev3A_899 = vector.broadcast %rev3A_898 : i32 to vector<16xi32>
    %rev3A_900 = tpu.iota {dimensions = array<i32: 0>} : vector<16xi32>
    %rev3A_901 = arith.subi %rev3A_899, %rev3A_900 : vector<16xi32>
    %rev3A_902 = tpu.dynamic_gather %sort3A_886[%rev3A_901] in [0] : vector<16xf32>, vector<16xi32> -> vector<16xf32>
    %max3A_903 = arith.maximumf %sort3A_834, %rev3A_902 : vector<16xf32>
    %rev3A_904 = arith.constant 15 : i32
    %rev3A_905 = vector.broadcast %rev3A_904 : i32 to vector<16xi32>
    %rev3A_906 = tpu.iota {dimensions = array<i32: 0>} : vector<16xi32>
    %rev3A_907 = arith.subi %rev3A_905, %rev3A_906 : vector<16xi32>
    %rev3A_908 = tpu.dynamic_gather %sort3A_882[%rev3A_907] in [0] : vector<16xf32>, vector<16xi32> -> vector<16xf32>
    %max3A_909 = arith.maximumf %sort3A_838, %rev3A_908 : vector<16xf32>
    %rev3A_910 = arith.constant 15 : i32
    %rev3A_911 = vector.broadcast %rev3A_910 : i32 to vector<16xi32>
    %rev3A_912 = tpu.iota {dimensions = array<i32: 0>} : vector<16xi32>
    %rev3A_913 = arith.subi %rev3A_911, %rev3A_912 : vector<16xi32>
    %rev3A_914 = tpu.dynamic_gather %sort3A_878[%rev3A_913] in [0] : vector<16xf32>, vector<16xi32> -> vector<16xf32>
    %max3A_915 = arith.maximumf %sort3A_842, %rev3A_914 : vector<16xf32>
    %min3A_916 = arith.minimumf %max3A_897, %max3A_909 : vector<16xf32>
    %max3A_917 = arith.maximumf %max3A_897, %max3A_909 : vector<16xf32>
    %min3A_918 = arith.minimumf %max3A_903, %max3A_915 : vector<16xf32>
    %max3A_919 = arith.maximumf %max3A_903, %max3A_915 : vector<16xf32>
    %min3A_920 = arith.minimumf %min3A_916, %min3A_918 : vector<16xf32>
    %max3A_921 = arith.maximumf %min3A_916, %min3A_918 : vector<16xf32>
    %min3A_922 = arith.minimumf %max3A_917, %max3A_919 : vector<16xf32>
    %max3A_923 = arith.maximumf %max3A_917, %max3A_919 : vector<16xf32>
    %sort3A_924 = arith.constant dense<true> : vector<16xi1>
    %sort3A_925, %sort3A_926, %sort3A_927 = tpu.sort %min3A_920, %min3A_920 masked %sort3A_924 : (vector<16xf32>, vector<16xf32>, vector<16xi1>) -> (vector<16xi1>, vector<16xf32>, vector<16xf32>)
    %sort3A_928 = arith.constant dense<true> : vector<16xi1>
    %sort3A_929, %sort3A_930, %sort3A_931 = tpu.sort %max3A_921, %max3A_921 masked %sort3A_928 : (vector<16xf32>, vector<16xf32>, vector<16xi1>) -> (vector<16xi1>, vector<16xf32>, vector<16xf32>)
    %sort3A_932 = arith.constant dense<true> : vector<16xi1>
    %sort3A_933, %sort3A_934, %sort3A_935 = tpu.sort %min3A_922, %min3A_922 masked %sort3A_932 : (vector<16xf32>, vector<16xf32>, vector<16xi1>) -> (vector<16xi1>, vector<16xf32>, vector<16xf32>)
    %sort3A_936 = arith.constant dense<true> : vector<16xi1>
    %sort3A_937, %sort3A_938, %sort3A_939 = tpu.sort %max3A_923, %max3A_923 masked %sort3A_936 : (vector<16xf32>, vector<16xf32>, vector<16xi1>) -> (vector<16xi1>, vector<16xf32>, vector<16xf32>)
    %rev3A_940 = arith.constant 15 : i32
    %rev3A_941 = vector.broadcast %rev3A_940 : i32 to vector<16xi32>
    %rev3A_942 = tpu.iota {dimensions = array<i32: 0>} : vector<16xi32>
    %rev3A_943 = arith.subi %rev3A_941, %rev3A_942 : vector<16xi32>
    %rev3A_944 = tpu.dynamic_gather %sort3A_938[%rev3A_943] in [0] : vector<16xf32>, vector<16xi32> -> vector<16xf32>
    %swap3A_945 = arith.constant 0 : index
    %swap3A_946 = tpu.vector_load %arg8[%swap3A_945] {strides = array<i32>} : memref<64xf32, #tpu.memory_space<vmem>>, vector<16xf32>,
    tpu.vector_store %arg8[%swap3A_945], %rev3A_944 {strides = array<i32>} : memref<64xf32, #tpu.memory_space<vmem>>, vector<16xf32>,
    %rev3A_947 = arith.constant 15 : i32
    %rev3A_948 = vector.broadcast %rev3A_947 : i32 to vector<16xi32>
    %rev3A_949 = tpu.iota {dimensions = array<i32: 0>} : vector<16xi32>
    %rev3A_950 = arith.subi %rev3A_948, %rev3A_949 : vector<16xi32>
    %rev3A_951 = tpu.dynamic_gather %sort3A_934[%rev3A_950] in [0] : vector<16xf32>, vector<16xi32> -> vector<16xf32>
    %swap3A_952 = arith.constant 16 : index
    %swap3A_953 = tpu.vector_load %arg8[%swap3A_952] {strides = array<i32>} : memref<64xf32, #tpu.memory_space<vmem>>, vector<16xf32>,
    tpu.vector_store %arg8[%swap3A_952], %rev3A_951 {strides = array<i32>} : memref<64xf32, #tpu.memory_space<vmem>>, vector<16xf32>,
    %rev3A_954 = arith.constant 15 : i32
    %rev3A_955 = vector.broadcast %rev3A_954 : i32 to vector<16xi32>
    %rev3A_956 = tpu.iota {dimensions = array<i32: 0>} : vector<16xi32>
    %rev3A_957 = arith.subi %rev3A_955, %rev3A_956 : vector<16xi32>
    %rev3A_958 = tpu.dynamic_gather %sort3A_930[%rev3A_957] in [0] : vector<16xf32>, vector<16xi32> -> vector<16xf32>
    %swap3A_959 = arith.constant 32 : index
    %swap3A_960 = tpu.vector_load %arg8[%swap3A_959] {strides = array<i32>} : memref<64xf32, #tpu.memory_space<vmem>>, vector<16xf32>,
    tpu.vector_store %arg8[%swap3A_959], %rev3A_958 {strides = array<i32>} : memref<64xf32, #tpu.memory_space<vmem>>, vector<16xf32>,
    %rev3A_961 = arith.constant 15 : i32
    %rev3A_962 = vector.broadcast %rev3A_961 : i32 to vector<16xi32>
    %rev3A_963 = tpu.iota {dimensions = array<i32: 0>} : vector<16xi32>
    %rev3A_964 = arith.subi %rev3A_962, %rev3A_963 : vector<16xi32>
    %rev3A_965 = tpu.dynamic_gather %sort3A_926[%rev3A_964] in [0] : vector<16xf32>, vector<16xi32> -> vector<16xf32>
    %swap3A_966 = arith.constant 48 : index
    %swap3A_967 = tpu.vector_load %arg8[%swap3A_966] {strides = array<i32>} : memref<64xf32, #tpu.memory_space<vmem>>, vector<16xf32>,
    tpu.vector_store %arg8[%swap3A_966], %rev3A_965 {strides = array<i32>} : memref<64xf32, #tpu.memory_space<vmem>>, vector<16xf32>,
    "tpu.region"() ({
      %run_scoped3A = tpu.sem_alloc : memref<!tpu.dma_semaphore, #tpu.memory_space<semaphore_mem>>
      %dma_start3A_968 = arith.constant 0 : i32
      %dma_start3A_969 = tpu.memref_slice %arg3[%add3A_493, %dma_start3A_968] : memref<64x64xf32, #tpu.memory_space<hbm>> -> memref<1x64xf32, #tpu.memory_space<hbm>>
      %dma_start3A_970 = tpu.memref_squeeze %dma_start3A_969 : memref<1x64xf32, #tpu.memory_space<hbm>> -> memref<64xf32, #tpu.memory_space<hbm>>
      %dma_start3A_971 = arith.constant 0 : i32
      %dma_start3A_972 = tpu.memref_slice %arg3[%add3A_493, %dma_start3A_971] : memref<64x64xf32, #tpu.memory_space<hbm>> -> memref<1x64xf32, #tpu.memory_space<hbm>>
      %dma_start3A_973 = tpu.memref_squeeze %dma_start3A_972 : memref<1x64xf32, #tpu.memory_space<hbm>> -> memref<64xf32, #tpu.memory_space<hbm>>
      tpu.enqueue_dma source(%arg8 : memref<64xf32, #tpu.memory_space<vmem>>) target(%dma_start3A_973 : memref<64xf32, #tpu.memory_space<hbm>>) target_semaphore(%run_scoped3A : memref<!tpu.dma_semaphore, #tpu.memory_space<semaphore_mem>>)
      %dma_wait3A_974 = arith.constant 0 : i32
      %dma_wait3A_975 = tpu.memref_slice %arg3[%add3A_493, %dma_wait3A_974] : memref<64x64xf32, #tpu.memory_space<hbm>> -> memref<1x64xf32, #tpu.memory_space<hbm>>
      %dma_wait3A_976 = tpu.memref_squeeze %dma_wait3A_975 : memref<1x64xf32, #tpu.memory_space<hbm>> -> memref<64xf32, #tpu.memory_space<hbm>>
      %dma_wait3A_977 = arith.constant 0 : i32
      %dma_wait3A_978 = tpu.memref_slice %arg3[%add3A_493, %dma_wait3A_977] : memref<64x64xf32, #tpu.memory_space<hbm>> -> memref<1x64xf32, #tpu.memory_space<hbm>>
      %dma_wait3A_979 = tpu.memref_squeeze %dma_wait3A_978 : memref<1x64xf32, #tpu.memory_space<hbm>> -> memref<64xf32, #tpu.memory_space<hbm>>
      tpu.wait_dma2 semaphore(%run_scoped3A : memref<!tpu.dma_semaphore, #tpu.memory_space<semaphore_mem>>) src(%arg8 : memref<64xf32, #tpu.memory_space<vmem>>) dst(%dma_wait3A_979 : memref<64xf32, #tpu.memory_space<hbm>>)
      tpu.yield
    }) : () -> ()
    return
  }
}

</mosaic_0001>

<sc_bundles>
// kernel: kernel.3.cloned.1.call-start
scs
__scs_entry_jumppad:
0x0: {  	(pc) =	sbr.rel $0x88, $3  }
0x1: {  	(tag) =	ssettag $0x0;
	lr =	simm.s32 $0x1  }
0x2: {  	[smem:$0x3FA0] =	sst lr;
	_ =	strace $0xD0000000  }
0x3: {  	_ = 	snop  }
0x4: {  	_ = 	snop  }
0x5: {  	_ = 	snop  }
0x6: {  	_ = 	snop  }
0x7: {  	_ = 	snop  }
__scs_overlays_trampoline_lowered:
0x8: {  	[smem:$0x3FAF] =	sst s0  }
0x9: {  	[smem:$0x3FB0] =	sst s1  }
0xa: {  	[smem:$0x3FB1] =	sst s2  }
0xb: {  	[smem:$0x3FB2] =	sst s3  }
0xc: {  	[smem:$0x3FB3] =	sst s4  }
0xd: {  	[smem:$0x3FB4] =	sst s5  }
0xe: {  	[smem:$0x3FB5] =	sst s6  }
0xf: {  	[smem:$0x3FB6] =	sst s7  }
0x10: {  	[smem:$0x3FB7] =	sst s8  }
0x11: {  	[smem:$0x3FB8] =	sst s9;
	s0 =	simm.s32 @!p0 $0x0  }
0x12: {  	s1 =	sld [smem:$0x3F9E];
	s0 =	simm.s32 @p0 $0x1  }
0x13: {  	[smem:$0x3FB9] =	sst s0;
	s0 =	simm.s32 @!p1 $0x0  }
0x14: {  	s2 =	sld [smem:$0x3F9D];
	s0 =	simm.s32 @p1 $0x1  }
0x15: {  	[smem:$0x3FBA] =	sst s0;
	s0 =	simm.s32 @!p2 $0x0  }
0x16: {  	s3 =	sld [smem:$0x3FDB];
	s0 =	simm.s32 @p2 $0x1  }
0x17: {  	s4 =	simm.s32 $0x1BF5;
	[smem:$0x3FBC] =	sst s0  }
0x18: {  	s0 =	sld [smem:$0x3F9F];
	_ =	swait.ge [sflag:s4], $0x0  }
0x19: {  	s7 =	sld [smem:$0x3FA0]  }
0x1a: {  	s8 =	sadd.s32 $0xFFFFE003, lr  }
0x1b: {  	s9 =	sadd.s32 $0xFFFFFEF7, lr;
	s5 =	simm.s32 $0xFFFFFFFF;
	p2 =	slt.u32 s8, $0xFFFFF086  }
0x1c: {  	p1 =	slt.u32 s9, $0xF7A;
	s5 =	simm.s32 @!p2 $0x0  }
0x1d: {  	s5 =	simm.s32 @p1 $0x1;
	p0 =	seq.s32 s7, s2  }
0x1e: {  	s7 =	smul.u32 @!p0 $0xF7A, s2;
	p2 =	seq.s32 @!p0 s5, $0x0  }
0x1f: {  	s9 =	smul.u32 $0xF7A, s1;
	s8 =	simm.s32 @!p0 $0x1BF5;
	p2 =	por !p2, p0  }
0x20: {  	[sflag:s8] =	ssyncset.s32 @!p0 $0xFFFFF086;
	s6 =	sadd.s32 @!p0 s3, s7;
	s7 =	simm.s32 @!p0 $0x108  }
0x21: {  	s3 =	sadd.s32 s3, s9;
	s6 =	sadd.s32 @!p0 $0x88, s6;
	s7 =	simm.s32 @p2 $0x1082  }
0x22: {  	[simem:s7], [sflag:s8] =	dma.local @!p0 [hbm:s6], $0xF7A  }
0x23: {  	s9 =	sor.u32 $0xD0000000, s2;
	s6 =	simm.s32 $0x108;
	_ =	swait.ge @!p0 [sflag:s8], $0x0  }
0x24: {  	s3 =	sadd.s32 $0x88, s3;
	s6 =	simm.s32 @!p1 $0x1082;
	[sflag:s4] =	ssyncset.s32 $0xFFFFF086  }
0x25: {  	[simem:s6], [sflag:s4] =	dma.local [hbm:s3], $0xF7A  }
0x26: {  	[smem:$0x3FA0] =	sst s1;
	(tag) =	ssettag s2;
	_ =	strace s9  }
0x27: {  	s1 =	sld [smem:$0x3FB0]  }
0x28: {  	s2 =	sld [smem:$0x3FB1]  }
0x29: {  	s4 =	sld [smem:$0x3FB3]  }
0x2a: {  	p0 =	seq.s32 s5, $0x0;
	s5 =	sld [smem:$0x3FB4]  }
0x2b: {  	s6 =	sld [smem:$0x3FB5]  }
0x2c: {  	s7 =	sld [smem:$0x3FB6]  }
0x2d: {  	s3 =	simm.s32 $0x108;
	s8 =	sld [smem:$0x3FB7]  }
0x2e: {  	s3 =	simm.s32 @!p0 $0x1082;
	s9 =	sld [smem:$0x3FB8]  }
0x2f: {  	lr =	sadd.s32 s0, s3;
	s0 =	sld [smem:$0x3FAF]  }
0x30: {  	s3 =	sld [smem:$0x3FB2]  }
0x31: {  	[smem:$0x3FBB] =	sst s10  }
0x32: {  	s10 =	sld [smem:$0x3FB9];
	_ =	sdelay $0x3  }
0x33: {  	p0 =	seq.s32 s10, $0x1;
	s10 =	sld [smem:$0x3FBB];
	_ =	sdelay $0x3  }
0x34: {  	[smem:$0x3FBB] =	sst s10  }
0x35: {  	s10 =	sld [smem:$0x3FBA];
	_ =	sdelay $0x3  }
0x36: {  	p1 =	seq.s32 s10, $0x1;
	s10 =	sld [smem:$0x3FBB];
	_ =	sdelay $0x3  }
0x37: {  	[smem:$0x3FBB] =	sst s10  }
0x38: {  	s10 =	sld [smem:$0x3FBC]  }
0x39: {  	_ = 	snop;
	(pc) =	sbr.ind lr, $3  }
0x3a: {  	_ = 	snop  }
0x3b: {  	_ = 	snop  }
0x3c: {  	p2 =	seq.s32 s10, $0x1;
	s10 =	sld [smem:$0x3FBB]  }
0x3d: {  	_ =	shalt  }
0x3e: {  	_ =	shalt  }
0x3f: {  	_ =	shalt  }
0x40: {  	_ =	shalt  }
0x41: {  	_ =	shalt  }
0x42: {  	_ =	shalt  }
0x43: {  	_ =	shalt  }
0x44: {  	_ =	shalt  }
0x45: {  	_ =	shalt  }
0x46: {  	_ =	shalt  }
0x47: {  	_ =	shalt  }
0x48: {  	_ =	shalt  }
0x49: {  	_ =	shalt  }
0x4a: {  	_ =	shalt  }
0x4b: {  	_ =	shalt  }
0x4c: {  	_ =	shalt  }
0x4d: {  	_ =	shalt  }
0x4e: {  	_ =	shalt  }
0x4f: {  	_ =	shalt  }
0x50: {  	_ =	shalt  }
0x51: {  	_ =	shalt  }
0x52: {  	_ =	shalt  }
0x53: {  	_ =	shalt  }
0x54: {  	_ =	shalt  }
0x55: {  	_ =	shalt  }
0x56: {  	_ =	shalt  }
0x57: {  	_ =	shalt  }
0x58: {  	_ =	shalt  }
0x59: {  	_ =	shalt  }
0x5a: {  	_ =	shalt  }
0x5b: {  	_ =	shalt  }
0x5c: {  	_ =	shalt  }
0x5d: {  	_ =	shalt  }
0x5e: {  	_ =	shalt  }
0x5f: {  	_ =	shalt  }
0x60: {  	_ =	shalt  }
0x61: {  	_ =	shalt  }
0x62: {  	_ =	shalt  }
0x63: {  	_ =	shalt  }
0x64: {  	_ =	shalt  }
0x65: {  	_ =	shalt  }
0x66: {  	_ =	shalt  }
0x67: {  	_ =	shalt  }
0x68: {  	_ =	shalt  }
0x69: {  	_ =	shalt  }
0x6a: {  	_ =	shalt  }
0x6b: {  	_ =	shalt  }
0x6c: {  	_ =	shalt  }
0x6d: {  	_ =	shalt  }
0x6e: {  	_ =	shalt  }
0x6f: {  	_ =	shalt  }
0x70: {  	_ =	shalt  }
0x71: {  	_ =	shalt  }
0x72: {  	_ =	shalt  }
0x73: {  	_ =	shalt  }
0x74: {  	_ =	shalt  }
0x75: {  	_ =	shalt  }
0x76: {  	_ =	shalt  }
0x77: {  	_ =	shalt  }
0x78: {  	_ =	shalt  }
0x79: {  	_ =	shalt  }
0x7a: {  	_ =	shalt  }
0x7b: {  	_ =	shalt  }
0x7c: {  	_ =	shalt  }
0x7d: {  	_ =	shalt  }
0x7e: {  	_ =	shalt  }
0x7f: {  	_ =	shalt  }
0x80: {  	_ =	shalt  }
0x81: {  	_ =	shalt  }
0x82: {  	_ =	shalt  }
0x83: {  	_ =	shalt  }
0x84: {  	_ =	shalt  }
0x85: {  	_ =	shalt  }
0x86: {  	_ =	shalt  }
0x87: {  	_ =	shalt  }
.Lfunc_end0:
.L_simem_size_0:
called_computation_lowered:
.L_overlay_start_0:
0x88: {  	s2 =	sld [smem:$0x3FD9]  }
0x89: {  	s3 =	sld [smem:$0x3FFE];
	_ =	sdelay $0x1  }
0x8a: {  	s1 =	srdreg.scid  }
0x8b: {  	s0 =	sand.u32 $0x1, s1  }
0x8c: {  	s17 =	sshll.u32 s0, $0xA;
	s2 =	sadd.s32 s3, s2  }
0x8d: {  	s2 =	sadd.s32 s2, s17  }
0x8e: {  	[smem:$0x3FC7] =	sst s2  }
0x8f: {  	_ = 	snop  }
0x90: {  	s2 =	sld [smem:$0x3FC9];
	(tm) =	ssettm $0x1  }
0x91: {  	s18 =	sld [smem:$0x3FFB];
	_ =	sdelay $0x3  }
0x92: {  	_ =	strace s18  }
0x93: {  	s3 =	sld [smem:$0x3FFC];
	_ =	sdelay $0x3  }
0x94: {  	_ =	strace s3  }
0x95: {  	s3 =	sld [smem:$0x3FFD];
	_ =	sdelay $0x3  }
0x96: {  	_ =	strace s3  }
0x97: {  	_ =	strace $0x8FFFFFFF  }
0x98: {  	s19 =	sld [smem:$0x3FDB];
	_ =	sdelay $0x1  }
0x99: {  	s4 =	simm.s32 $_scs_section_size  }
0x9a: {  	s5 =	simm.s32 $_size__tile_overlayer_lowered;
	s6 =	simm.s32 $_tile_overlayer_lowered  }
0x9b: {  	s22 =	simm.s32 $0x1BFF;
	s21 =	sshll.u32 s6, $0x1;
	s3 =	sadd.s32 s4, s19  }
0x9c: {  	s7 =	simm.s32 $0x0;
	s20 =	sshll.u32 s5, $0x1;
	s5 =	sadd.s32 s21, s3  }
0x9d: {  	[timem:s7], [sflag:s22] =	dma.local [hbm:s5], s20  }
0x9e: {  	_ =	swait.ge [sflag:s22], s20  }
0x9f: {  	s4 =	ssub.s32 $0x0, s20;
	[sflag:s22] =	ssyncset.done $0x0  }
0xa0: {  	[sflag:s22] =	ssyncadd.s32 s4;
	_ =	sdelay $0x1  }
0xa1: {  	s23 =	simm.s32 $0x1B8B  }
0xa2: {  	_ =	swait.ge [sflag:s23], $0x1  }
0xa3: {  	[sflag:s23] =	ssyncset.done $0x0  }
0xa4: {  	s25 =	simm.s32 $0x1B8E;
	s24 =	sld [smem:$0x3FFE];
	[sflag:s23] =	ssyncadd.s32 $0xFFFFFFFF  }
0xa5: {  	s26 =	simm.s32 $execute0_lowered;
	[smem:$0x3FD2] =	sst s25  }
0xa6: {  	s5 =	sshll.u32 s26, $0x1;
	_ =	strace $0x80000046;
	[dreg:$0x1] =	wrdreg $0xFFFFFFFF  }
0xa7: {  	s28 =	simm.s32 $_size_execute0_lowered;
	s3 =	sadd.s32 s3, s5;
	[dreg:$0x0] =	wrdreg $0x0  }
0xa8: {  	s5 =	sshll.u32 s28, $0x1;
	[dreg:$0x2] =	wrdreg s3  }
0xa9: {  	[dreg:$0x3] =	wrdreg s5  }
0xaa: {  	[dreg:$0x4] =	wrdreg $0xC0  }
0xab: {  	_ =	task [dreg:s7], $0x5FFFF  }
0xac: {  	[dreg:$0x1] =	wrdreg $0xFFFFFFFF  }
0xad: {  	[dreg:$0x0] =	wrdreg $0x60  }
0xae: {  	[dreg:$0x2] =	wrdreg s2  }
0xaf: {  	[dreg:$0x3] =	wrdreg s24  }
0xb0: {  	[dreg:$0x4] =	wrdreg $0x9  }
0xb1: {  	_ =	task.clear_ibuf [dreg:s7], $0x5FFFF;
	_ =	strace $0x90000046  }
0xb2: {  	s29 =	simm.s32 $0x9;
	_ =	strace $0x80000048  }
0xb3: {  	_ =	swait.ge [sflag:s29], $0x1  }
0xb4: {  	[sflag:s29] =	ssyncadd.s32 $0xFFFFFFFF  }
0xb5: {  	_ =	strace $0x90000048  }
0xb6: {  	_ =	sfence  }
0xb7: {  	s30 =	sld [smem:$0x0];
	_ =	sdelay $0x2  }
0xb8: {  	s31 =	sshll.u32 s1, $0xD;
	s1 =	sshrl.u32 s1, $0x2  }
0xb9: {  	s3 =	sand.u32 $0x4000, s31;
	s1 =	sadd.s32 s1, s30  }
0xba: {  	s0 =	sor.u32 s3, s0;
	s1 =	sshll.u32 s1, $0x11  }
0xbb: {  	s0 =	sor.u32 s1, s0  }
0xbc: {  	s0 =	sadd.s32 $0x8F2B, s0  }
0xbd: {  	[sflag:s0] =	ssyncadd.remote.s32 $0x1  }
0xbe: {  	_ =	sfence.sel $0xFFFF  }
0xbf: {  	[dreg:$0x0] =	wrdreg $0xFFFFFFFF;
	(pc) =	sbr.abs _section_cstart, $3  }
0xc0: {  	[dreg:$0x1] =	wrdreg $0xFFFFFFFF  }
0xc1: {  	_ =	task.clear_ibuf [dreg:s7], $0x2FFFF;
	_ =	strace $0x9FFFFFFF  }
0xc2: {  	(tm) =	ssettm $0x7FFFFFFF  }
0xc3: {  	_ =	shalt  }
tec
execute0_lowered:
.L_overlay_start_1:
0x0: {  	(tag) =	ssettag $0x1  }
0x1: {  	s4 =	rddreg [dreg:$0x0]  }
0x2: {  	s3 =	rddreg [dreg:$0x1];
	s2 =	simm.s32 $0x0;
	s5 =	srdreg.scid  }
0x3: {  	s0 =	stileid.u32;
	s12 =	simm.s32 $0x3;
	s13 =	simm.s32 $0x2  }
0x4: {  	s14 =	simm.s32 $0x0;
	[smem:$0x7FF] =	sst s2;
	s5 =	sand.u32 $0x1, s5  }
0x5: {  	s7 =	sshll.u32 s0, $0x9;
	s8 =	sshrl.u32 s0, $0x1;
	s10 =	sadd.s32 $0x400, s3  }
0x6: {  	_ =	strace $0x80000047;
	s6 =	ssub.s32 $0x2, s5;
	s5 =	sshll.u32 s5, $0x8  }
0x7: {  	s7 =	sand.u32 $0x200, s7;
	s28 =	sshll.u32 s8, $0x12;
	s9 =	sshrl.u32 s6, $0x1  }
0x8: {  	s8 =	sshll.u32 s8, $0xA;
	s5 =	sor.u32 s5, s7;
	s9 =	ssub.s32 s6, s9  }
0x9: {  	s29 =	sor.u32 s28, s5;
	s30 =	sor.u32 $0x80, s5;
	s5 =	sor.u32 s8, s5  }
.Ltmp0:
0xa: {  	s3 =	sshrl.u32 s29, $0x3;
	s7 =	sor.u32 s28, s30;
	(pc) =	sbr.rel .LBB2_1-.Ltmp0, $4  }
0xb: {  	v0 =	vlaneseq.u32;
	s5 =	sshrl.u32 s5, $0x3;
	s6 =	sor.u32 s8, s30;
	s31 =	sadd.s32 s4, s3  }
0xc: {  	v1 =	vmul.u32 $0xFFFFFFFF, v0;
	s7 =	sshrl.u32 s7, $0x3;
	s5 =	sadd.s32 s10, s5;
	s6 =	sshrl.u32 s6, $0x3  }
0xd: {  	[dreg:$0x3] =	wrdreg s31;
	s4 =	sadd.s32 s4, s7;
	s6 =	sadd.s32 s10, s6  }
0xe: {  	v2 =	vimm.s32 $0x0;
	v1 =	vadd.s32 $0xF, v1;
	s7 =	smax.u32 s9, $0x1;
	s9 =	simm.s32 $0x8000;
	s10 =	simm.s32 $0x1  }
.LBB2_22:
0xf: {  	v12 =	vimm.f32 $-Inf;
	v14 =	vimm.f32 $-Inf;
	v15 =	vimm.f32 $-Inf  }
0x10: {  	v13 =	vimm.f32 $-Inf;
	v16 =	vimm.f32 $-Inf;
	v17 =	vimm.f32 $-Inf  }
0x11: {  	v18 =	vimm.f32 $-Inf;
	v9 =	vimm.f32 $-Inf;
	v8 =	vimm.f32 $-Inf  }
0x12: {  	v10 =	vimm.f32 $-Inf;
	v6 =	vimm.f32 $-Inf;
	v5 =	vimm.f32 $-Inf  }
0x13: {  	v4 =	vimm.f32 $-Inf;
	v7 =	vimm.f32 $-Inf;
	v11 =	vimm.f32 $-Inf  }
.LBB2_34:
0x14: {  	v18 =	vperm.xlane v18, v1;
	v17 =	vperm.xlane v17, v1  }
0x15: {  	v16 =	vperm.xlane v16, v1;
	v13 =	vperm.xlane v13, v1  }
0x16: {  	v11 =	vperm.xlane v11, v1;
	v7 =	vperm.xlane v7, v1  }
0x17: {  	v4 =	vperm.xlane v4, v1;
	v5 =	vperm.xlane v5, v1  }
0x18: {  	v3 =	vmax.f32 v3, v18;
	v12 =	vmax.f32 v12, v17;
	v14 =	vmax.f32 v14, v16  }
0x19: {  	v13 =	vmax.f32 v15, v13;
	v9 =	vmax.f32 v9, v11;
	v7 =	vmax.f32 v8, v7  }
0x1a: {  	v4 =	vmax.f32 v10, v4;
	v43 =	vmin.f32 v3, v14;
	v44 =	vmin.f32 v12, v13  }
0x1b: {  	v5 =	vmax.f32 v6, v5;
	v3 =	vmax.f32 v3, v14;
	v45 =	vmin.f32 v43, v44  }
0x1c: {  	v12 =	vmax.f32 v12, v13;
	v14 =	vmax.f32 v43, v44;
	(xrf1) =	vsort.ascd.msk.f32 $0xffff, v45, v45  }
0x1d: {  	v47 =	vmin.f32 v9, v4;
	v46 =	vmin.f32 v3, v12;
	(xrf1) =	vsort.ascd.msk.f32 $0xffff, v14, v14  }
0x1e: {  	v8 =	vmin.f32 v7, v5;
	v3 =	vmax.f32 v3, v12;
	(xrf1) =	vsort.ascd.msk.f32 $0xffff, v46, v46  }
0x1f: {  	v5 =	vmax.f32 v7, v5;
	v48 =	vmin.f32 v47, v8;
	(xrf1) =	vsort.ascd.msk.f32 $0xffff, v3, v3  }
0x20: {  	v6 =	vmax.f32 v47, v8;
	v3 =	vmax.f32 v9, v4;
	(xrf1) =	vsort.ascd.msk.f32 $0xffff, v48, v48  }
0x21: {  	v49 =	vmin.f32 v3, v5;
	(xrf1) =	vsort.ascd.msk.f32 $0xffff, v6, v6  }
0x22: {  	v3 =	vmax.f32 v3, v5;
	(xrf1) =	vsort.ascd.msk.f32 $0xffff, v49, v49  }
0x23: {  	(xrf1) =	vsort.ascd.msk.f32 $0xffff, v3, v3;
	_ =	sdelay $0x6  }
0x24: {  	v3, _, _ =	vpop (xrf1)  }
0x25: {  	v50, _, _ =	vpop (xrf1)  }
0x26: {  	v51, _, _ =	vpop (xrf1)  }
0x27: {  	v52, _, _ =	vpop (xrf1)  }
0x28: {  	v53, _, _ =	vpop (xrf1)  }
0x29: {  	v54, _, _ =	vpop (xrf1)  }
0x2a: {  	v55, _, _ =	vpop (xrf1)  }
0x2b: {  	v7 =	vperm.xlane v53, v1;
	v8 =	vperm.xlane v54, v1;
	v56, _, _ =	vpop (xrf1)  }
0x2c: {  	v9 =	vperm.xlane v55, v1;
	v10 =	vperm.xlane v56, v1  }
0x2d: {  	v6 =	vmax.f32 v52, v7  }
0x2e: {  	v5 =	vmax.f32 v51, v8;
	v4 =	vmax.f32 v50, v9;
	v3 =	vmax.f32 v3, v10  }
0x2f: {  	v58 =	vmin.f32 v4, v6;
	v57 =	vmin.f32 v3, v5  }
0x30: {  	v4 =	vmax.f32 v4, v6;
	v59 =	vmin.f32 v57, v58  }
0x31: {  	v3 =	vmax.f32 v3, v5;
	v60 =	vmax.f32 v57, v58;
	(xrf1) =	vsort.ascd.msk.f32 $0xffff, v59, v59  }
0x32: {  	v61 =	vmin.f32 v3, v4;
	(xrf1) =	vsort.ascd.msk.f32 $0xffff, v60, v60  }
0x33: {  	v3 =	vmax.f32 v3, v4;
	(xrf1) =	vsort.ascd.msk.f32 $0xffff, v61, v61  }
0x34: {  	(xrf1) =	vsort.ascd.msk.f32 $0xffff, v3, v3;
	_ =	sdelay $0xa  }
0x35: {  	v3, _, _ =	vpop (xrf1)  }
0x36: {  	v62, _, _ =	vpop (xrf1);
	v3 =	vperm.xlane v3, v1  }
0x37: {  	v5, _, _ =	vpop (xrf1);
	v4 =	vperm.xlane v62, v1  }
0x38: {  	v63, _, _ =	vpop (xrf1);
	v5 =	vperm.xlane v5, v1;
	[tilespmem:$0x110B0] =	vst v3  }
0x39: {  	s14 =	sadd.s32 $0x1, s14;
	v6 =	vperm.xlane v63, v1;
	[tilespmem:$0x110A0] =	vst v4  }
0x3a: {  	p0 =	sne.s32 s14, s7;
	[tilespmem:$0x11090] =	vst v5  }
.Ltmp1:
0x3b: {  	s0 =	simm.s32 $0x11080;
	[tilespmem:$0x11080] =	vst v6;
	(pc) =	sbr.rel @!p0 .LBB2_35-.Ltmp1, $4  }
0x3c: {  	[hbm4b:s6+s2] =	stream.linear.scatter [tilespmem:s0], [sflag:$0x3], $0x80, $0x38;
	[tilespmem:$0x11100] =	vst v63  }
0x3d: {  	_ =	swait.ge [sflag:s12], $0x80  }
0x3e: {  	[sflag:s12] =	ssyncset.done $0x0  }
0x3f: {  	[sflag:s12] =	ssyncadd.s32 $0xFFFFFF80  }
.LBB2_1:
0x40: {  	s16 =	simm.s32 $0x80;
	s0 =	rddreg [dreg:$0x3];
	s1 =	simm.s32 $0x400  }
0x41: {  	[tilespmem:s2], [sflag:$0x1] =	stream.strided.gather [hbm4b:s0+s16], $0x8000, s1, s16, $0x38;
	[tilespmem:$0x11100] =	vst v63  }
0x42: {  	_ = 	snop  }
0x43: {  	[tilespmem:s9], [sflag:$0x2] =	stream.strided.gather [hbm4b:s4+s16], $0x8000, s1, s16, $0x38;
	[tilespmem:$0x11100] =	vst v63  }
0x44: {  	_ =	swait.ge [sflag:s10], $0x8000  }
0x45: {  	[sflag:s10] =	ssyncset.done $0x0  }
0x46: {  	[sflag:s10] =	ssyncadd.s32 $0xFFFF8000  }
0x47: {  	v3 =	vld [tilespmem:s16+$0xFFFFFF90]  }
0x48: {  	v4 =	vld [tilespmem:s16+$0xFFFFFF80]  }
0x49: {  	v5 =	vld [tilespmem:s16+$0xFFFFFFA0]  }
0x4a: {  	v6 =	vld [tilespmem:s16+$0xFFFFFFB0]  }
0x4b: {  	v7 =	vld [tilespmem:s16+$0xFFFFFFC0]  }
0x4c: {  	v8 =	vld [tilespmem:s16+$0xFFFFFFD0]  }
0x4d: {  	v3 =	vmax.f32 v4, v3;
	v4 =	vld [tilespmem:s16+$0xFFFFFFE0]  }
0x4e: {  	v3 =	vmax.f32 v3, v5;
	v5 =	vld [tilespmem:s16+$0xFFFFFFF0]  }
0x4f: {  	v3 =	vmax.f32 v3, v6;
	v6 =	vld [tilespmem:s16+$0x0]  }
0x50: {  	v3 =	vmax.f32 v3, v7;
	v7 =	vld [tilespmem:s16+$0x10]  }
0x51: {  	v3 =	vmax.f32 v3, v8;
	v8 =	vld [tilespmem:s16+$0x20]  }
0x52: {  	v3 =	vmax.f32 v3, v4;
	v4 =	vld [tilespmem:s16+$0x30]  }
0x53: {  	v9 =	vld [tilespmem:s16+$0x40];
	v3 =	vmax.f32 v3, v5  }
0x54: {  	v11 =	vimm.f32 $-Inf;
	v10 =	vimm.f32 $-Inf;
	v12 =	vld [tilespmem:s16+$0x50];
	v3 =	vmax.f32 v3, v6  }
0x55: {  	v13 =	vld [tilespmem:s16+$0x60];
	v5 =	vimm.f32 $-Inf;
	v6 =	vimm.f32 $-Inf;
	v3 =	vmax.f32 v3, v7  }
0x56: {  	v14 =	vld [tilespmem:s16+$0x70];
	v7 =	vimm.f32 $-Inf;
	v3 =	vmax.f32 v3, v8;
	v8 =	vimm.f32 $-Inf  }
0x57: {  	s15 =	simm.s32 $0x40;
	s18 =	simm.s32 $0x80;
	s17 =	simm.s32 $0x0;
	v15 =	vmax.f32 v3, v4;
	v4 =	vimm.f32 $-Inf;
	v3 =	vimm.f32 $-Inf  }
.LBB2_2:
0x58: {  	p0 =	sne.s32 s18, $0x1FC0;
	v9 =	vmax.f32 v15, v9  }
0x59: {  	v9 =	vmax.f32 v9, v12  }
0x5a: {  	v9 =	vmax.f32 v9, v13  }
0x5b: {  	s19 =	sshra.s32 s17, $0x2;
	s17 =	smov.u32 s15;
	s15 =	smov.u32 s18;
	v9 =	vmax.f32 v9, v14  }
0x5c: {  	s16 =	sadd.s32 $0x100, s16;
	[tilespmem:s19+$0x10000] =	vst v9;
	v12 =	vmin.f32 v11, v9;
	v11 =	vmax.f32 v11, v9  }
0x5d: {  	v9 =	vld [tilespmem:s16+$0xFFFFFF90];
	v13 =	vmin.f32 v10, v12;
	v10 =	vmax.f32 v10, v12  }
0x5e: {  	v12 =	vld [tilespmem:s16+$0xFFFFFF80];
	v14 =	vmin.f32 v8, v13;
	v8 =	vmax.f32 v8, v13  }
0x5f: {  	v13 =	vld [tilespmem:s16+$0xFFFFFFA0];
	v15 =	vmin.f32 v7, v14;
	v7 =	vmax.f32 v7, v14  }
0x60: {  	v14 =	vld [tilespmem:s16+$0xFFFFFFB0];
	v16 =	vmin.f32 v6, v15;
	v6 =	vmax.f32 v6, v15  }
0x61: {  	v15 =	vld [tilespmem:s16+$0xFFFFFFC0];
	v17 =	vmin.f32 v5, v16;
	v5 =	vmax.f32 v5, v16  }
0x62: {  	v16 =	vld [tilespmem:s16+$0xFFFFFFD0];
	v18 =	vmin.f32 v4, v17;
	v4 =	vmax.f32 v4, v17  }
0x63: {  	v9 =	vmax.f32 v12, v9;
	v12 =	vld [tilespmem:s16+$0xFFFFFFE0];
	v3 =	vmax.f32 v3, v18  }
0x64: {  	v9 =	vmax.f32 v9, v13;
	v13 =	vld [tilespmem:s16+$0xFFFFFFF0]  }
0x65: {  	v9 =	vmax.f32 v9, v14;
	v14 =	vld [tilespmem:s16+$0x0]  }
0x66: {  	v9 =	vmax.f32 v9, v15;
	v15 =	vld [tilespmem:s16+$0x10]  }
0x67: {  	v9 =	vmax.f32 v9, v16;
	v16 =	vld [tilespmem:s16+$0x20]  }
0x68: {  	v9 =	vmax.f32 v9, v12;
	v17 =	vld [tilespmem:s16+$0x30]  }
.Ltmp2:
0x69: {  	v12 =	vmax.f32 v9, v13;
	v9 =	vld [tilespmem:s16+$0x40];
	(pc) =	sbr.rel @p0 .LBB2_2-.Ltmp2, $4  }
0x6a: {  	v13 =	vmax.f32 v12, v14;
	v12 =	vld [tilespmem:s16+$0x50]  }
0x6b: {  	v14 =	vmax.f32 v13, v15;
	v13 =	vld [tilespmem:s16+$0x60]  }
0x6c: {  	v15 =	vmax.f32 v14, v16;
	v14 =	vld [tilespmem:s16+$0x70]  }
0x6d: {  	s18 =	sadd.s32 $0x40, s18;
	v15 =	vmax.f32 v15, v17  }
0x6e: {  	v9 =	vmax.f32 v15, v9  }
0x6f: {  	v9 =	vmax.f32 v9, v12  }
0x70: {  	v9 =	vmax.f32 v9, v13  }
0x71: {  	s17 =	sshra.s32 s17, $0x2;
	v39 =	vmax.f32 v9, v14  }
0x72: {  	s16 =	sadd.s32 $0x100, s16;
	[tilespmem:s17+$0x10000] =	vst v39  }
0x73: {  	v40 =	vld [tilespmem:s16+$0xFFFFFF90]  }
0x74: {  	v41 =	vld [tilespmem:s16+$0xFFFFFF80]  }
0x75: {  	v42 =	vld [tilespmem:s16+$0xFFFFFFA0]  }
0x76: {  	v43 =	vld [tilespmem:s16+$0xFFFFFFB0]  }
0x77: {  	v16 =	vld [tilespmem:s16+$0xFFFFFFC0]  }
0x78: {  	v17 =	vld [tilespmem:s16+$0xFFFFFFD0]  }
0x79: {  	v44 =	vld [tilespmem:s16+$0xFFFFFFE0];
	v9 =	vmax.f32 v41, v40  }
0x7a: {  	v45 =	vld [tilespmem:s16+$0xFFFFFFF0];
	v9 =	vmax.f32 v9, v42  }
0x7b: {  	v46 =	vld [tilespmem:s16+$0x0];
	v9 =	vmax.f32 v9, v43  }
0x7c: {  	v47 =	vld [tilespmem:s16+$0x10];
	v9 =	vmax.f32 v9, v16  }
0x7d: {  	v48 =	vld [tilespmem:s16+$0x20];
	v9 =	vmax.f32 v9, v17  }
0x7e: {  	v49 =	vld [tilespmem:s16+$0x30];
	v9 =	vmax.f32 v9, v44  }
0x7f: {  	v50 =	vld [tilespmem:s16+$0x40];
	v9 =	vmax.f32 v9, v45  }
0x80: {  	v51 =	vld [tilespmem:s16+$0x50];
	v9 =	vmax.f32 v9, v46  }
0x81: {  	v52 =	vld [tilespmem:s16+$0x60];
	v9 =	vmax.f32 v9, v47  }
0x82: {  	v53 =	vld [tilespmem:s16+$0x70];
	v9 =	vmax.f32 v9, v48  }
0x83: {  	v9 =	vmax.f32 v9, v49  }
0x84: {  	v9 =	vmax.f32 v9, v50  }
0x85: {  	v9 =	vmax.f32 v9, v51  }
0x86: {  	v9 =	vmax.f32 v9, v52  }
0x87: {  	v54 =	vmax.f32 v11, v39;
	v9 =	vmax.f32 v9, v53  }
0x88: {  	v55 =	vmax.f32 v54, v9  }
0x89: {  	(xrf1) =	vsort.ascd.msk.f32 $0xffff, v55, v55;
	_ =	sdelay $0xd  }
0x8a: {  	v14, _, _ =	vpop (xrf1)  }
0x8b: {  	v14 =	vperm.xlane v14, v1;
	_ =	sdelay $0x1  }
0x8c: {  	v56 =	vmin.f32 v11, v39;
	v57 =	vmin.f32 v14, $-Inf  }
0x8d: {  	v58 =	vmax.f32 v10, v56;
	v13 =	vmin.f32 v54, v9;
	(xrf1) =	vsort.ascd.msk.f32 $0xffff, v57, v57  }
0x8e: {  	v59 =	vmax.f32 v58, v13;
	(xrf1) =	vsort.ascd.msk.f32 $0xffff, v14, v14  }
0x8f: {  	(xrf1) =	vsort.ascd.msk.f32 $0xffff, v59, v59;
	_ =	sdelay $0xb  }
0x90: {  	v60, _, _ =	vpop (xrf1)  }
0x91: {  	v14, _, _ =	vpop (xrf1)  }
0x92: {  	v61, _, _ =	vpop (xrf1)  }
0x93: {  	v16 =	vperm.xlane v61, v1;
	_ =	sdelay $0x1  }
0x94: {  	v16 =	vmax.f32 v60, v16  }
0x95: {  	v62 =	vmin.f32 v16, v60  }
0x96: {  	v63 =	vmin.f32 v10, v56;
	v20 =	vmax.f32 v62, v60;
	(xrf1) =	vsort.ascd.msk.f32 $0xffff, v62, v62  }
0x97: {  	v21 =	vmax.f32 v8, v63;
	v22 =	vmin.f32 v16, v14;
	(xrf1) =	vsort.ascd.msk.f32 $0xffff, v20, v20  }
0x98: {  	v23 =	vmin.f32 v58, v13;
	v24 =	vmax.f32 v16, v14;
	(xrf1) =	vsort.ascd.msk.f32 $0xffff, v22, v22  }
0x99: {  	v25 =	vmax.f32 v21, v23;
	(xrf1) =	vsort.ascd.msk.f32 $0xffff, v24, v24  }
0x9a: {  	(xrf1) =	vsort.ascd.msk.f32 $0xffff, v25, v25;
	_ =	sdelay $0x9  }
0x9b: {  	v26, _, _ =	vpop (xrf1)  }
0x9c: {  	v27, _, _ =	vpop (xrf1)  }
0x9d: {  	v28, _, _ =	vpop (xrf1)  }
0x9e: {  	v29, _, _ =	vpop (xrf1)  }
0x9f: {  	v30, _, _ =	vpop (xrf1)  }
0xa0: {  	v17 =	vperm.xlane v30, v1;
	_ =	sdelay $0x1  }
0xa1: {  	v13 =	vmax.f32 v26, v17  }
0xa2: {  	v17 =	vmin.f32 v13, v28  }
0xa3: {  	v31 =	vmin.f32 v8, v63;
	v32 =	vmin.f32 v17, v27  }
0xa4: {  	v13 =	vmax.f32 v13, v28;
	v14 =	vmax.f32 v17, v27;
	(xrf1) =	vsort.ascd.msk.f32 $0xffff, v32, v32  }
0xa5: {  	v33 =	vmax.f32 v7, v31;
	v15 =	vmin.f32 v13, v29;
	(xrf1) =	vsort.ascd.msk.f32 $0xffff, v14, v14  }
0xa6: {  	v11 =	vmin.f32 v21, v23;
	v34 =	vmax.f32 v13, v29;
	(xrf1) =	vsort.ascd.msk.f32 $0xffff, v15, v15  }
0xa7: {  	v35 =	vmax.f32 v33, v11;
	(xrf1) =	vsort.ascd.msk.f32 $0xffff, v34, v34  }
0xa8: {  	(xrf1) =	vsort.ascd.msk.f32 $0xffff, v35, v35;
	_ =	sdelay $0x9  }
0xa9: {  	v36, _, _ =	vpop (xrf1)  }
0xaa: {  	v37, _, _ =	vpop (xrf1)  }
0xab: {  	v38, _, _ =	vpop (xrf1)  }
0xac: {  	v39, _, _ =	vpop (xrf1)  }
0xad: {  	v40, _, _ =	vpop (xrf1)  }
0xae: {  	v16 =	vperm.xlane v40, v1;
	_ =	sdelay $0x1  }
0xaf: {  	v12 =	vmax.f32 v36, v16  }
0xb0: {  	v16 =	vmin.f32 v12, v38  }
0xb1: {  	v7 =	vmin.f32 v7, v31;
	v41 =	vmin.f32 v16, v37  }
0xb2: {  	v12 =	vmax.f32 v12, v38;
	v13 =	vmax.f32 v16, v37;
	(xrf1) =	vsort.ascd.msk.f32 $0xffff, v41, v41  }
0xb3: {  	v42 =	vmax.f32 v6, v7;
	v14 =	vmin.f32 v12, v39;
	(xrf1) =	vsort.ascd.msk.f32 $0xffff, v13, v13  }
0xb4: {  	v10 =	vmin.f32 v33, v11;
	v43 =	vmax.f32 v12, v39;
	(xrf1) =	vsort.ascd.msk.f32 $0xffff, v14, v14  }
0xb5: {  	v44 =	vmax.f32 v42, v10;
	(xrf1) =	vsort.ascd.msk.f32 $0xffff, v43, v43  }
0xb6: {  	(xrf1) =	vsort.ascd.msk.f32 $0xffff, v44, v44;
	_ =	sdelay $0x9  }
0xb7: {  	v45, _, _ =	vpop (xrf1)  }
0xb8: {  	v46, _, _ =	vpop (xrf1)  }
0xb9: {  	v47, _, _ =	vpop (xrf1)  }
0xba: {  	v48, _, _ =	vpop (xrf1)  }
0xbb: {  	v49, _, _ =	vpop (xrf1)  }
0xbc: {  	v15 =	vperm.xlane v49, v1;
	_ =	sdelay $0x1  }
0xbd: {  	v11 =	vmax.f32 v45, v15  }
0xbe: {  	v15 =	vmin.f32 v11, v47  }
0xbf: {  	v6 =	vmin.f32 v6, v7;
	v7 =	vmin.f32 v15, v46  }
0xc0: {  	v11 =	vmax.f32 v11, v47;
	v12 =	vmax.f32 v15, v46;
	(xrf1) =	vsort.ascd.msk.f32 $0xffff, v7, v7  }
0xc1: {  	v8 =	vmin.f32 v42, v10;
	v13 =	vmin.f32 v11, v48;
	(xrf1) =	vsort.ascd.msk.f32 $0xffff, v12, v12  }
0xc2: {  	v50 =	vmax.f32 v11, v48;
	v7 =	vmax.f32 v5, v6;
	(xrf1) =	vsort.ascd.msk.f32 $0xffff, v13, v13  }
0xc3: {  	v51 =	vmax.f32 v7, v8;
	(xrf1) =	vsort.ascd.msk.f32 $0xffff, v50, v50  }
0xc4: {  	(xrf1) =	vsort.ascd.msk.f32 $0xffff, v51, v51;
	_ =	sdelay $0x9  }
0xc5: {  	v52, _, _ =	vpop (xrf1)  }
0xc6: {  	v53, _, _ =	vpop (xrf1)  }
0xc7: {  	v54, _, _ =	vpop (xrf1)  }
0xc8: {  	v55, _, _ =	vpop (xrf1)  }
0xc9: {  	v56, _, _ =	vpop (xrf1)  }
0xca: {  	v14 =	vperm.xlane v56, v1;
	_ =	sdelay $0x1  }
0xcb: {  	v10 =	vmax.f32 v52, v14  }
0xcc: {  	v14 =	vmin.f32 v10, v54  }
0xcd: {  	v5 =	vmin.f32 v5, v6;
	v6 =	vmin.f32 v14, v53  }
0xce: {  	v10 =	vmax.f32 v10, v54;
	v11 =	vmax.f32 v14, v53;
	(xrf1) =	vsort.ascd.msk.f32 $0xffff, v6, v6  }
0xcf: {  	v7 =	vmin.f32 v7, v8;
	v12 =	vmin.f32 v10, v55;
	(xrf1) =	vsort.ascd.msk.f32 $0xffff, v11, v11  }
0xd0: {  	v57 =	vmax.f32 v10, v55;
	v6 =	vmax.f32 v4, v5;
	(xrf1) =	vsort.ascd.msk.f32 $0xffff, v12, v12  }
0xd1: {  	v58 =	vmax.f32 v6, v7;
	(xrf1) =	vsort.ascd.msk.f32 $0xffff, v57, v57  }
0xd2: {  	(xrf1) =	vsort.ascd.msk.f32 $0xffff, v58, v58;
	_ =	sdelay $0x9  }
0xd3: {  	v59, _, _ =	vpop (xrf1)  }
0xd4: {  	v60, _, _ =	vpop (xrf1)  }
0xd5: {  	v61, _, _ =	vpop (xrf1)  }
0xd6: {  	v62, _, _ =	vpop (xrf1)  }
0xd7: {  	v63, _, _ =	vpop (xrf1)  }
0xd8: {  	v13 =	vperm.xlane v63, v1;
	_ =	sdelay $0x1  }
0xd9: {  	v8 =	vmax.f32 v59, v13  }
0xda: {  	v4 =	vmin.f32 v4, v5;
	v5 =	vmin.f32 v8, v61  }
0xdb: {  	v3 =	vmax.f32 v3, v4;
	v4 =	vmin.f32 v5, v60  }
0xdc: {  	v8 =	vmax.f32 v8, v61;
	v5 =	vmax.f32 v5, v60;
	(xrf1) =	vsort.ascd.msk.f32 $0xffff, v4, v4  }
0xdd: {  	v4 =	vmin.f32 v6, v7;
	v6 =	vmin.f32 v8, v62;
	(xrf1) =	vsort.ascd.msk.f32 $0xffff, v5, v5  }
0xde: {  	v3 =	vmax.f32 v3, v4;
	(xrf1) =	vsort.ascd.msk.f32 $0xffff, v6, v6  }
0xdf: {  	(xrf1) =	vsort.ascd.msk.f32 $0xffff, v3, v3;
	_ =	sdelay $0xa  }
0xe0: {  	v3, _, _ =	vpop (xrf1)  }
0xe1: {  	v4, _, _ =	vpop (xrf1)  }
0xe2: {  	v5, _, _ =	vpop (xrf1)  }
0xe3: {  	v6, _, _ =	vpop (xrf1)  }
0xe4: {  	v6 =	vperm.xlane v6, v1;
	_ =	sdelay $0x1  }
0xe5: {  	v3 =	vmax.f32 v3, v6  }
0xe6: {  	v3 =	vmin.f32 v3, v5  }
0xe7: {  	v3 =	vmin.f32 v3, v4  }
0xe8: {  	(xrf1) =	vsort.ascd.msk.f32 $0xffff, v3, v3;
	_ =	sdelay $0x9  }
0xe9: {  	s15 =	sshra.s32 s15, $0x2  }
0xea: {  	s20 =	simm.s32 $0x10000;
	[tilespmem:s15+$0x10000] =	vst v9  }
0xeb: {  	v4 =	vld [tilespmem:s20+$0x0];
	_ =	sdelay $0x1  }
0xec: {  	v3, _, _ =	vpop (xrf1)  }
0xed: {  	v3 =	vperm.xlane v3, v2  }
0xee: {  	s21 =	simm.s32 $0x200;
	s15 =	simm.s32 $0x0  }
0xef: {  	s22 =	sand.u32 $0x380, s21;
	s18 =	sand.u32 $0x70, s15;
	vm0 =	vge.f32 v4, v3;
	v4 =	vor.u32 s15, v0  }
0xf0: {  	s17 =	sor.u32 s18, s22;
	[tilespmem:s15+$0x10800] =	vst.msk vm0, v4  }
0xf1: {  	v4 =	vld [tilespmem:s17+$0x10000];
	_ =	sdelay $0x3  }
0xf2: {  	s23 =	simm.s32 $0x400  }
0xf3: {  	s24 =	sand.u32 $0x580, s23;
	vm1 =	vge.f32 v4, v3;
	v4 =	vor.u32 s21, v0  }
0xf4: {  	s16 =	sor.u32 s18, s24;
	[tilespmem:s15+$0x10A00] =	vst.msk vm1, v4  }
0xf5: {  	v4 =	vld [tilespmem:s16+$0x10000];
	_ =	sdelay $0x1  }
0xf6: {  	v5 =	vmpcnt.ones.xlane vm0;
	_ =	sdelay $0x1  }
0xf7: {  	s25 =	simm.s32 $0x600;
	(v2sf) =	vpush v5, $0x0  }
0xf8: {  	s26 =	sand.u32 $0x780, s25;
	vm12 =	vge.f32 v4, v3;
	v4 =	vor.u32 s23, v0  }
0xf9: {  	s17 =	sor.u32 s18, s26;
	[tilespmem:s15+$0x10C00] =	vst.msk vm12, v4  }
0xfa: {  	v4 =	vld [tilespmem:s17+$0x10000];
	_ =	sdelay $0x1  }
0xfb: {  	v5 =	vmpcnt.ones.xlane vm1;
	_ =	sdelay $0x1  }
0xfc: {  	(v2sf) =	vpush v5, $0x0  }
0xfd: {  	v5 =	vmpcnt.ones.xlane vm12;
	vm13 =	vge.f32 v4, v3  }
0xfe: {  	v4 =	vor.u32 s25, v0;
	v6 =	vmpcnt.ones.xlane vm13  }
0xff: {  	s18 =	simm.s32 $0x10010;
	(v2sf) =	vpush v5, $0x0;
	[tilespmem:s15+$0x10E00] =	vst.msk vm13, v4  }
0x100: {  	v4 =	vld [tilespmem:s18+$0x0];
	(v2sf) =	vpush v6, $0x0;
	_ =	sdelay $0x3  }
0x101: {  	s19 =	simm.s32 $0x10;
	s20 =	simm.s32 $0x210;
	s28 =	spop (v2sf)  }
0x102: {  	s22 =	sand.u32 $0x70, s19;
	s29 =	sand.u32 $0x380, s20;
	s16 =	sadd.s32 $0x0, s28;
	vm14 =	vge.f32 v4, v3;
	v4 =	vor.u32 s19, v0  }
0x103: {  	s17 =	sor.u32 s22, s29;
	[tilespmem:s16+$0x10800] =	vst.msk vm14, v4;
	v5 =	vmpcnt.ones.xlane vm14  }
0x104: {  	v4 =	vld [tilespmem:s17+$0x10000]  }
0x105: {  	(v2sf) =	vpush v5, $0x0;
	_ =	sdelay $0x2  }
0x106: {  	s23 =	simm.s32 $0x410;
	s30 =	spop (v2sf)  }
0x107: {  	s31 =	sand.u32 $0x580, s23;
	s17 =	sadd.s32 $0x0, s30;
	vm15 =	vge.f32 v4, v3;
	v4 =	vor.u32 s20, v0  }
0x108: {  	s25 =	sor.u32 s22, s31;
	v6 =	vmpcnt.ones.xlane vm15;
	[tilespmem:s17+$0x10A00] =	vst.msk vm15, v4  }
0x109: {  	s24 =	spop (v2sf);
	v4 =	vld [tilespmem:s25+$0x10000]  }
0x10a: {  	s21 =	simm.s32 $0x20;
	s20 =	sadd.s32 $0x0, s24;
	(v2sf) =	vpush v6, $0x0;
	s24 =	spop (v2sf)  }
.LBB2_4:
0x10b: {  	p0 =	sne.s32 s21, $0x1F0  }
0x10c: {  	s15 =	sadd.s32 s15, s24;
	s24 =	smov.u32 s21;
	s21 =	sadd.s32 $0x10, s21  }
0x10d: {  	s25 =	sadd.s32 $0x600, s19;
	s19 =	smov.u32 s24  }
0x10e: {  	vm0 =	vge.f32 v4, v3;
	v4 =	vor.u32 s23, v0;
	s23 =	sand.u32 $0x780, s25  }
0x10f: {  	[tilespmem:s20+$0x10C00] =	vst.msk vm0, v4;
	v4 =	vmpcnt.ones.xlane vm0;
	s22 =	sor.u32 s22, s23  }
0x110: {  	v5 =	vld [tilespmem:s22+$0x10000]  }
0x111: {  	(v2sf) =	vpush v4, $0x0  }
0x112: {  	s22 =	spop (v2sf)  }
0x113: {  	s16 =	sadd.s32 s16, s22;
	_ =	sdelay $0x1  }
0x114: {  	v4 =	vor.u32 s25, v0;
	vm0 =	vge.f32 v5, v3  }
0x115: {  	s18 =	sadd.s32 $0x10, s18;
	[tilespmem:s15+$0x10E00] =	vst.msk vm0, v4;
	v4 =	vmpcnt.ones.xlane vm0  }
0x116: {  	v5 =	vld [tilespmem:s18+$0x0]  }
0x117: {  	(v2sf) =	vpush v4, $0x0  }
0x118: {  	s22 =	spop (v2sf)  }
0x119: {  	s17 =	sadd.s32 s17, s22  }
0x11a: {  	s24 =	sadd.s32 $0x200, s19  }
0x11b: {  	s23 =	sand.u32 $0x380, s24;
	v4 =	vor.u32 s19, v0;
	s22 =	sand.u32 $0x70, s19;
	vm0 =	vge.f32 v5, v3  }
0x11c: {  	s23 =	sor.u32 s22, s23;
	[tilespmem:s16+$0x10800] =	vst.msk vm0, v4;
	v4 =	vmpcnt.ones.xlane vm0  }
0x11d: {  	v5 =	vld [tilespmem:s23+$0x10000]  }
0x11e: {  	(v2sf) =	vpush v4, $0x0  }
0x11f: {  	s23 =	spop (v2sf)  }
0x120: {  	s20 =	sadd.s32 s20, s23  }
0x121: {  	s23 =	sadd.s32 $0x400, s19  }
.Ltmp3:
0x122: {  	v4 =	vor.u32 s24, v0;
	s24 =	sand.u32 $0x580, s23;
	vm0 =	vge.f32 v5, v3;
	(pc) =	sbr.rel @p0 .LBB2_4-.Ltmp3, $4  }
0x123: {  	s24 =	sor.u32 s22, s24;
	[tilespmem:s17+$0x10A00] =	vst.msk vm0, v4;
	v5 =	vmpcnt.ones.xlane vm0  }
0x124: {  	v4 =	vld [tilespmem:s24+$0x10000]  }
0x125: {  	(v2sf) =	vpush v5, $0x0  }
0x126: {  	s24 =	spop (v2sf)  }
0x127: {  	_ = 	snop  }
0x128: {  	s19 =	sadd.s32 $0x600, s19  }
0x129: {  	s18 =	sand.u32 $0x780, s19;
	vm0 =	vge.f32 v4, v3;
	v4 =	vor.u32 s23, v0  }
0x12a: {  	s18 =	sor.u32 s22, s18;
	[tilespmem:s20+$0x10C00] =	vst.msk vm0, v4  }
0x12b: {  	v4 =	vld [tilespmem:s18+$0x10000];
	_ =	sdelay $0x4  }
0x12c: {  	v5 =	vmpcnt.ones.xlane vm0;
	vm15 =	vge.f32 v4, v3  }
0x12d: {  	v3 =	vmpcnt.ones.xlane vm15  }
0x12e: {  	(v2sf) =	vpush v5, $0x0  }
0x12f: {  	(v2sf) =	vpush v3, $0x0;
	_ =	sdelay $0xb  }
0x130: {  	s28 =	spop (v2sf)  }
0x131: {  	s21 =	spop (v2sf)  }
0x132: {  	s30 =	sadd.s32 s15, s24;
	s29 =	spop (v2sf)  }
0x133: {  	s15 =	sadd.s32 s16, s28;
	s17 =	sadd.s32 s17, s21;
	s31 =	spop (v2sf)  }
0x134: {  	p0 =	sgt.s32 s15, s17;
	s16 =	sadd.s32 s20, s29;
	s18 =	sadd.s32 s30, s31  }
0x135: {  	v4 =	vor.u32 s19, v0;
	s20 =	smov.u32 s17;
	p1 =	sgt.s32 s16, s18;
	s19 =	smov.u32 s18  }
0x136: {  	s20 =	smov.u32 @p0 s15;
	s19 =	smov.u32 @p1 s16  }
0x137: {  	p0 =	sgt.s32 s20, s19  }
0x138: {  	s19 =	smov.u32 @p0 s20  }
0x139: {  	v8 =	vimm.f32 $-Inf;
	v12 =	vimm.f32 $-Inf;
	p0 =	slt.s32 s19, $0x1  }
.Ltmp4:
0x13a: {  	v13 =	vimm.f32 $-Inf;
	v15 =	vimm.f32 $-Inf;
	v14 =	vimm.f32 $-Inf;
	(pc) =	sbr.rel @p0 .LBB2_17-.Ltmp4, $4  }
0x13b: {  	v17 =	vimm.f32 $-Inf;
	v18 =	vimm.f32 $-Inf;
	v19 =	vimm.f32 $-Inf  }
0x13c: {  	v9 =	vimm.f32 $-Inf;
	v6 =	vimm.f32 $-Inf;
	v11 =	vimm.f32 $-Inf  }
0x13d: {  	v7 =	vimm.f32 $-Inf;
	v10 =	vimm.f32 $-Inf;
	v16 =	vimm.f32 $-Inf  }
0x13e: {  	v5 =	vimm.f32 $-Inf;
	[tilespmem:s30+$0x10E00] =	vst.msk vm15, v4;
	v4 =	vimm.f32 $-Inf;
	v3 =	vimm.f32 $-Inf  }
0x13f: {  	s20 =	simm.s32 $0x0;
	s21 =	simm.s32 $0x10800  }
0x140: {  	v4 =	vld [tilespmem:s21+$0x0];
	s31 =	sand.u32 $0x7FFFFFFF, s20  }
0x141: {  	v5 =	vld [tilespmem:s31+$0x10E00]  }
0x142: {  	v6 =	vld [tilespmem:s31+$0x10A00]  }
0x143: {  	p1 =	sne.s32 s19, $0x1;
	p0 =	por $0x0, $0x0;
	v7 =	vld [tilespmem:s31+$0x10C00]  }
.Ltmp5:
0x144: {  	s0 =	simm.s32 @!p0 $0x0;
	(pc) =	sbr.rel @!p1 .LBB2_7-.Ltmp5, $4  }
0x145: {  	s0 =	simm.s32 @p0 $0x1;
	p0 =	por $0x0, $0x0;
	(v2sf) =	vpush v4, $0x0  }
0x146: {  	[smem:$0x7FC] =	sst s0;
	s0 =	simm.s32 @!p0 $0x0;
	(v2sf) =	vpush v5, $0x0  }
0x147: {  	s0 =	simm.s32 @p0 $0x1;
	(v2sf) =	vpush v6, $0x0  }
0x148: {  	s23 =	simm.s32 $0x1;
	s22 =	simm.s32 $0x10801;
	[smem:$0x7FD] =	sst s0;
	(v2sf) =	vpush v7, $0x0  }
0x149: {  	_ =	sdelay $0x8  }
0x14a: {  	s23 =	sand.u32 $0x7FFFFFFF, s23  }
0x14b: {  	v6 =	vld [tilespmem:s23+$0x10E00]  }
0x14c: {  	v7 =	vld [tilespmem:s23+$0x10A00];
	s21 =	spop (v2sf)  }
0x14d: {  	s20 =	simm.s32 $0x2;
	v9 =	vld [tilespmem:s23+$0x10C00];
	s23 =	simm.s32 $0x1;
	s24 =	spop (v2sf)  }
0x14e: {  	s26 =	sshra.s32 s21, $0x1F;
	p5 =	slt.s32 s21, $0x1;
	s25 =	sshra.s32 s24, $0x1F  }
0x14f: {  	s28 =	spop (v2sf);
	s29 =	sand.u32 $0xF, s24;
	p2 =	slt.s32 s24, $0x1  }
0x150: {  	s26 =	sshrl.u32 s26, $0x1C;
	s25 =	sshrl.u32 s25, $0x1C;
	s30 =	spop (v2sf)  }
0x151: {  	s31 =	sshra.s32 s28, $0x1F;
	s1 =	sand.u32 $0xF, s28;
	p0 =	slt.s32 s28, $0x1  }
0x152: {  	s26 =	sadd.s32 s26, s21;
	s25 =	sadd.s32 s25, s24;
	s3 =	sshra.s32 s30, $0x1F  }
0x153: {  	s8 =	sshrl.u32 s31, $0x1C;
	p6 =	slt.s32 s30, $0x1;
	s0 =	sand.u32 $0xFFFFFFF0, s25  }
0x154: {  	s31 =	sshrl.u32 s26, $0x4;
	s25 =	sshrl.u32 s25, $0x4;
	p1 =	sne.s32 s24, s0  }
0x155: {  	s0 =	sshrl.u32 s3, $0x1C;
	s24 =	sadd.s32 s8, s28;
	s3 =	sand.u32 $0xF, s30  }
0x156: {  	p1 =	por !p2, !p1;
	s11 =	sshrl.u32 s24, $0x4;
	s24 =	sand.u32 $0xFFFFFFF0, s24  }
0x157: {  	s0 =	sadd.s32 s0, s30;
	p1 =	por !p1, !p1;
	p3 =	sne.s32 s28, s24  }
0x158: {  	s24 =	sshrl.u32 s0, $0x4;
	s28 =	simm.s32 $0x1;
	s0 =	sand.u32 $0xFFFFFFF0, s0  }
0x159: {  	s28 =	simm.s32 @!p1 $0x0;
	p0 =	por !p0, !p3;
	p4 =	sne.s32 s30, s0  }
0x15a: {  	s30 =	simm.s32 $0x1;
	p3 =	sgt.s32 s15, $0x0;
	p0 =	por !p0, !p0  }
0x15b: {  	p1 =	por !p6, !p4;
	s25 =	ssub.s32 s25, s28;
	s28 =	simm.s32 $0x1  }
0x15c: {  	v5 =	vld [tilespmem:s22+$0x0];
	v4 =	vmul.u32 $0x10, v0;
	s30 =	simm.s32 @!p0 $0x0;
	p0 =	por !p1, !p1;
	s8 =	sshll.u32 s25, $0x8  }
0x15d: {  	p1 =	sne.s32 s19, $0x2;
	s22 =	sor.u32 s29, s8;
	s29 =	sand.u32 $0xFFFFFFF0, s26  }
0x15e: {  	s11 =	ssub.s32 s11, s30;
	s28 =	simm.s32 @!p0 $0x0;
	v8 =	vor.u32 s22, v4;
	p6 =	sne.s32 s21, s29  }
0x15f: {  	s25 =	sshll.u32 s11, $0x8;
	s24 =	ssub.s32 s24, s28;
	v8 =	vand.u32 $0x7FFF, v8;
	p0 =	por !p5, !p6  }
.Ltmp6:
0x160: {  	s30 =	sshll.u32 s24, $0x8;
	p0 =	por !p0, !p0;
	(pc) =	sbr.rel @!p1 .LBB2_9-.Ltmp6, $4  }
0x161: {  	(v2sf) =	vpush v5, $0x0;
	s0 =	sor.u32 s3, s30;
	s23 =	simm.s32 @!p0 $0x0;
	p0 =	por $0x1, $0x1  }
0x162: {  	(v2sf) =	vpush v6, $0x0;
	p4 =	sgt.s32 s17, $0x0;
	s1 =	sor.u32 s1, s25;
	v6 =	vor.u32 s0, v4;
	s0 =	simm.s32 @!p0 $0x0  }
0x163: {  	(v2sf) =	vpush v7, $0x0;
	p5 =	sgt.s32 s16, $0x0;
	s24 =	simm.s32 $0x10802;
	v5 =	vor.u32 s1, v4;
	s0 =	simm.s32 @p0 $0x1  }
0x164: {  	(v2sf) =	vpush v9, $0x0;
	p6 =	sgt.s32 s18, $0x0;
	v5 =	vand.u32 $0x7FFF, v5;
	v7 =	vand.u32 $0x7FFF, v6;
	s25 =	ssub.s32 s31, s23;
	v6 =	vld.idx.msk [tilespmem:v8+s2+$0x0], $0xffff;
	[smem:$0x7FB] =	sst s0  }
0x165: {  	_ = 	snop  }
0x166: {  	s0 =	sand.u32 $0xF, s21;
	s8 =	sshll.u32 s25, $0x8  }
0x167: {  	s0 =	sor.u32 s0, s8  }
0x168: {  	v8 =	vor.u32 s0, v4  }
0x169: {  	v8 =	vand.u32 $0x7FFF, v8;
	_ =	sdelay $0x2  }
0x16a: {  	v5 =	vld.idx.msk [tilespmem:v5+s2+$0x0], $0xffff  }
0x16b: {  	v7 =	vld.idx.msk [tilespmem:v7+s2+$0x0], $0xffff  }
0x16c: {  	v8 =	vld.idx.msk [tilespmem:v8+s2+$0x0], $0xffff;
	_ =	sdelay $0x1  }
0x16d: {  	s0 =	simm.s32 $0x1;
	s23 =	spop (v2sf)  }
0x16e: {  	v6 =	vpsel !p6, $0xFF800000, v6;
	p6 =	sgt.s32 s18, $0x1;
	v5 =	vpsel !p4, $0xFF800000, v5;
	p4 =	sgt.s32 s17, $0x1;
	s1 =	spop (v2sf)  }
0x16f: {  	(xrf1) =	vsort.ascd.msk.f32 $0xffff, v6, v6;
	v6 =	vpsel !p5, $0xFF800000, v7;
	p5 =	sgt.s32 s16, $0x1;
	s22 =	sshra.s32 s1, $0x1F;
	s25 =	spop (v2sf)  }
0x170: {  	p2 =	slt.s32 s1, $0x1;
	v8 =	vpsel !p3, $0xFF800000, v8;
	p3 =	sgt.s32 s15, $0x1;
	s22 =	sshrl.u32 s22, $0x1C  }
0x171: {  	s21 =	spop (v2sf);
	s26 =	sshra.s32 s25, $0x1F;
	s29 =	sadd.s32 s22, s1  }
0x172: {  	p0 =	slt.s32 s25, $0x1;
	s28 =	sshra.s32 s21, $0x1F;
	s30 =	sand.u32 $0xFFFFFFF0, s29  }
0x173: {  	s11 =	sshrl.u32 s26, $0x1C;
	s3 =	simm.s32 @!p0 $0x0;
	p1 =	sne.s32 s1, s30  }
0x174: {  	s3 =	simm.s32 @p0 $0x1;
	p1 =	por !p2, !p1;
	p2 =	slt.s32 s21, $0x1  }
0x175: {  	s28 =	sshrl.u32 s28, $0x1C;
	[smem:$0x7F9] =	sst s3;
	s3 =	simm.s32 @!p2 $0x0  }
0x176: {  	s26 =	sadd.s32 s11, s25;
	p1 =	por !p1, !p1;
	s3 =	simm.s32 @p2 $0x1  }
0x177: {  	s11 =	sshra.s32 s23, $0x1F;
	[smem:$0x7FA] =	sst s3;
	s3 =	simm.s32 @!p1 $0x0  }
0x178: {  	s28 =	sadd.s32 s28, s21;
	s31 =	sld [smem:$0x7F9];
	s3 =	simm.s32 @p1 $0x1  }
0x179: {  	s22 =	sand.u32 $0xFFFFFFF0, s26;
	s30 =	sand.u32 $0xFFFFFFF0, s28;
	[smem:$0x7F8] =	sst s3  }
0x17a: {  	s1 =	sand.u32 $0xF, s1;
	p2 =	sne.s32 s21, s30;
	s3 =	sld [smem:$0x7F8]  }
0x17b: {  	s30 =	sshrl.u32 s11, $0x1C;
	s11 =	sshrl.u32 s29, $0x4;
	s21 =	sand.u32 $0xF, s21  }
0x17c: {  	s29 =	simm.s32 $0x1;
	p1 =	sne.s32 s25, s22;
	s8 =	sld [smem:$0x7FA]  }
0x17d: {  	s22 =	simm.s32 $0x3;
	s25 =	sand.u32 $0xF, s25;
	p0 =	seq.s32 s3, $0x1  }
0x17e: {  	s3 =	sshrl.u32 s26, $0x4;
	s0 =	simm.s32 @!p0 $0x0;
	p0 =	seq.s32 s31, $0x1  }
0x17f: {  	s31 =	sand.u32 $0x7FFFFFFF, s20;
	p1 =	por !p0, !p1;
	p0 =	seq.s32 s8, $0x1  }
0x180: {  	s8 =	sshrl.u32 s28, $0x4;
	s0 =	ssub.s32 s11, s0;
	s28 =	simm.s32 $0x1  }
0x181: {  	p2 =	por !p0, !p2;
	p1 =	por !p1, !p1;
	s0 =	sshll.u32 s0, $0x8  }
0x182: {  	v9 =	vld [tilespmem:s24+$0x0];
	s29 =	simm.s32 @!p1 $0x0;
	p1 =	por !p2, !p2;
	s0 =	sor.u32 s1, s0  }
0x183: {  	v10 =	vld [tilespmem:s31+$0x10E00];
	p2 =	slt.s32 s23, $0x1;
	s24 =	ssub.s32 s3, s29;
	s28 =	simm.s32 @!p1 $0x0  }
0x184: {  	v11 =	vld [tilespmem:s31+$0x10A00];
	s29 =	sadd.s32 s30, s23;
	v12 =	vor.u32 s0, v4;
	p1 =	sne.s32 s19, $0x3;
	s26 =	ssub.s32 s8, s28  }
0x185: {  	v13 =	vld [tilespmem:s31+$0x10C00];
	s24 =	sshll.u32 s24, $0x8;
	s30 =	sand.u32 $0xFFFFFFF0, s29;
	v12 =	vand.u32 $0x7FFF, v12;
	s26 =	sshll.u32 s26, $0x8  }
.Ltmp7:
0x186: {  	p0 =	sne.s32 s23, s30;
	s31 =	sor.u32 s25, s24;
	(pc) =	sbr.rel @!p1 .LBB2_11-.Ltmp7, $4  }
0x187: {  	(v2sf) =	vpush v9, $0x0;
	s24 =	simm.s32 $0x1;
	p2 =	por !p2, !p0;
	p0 =	por $0x1, $0x1  }
0x188: {  	(xrf1) =	vsort.ascd.msk.f32 $0xffff, v5, v5;
	(v2sf) =	vpush v10, $0x0;
	s21 =	sor.u32 s21, s26;
	p2 =	por !p2, !p2;
	s0 =	simm.s32 @!p0 $0x0  }
0x189: {  	(xrf1) =	vsort.ascd.msk.f32 $0xffff, v6, v6;
	s1 =	sshrl.u32 s29, $0x4;
	(v2sf) =	vpush v11, $0x0;
	v5 =	vor.u32 s31, v4;
	v6 =	vor.u32 s21, v4;
	s24 =	simm.s32 @!p2 $0x0;
	s0 =	simm.s32 @p0 $0x1  }
0x18a: {  	(xrf1) =	vsort.ascd.msk.f32 $0xffff, v8, v8;
	s26 =	simm.s32 $0x10803;
	(v2sf) =	vpush v13, $0x0;
	v5 =	vand.u32 $0x7FFF, v5;
	v7 =	vand.u32 $0x7FFF, v6;
	s25 =	ssub.s32 s1, s24;
	v6 =	vld.idx.msk [tilespmem:v12+s2+$0x0], $0xffff;
	[smem:$0x7FC] =	sst s0  }
0x18b: {  	_ =	sdelay $0x6  }
0x18c: {  	v5 =	vld.idx.msk [tilespmem:v5+s2+$0x0], $0xffff  }
0x18d: {  	v7 =	vld.idx.msk [tilespmem:v7+s2+$0x0], $0xffff;
	_ =	sdelay $0x1  }
0x18e: {  	s20 =	simm.s32 $0x4;
	s0 =	sand.u32 $0xF, s23  }
0x18f: {  	s8 =	sshll.u32 s25, $0x8;
	s30 =	sand.u32 $0x7FFFFFFF, s22;
	s21 =	spop (v2sf)  }
0x190: {  	v8, _, _ =	vpop (xrf1);
	s0 =	sor.u32 s0, s8;
	v5 =	vpsel !p4, $0xFF800000, v5;
	p4 =	sgt.s32 s17, $0x2;
	s1 =	spop (v2sf)  }
0x191: {  	v8 =	vperm.xlane v8, v1;
	v7 =	vpsel !p5, $0xFF800000, v7;
	s28 =	sshra.s32 s21, $0x1F;
	p5 =	slt.s32 s21, $0x1;
	s11 =	sshra.s32 s1, $0x1F  }
0x192: {  	s29 =	spop (v2sf);
	s24 =	sand.u32 $0xF, s1;
	p1 =	slt.s32 s1, $0x1  }
0x193: {  	v8 =	vmax.f32 v3, v8;
	s31 =	spop (v2sf);
	s8 =	sshra.s32 s29, $0x1F;
	s23 =	sand.u32 $0xF, s29  }
0x194: {  	v9 =	vld [tilespmem:s26+$0x0];
	v10 =	vmin.f32 v8, v3;
	s25 =	sshrl.u32 s11, $0x1C;
	p0 =	slt.s32 s29, $0x1;
	s11 =	sshra.s32 s31, $0x1F  }
0x195: {  	v13 =	vld [tilespmem:s30+$0x10E00];
	v12 =	vor.u32 s0, v4;
	v8 =	vmax.f32 v8, v3;
	v11 =	vmax.f32 v10, v3;
	s26 =	sadd.s32 s25, s1;
	s8 =	sshrl.u32 s8, $0x1C;
	s25 =	sshrl.u32 s28, $0x1C  }
0x196: {  	v14 =	vmin.f32 v8, v3;
	(xrf1) =	vsort.ascd.msk.f32 $0xffff, v11, v11;
	v11 =	vand.u32 $0x7FFF, v12;
	v12 =	vld [tilespmem:s30+$0x10A00];
	s3 =	sand.u32 $0xFFFFFFF0, s26;
	s28 =	sshrl.u32 s11, $0x1C;
	s11 =	sadd.s32 s8, s29  }
0x197: {  	(xrf1) =	vsort.ascd.msk.f32 $0xffff, v14, v14;
	v14 =	vld [tilespmem:s30+$0x10C00];
	v15, _, _ =	vpop (xrf1);
	s8 =	simm.s32 $0x1;
	s30 =	sshrl.u32 s26, $0x4;
	s26 =	simm.s32 $0x1  }
0x198: {  	v10 =	vmin.f32 v10, v3;
	v15 =	vperm.xlane v15, v1;
	p2 =	sne.s32 s1, s3;
	s0 =	sadd.s32 s28, s31;
	s28 =	sshrl.u32 s11, $0x4  }
0x199: {  	(xrf1) =	vsort.ascd.msk.f32 $0xffff, v10, v10;
	s1 =	sand.u32 $0xFFFFFFF0, s11;
	p1 =	por !p1, !p2;
	p2 =	slt.s32 s31, $0x1  }
0x19a: {  	v6 =	vpsel !p6, $0xFF800000, v6;
	(v2sf) =	vpush v9, $0x0;
	v10 =	vmax.f32 v3, v15;
	s11 =	sshrl.u32 s0, $0x4;
	p6 =	sne.s32 s29, s1;
	p1 =	por !p1, !p1  }
0x19b: {  	v8 =	vmax.f32 v8, v3;
	(xrf1) =	vsort.ascd.msk.f32 $0xffff, v6, v6;
	v6 =	vmin.f32 v10, v3;
	s0 =	sand.u32 $0xFFFFFFF0, s0;
	s8 =	simm.s32 @!p1 $0x0;
	p1 =	por !p0, !p6  }
0x19c: {  	(xrf1) =	vsort.ascd.msk.f32 $0xffff, v8, v8;
	v8 =	vld.idx.msk [tilespmem:v11+s2+$0x0], $0xffff;
	v9, _, _ =	vpop (xrf1);
	(v2sf) =	vpush v13, $0x0;
	v13 =	vmin.f32 v6, v3;
	p0 =	sne.s32 s31, s0;
	s31 =	sand.u32 $0xF, s31;
	p1 =	por !p1, !p1  }
0x19d: {  	v11, _, _ =	vpop (xrf1);
	(v2sf) =	vpush v12, $0x0;
	v10 =	vmax.f32 v10, v3;
	v6 =	vmax.f32 v6, v3;
	(xrf1) =	vsort.ascd.msk.f32 $0xffff, v13, v13;
	p2 =	por !p2, !p0;
	s1 =	ssub.s32 s30, s8;
	s8 =	simm.s32 $0x1  }
0x19e: {  	v11 =	vperm.xlane v11, v1;
	(v2sf) =	vpush v14, $0x0;
	v12 =	vmin.f32 v10, v3;
	(xrf1) =	vsort.ascd.msk.f32 $0xffff, v6, v6;
	p0 =	por $0x1, $0x1;
	s26 =	simm.s32 @!p1 $0x0;
	p1 =	por !p2, !p2  }
0x19f: {  	v6 =	vperm.xlane v9, v1;
	(xrf1) =	vsort.ascd.msk.f32 $0xffff, v12, v12;
	s1 =	sshll.u32 s1, $0x8;
	p2 =	sne.s32 s19, $0x4;
	s3 =	ssub.s32 s28, s26  }
0x1a0: {  	v9 =	vmax.f32 v10, v3;
	(xrf1) =	vsort.ascd.msk.f32 $0xffff, v5, v5;
	v5 =	vmax.f32 v3, v11;
	s8 =	simm.s32 @!p1 $0x0;
	s1 =	sor.u32 s24, s1;
	s28 =	sadd.s32 s25, s21  }
0x1a1: {  	v10 =	vmin.f32 v5, v3;
	v11 =	vmax.f32 v5, v3;
	(xrf1) =	vsort.ascd.msk.f32 $0xffff, v9, v9;
	s3 =	sshll.u32 s3, $0x8;
	s8 =	ssub.s32 s11, s8;
	v5 =	vor.u32 s1, v4;
	s29 =	sand.u32 $0xFFFFFFF0, s28  }
0x1a2: {  	v6 =	vmax.f32 v3, v6;
	v9 =	vmin.f32 v10, v3;
	(xrf1) =	vsort.ascd.msk.f32 $0xffff, v7, v7;
	s1 =	simm.s32 $0x1;
	s8 =	sshll.u32 s8, $0x8;
	v14 =	vand.u32 $0x7FFF, v5;
	p6 =	sne.s32 s21, s29  }
.Ltmp8:
0x1a3: {  	v15 =	vmin.f32 v6, v3;
	v6 =	vmax.f32 v6, v3;
	(xrf1) =	vsort.ascd.msk.f32 $0xffff, v9, v9;
	v5 =	vpsel !p3, $0xFF800000, v8;
	s30 =	sor.u32 s23, s3;
	p3 =	sgt.s32 s15, $0x2;
	(pc) =	sbr.rel @!p2 .LBB2_13-.Ltmp8, $4  }
0x1a4: {  	v12 =	vmax.f32 v10, v3;
	v13 =	vmin.f32 v11, v3;
	s23 =	simm.s32 $0x10804;
	s0 =	sor.u32 s31, s8;
	p1 =	por !p5, !p6;
	(xrf1) =	vsort.ascd.msk.f32 $0xffff, v5, v5  }
0x1a5: {  	v10 =	vmax.f32 v6, v3;
	v63 =	vmax.f32 v11, v3;
	v8, _, _ =	vpop (xrf1);
	s31 =	sshrl.u32 s28, $0x4;
	p1 =	por !p1, !p1;
	v16 =	vor.u32 s0, v4;
	(xrf1) =	vsort.ascd.msk.f32 $0xffff, v12, v12;
	s0 =	simm.s32 @!p0 $0x0  }
0x1a6: {  	v9 =	vmin.f32 v6, v3;
	v7 =	vor.u32 s30, v4;
	p5 =	sgt.s32 s16, $0x2;
	v11, _, _ =	vpop (xrf1);
	v12 =	vmin.f32 v15, v3;
	s1 =	simm.s32 @!p1 $0x0;
	(xrf1) =	vsort.ascd.msk.f32 $0xffff, v13, v13;
	s0 =	simm.s32 @p0 $0x1  }
0x1a7: {  	p6 =	sgt.s32 s18, $0x2;
	v5 =	vand.u32 $0x7FFF, v7;
	v7 =	vand.u32 $0x7FFF, v16;
	v13 =	vmax.f32 v15, v3;
	s25 =	ssub.s32 s31, s1;
	(xrf1) =	vsort.ascd.msk.f32 $0xffff, v63, v63;
	[smem:$0x7FD] =	sst s0;
	v6 =	vld.idx.msk [tilespmem:v14+s2+$0x0], $0xffff;
	v14, _, _ =	vpop (xrf1)  }
.LBB2_14:
0x1a8: {  	s0 =	sand.u32 $0xF, s21  }
0x1a9: {  	s21 =	spop (v2sf);
	s24 =	smov.u32 s22;
	s22 =	smov.u32 s20  }
0x1aa: {  	v15, _, _ =	vpop (xrf1);
	(xrf1) =	vsort.ascd.msk.f32 $0xffff, v10, v10;
	s20 =	sadd.s32 $0x1, s20;
	s8 =	sshll.u32 s25, $0x8;
	s1 =	sshra.s32 s21, $0x1F  }
0x1ab: {  	s3 =	spop (v2sf);
	v10 =	vperm.xlane v15, v1;
	(xrf1) =	vsort.ascd.msk.f32 $0xffff, v13, v13;
	v13, _, _ =	vpop (xrf1);
	s0 =	sor.u32 s0, s8;
	s8 =	sand.u32 $0x7FFFFFFF, s22  }
0x1ac: {  	v15 =	vld [tilespmem:s23+$0x0];
	s11 =	sshra.s32 s3, $0x1F;
	s30 =	spop (v2sf);
	v16, _, _ =	vpop (xrf1);
	(xrf1) =	vsort.ascd.msk.f32 $0xffff, v12, v12;
	s26 =	sand.u32 $0xF, s3  }
0x1ad: {  	v12 =	vor.u32 s0, v4;
	p1 =	slt.s32 s3, $0x1;
	s29 =	sshrl.u32 s1, $0x1C;
	s28 =	spop (v2sf);
	v7 =	vld.idx.msk [tilespmem:v7+s2+$0x0], $0xffff;
	v10 =	vmax.f32 v14, v10;
	v14, _, _ =	vpop (xrf1);
	(xrf1) =	vsort.ascd.msk.f32 $0xffff, v9, v9  }
0x1ae: {  	s0 =	sshra.s32 s30, $0x1F;
	s25 =	sand.u32 $0xF, s30;
	s11 =	sshrl.u32 s11, $0x1C;
	v12 =	vand.u32 $0x7FFF, v12;
	v9 =	vld [tilespmem:s8+$0x10E00];
	v17 =	vmin.f32 v10, v11;
	v10 =	vmax.f32 v10, v11;
	v11, _, _ =	vpop (xrf1)  }
0x1af: {  	p2 =	slt.s32 s30, $0x1;
	s31 =	sshra.s32 s28, $0x1F;
	s11 =	sadd.s32 s11, s3;
	v18 =	vld [tilespmem:s8+$0x10A00];
	v19 =	vmin.f32 v17, v8;
	v22 =	vmax.f32 v17, v8;
	v17 =	vmin.f32 v10, v13;
	v20, _, _ =	vpop (xrf1)  }
0x1b0: {  	s0 =	sshrl.u32 s0, $0x1C;
	s1 =	sshrl.u32 s31, $0x1C;
	v21 =	vld [tilespmem:s8+$0x10C00];
	s8 =	sand.u32 $0xFFFFFFF0, s11  }
0x1b1: {  	v6 =	vpsel !p6, $0xFF800000, v6;
	v10 =	vmax.f32 v10, v13;
	s0 =	sadd.s32 s0, s30;
	s31 =	simm.s32 $0x1;
	v20 =	vperm.xlane v20, v1;
	(xrf1) =	vsort.ascd.msk.f32 $0xffff, v22, v22;
	p6 =	sne.s32 s3, s8  }
0x1b2: {  	s1 =	sadd.s32 s1, s28;
	v5 =	vld.idx.msk [tilespmem:v5+s2+$0x0], $0xffff;
	(xrf1) =	vsort.ascd.msk.f32 $0xffff, v17, v17;
	v8, _, _ =	vpop (xrf1);
	s3 =	sshrl.u32 s0, $0x4;
	p1 =	por !p1, !p6  }
0x1b3: {  	s0 =	sand.u32 $0xFFFFFFF0, s0;
	s8 =	sshrl.u32 s1, $0x4;
	(v2sf) =	vpush v15, $0x0;
	v13 =	vmax.f32 v16, v20;
	v15, _, _ =	vpop (xrf1);
	(xrf1) =	vsort.ascd.msk.f32 $0xffff, v19, v19;
	p1 =	por !p1, !p1  }
0x1b4: {  	p6 =	slt.s32 s28, $0x1;
	(v2sf) =	vpush v9, $0x0;
	v9 =	vld.idx.msk [tilespmem:v12+s2+$0x0], $0xffff;
	(xrf1) =	vsort.ascd.msk.f32 $0xffff, v6, v6;
	v6 =	vmin.f32 v13, v11;
	v12, _, _ =	vpop (xrf1);
	s31 =	simm.s32 @!p1 $0x0;
	p1 =	sne.s32 s30, s0  }
0x1b5: {  	v15 =	vperm.xlane v15, v1;
	(v2sf) =	vpush v18, $0x0;
	v16 =	vmin.f32 v6, v14;
	v17, _, _ =	vpop (xrf1);
	(xrf1) =	vsort.ascd.msk.f32 $0xffff, v10, v10;
	s0 =	sand.u32 $0xFFFFFFF0, s1;
	s1 =	sshrl.u32 s11, $0x4;
	s11 =	simm.s32 $0x1  }
0x1b6: {  	v10 =	vmax.f32 v13, v11;
	v18 =	vmax.f32 v6, v14;
	(v2sf) =	vpush v21, $0x0;
	(xrf1) =	vsort.ascd.msk.f32 $0xffff, v16, v16;
	v11, _, _ =	vpop (xrf1);
	p1 =	por !p2, !p1;
	p2 =	sne.s32 s28, s0;
	s0 =	sand.u32 $0xF, s28  }
0x1b7: {  	v7 =	vpsel !p5, $0xFF800000, v7;
	v17 =	vperm.xlane v17, v1;
	v16 =	vmin.f32 v10, v8;
	s1 =	ssub.s32 s1, s31;
	(xrf1) =	vsort.ascd.msk.f32 $0xffff, v18, v18;
	v6, _, _ =	vpop (xrf1);
	p1 =	por !p1, !p1;
	p2 =	por !p6, !p2  }
0x1b8: {  	v8 =	vmax.f32 v10, v8;
	v5 =	vpsel !p4, $0xFF800000, v5;
	s1 =	sshll.u32 s1, $0x8;
	(xrf1) =	vsort.ascd.msk.f32 $0xffff, v16, v16;
	v14, _, _ =	vpop (xrf1);
	s11 =	simm.s32 @!p1 $0x0;
	p1 =	por !p2, !p2  }
0x1b9: {  	s1 =	sor.u32 s26, s1;
	(xrf1) =	vsort.ascd.msk.f32 $0xffff, v5, v5;
	v5 =	vmax.f32 v12, v17;
	v10, _, _ =	vpop (xrf1);
	s3 =	ssub.s32 s3, s11;
	s11 =	simm.s32 $0x1  }
0x1ba: {  	s26 =	sadd.s32 s29, s21;
	p2 =	sne.s32 s19, s20;
	v9 =	vpsel !p3, $0xFF800000, v9;
	s11 =	simm.s32 @!p1 $0x0;
	v12 =	vmin.f32 v5, v6;
	v6 =	vmax.f32 v5, v6;
	v13, _, _ =	vpop (xrf1)  }
0x1bb: {  	s3 =	sshll.u32 s3, $0x8;
	v5 =	vor.u32 s1, v4;
	s1 =	sand.u32 $0xFFFFFFF0, s26;
	s8 =	ssub.s32 s8, s11;
	v16 =	vmin.f32 v12, v11;
	v11 =	vmax.f32 v12, v11;
	(xrf1) =	vsort.ascd.msk.f32 $0xffff, v8, v8;
	v8, _, _ =	vpop (xrf1)  }
0x1bc: {  	p1 =	slt.s32 s21, $0x1;
	s3 =	sor.u32 s25, s3;
	v17 =	vand.u32 $0x7FFF, v5;
	v18 =	vmin.f32 v6, v14;
	s8 =	sshll.u32 s8, $0x8;
	(xrf1) =	vsort.ascd.msk.f32 $0xffff, v7, v7;
	v5 =	vmax.f32 v8, v15;
	v7, _, _ =	vpop (xrf1)  }
.Ltmp9:
0x1bd: {  	p3 =	sne.s32 s21, s1;
	v19 =	vor.u32 s3, v4;
	s0 =	sor.u32 s0, s8;
	v15 =	vmin.f32 v5, v7;
	v5 =	vmax.f32 v5, v7;
	(xrf1) =	vsort.ascd.msk.f32 $0xffff, v16, v16;
	(pc) =	sbr.rel @p2 .LBB2_14-.Ltmp9, $4  }
0x1be: {  	p4 =	slt.s32 s24, s17;
	p1 =	por !p1, !p3;
	v7 =	vor.u32 s0, v4;
	(xrf1) =	vsort.ascd.msk.f32 $0xffff, v9, v9;
	v9 =	vmin.f32 v5, v10;
	v10 =	vmax.f32 v5, v10  }
0x1bf: {  	s1 =	simm.s32 $0x1;
	p3 =	slt.s32 s24, s15;
	p1 =	por !p1, !p1;
	v5 =	vand.u32 $0x7FFF, v19;
	v12 =	vmin.f32 v15, v13;
	v7 =	vand.u32 $0x7FFF, v7;
	(xrf1) =	vsort.ascd.msk.f32 $0xffff, v11, v11;
	v8, _, _ =	vpop (xrf1)  }
0x1c0: {  	p5 =	slt.s32 s24, s16;
	v16 =	vmax.f32 v6, v14;
	s0 =	sshrl.u32 s26, $0x4;
	s1 =	simm.s32 @!p1 $0x0;
	v13 =	vmax.f32 v15, v13;
	(xrf1) =	vsort.ascd.msk.f32 $0xffff, v18, v18;
	v11, _, _ =	vpop (xrf1)  }
0x1c1: {  	s23 =	sadd.s32 $0x1, s23;
	p6 =	slt.s32 s24, s18;
	s25 =	ssub.s32 s0, s1;
	v6 =	vld.idx.msk [tilespmem:v17+s2+$0x0], $0xffff;
	(xrf1) =	vsort.ascd.msk.f32 $0xffff, v16, v16;
	v14, _, _ =	vpop (xrf1)  }
0x1c2: {  	s20 =	smov.u32 s22  }
.LBB2_16:
0x1c3: {  	s19 =	sld [smem:$0x7FD]  }
0x1c4: {  	s0 =	sld [smem:$0x7FC]  }
0x1c5: {  	s22 =	sld [smem:$0x7FB]  }
0x1c6: {  	p1 =	seq.s32 s19, $0x1;
	s19 =	spop (v2sf)  }
0x1c7: {  	s23 =	spop (v2sf)  }
0x1c8: {  	p0 =	seq.s32 s0, $0x1;
	p2 =	seq.s32 s22, $0x1;
	s3 =	sshra.s32 s23, $0x1F  }
0x1c9: {  	s0 =	sand.u32 @p2 $0xF, s21;
	s1 =	sshll.u32 @p2 s25, $0x8;
	s24 =	sshrl.u32 s3, $0x1C  }
0x1ca: {  	v15, _, _ =	vpop @p0 (xrf1);
	s0 =	sor.u32 @p2 s0, s1;
	s24 =	sadd.s32 s24, s23  }
0x1cb: {  	(xrf1) =	vsort.ascd.msk.f32 @p1 $0xffff, v10, v10;
	p6 =	por !p6, !p2;
	v10 =	vperm.xlane @p0 v15, v1;
	v4 =	vor.u32 @p2 s0, v4;
	s0 =	simm.s32 @!p2 $0x0;
	s25 =	sand.u32 $0xFFFFFFF0, s24  }
0x1cc: {  	v15, _, _ =	vpop @p1 (xrf1);
	(xrf1) =	vsort.ascd.msk.f32 @p1 $0xffff, v13, v13;
	v6 =	vpsel p6, $0xFF800000, v6;
	p6 =	slt.s32 s23, $0x1;
	v4 =	vand.u32 @p2 $0x7FFF, v4;
	s0 =	simm.s32 @p2 $0x1;
	p2 =	sne.s32 s23, s25  }
0x1cd: {  	v13, _, _ =	vpop @p1 (xrf1);
	(xrf1) =	vsort.ascd.msk.f32 @p1 $0xffff, v12, v12;
	v15 =	vpsel p1, v15, v3;
	v10 =	vmax.f32 @p0 v14, v10;
	p2 =	por !p6, !p2  }
0x1ce: {  	s21 =	spop (v2sf);
	s1 =	simm.s32 $0x1;
	v12, _, _ =	vpop @p1 (xrf1);
	(xrf1) =	vsort.ascd.msk.f32 @p1 $0xffff, v9, v9;
	v9 =	vmin.f32 @p0 v10, v11;
	v10 =	vmax.f32 @p0 v10, v11;
	p2 =	por !p2, !p2  }
0x1cf: {  	v14, _, _ =	vpop @p1 (xrf1);
	[smem:$0x7FB] =	sst s0;
	v11 =	vmin.f32 @p0 v9, v8;
	v8 =	vmax.f32 @p0 v9, v8;
	v9 =	vmin.f32 @p0 v10, v15;
	s1 =	simm.s32 @!p2 $0x0;
	p2 =	slt.s32 s21, $0x1  }
0x1d0: {  	v16, _, _ =	vpop @p0 (xrf1);
	s29 =	sld [smem:$0x7FB];
	s11 =	simm.s32 @!p2 $0x0  }
0x1d1: {  	v16 =	vperm.xlane @p0 v16, v1;
	(xrf1) =	vsort.ascd.msk.f32 @p0 $0xffff, v8, v8;
	s11 =	simm.s32 @p2 $0x1  }
0x1d2: {  	s26 =	sshra.s32 s21, $0x1F;
	v12 =	vpsel p1, v12, v3;
	v8 =	vpsel p1, v13, v3;
	(xrf1) =	vsort.ascd.msk.f32 @p0 $0xffff, v9, v9;
	v9, _, _ =	vpop @p1 (xrf1);
	[smem:$0x7F5] =	sst s11  }
0x1d3: {  	s28 =	sshrl.u32 s26, $0x1C;
	v13 =	vpsel p1, v14, v3;
	v8 =	vmax.f32 @p0 v8, v16;
	p6 =	seq.s32 s29, $0x1;
	v14, _, _ =	vpop @p0 (xrf1);
	(xrf1) =	vsort.ascd.msk.f32 @p0 $0xffff, v11, v11;
	s31 =	sld [smem:$0x7F5]  }
0x1d4: {  	s0 =	sadd.s32 s28, s21;
	v10 =	vmax.f32 @p0 v10, v15;
	v11 =	vmin.f32 @p0 v8, v13;
	(xrf1) =	vsort.ascd.msk.f32 @p6 $0xffff, v6, v6;
	v6, _, _ =	vpop @p1 (xrf1);
	s11 =	sld [smem:$0x7FB]  }
0x1d5: {  	s8 =	sand.u32 $0xFFFFFFF0, s0;
	v5 =	vld.idx.msk @p6 [tilespmem:v5+s2+$0x0], $0xffff;
	v16, _, _ =	vpop @p0 (xrf1);
	(xrf1) =	vsort.ascd.msk.f32 @p0 $0xffff, v10, v10;
	v10 =	vmax.f32 @p0 v11, v12  }
0x1d6: {  	s22 =	spop (v2sf);
	v7 =	vld.idx.msk @p6 [tilespmem:v7+s2+$0x0], $0xffff;
	v9 =	vpsel p1, v9, v3;
	v15 =	vmin.f32 @p0 v11, v12;
	p2 =	sne.s32 s21, s8;
	v12 =	vperm.xlane @p0 v16, v1;
	p6 =	seq.s32 s31, $0x1  }
0x1d7: {  	s30 =	sshra.s32 s22, $0x1F;
	v6 =	vpsel p1, v6, v3;
	(xrf1) =	vsort.ascd.msk.f32 @p0 $0xffff, v15, v15;
	v11, _, _ =	vpop @p1 (xrf1);
	p2 =	por !p6, !p2;
	p6 =	seq.s32 s11, $0x1  }
0x1d8: {  	s3 =	sshrl.u32 s30, $0x1C;
	v8 =	vmax.f32 @p0 v8, v13;
	(xrf1) =	vsort.ascd.msk.f32 @p0 $0xffff, v10, v10;
	v10, _, _ =	vpop @p1 (xrf1);
	v6 =	vmax.f32 @p0 v6, v12;
	s8 =	simm.s32 @!p2 $0x0;
	v4 =	vld.idx.msk @p6 [tilespmem:v4+s2+$0x0], $0xffff  }
0x1d9: {  	v13 =	vmin.f32 @p0 v8, v9;
	v8 =	vmax.f32 @p0 v8, v9;
	v9, _, _ =	vpop @p1 (xrf1);
	v10 =	vpsel p1, v10, v3;
	p4 =	por !p4, !p6;
	s8 =	simm.s32 @p2 $0x1;
	p2 =	slt.s32 s22, $0x1  }
0x1da: {  	s25 =	sadd.s32 s3, s22;
	v14 =	vperm.xlane @p0 v14, v1;
	(xrf1) =	vsort.ascd.msk.f32 @p0 $0xffff, v13, v13;
	v12, _, _ =	vpop @p1 (xrf1);
	v13 =	vmin.f32 @p0 v6, v10;
	v5 =	vpsel p4, $0xFF800000, v5;
	s3 =	simm.s32 @!p2 $0x0  }
0x1db: {  	v11 =	vpsel p1, v11, v3;
	p4 =	por !p5, !p6;
	(xrf1) =	vsort.ascd.msk.f32 @p6 $0xffff, v5, v5;
	v5 =	vmax.f32 @p0 v6, v10;
	v6, _, _ =	vpop @p1 (xrf1);
	s3 =	simm.s32 @p2 $0x1  }
0x1dc: {  	s31 =	sshrl.u32 s24, $0x4;
	v9 =	vpsel p1, v9, v3;
	p3 =	por !p3, !p6;
	v10 =	vmin.f32 @p0 v13, v11;
	v7 =	vpsel p4, $0xFF800000, v7;
	(xrf1) =	vsort.ascd.msk.f32 @p0 $0xffff, v8, v8;
	v8, _, _ =	vpop @p1 (xrf1);
	[smem:$0x7F7] =	sst s3  }
0x1dd: {  	s1 =	ssub.s32 s31, s1;
	v11 =	vmax.f32 @p0 v13, v11;
	(xrf1) =	vsort.ascd.msk.f32 @p6 $0xffff, v7, v7;
	v8 =	vpsel p1, v8, v3;
	v13, _, _ =	vpop @p1 (xrf1);
	s28 =	sld [smem:$0x7F7];
	v4 =	vpsel p3, $0xFF800000, v4  }
0x1de: {  	s30 =	sand.u32 $0xF, s23;
	s1 =	sshll.u32 s1, $0x8;
	v8 =	vmax.f32 @p0 v8, v14;
	v13 =	vpsel p1, v13, v3;
	(xrf1) =	vsort.ascd.msk.f32 @p0 $0xffff, v10, v10;
	v10 =	vmul.u32 $0x10, v0  }
0x1df: {  	s26 =	sand.u32 $0xFFFFFFF0, s25;
	s1 =	sor.u32 s30, s1;
	[smem:$0x7F6] =	sst s8;
	v6 =	vpsel p1, v6, v3;
	v14 =	vmin.f32 @p0 v8, v13;
	(xrf1) =	vsort.ascd.msk.f32 @p6 $0xffff, v4, v4  }
0x1e0: {  	s8 =	sld [smem:$0x7F6];
	p2 =	sne.s32 s22, s26;
	v8 =	vmax.f32 @p0 v8, v13;
	v4 =	vpsel p1, v12, v3;
	(xrf1) =	vsort.ascd.msk.f32 @p0 $0xffff, v11, v11;
	v11 =	vor.u32 s1, v10;
	p4 =	seq.s32 s28, $0x1  }
0x1e1: {  	s0 =	sshrl.u32 s0, $0x4;
	v7 =	vmin.f32 @p0 v5, v9;
	v5 =	vmax.f32 @p0 v5, v9;
	v12 =	vmax.f32 @p0 v8, v4;
	p4 =	por !p4, !p2  }
0x1e2: {  	s23 =	simm.s32 $0x1;
	s25 =	sshrl.u32 s25, $0x4;
	v9 =	vmax.f32 @p0 v14, v6;
	v6 =	vmin.f32 @p0 v14, v6;
	v13, _, _ =	vpop @p0 (xrf1);
	(xrf1) =	vsort.ascd.msk.f32 @p0 $0xffff, v7, v7;
	p2 =	por !p4, !p4  }
0x1e3: {  	s29 =	sshra.s32 s19, $0x1F;
	p5 =	seq.s32 s8, $0x1;
	v7 =	vand.u32 $0x7FFF, v11;
	v9 =	vpsel p0, v9, v0;
	v11, _, _ =	vpop @p0 (xrf1);
	(xrf1) =	vsort.ascd.msk.f32 @p0 $0xffff, v5, v5;
	v5 =	vpsel p0, v12, v0;
	s23 =	simm.s32 @!p2 $0x0  }
0x1e4: {  	s8 =	simm.s32 $0x1;
	p5 =	por !p5, !p5;
	v12, _, _ =	vpop @p0 (xrf1);
	(xrf1) =	vsort.ascd.msk.f32 @p0 $0xffff, v5, v5;
	s1 =	ssub.s32 s25, s23  }
0x1e5: {  	v4 =	vmin.f32 @p0 v8, v4;
	s8 =	simm.s32 @!p5 $0x0;
	s28 =	sand.u32 $0xF, s22;
	v5 =	vpsel p0, v6, v0;
	v6, _, _ =	vpop @p6 (xrf1);
	(xrf1) =	vsort.ascd.msk.f32 @p0 $0xffff, v9, v9;
	s1 =	sshll.u32 s1, $0x8  }
0x1e6: {  	s3 =	sshrl.u32 s29, $0x1C;
	v4 =	vpsel p0, v4, v0;
	s0 =	ssub.s32 s0, s8;
	v6 =	vperm.xlane @p6 v6, v1;
	v9, _, _ =	vpop @p0 (xrf1);
	(xrf1) =	vsort.ascd.msk.f32 @p0 $0xffff, v5, v5;
	s29 =	sor.u32 s28, s1  }
0x1e7: {  	s26 =	sand.u32 $0xF, s21;
	s3 =	sadd.s32 s3, s19;
	s0 =	sshll.u32 s0, $0x8;
	v12 =	vpsel p0, v12, v3;
	v14, _, _ =	vpop @p0 (xrf1);
	(xrf1) =	vsort.ascd.msk.f32 @p0 $0xffff, v4, v4;
	v5 =	vor.u32 s29, v10  }
0x1e8: {  	s24 =	sand.u32 $0xFFFFFFF0, s3;
	s0 =	sor.u32 s26, s0;
	v6 =	vmax.f32 @p6 v12, v6;
	v4 =	vand.u32 $0x7FFF, v5;
	v5 =	vld.idx.msk [tilespmem:v7+s2+$0x0], $0xffff;
	v7 =	vpsel p0, v11, v3  }
0x1e9: {  	p5 =	sne.s32 s19, s24;
	p4 =	slt.s32 s19, $0x1;
	v8 =	vor.u32 s0, v10;
	v12 =	vpsel p0, v13, v3;
	v13 =	vmin.f32 @p6 v6, v7  }
0x1ea: {  	p1 =	por !p4, !p5;
	v8 =	vand.u32 $0x7FFF, v8;
	v11, _, _ =	vpop @p0 (xrf1)  }
0x1eb: {  	p1 =	por !p1, !p1;
	s1 =	simm.s32 $0x1;
	v6 =	vmax.f32 @p6 v6, v7;
	v7, _, _ =	vpop @p0 (xrf1)  }
0x1ec: {  	s30 =	sshrl.u32 s3, $0x4;
	v9 =	vpsel p0, v9, v3;
	s1 =	simm.s32 @!p1 $0x0;
	v15 =	vmin.f32 @p6 v13, v12;
	v12 =	vmax.f32 @p6 v13, v12;
	v13, _, _ =	vpop @p6 (xrf1)  }
0x1ed: {  	s0 =	ssub.s32 s30, s1;
	v16 =	vmin.f32 @p6 v6, v9;
	(xrf1) =	vsort.ascd.msk.f32 @p6 $0xffff, v12, v12;
	v13 =	vperm.xlane @p6 v13, v1  }
0x1ee: {  	s31 =	sand.u32 $0xF, s19;
	p2 =	slt.s32 s20, s18;
	s0 =	sshll.u32 s0, $0x8;
	v6 =	vmax.f32 @p6 v6, v9;
	(xrf1) =	vsort.ascd.msk.f32 @p6 $0xffff, v16, v16  }
0x1ef: {  	s0 =	sor.u32 s31, s0;
	v9 =	vpsel p0, v14, v3;
	v8 =	vld.idx.msk [tilespmem:v8+s2+$0x0], $0xffff;
	v12, _, _ =	vpop @p0 (xrf1);
	v5 =	vpsel !p2, $0xFF800000, v5;
	(xrf1) =	vsort.ascd.msk.f32 @p6 $0xffff, v15, v15  }
0x1f0: {  	v10 =	vor.u32 s0, v10;
	v7 =	vpsel p0, v7, v3;
	v14, _, _ =	vpop @p6 (xrf1);
	(xrf1) =	vsort.ascd.msk.f32 $0xffff, v5, v5;
	v9 =	vmax.f32 @p6 v9, v13  }
0x1f1: {  	v11 =	vpsel p0, v11, v3;
	v10 =	vand.u32 $0x7FFF, v10;
	(xrf1) =	vsort.ascd.msk.f32 @p6 $0xffff, v6, v6;
	v5 =	vmin.f32 @p6 v9, v7;
	v13, _, _ =	vpop @p0 (xrf1)  }
0x1f2: {  	v14 =	vperm.xlane @p6 v14, v1;
	v7 =	vmax.f32 @p6 v9, v7;
	v16 =	vmin.f32 @p6 v5, v11;
	v15, _, _ =	vpop @p6 (xrf1)  }
0x1f3: {  	v4 =	vld.idx.msk [tilespmem:v4+s2+$0x0], $0xffff;
	v9 =	vpsel p0, v12, v3;
	v5 =	vmax.f32 @p6 v5, v11;
	v6, _, _ =	vpop @p0 (xrf1);
	v12 =	vperm.xlane @p6 v15, v1  }
0x1f4: {  	p3 =	slt.s32 s20, s17;
	v15 =	vmin.f32 @p6 v7, v9;
	v11, _, _ =	vpop @p0 (xrf1);
	(xrf1) =	vsort.ascd.msk.f32 @p6 $0xffff, v16, v16;
	v6 =	vpsel p0, v6, v3  }
0x1f5: {  	v8 =	vpsel !p3, $0xFF800000, v8;
	v16, _, _ =	vpop @p0 (xrf1);
	(xrf1) =	vsort.ascd.msk.f32 @p6 $0xffff, v5, v5;
	v5 =	vmax.f32 @p6 v7, v9;
	v7 =	vpsel p0, v13, v3  }
0x1f6: {  	v10 =	vld.idx.msk [tilespmem:v10+s2+$0x0], $0xffff;
	v11 =	vpsel p0, v11, v3;
	v9, _, _ =	vpop @p0 (xrf1);
	(xrf1) =	vsort.ascd.msk.f32 @p6 $0xffff, v15, v15;
	v7 =	vmax.f32 @p6 v7, v12  }
0x1f7: {  	p4 =	slt.s32 s20, s16;
	v12, _, _ =	vpop @p0 (xrf1);
	(xrf1) =	vsort.ascd.msk.f32 $0xffff, v8, v8;
	v8 =	vmin.f32 @p6 v7, v11;
	v9 =	vpsel p0, v9, v3  }
0x1f8: {  	v4 =	vpsel !p4, $0xFF800000, v4;
	v7 =	vmax.f32 @p6 v7, v11;
	v13, _, _ =	vpop @p0 (xrf1);
	(xrf1) =	vsort.ascd.msk.f32 @p6 $0xffff, v5, v5;
	v5 =	vpsel p0, v16, v3  }
0x1f9: {  	v12 =	vpsel p0, v12, v3;
	v16 =	vmin.f32 @p6 v8, v6;
	v6 =	vmax.f32 @p6 v8, v6  }
0x1fa: {  	p5 =	slt.s32 s20, s15;
	v13 =	vpsel p0, v13, v3;
	v15, _, _ =	vpop @p0 (xrf1);
	(xrf1) =	vsort.ascd.msk.f32 $0xffff, v4, v4;
	v8 =	vmin.f32 @p6 v7, v5  }
0x1fb: {  	v4 =	vpsel !p5, $0xFF800000, v10;
	v15 =	vpsel p0, v15, v3;
	(xrf1) =	vsort.ascd.msk.f32 @p6 $0xffff, v16, v16;
	v10 =	vmax.f32 @p6 v13, v14  }
0x1fc: {  	(xrf1) =	vsort.ascd.msk.f32 $0xffff, v4, v4;
	v4 =	vmin.f32 @p6 v10, v15;
	v10 =	vmax.f32 @p6 v10, v15  }
0x1fd: {  	v5 =	vmax.f32 @p6 v7, v5;
	(xrf1) =	vsort.ascd.msk.f32 @p6 $0xffff, v6, v6;
	v6 =	vmax.f32 @p6 v10, v9  }
0x1fe: {  	v11, _, _ =	vpop @p6 (xrf1);
	v7 =	vmax.f32 @p6 v4, v12;
	v4 =	vmin.f32 @p6 v4, v12;
	(xrf1) =	vsort.ascd.msk.f32 @p6 $0xffff, v8, v8  }
0x1ff: {  	v8, _, _ =	vpop @p6 (xrf1);
	v7 =	vpsel p6, v7, v0;
	(xrf1) =	vsort.ascd.msk.f32 @p6 $0xffff, v5, v5;
	v5 =	vpsel p6, v6, v0  }
0x200: {  	v4 =	vpsel p6, v4, v0;
	v6, _, _ =	vpop @p6 (xrf1);
	(xrf1) =	vsort.ascd.msk.f32 @p6 $0xffff, v5, v5;
	v5 =	vmin.f32 @p6 v10, v9  }
0x201: {  	v9, _, _ =	vpop (xrf1);
	(xrf1) =	vsort.ascd.msk.f32 @p6 $0xffff, v7, v7;
	v5 =	vpsel p6, v5, v0  }
0x202: {  	v7, _, _ =	vpop @p6 (xrf1);
	(xrf1) =	vsort.ascd.msk.f32 @p6 $0xffff, v4, v4  }
0x203: {  	v4, _, _ =	vpop @p6 (xrf1);
	(xrf1) =	vsort.ascd.msk.f32 @p6 $0xffff, v5, v5  }
0x204: {  	v9 =	vperm.xlane v9, v1;
	v5, _, _ =	vpop @p6 (xrf1)  }
0x205: {  	v11 =	vpsel p6, v11, v3;
	v8 =	vpsel p6, v8, v3;
	v6 =	vpsel p6, v6, v3;
	v10, _, _ =	vpop @p6 (xrf1)  }
0x206: {  	v7 =	vpsel p6, v7, v3;
	v6 =	vmax.f32 v6, v9;
	v4 =	vpsel p6, v4, v3;
	v12, _, _ =	vpop (xrf1)  }
0x207: {  	v18 =	vmin.f32 v6, v8;
	v6 =	vmax.f32 v6, v8;
	v5 =	vpsel p6, v5, v3;
	v13, _, _ =	vpop @p6 (xrf1)  }
0x208: {  	v8 =	vmax.f32 v18, v11;
	v10 =	vpsel p6, v10, v3;
	v11 =	vmin.f32 v18, v11;
	v14, _, _ =	vpop (xrf1)  }
0x209: {  	v12 =	vperm.xlane v12, v1;
	(xrf1) =	vsort.ascd.msk.f32 $0xffff, v8, v8;
	v8 =	vmin.f32 v6, v7;
	v15, _, _ =	vpop @p6 (xrf1)  }
0x20a: {  	v6 =	vmax.f32 v6, v7;
	v13 =	vpsel p6, v13, v3;
	(xrf1) =	vsort.ascd.msk.f32 $0xffff, v8, v8;
	v16, _, _ =	vpop (xrf1)  }
0x20b: {  	v4 =	vmax.f32 v4, v12;
	(xrf1) =	vsort.ascd.msk.f32 $0xffff, v11, v11;
	v15 =	vpsel p6, v15, v3;
	v17, _, _ =	vpop @p6 (xrf1)  }
0x20c: {  	v7 =	vmin.f32 v4, v10;
	(xrf1) =	vsort.ascd.msk.f32 $0xffff, v6, v6;
	v4 =	vmax.f32 v4, v10;
	v9, _, _ =	vpop @p6 (xrf1)  }
0x20d: {  	v6 =	vmin.f32 v7, v5;
	v8 =	vperm.xlane v16, v1;
	v5 =	vmax.f32 v7, v5;
	v19, _, _ =	vpop @p6 (xrf1)  }
0x20e: {  	v7 =	vperm.xlane v14, v1;
	v17 =	vpsel p6, v17, v3;
	(xrf1) =	vsort.ascd.msk.f32 $0xffff, v6, v6;
	v20, _, _ =	vpop @p6 (xrf1)  }
0x20f: {  	v6 =	vmin.f32 v4, v13;
	v4 =	vmax.f32 v4, v13;
	v9 =	vpsel p6, v9, v3;
	v21, _, _ =	vpop @p6 (xrf1)  }
0x210: {  	(xrf1) =	vsort.ascd.msk.f32 $0xffff, v5, v5;
	v5 =	vmax.f32 v15, v8;
	v19 =	vpsel p6, v19, v3;
	v22, _, _ =	vpop @p6 (xrf1)  }
0x211: {  	v20 =	vpsel p6, v20, v3;
	v21 =	vpsel p6, v21, v3;
	v23, _, _ =	vpop @p6 (xrf1);
	v22 =	vpsel p6, v22, v3  }
0x212: {  	(xrf1) =	vsort.ascd.msk.f32 $0xffff, v6, v6;
	v6 =	vmin.f32 v5, v9;
	v23 =	vpsel p6, v23, v3  }
0x213: {  	v8 =	vmin.f32 v6, v17;
	(xrf1) =	vsort.ascd.msk.f32 $0xffff, v4, v4;
	v4 =	vmax.f32 v5, v9  }
0x214: {  	v5 =	vmax.f32 v6, v17;
	v7 =	vmax.f32 v22, v7;
	(xrf1) =	vsort.ascd.msk.f32 $0xffff, v8, v8  }
0x215: {  	v6 =	vmin.f32 v4, v19;
	v4 =	vmax.f32 v4, v19;
	(xrf1) =	vsort.ascd.msk.f32 $0xffff, v5, v5  }
0x216: {  	v5 =	vmax.f32 v7, v23;
	(xrf1) =	vsort.ascd.msk.f32 $0xffff, v6, v6;
	v6 =	vmin.f32 v7, v23  }
0x217: {  	v7 =	vmax.f32 v5, v20;
	(xrf1) =	vsort.ascd.msk.f32 $0xffff, v4, v4;
	v4 =	vmax.f32 v6, v21  }
0x218: {  	(xrf1) =	vsort.ascd.msk.f32 $0xffff, v7, v7  }
0x219: {  	v5 =	vmin.f32 v5, v20;
	v6 =	vmin.f32 v6, v21;
	(xrf1) =	vsort.ascd.msk.f32 $0xffff, v4, v4  }
0x21a: {  	v4, _, _ =	vpop (xrf1);
	(xrf1) =	vsort.ascd.msk.f32 $0xffff, v6, v6  }
0x21b: {  	v10, _, _ =	vpop (xrf1);
	(xrf1) =	vsort.ascd.msk.f32 $0xffff, v5, v5  }
0x21c: {  	v5, _, _ =	vpop (xrf1)  }
0x21d: {  	v16, _, _ =	vpop (xrf1)  }
0x21e: {  	v14, _, _ =	vpop (xrf1)  }
0x21f: {  	v17, _, _ =	vpop (xrf1)  }
0x220: {  	v18, _, _ =	vpop (xrf1)  }
0x221: {  	v19, _, _ =	vpop (xrf1)  }
0x222: {  	v8, _, _ =	vpop (xrf1)  }
0x223: {  	v12, _, _ =	vpop (xrf1)  }
0x224: {  	v13, _, _ =	vpop (xrf1)  }
0x225: {  	v15, _, _ =	vpop (xrf1)  }
0x226: {  	v7, _, _ =	vpop (xrf1)  }
0x227: {  	v6, _, _ =	vpop (xrf1)  }
0x228: {  	v9, _, _ =	vpop (xrf1)  }
0x229: {  	v11, _, _ =	vpop (xrf1)  }
.LBB2_17:
0x22a: {  	v19 =	vperm.xlane v19, v1;
	v18 =	vperm.xlane v18, v1  }
0x22b: {  	v17 =	vperm.xlane v17, v1;
	v14 =	vperm.xlane v14, v1  }
0x22c: {  	v16 =	vperm.xlane v16, v1;
	v10 =	vperm.xlane v10, v1  }
0x22d: {  	v4 =	vperm.xlane v4, v1;
	v5 =	vperm.xlane v5, v1  }
0x22e: {  	v8 =	vmax.f32 v8, v19;
	v12 =	vmax.f32 v12, v18;
	v13 =	vmax.f32 v13, v17  }
0x22f: {  	v14 =	vmax.f32 v15, v14;
	v9 =	vmax.f32 v9, v16;
	v6 =	vmax.f32 v6, v10  }
0x230: {  	v15 =	vmin.f32 v8, v13;
	v8 =	vmax.f32 v8, v13;
	v13 =	vmin.f32 v12, v14  }
0x231: {  	v4 =	vmax.f32 v11, v4;
	v12 =	vmax.f32 v12, v14;
	v14 =	vmin.f32 v15, v13  }
0x232: {  	v5 =	vmax.f32 v7, v5;
	v13 =	vmax.f32 v15, v13;
	(xrf1) =	vsort.ascd.msk.f32 $0xffff, v14, v14  }
0x233: {  	v7 =	vmin.f32 v9, v4;
	v15 =	vmin.f32 v8, v12;
	(xrf1) =	vsort.ascd.msk.f32 $0xffff, v13, v13  }
0x234: {  	v10 =	vmin.f32 v6, v5;
	v8 =	vmax.f32 v8, v12;
	(xrf1) =	vsort.ascd.msk.f32 $0xffff, v15, v15  }
0x235: {  	v4 =	vmax.f32 v9, v4;
	(xrf1) =	vsort.ascd.msk.f32 $0xffff, v8, v8;
	v8 =	vmin.f32 v7, v10  }
0x236: {  	v5 =	vmax.f32 v6, v5;
	v6 =	vmax.f32 v7, v10;
	(xrf1) =	vsort.ascd.msk.f32 $0xffff, v8, v8  }
0x237: {  	v7 =	vmin.f32 v4, v5;
	(xrf1) =	vsort.ascd.msk.f32 $0xffff, v6, v6  }
0x238: {  	v4 =	vmax.f32 v4, v5;
	(xrf1) =	vsort.ascd.msk.f32 $0xffff, v7, v7  }
0x239: {  	(xrf1) =	vsort.ascd.msk.f32 $0xffff, v4, v4;
	_ =	sdelay $0x6  }
0x23a: {  	v4, _, _ =	vpop (xrf1)  }
0x23b: {  	v5, _, _ =	vpop (xrf1)  }
0x23c: {  	v6, _, _ =	vpop (xrf1)  }
0x23d: {  	v7, _, _ =	vpop (xrf1)  }
0x23e: {  	v8, _, _ =	vpop (xrf1)  }
0x23f: {  	v9, _, _ =	vpop (xrf1)  }
0x240: {  	v10, _, _ =	vpop (xrf1)  }
0x241: {  	v8 =	vperm.xlane v8, v1;
	v9 =	vperm.xlane v9, v1;
	v11, _, _ =	vpop (xrf1)  }
0x242: {  	v10 =	vperm.xlane v10, v1;
	v11 =	vperm.xlane v11, v1  }
0x243: {  	v7 =	vmax.f32 v7, v8  }
0x244: {  	v6 =	vmax.f32 v6, v9;
	v5 =	vmax.f32 v5, v10;
	v4 =	vmax.f32 v4, v11  }
0x245: {  	v9 =	vmin.f32 v5, v7;
	v8 =	vmin.f32 v4, v6  }
0x246: {  	v4 =	vmax.f32 v4, v6;
	v6 =	vmin.f32 v8, v9  }
0x247: {  	v5 =	vmax.f32 v5, v7;
	v7 =	vmax.f32 v8, v9;
	(xrf1) =	vsort.ascd.msk.f32 $0xffff, v6, v6  }
0x248: {  	v6 =	vmin.f32 v4, v5;
	(xrf1) =	vsort.ascd.msk.f32 $0xffff, v7, v7  }
0x249: {  	v4 =	vmax.f32 v4, v5;
	(xrf1) =	vsort.ascd.msk.f32 $0xffff, v6, v6  }
0x24a: {  	(xrf1) =	vsort.ascd.msk.f32 $0xffff, v4, v4;
	_ =	sdelay $0xa  }
0x24b: {  	v4, _, _ =	vpop (xrf1)  }
0x24c: {  	v5, _, _ =	vpop (xrf1);
	v4 =	vperm.xlane v4, v1  }
0x24d: {  	v6, _, _ =	vpop (xrf1);
	v5 =	vperm.xlane v5, v1  }
0x24e: {  	v7, _, _ =	vpop (xrf1);
	v6 =	vperm.xlane v6, v1;
	[tilespmem:$0x110B0] =	vst v4  }
0x24f: {  	v7 =	vperm.xlane v7, v1;
	[tilespmem:$0x110A0] =	vst v5  }
0x250: {  	[tilespmem:$0x11090] =	vst v6  }
0x251: {  	s16 =	simm.s32 $0x0;
	s0 =	simm.s32 $0x11080;
	[tilespmem:$0x11080] =	vst v7  }
0x252: {  	[hbm4b:s5+s16] =	stream.linear.scatter [tilespmem:s0], [sflag:$0x3], $0x80, $0x38;
	[tilespmem:$0x11100] =	vst v63  }
0x253: {  	_ =	swait.ge [sflag:s12], $0x80  }
0x254: {  	[sflag:s12] =	ssyncset.done $0x0  }
0x255: {  	[sflag:s12] =	ssyncadd.s32 $0xFFFFFF80  }
0x256: {  	_ =	swait.ge [sflag:s13], $0x8000  }
0x257: {  	[sflag:s13] =	ssyncset.done $0x0  }
0x258: {  	s17 =	simm.s32 $0x8080;
	[sflag:s13] =	ssyncadd.s32 $0xFFFF8000  }
0x259: {  	v4 =	vld [tilespmem:s17+$0xFFFFFF90]  }
0x25a: {  	v5 =	vld [tilespmem:s17+$0xFFFFFF80]  }
0x25b: {  	v6 =	vld [tilespmem:s17+$0xFFFFFFA0]  }
0x25c: {  	v7 =	vld [tilespmem:s17+$0xFFFFFFB0]  }
0x25d: {  	v8 =	vld [tilespmem:s17+$0xFFFFFFC0]  }
0x25e: {  	v9 =	vld [tilespmem:s17+$0xFFFFFFD0]  }
0x25f: {  	v4 =	vmax.f32 v5, v4;
	v5 =	vld [tilespmem:s17+$0xFFFFFFE0]  }
0x260: {  	v4 =	vmax.f32 v4, v6;
	v6 =	vld [tilespmem:s17+$0xFFFFFFF0]  }
0x261: {  	v4 =	vmax.f32 v4, v7;
	v7 =	vld [tilespmem:s17+$0x0]  }
0x262: {  	v4 =	vmax.f32 v4, v8;
	v8 =	vld [tilespmem:s17+$0x10]  }
0x263: {  	v4 =	vmax.f32 v4, v9;
	v9 =	vld [tilespmem:s17+$0x20]  }
0x264: {  	v4 =	vmax.f32 v4, v5;
	v5 =	vld [tilespmem:s17+$0x30]  }
0x265: {  	v10 =	vld [tilespmem:s17+$0x40];
	v4 =	vmax.f32 v4, v6  }
0x266: {  	v11 =	vimm.f32 $-Inf;
	v12 =	vld [tilespmem:s17+$0x50];
	v4 =	vmax.f32 v4, v7  }
0x267: {  	v13 =	vld [tilespmem:s17+$0x60];
	v6 =	vimm.f32 $-Inf;
	v7 =	vimm.f32 $-Inf;
	v4 =	vmax.f32 v4, v8  }
0x268: {  	v14 =	vld [tilespmem:s17+$0x70];
	v8 =	vimm.f32 $-Inf;
	v4 =	vmax.f32 v4, v9;
	v9 =	vimm.f32 $-Inf  }
0x269: {  	s15 =	simm.s32 $0x40;
	s18 =	simm.s32 $0x80;
	v15 =	vmax.f32 v4, v5;
	v5 =	vimm.f32 $-Inf;
	v4 =	vimm.f32 $-Inf  }
.LBB2_18:
0x26a: {  	p0 =	sne.s32 s18, $0x1FC0;
	v10 =	vmax.f32 v15, v10  }
0x26b: {  	v10 =	vmax.f32 v10, v12  }
0x26c: {  	v10 =	vmax.f32 v10, v13  }
0x26d: {  	s0 =	sshra.s32 s16, $0x2;
	s16 =	smov.u32 s15;
	s15 =	smov.u32 s18;
	v10 =	vmax.f32 v10, v14  }
0x26e: {  	s17 =	sadd.s32 $0x100, s17;
	[tilespmem:s0+$0x10000] =	vst v10;
	v12 =	vmin.f32 v3, v10;
	v3 =	vmax.f32 v3, v10  }
0x26f: {  	v10 =	vld [tilespmem:s17+$0xFFFFFF90];
	v13 =	vmin.f32 v11, v12;
	v11 =	vmax.f32 v11, v12  }
0x270: {  	v12 =	vld [tilespmem:s17+$0xFFFFFF80];
	v14 =	vmin.f32 v9, v13;
	v9 =	vmax.f32 v9, v13  }
0x271: {  	v13 =	vld [tilespmem:s17+$0xFFFFFFA0];
	v15 =	vmin.f32 v8, v14;
	v8 =	vmax.f32 v8, v14  }
0x272: {  	v14 =	vld [tilespmem:s17+$0xFFFFFFB0];
	v16 =	vmin.f32 v7, v15;
	v7 =	vmax.f32 v7, v15  }
0x273: {  	v15 =	vld [tilespmem:s17+$0xFFFFFFC0];
	v17 =	vmin.f32 v6, v16;
	v6 =	vmax.f32 v6, v16  }
0x274: {  	v16 =	vld [tilespmem:s17+$0xFFFFFFD0];
	v18 =	vmin.f32 v5, v17;
	v5 =	vmax.f32 v5, v17  }
0x275: {  	v10 =	vmax.f32 v12, v10;
	v12 =	vld [tilespmem:s17+$0xFFFFFFE0];
	v4 =	vmax.f32 v4, v18  }
0x276: {  	v10 =	vmax.f32 v10, v13;
	v13 =	vld [tilespmem:s17+$0xFFFFFFF0]  }
0x277: {  	v10 =	vmax.f32 v10, v14;
	v14 =	vld [tilespmem:s17+$0x0]  }
0x278: {  	v10 =	vmax.f32 v10, v15;
	v15 =	vld [tilespmem:s17+$0x10]  }
0x279: {  	v10 =	vmax.f32 v10, v16;
	v16 =	vld [tilespmem:s17+$0x20]  }
0x27a: {  	v10 =	vmax.f32 v10, v12;
	v17 =	vld [tilespmem:s17+$0x30]  }
.Ltmp10:
0x27b: {  	v12 =	vmax.f32 v10, v13;
	v10 =	vld [tilespmem:s17+$0x40];
	(pc) =	sbr.rel @p0 .LBB2_18-.Ltmp10, $4  }
0x27c: {  	v13 =	vmax.f32 v12, v14;
	v12 =	vld [tilespmem:s17+$0x50]  }
0x27d: {  	v14 =	vmax.f32 v13, v15;
	v13 =	vld [tilespmem:s17+$0x60]  }
0x27e: {  	v15 =	vmax.f32 v14, v16;
	v14 =	vld [tilespmem:s17+$0x70]  }
0x27f: {  	s18 =	sadd.s32 $0x40, s18;
	v15 =	vmax.f32 v15, v17  }
0x280: {  	v10 =	vmax.f32 v15, v10  }
0x281: {  	v10 =	vmax.f32 v10, v12  }
0x282: {  	v10 =	vmax.f32 v10, v13  }
0x283: {  	s0 =	sshra.s32 s16, $0x2;
	v42 =	vmax.f32 v10, v14  }
0x284: {  	s17 =	sadd.s32 $0x100, s17;
	[tilespmem:s0+$0x10000] =	vst v42  }
0x285: {  	v43 =	vld [tilespmem:s17+$0xFFFFFF90]  }
0x286: {  	v44 =	vld [tilespmem:s17+$0xFFFFFF80]  }
0x287: {  	v45 =	vld [tilespmem:s17+$0xFFFFFFA0]  }
0x288: {  	v46 =	vld [tilespmem:s17+$0xFFFFFFB0]  }
0x289: {  	v16 =	vld [tilespmem:s17+$0xFFFFFFC0]  }
0x28a: {  	v17 =	vld [tilespmem:s17+$0xFFFFFFD0]  }
0x28b: {  	v47 =	vld [tilespmem:s17+$0xFFFFFFE0];
	v10 =	vmax.f32 v44, v43  }
0x28c: {  	v48 =	vld [tilespmem:s17+$0xFFFFFFF0];
	v10 =	vmax.f32 v10, v45  }
0x28d: {  	v49 =	vld [tilespmem:s17+$0x0];
	v10 =	vmax.f32 v10, v46  }
0x28e: {  	v50 =	vld [tilespmem:s17+$0x10];
	v10 =	vmax.f32 v10, v16  }
0x28f: {  	v51 =	vld [tilespmem:s17+$0x20];
	v10 =	vmax.f32 v10, v17  }
0x290: {  	v52 =	vld [tilespmem:s17+$0x30];
	v10 =	vmax.f32 v10, v47  }
0x291: {  	v53 =	vld [tilespmem:s17+$0x40];
	v10 =	vmax.f32 v10, v48  }
0x292: {  	v54 =	vld [tilespmem:s17+$0x50];
	v10 =	vmax.f32 v10, v49  }
0x293: {  	v55 =	vld [tilespmem:s17+$0x60];
	v10 =	vmax.f32 v10, v50  }
0x294: {  	v56 =	vld [tilespmem:s17+$0x70];
	v10 =	vmax.f32 v10, v51  }
0x295: {  	v10 =	vmax.f32 v10, v52  }
0x296: {  	v10 =	vmax.f32 v10, v53  }
0x297: {  	v10 =	vmax.f32 v10, v54  }
0x298: {  	v10 =	vmax.f32 v10, v55  }
0x299: {  	v57 =	vmax.f32 v3, v42;
	v10 =	vmax.f32 v10, v56  }
0x29a: {  	v58 =	vmax.f32 v57, v10  }
0x29b: {  	(xrf1) =	vsort.ascd.msk.f32 $0xffff, v58, v58;
	_ =	sdelay $0xd  }
0x29c: {  	v14, _, _ =	vpop (xrf1)  }
0x29d: {  	v14 =	vperm.xlane v14, v1;
	_ =	sdelay $0x1  }
0x29e: {  	v3 =	vmin.f32 v3, v42;
	v59 =	vmin.f32 v14, $-Inf  }
0x29f: {  	v60 =	vmax.f32 v11, v3;
	v13 =	vmin.f32 v57, v10;
	(xrf1) =	vsort.ascd.msk.f32 $0xffff, v59, v59  }
0x2a0: {  	v61 =	vmax.f32 v60, v13;
	(xrf1) =	vsort.ascd.msk.f32 $0xffff, v14, v14  }
0x2a1: {  	(xrf1) =	vsort.ascd.msk.f32 $0xffff, v61, v61;
	_ =	sdelay $0xb  }
0x2a2: {  	v62, _, _ =	vpop (xrf1)  }
0x2a3: {  	v14, _, _ =	vpop (xrf1)  }
0x2a4: {  	v63, _, _ =	vpop (xrf1)  }
0x2a5: {  	v16 =	vperm.xlane v63, v1;
	_ =	sdelay $0x1  }
0x2a6: {  	v16 =	vmax.f32 v62, v16  }
0x2a7: {  	v20 =	vmin.f32 v16, v62  }
0x2a8: {  	v3 =	vmin.f32 v11, v3;
	v21 =	vmax.f32 v20, v62;
	(xrf1) =	vsort.ascd.msk.f32 $0xffff, v20, v20  }
0x2a9: {  	v22 =	vmax.f32 v9, v3;
	v23 =	vmin.f32 v16, v14;
	(xrf1) =	vsort.ascd.msk.f32 $0xffff, v21, v21  }
0x2aa: {  	v24 =	vmin.f32 v60, v13;
	v25 =	vmax.f32 v16, v14;
	(xrf1) =	vsort.ascd.msk.f32 $0xffff, v23, v23  }
0x2ab: {  	v26 =	vmax.f32 v22, v24;
	(xrf1) =	vsort.ascd.msk.f32 $0xffff, v25, v25  }
0x2ac: {  	(xrf1) =	vsort.ascd.msk.f32 $0xffff, v26, v26;
	_ =	sdelay $0x9  }
0x2ad: {  	v27, _, _ =	vpop (xrf1)  }
0x2ae: {  	v28, _, _ =	vpop (xrf1)  }
0x2af: {  	v29, _, _ =	vpop (xrf1)  }
0x2b0: {  	v30, _, _ =	vpop (xrf1)  }
0x2b1: {  	v31, _, _ =	vpop (xrf1)  }
0x2b2: {  	v17 =	vperm.xlane v31, v1;
	_ =	sdelay $0x1  }
0x2b3: {  	v13 =	vmax.f32 v27, v17  }
0x2b4: {  	v17 =	vmin.f32 v13, v29  }
0x2b5: {  	v3 =	vmin.f32 v9, v3;
	v32 =	vmin.f32 v17, v28  }
0x2b6: {  	v13 =	vmax.f32 v13, v29;
	v14 =	vmax.f32 v17, v28;
	(xrf1) =	vsort.ascd.msk.f32 $0xffff, v32, v32  }
0x2b7: {  	v33 =	vmax.f32 v8, v3;
	v15 =	vmin.f32 v13, v30;
	(xrf1) =	vsort.ascd.msk.f32 $0xffff, v14, v14  }
0x2b8: {  	v11 =	vmin.f32 v22, v24;
	v34 =	vmax.f32 v13, v30;
	(xrf1) =	vsort.ascd.msk.f32 $0xffff, v15, v15  }
0x2b9: {  	v35 =	vmax.f32 v33, v11;
	(xrf1) =	vsort.ascd.msk.f32 $0xffff, v34, v34  }
0x2ba: {  	(xrf1) =	vsort.ascd.msk.f32 $0xffff, v35, v35;
	_ =	sdelay $0x9  }
0x2bb: {  	v36, _, _ =	vpop (xrf1)  }
0x2bc: {  	v37, _, _ =	vpop (xrf1)  }
0x2bd: {  	v38, _, _ =	vpop (xrf1)  }
0x2be: {  	v39, _, _ =	vpop (xrf1)  }
0x2bf: {  	v40, _, _ =	vpop (xrf1)  }
0x2c0: {  	v16 =	vperm.xlane v40, v1;
	_ =	sdelay $0x1  }
0x2c1: {  	v12 =	vmax.f32 v36, v16  }
0x2c2: {  	v16 =	vmin.f32 v12, v38  }
0x2c3: {  	v3 =	vmin.f32 v8, v3;
	v41 =	vmin.f32 v16, v37  }
0x2c4: {  	v12 =	vmax.f32 v12, v38;
	v13 =	vmax.f32 v16, v37;
	(xrf1) =	vsort.ascd.msk.f32 $0xffff, v41, v41  }
0x2c5: {  	v42 =	vmax.f32 v7, v3;
	v14 =	vmin.f32 v12, v39;
	(xrf1) =	vsort.ascd.msk.f32 $0xffff, v13, v13  }
0x2c6: {  	v9 =	vmin.f32 v33, v11;
	v43 =	vmax.f32 v12, v39;
	(xrf1) =	vsort.ascd.msk.f32 $0xffff, v14, v14  }
0x2c7: {  	v44 =	vmax.f32 v42, v9;
	(xrf1) =	vsort.ascd.msk.f32 $0xffff, v43, v43  }
0x2c8: {  	(xrf1) =	vsort.ascd.msk.f32 $0xffff, v44, v44;
	_ =	sdelay $0x9  }
0x2c9: {  	v45, _, _ =	vpop (xrf1)  }
0x2ca: {  	v46, _, _ =	vpop (xrf1)  }
0x2cb: {  	v47, _, _ =	vpop (xrf1)  }
0x2cc: {  	v48, _, _ =	vpop (xrf1)  }
0x2cd: {  	v49, _, _ =	vpop (xrf1)  }
0x2ce: {  	v15 =	vperm.xlane v49, v1;
	_ =	sdelay $0x1  }
0x2cf: {  	v11 =	vmax.f32 v45, v15  }
0x2d0: {  	v15 =	vmin.f32 v11, v47  }
0x2d1: {  	v3 =	vmin.f32 v7, v3;
	v7 =	vmin.f32 v15, v46  }
0x2d2: {  	v11 =	vmax.f32 v11, v47;
	v12 =	vmax.f32 v15, v46;
	(xrf1) =	vsort.ascd.msk.f32 $0xffff, v7, v7  }
0x2d3: {  	v8 =	vmin.f32 v42, v9;
	v13 =	vmin.f32 v11, v48;
	(xrf1) =	vsort.ascd.msk.f32 $0xffff, v12, v12  }
0x2d4: {  	v50 =	vmax.f32 v11, v48;
	v7 =	vmax.f32 v6, v3;
	(xrf1) =	vsort.ascd.msk.f32 $0xffff, v13, v13  }
0x2d5: {  	v51 =	vmax.f32 v7, v8;
	(xrf1) =	vsort.ascd.msk.f32 $0xffff, v50, v50  }
0x2d6: {  	(xrf1) =	vsort.ascd.msk.f32 $0xffff, v51, v51;
	_ =	sdelay $0x9  }
0x2d7: {  	v52, _, _ =	vpop (xrf1)  }
0x2d8: {  	v53, _, _ =	vpop (xrf1)  }
0x2d9: {  	v54, _, _ =	vpop (xrf1)  }
0x2da: {  	v55, _, _ =	vpop (xrf1)  }
0x2db: {  	v56, _, _ =	vpop (xrf1)  }
0x2dc: {  	v14 =	vperm.xlane v56, v1;
	_ =	sdelay $0x1  }
0x2dd: {  	v9 =	vmax.f32 v52, v14  }
0x2de: {  	v14 =	vmin.f32 v9, v54  }
0x2df: {  	v3 =	vmin.f32 v6, v3;
	v6 =	vmin.f32 v14, v53  }
0x2e0: {  	v9 =	vmax.f32 v9, v54;
	v11 =	vmax.f32 v14, v53;
	(xrf1) =	vsort.ascd.msk.f32 $0xffff, v6, v6  }
0x2e1: {  	v7 =	vmin.f32 v7, v8;
	v12 =	vmin.f32 v9, v55;
	(xrf1) =	vsort.ascd.msk.f32 $0xffff, v11, v11  }
0x2e2: {  	v57 =	vmax.f32 v9, v55;
	v6 =	vmax.f32 v5, v3;
	(xrf1) =	vsort.ascd.msk.f32 $0xffff, v12, v12  }
0x2e3: {  	v58 =	vmax.f32 v6, v7;
	(xrf1) =	vsort.ascd.msk.f32 $0xffff, v57, v57  }
0x2e4: {  	(xrf1) =	vsort.ascd.msk.f32 $0xffff, v58, v58;
	_ =	sdelay $0x9  }
0x2e5: {  	v59, _, _ =	vpop (xrf1)  }
0x2e6: {  	v60, _, _ =	vpop (xrf1)  }
0x2e7: {  	v61, _, _ =	vpop (xrf1)  }
0x2e8: {  	v62, _, _ =	vpop (xrf1)  }
0x2e9: {  	v63, _, _ =	vpop (xrf1)  }
0x2ea: {  	v13 =	vperm.xlane v63, v1;
	_ =	sdelay $0x1  }
0x2eb: {  	v8 =	vmax.f32 v59, v13  }
0x2ec: {  	v3 =	vmin.f32 v5, v3;
	v5 =	vmin.f32 v8, v61  }
0x2ed: {  	v3 =	vmax.f32 v4, v3;
	v4 =	vmin.f32 v5, v60  }
0x2ee: {  	v8 =	vmax.f32 v8, v61;
	v5 =	vmax.f32 v5, v60;
	(xrf1) =	vsort.ascd.msk.f32 $0xffff, v4, v4  }
0x2ef: {  	v4 =	vmin.f32 v6, v7;
	v6 =	vmin.f32 v8, v62;
	(xrf1) =	vsort.ascd.msk.f32 $0xffff, v5, v5  }
0x2f0: {  	v3 =	vmax.f32 v3, v4;
	(xrf1) =	vsort.ascd.msk.f32 $0xffff, v6, v6  }
0x2f1: {  	(xrf1) =	vsort.ascd.msk.f32 $0xffff, v3, v3;
	_ =	sdelay $0xa  }
0x2f2: {  	v3, _, _ =	vpop (xrf1)  }
0x2f3: {  	v4, _, _ =	vpop (xrf1)  }
0x2f4: {  	v5, _, _ =	vpop (xrf1)  }
0x2f5: {  	v6, _, _ =	vpop (xrf1)  }
0x2f6: {  	v6 =	vperm.xlane v6, v1;
	_ =	sdelay $0x1  }
0x2f7: {  	v3 =	vmax.f32 v3, v6  }
0x2f8: {  	v3 =	vmin.f32 v3, v5  }
0x2f9: {  	v3 =	vmin.f32 v3, v4  }
0x2fa: {  	(xrf1) =	vsort.ascd.msk.f32 $0xffff, v3, v3;
	_ =	sdelay $0x9  }
0x2fb: {  	s18 =	sshra.s32 s15, $0x2  }
0x2fc: {  	s19 =	simm.s32 $0x10000;
	[tilespmem:s18+$0x10000] =	vst v10  }
0x2fd: {  	v4 =	vld [tilespmem:s19+$0x0];
	_ =	sdelay $0x1  }
0x2fe: {  	v3, _, _ =	vpop (xrf1)  }
0x2ff: {  	v3 =	vperm.xlane v3, v2  }
0x300: {  	s15 =	simm.s32 $0x0;
	s20 =	simm.s32 $0x200  }
0x301: {  	s1 =	sand.u32 $0x380, s20;
	s3 =	sand.u32 $0x70, s15;
	vm0 =	vge.f32 v4, v3;
	v4 =	vor.u32 s15, v0  }
0x302: {  	s1 =	sor.u32 s3, s1;
	[tilespmem:s15+$0x10800] =	vst.msk vm0, v4  }
0x303: {  	v4 =	vld [tilespmem:s1+$0x10000];
	_ =	sdelay $0x3  }
0x304: {  	s21 =	simm.s32 $0x400  }
0x305: {  	s22 =	sand.u32 $0x580, s21;
	vm1 =	vge.f32 v4, v3;
	v4 =	vor.u32 s20, v0  }
0x306: {  	s0 =	sor.u32 s3, s22;
	[tilespmem:s15+$0x10A00] =	vst.msk vm1, v4  }
0x307: {  	v4 =	vld [tilespmem:s0+$0x10000];
	_ =	sdelay $0x1  }
0x308: {  	v5 =	vmpcnt.ones.xlane vm0;
	_ =	sdelay $0x1  }
0x309: {  	s23 =	simm.s32 $0x600;
	(v2sf) =	vpush v5, $0x0  }
0x30a: {  	s24 =	sand.u32 $0x780, s23;
	vm12 =	vge.f32 v4, v3;
	v4 =	vor.u32 s21, v0  }
0x30b: {  	s1 =	sor.u32 s3, s24;
	[tilespmem:s15+$0x10C00] =	vst.msk vm12, v4  }
0x30c: {  	v4 =	vld [tilespmem:s1+$0x10000];
	_ =	sdelay $0x1  }
0x30d: {  	v5 =	vmpcnt.ones.xlane vm1;
	_ =	sdelay $0x1  }
0x30e: {  	(v2sf) =	vpush v5, $0x0  }
0x30f: {  	v5 =	vmpcnt.ones.xlane vm12;
	vm13 =	vge.f32 v4, v3  }
0x310: {  	v4 =	vor.u32 s23, v0;
	v6 =	vmpcnt.ones.xlane vm13  }
0x311: {  	s18 =	simm.s32 $0x10010;
	(v2sf) =	vpush v5, $0x0;
	[tilespmem:s15+$0x10E00] =	vst.msk vm13, v4  }
0x312: {  	v4 =	vld [tilespmem:s18+$0x0];
	(v2sf) =	vpush v6, $0x0;
	_ =	sdelay $0x3  }
0x313: {  	s26 =	simm.s32 $0x210;
	s19 =	simm.s32 $0x10;
	s25 =	spop (v2sf)  }
0x314: {  	s28 =	sand.u32 $0x380, s26;
	s22 =	sand.u32 $0x70, s19;
	s16 =	sadd.s32 $0x0, s25;
	vm14 =	vge.f32 v4, v3;
	v4 =	vor.u32 s19, v0  }
0x315: {  	s0 =	sor.u32 s22, s28;
	[tilespmem:s16+$0x10800] =	vst.msk vm14, v4;
	v5 =	vmpcnt.ones.xlane vm14  }
0x316: {  	v4 =	vld [tilespmem:s0+$0x10000]  }
0x317: {  	(v2sf) =	vpush v5, $0x0;
	_ =	sdelay $0x2  }
0x318: {  	s23 =	simm.s32 $0x410;
	s29 =	spop (v2sf)  }
0x319: {  	s30 =	sand.u32 $0x580, s23;
	s17 =	sadd.s32 $0x0, s29;
	vm15 =	vge.f32 v4, v3;
	v4 =	vor.u32 s26, v0  }
0x31a: {  	s0 =	sor.u32 s22, s30;
	v6 =	vmpcnt.ones.xlane vm15;
	[tilespmem:s17+$0x10A00] =	vst.msk vm15, v4  }
0x31b: {  	s31 =	spop (v2sf);
	v4 =	vld [tilespmem:s0+$0x10000]  }
0x31c: {  	s21 =	simm.s32 $0x20;
	s20 =	sadd.s32 $0x0, s31;
	(v2sf) =	vpush v6, $0x0;
	s24 =	spop (v2sf)  }
.LBB2_20:
0x31d: {  	p0 =	sne.s32 s21, $0x1F0  }
0x31e: {  	s15 =	sadd.s32 s15, s24;
	s0 =	smov.u32 s21;
	s21 =	sadd.s32 $0x10, s21  }
0x31f: {  	s1 =	sadd.s32 $0x600, s19;
	s19 =	smov.u32 s0  }
0x320: {  	s0 =	sand.u32 $0x780, s1;
	vm0 =	vge.f32 v4, v3;
	v4 =	vor.u32 s23, v0  }
0x321: {  	s0 =	sor.u32 s22, s0;
	[tilespmem:s20+$0x10C00] =	vst.msk vm0, v4;
	v4 =	vmpcnt.ones.xlane vm0  }
0x322: {  	v5 =	vld [tilespmem:s0+$0x10000]  }
0x323: {  	(v2sf) =	vpush v4, $0x0  }
0x324: {  	s0 =	spop (v2sf)  }
0x325: {  	s16 =	sadd.s32 s16, s0;
	_ =	sdelay $0x1  }
0x326: {  	v4 =	vor.u32 s1, v0;
	vm0 =	vge.f32 v5, v3  }
0x327: {  	s18 =	sadd.s32 $0x10, s18;
	[tilespmem:s15+$0x10E00] =	vst.msk vm0, v4;
	v4 =	vmpcnt.ones.xlane vm0  }
0x328: {  	v5 =	vld [tilespmem:s18+$0x0]  }
0x329: {  	(v2sf) =	vpush v4, $0x0  }
0x32a: {  	s0 =	spop (v2sf)  }
0x32b: {  	s17 =	sadd.s32 s17, s0  }
0x32c: {  	s0 =	sadd.s32 $0x200, s19  }
0x32d: {  	s22 =	sand.u32 $0x70, s19;
	v4 =	vor.u32 s19, v0;
	s1 =	sand.u32 $0x380, s0;
	vm0 =	vge.f32 v5, v3  }
0x32e: {  	s1 =	sor.u32 s22, s1;
	[tilespmem:s16+$0x10800] =	vst.msk vm0, v4;
	v4 =	vmpcnt.ones.xlane vm0  }
0x32f: {  	v5 =	vld [tilespmem:s1+$0x10000]  }
0x330: {  	(v2sf) =	vpush v4, $0x0  }
0x331: {  	s1 =	spop (v2sf)  }
0x332: {  	s20 =	sadd.s32 s20, s1  }
0x333: {  	s23 =	sadd.s32 $0x400, s19  }
.Ltmp11:
0x334: {  	v4 =	vor.u32 s0, v0;
	s0 =	sand.u32 $0x580, s23;
	vm0 =	vge.f32 v5, v3;
	(pc) =	sbr.rel @p0 .LBB2_20-.Ltmp11, $4  }
0x335: {  	s0 =	sor.u32 s22, s0;
	[tilespmem:s17+$0x10A00] =	vst.msk vm0, v4;
	v5 =	vmpcnt.ones.xlane vm0  }
0x336: {  	v4 =	vld [tilespmem:s0+$0x10000]  }
0x337: {  	(v2sf) =	vpush v5, $0x0  }
0x338: {  	s24 =	spop (v2sf)  }
0x339: {  	_ = 	snop  }
0x33a: {  	s0 =	sadd.s32 $0x600, s19  }
0x33b: {  	s1 =	sand.u32 $0x780, s0;
	vm0 =	vge.f32 v4, v3;
	v4 =	vor.u32 s23, v0  }
0x33c: {  	s1 =	sor.u32 s22, s1;
	[tilespmem:s20+$0x10C00] =	vst.msk vm0, v4  }
0x33d: {  	v4 =	vld [tilespmem:s1+$0x10000];
	_ =	sdelay $0x4  }
0x33e: {  	v5 =	vmpcnt.ones.xlane vm0;
	vm15 =	vge.f32 v4, v3  }
0x33f: {  	v3 =	vmpcnt.ones.xlane vm15  }
0x340: {  	(v2sf) =	vpush v5, $0x0  }
0x341: {  	(v2sf) =	vpush v3, $0x0;
	_ =	sdelay $0xb  }
0x342: {  	s30 =	spop (v2sf)  }
0x343: {  	s3 =	spop (v2sf)  }
0x344: {  	s11 =	sadd.s32 s15, s24;
	s8 =	spop (v2sf)  }
0x345: {  	s15 =	sadd.s32 s16, s30;
	s17 =	sadd.s32 s17, s3;
	s31 =	spop (v2sf)  }
0x346: {  	p0 =	sgt.s32 s15, s17;
	s16 =	sadd.s32 s20, s8;
	s18 =	sadd.s32 s11, s31  }
0x347: {  	s1 =	smov.u32 s17;
	p1 =	sgt.s32 s16, s18;
	s19 =	smov.u32 s18  }
0x348: {  	s1 =	smov.u32 @p0 s15;
	s19 =	smov.u32 @p1 s16  }
0x349: {  	p0 =	sgt.s32 s1, s19  }
0x34a: {  	s19 =	smov.u32 @p0 s1  }
0x34b: {  	p0 =	slt.s32 s19, $0x1  }
.Ltmp12:
0x34c: {  	_ = 	snop;
	(pc) =	sbr.rel @p0 .LBB2_22-.Ltmp12, $3  }
0x34d: {  	_ =	sdelay $0x1  }
0x34e: {  	v3 =	vor.u32 s0, v0  }
0x34f: {  	[tilespmem:s11+$0x10E00] =	vst.msk vm15, v3;
	v3 =	vimm.f32 $-Inf  }
0x350: {  	s20 =	simm.s32 $0x0;
	s0 =	simm.s32 $0x10800  }
0x351: {  	v4 =	vld [tilespmem:s0+$0x0];
	s31 =	sand.u32 $0x7FFFFFFF, s20  }
0x352: {  	v5 =	vld [tilespmem:s31+$0x10E00]  }
0x353: {  	v6 =	vld [tilespmem:s31+$0x10A00]  }
0x354: {  	p1 =	sne.s32 s19, $0x1;
	p0 =	por $0x0, $0x0;
	v7 =	vld [tilespmem:s31+$0x10C00]  }
.Ltmp13:
0x355: {  	s0 =	simm.s32 @!p0 $0x0;
	(pc) =	sbr.rel @!p1 .LBB2_24-.Ltmp13, $4  }
0x356: {  	s0 =	simm.s32 @p0 $0x1;
	p0 =	por $0x0, $0x0;
	(v2sf) =	vpush v4, $0x0  }
0x357: {  	[smem:$0x7F3] =	sst s0;
	s0 =	simm.s32 @!p0 $0x0;
	(v2sf) =	vpush v5, $0x0  }
0x358: {  	s0 =	simm.s32 @p0 $0x1;
	(v2sf) =	vpush v6, $0x0  }
0x359: {  	s23 =	simm.s32 $0x1;
	s22 =	simm.s32 $0x10801;
	[smem:$0x7F4] =	sst s0;
	(v2sf) =	vpush v7, $0x0  }
0x35a: {  	_ =	sdelay $0xa  }
0x35b: {  	s20 =	simm.s32 $0x2;
	s21 =	spop (v2sf)  }
0x35c: {  	s11 =	sand.u32 $0x7FFFFFFF, s23;
	v5 =	vld [tilespmem:s22+$0x0];
	s22 =	simm.s32 $0x1;
	s0 =	spop (v2sf)  }
0x35d: {  	s3 =	sshra.s32 s21, $0x1F;
	p5 =	slt.s32 s21, $0x1;
	s1 =	sshra.s32 s0, $0x1F  }
0x35e: {  	s8 =	spop (v2sf);
	s23 =	sand.u32 $0xF, s0;
	p2 =	slt.s32 s0, $0x1  }
0x35f: {  	s3 =	sshrl.u32 s3, $0x1C;
	s1 =	sshrl.u32 s1, $0x1C;
	s24 =	spop (v2sf)  }
0x360: {  	s25 =	sshra.s32 s8, $0x1F;
	s28 =	sand.u32 $0xF, s8;
	p0 =	slt.s32 s8, $0x1  }
0x361: {  	s3 =	sadd.s32 s3, s21;
	s1 =	sadd.s32 s1, s0;
	s31 =	sshra.s32 s24, $0x1F  }
0x362: {  	s25 =	sshrl.u32 s25, $0x1C;
	p6 =	slt.s32 s24, $0x1;
	s26 =	sand.u32 $0xFFFFFFF0, s1  }
0x363: {  	s29 =	sshrl.u32 s31, $0x1C;
	s1 =	sshrl.u32 s1, $0x4;
	p1 =	sne.s32 s0, s26  }
0x364: {  	s0 =	sadd.s32 s25, s8;
	s25 =	sadd.s32 s29, s24;
	p1 =	por !p2, !p1  }
0x365: {  	s30 =	sshrl.u32 s0, $0x4;
	s0 =	sand.u32 $0xFFFFFFF0, s0;
	s31 =	sshrl.u32 s25, $0x4  }
0x366: {  	s25 =	sand.u32 $0xFFFFFFF0, s25;
	p1 =	por !p1, !p1;
	p3 =	sne.s32 s8, s0  }
0x367: {  	s8 =	simm.s32 $0x1;
	p4 =	sne.s32 s24, s25;
	s24 =	sand.u32 $0xF, s24  }
0x368: {  	s25 =	simm.s32 $0x1;
	s8 =	simm.s32 @!p1 $0x0;
	p0 =	por !p0, !p3  }
0x369: {  	p1 =	por !p6, !p4;
	p3 =	sgt.s32 s15, $0x0;
	p0 =	por !p0, !p0  }
0x36a: {  	s1 =	ssub.s32 s1, s8;
	s25 =	simm.s32 @!p0 $0x0;
	p0 =	por !p1, !p1  }
0x36b: {  	v4 =	vmul.u32 $0x10, v0;
	s1 =	sshll.u32 s1, $0x8;
	p1 =	sne.s32 s19, $0x2;
	s29 =	ssub.s32 s30, s25  }
0x36c: {  	v6 =	vld [tilespmem:s11+$0x10E00];
	s22 =	simm.s32 @!p0 $0x0;
	s1 =	sor.u32 s23, s1;
	s30 =	sand.u32 $0xFFFFFFF0, s3  }
0x36d: {  	v7 =	vld [tilespmem:s11+$0x10A00];
	s8 =	sshll.u32 s29, $0x8;
	s0 =	ssub.s32 s31, s22;
	v8 =	vor.u32 s1, v4;
	p6 =	sne.s32 s21, s30  }
0x36e: {  	v9 =	vld [tilespmem:s11+$0x10C00];
	s0 =	sshll.u32 s0, $0x8;
	v8 =	vand.u32 $0x7FFF, v8;
	s31 =	sor.u32 s28, s8;
	p0 =	por !p5, !p6  }
.Ltmp14:
0x36f: {  	s8 =	simm.s32 $0x1;
	p0 =	por !p0, !p0;
	(pc) =	sbr.rel @!p1 .LBB2_26-.Ltmp14, $4  }
0x370: {  	(v2sf) =	vpush v5, $0x0;
	s0 =	sor.u32 s24, s0;
	s8 =	simm.s32 @!p0 $0x0;
	p0 =	por $0x1, $0x1  }
0x371: {  	(v2sf) =	vpush v6, $0x0;
	p4 =	sgt.s32 s17, $0x0;
	s3 =	sshrl.u32 s3, $0x4;
	v6 =	vor.u32 s0, v4;
	s0 =	simm.s32 @!p0 $0x0  }
0x372: {  	(v2sf) =	vpush v7, $0x0;
	p5 =	sgt.s32 s16, $0x0;
	p6 =	sgt.s32 s18, $0x0;
	v5 =	vor.u32 s31, v4;
	s0 =	simm.s32 @p0 $0x1  }
0x373: {  	(v2sf) =	vpush v9, $0x0;
	s24 =	simm.s32 $0x10802;
	v5 =	vand.u32 $0x7FFF, v5;
	v7 =	vand.u32 $0x7FFF, v6;
	s25 =	ssub.s32 s3, s8;
	v6 =	vld.idx.msk [tilespmem:v8+s9+$0x0], $0xffff;
	[smem:$0x7F2] =	sst s0  }
0x374: {  	_ = 	snop  }
0x375: {  	s0 =	sand.u32 $0xF, s21;
	s3 =	sshll.u32 s25, $0x8  }
0x376: {  	s0 =	sor.u32 s0, s3  }
0x377: {  	v8 =	vor.u32 s0, v4  }
0x378: {  	v8 =	vand.u32 $0x7FFF, v8;
	_ =	sdelay $0x2  }
0x379: {  	v5 =	vld.idx.msk [tilespmem:v5+s9+$0x0], $0xffff  }
0x37a: {  	v7 =	vld.idx.msk [tilespmem:v7+s9+$0x0], $0xffff  }
0x37b: {  	v8 =	vld.idx.msk [tilespmem:v8+s9+$0x0], $0xffff;
	_ =	sdelay $0x1  }
0x37c: {  	s0 =	simm.s32 $0x1;
	s23 =	spop (v2sf)  }
0x37d: {  	v6 =	vpsel !p6, $0xFF800000, v6;
	p6 =	sgt.s32 s18, $0x1;
	v5 =	vpsel !p4, $0xFF800000, v5;
	p4 =	sgt.s32 s17, $0x1;
	s1 =	spop (v2sf)  }
0x37e: {  	(xrf1) =	vsort.ascd.msk.f32 $0xffff, v6, v6;
	v6 =	vpsel !p5, $0xFF800000, v7;
	p5 =	sgt.s32 s16, $0x1;
	s8 =	sshra.s32 s1, $0x1F;
	s11 =	spop (v2sf)  }
0x37f: {  	p2 =	slt.s32 s1, $0x1;
	v8 =	vpsel !p3, $0xFF800000, v8;
	p3 =	sgt.s32 s15, $0x1;
	s8 =	sshrl.u32 s8, $0x1C  }
0x380: {  	s3 =	spop (v2sf);
	p0 =	slt.s32 s11, $0x1;
	s8 =	sadd.s32 s8, s1  }
0x381: {  	s29 =	sshra.s32 s11, $0x1F;
	s25 =	simm.s32 @!p0 $0x0;
	s30 =	sand.u32 $0xFFFFFFF0, s8  }
0x382: {  	s22 =	sshra.s32 s3, $0x1F;
	s25 =	simm.s32 @p0 $0x1;
	p1 =	sne.s32 s1, s30  }
0x383: {  	s22 =	sshrl.u32 s22, $0x1C;
	p1 =	por !p2, !p1;
	p2 =	slt.s32 s3, $0x1  }
0x384: {  	[smem:$0x7F0] =	sst s25;
	s25 =	sadd.s32 s22, s3;
	s22 =	simm.s32 @!p2 $0x0  }
0x385: {  	s21 =	sshrl.u32 s29, $0x1C;
	p1 =	por !p1, !p1;
	s22 =	simm.s32 @p2 $0x1  }
0x386: {  	s21 =	sadd.s32 s21, s11;
	[smem:$0x7F1] =	sst s22;
	s22 =	simm.s32 @!p1 $0x0  }
0x387: {  	s8 =	sshrl.u32 s8, $0x4;
	s31 =	sand.u32 $0xFFFFFFF0, s21;
	s22 =	simm.s32 @p1 $0x1  }
0x388: {  	s30 =	sshra.s32 s23, $0x1F;
	s26 =	sand.u32 $0xFFFFFFF0, s25;
	[smem:$0x7EF] =	sst s22  }
0x389: {  	s1 =	sand.u32 $0xF, s1;
	p2 =	sne.s32 s3, s26;
	s26 =	sld [smem:$0x7EF]  }
0x38a: {  	s21 =	sshrl.u32 s21, $0x4;
	s28 =	sld [smem:$0x7F0];
	s3 =	sand.u32 $0xF, s3  }
0x38b: {  	p1 =	sne.s32 s11, s31;
	s29 =	sld [smem:$0x7F1];
	s11 =	sand.u32 $0xF, s11  }
0x38c: {  	s31 =	sshrl.u32 s25, $0x4;
	s25 =	simm.s32 $0x1;
	p0 =	seq.s32 s26, $0x1  }
0x38d: {  	s22 =	simm.s32 $0x3;
	s0 =	simm.s32 @!p0 $0x0;
	p0 =	seq.s32 s28, $0x1  }
0x38e: {  	s26 =	sshrl.u32 s30, $0x1C;
	s28 =	sand.u32 $0x7FFFFFFF, s20;
	p1 =	por !p0, !p1  }
0x38f: {  	p0 =	seq.s32 s29, $0x1;
	s0 =	ssub.s32 s8, s0;
	s29 =	sadd.s32 s26, s23  }
0x390: {  	p2 =	por !p0, !p2;
	p1 =	por !p1, !p1;
	s0 =	sshll.u32 s0, $0x8  }
0x391: {  	v9 =	vld [tilespmem:s24+$0x0];
	s30 =	sand.u32 $0xFFFFFFF0, s29;
	s25 =	simm.s32 @!p1 $0x0;
	p1 =	por !p2, !p2  }
0x392: {  	v10 =	vld [tilespmem:s28+$0x10E00];
	s0 =	sor.u32 s1, s0;
	p2 =	slt.s32 s23, $0x1;
	p0 =	sne.s32 s23, s30  }
0x393: {  	v11 =	vld [tilespmem:s28+$0x10A00];
	s25 =	ssub.s32 s21, s25;
	s21 =	simm.s32 $0x1;
	v12 =	vor.u32 s0, v4;
	p2 =	por !p2, !p0  }
0x394: {  	v13 =	vld [tilespmem:s28+$0x10C00];
	p0 =	por $0x1, $0x1;
	s21 =	simm.s32 @!p1 $0x0;
	v12 =	vand.u32 $0x7FFF, v12;
	p1 =	sne.s32 s19, $0x3  }
.Ltmp15:
0x395: {  	s8 =	sshll.u32 s25, $0x8;
	s21 =	ssub.s32 s31, s21;
	(pc) =	sbr.rel @!p1 .LBB2_28-.Ltmp15, $4  }
0x396: {  	(v2sf) =	vpush v9, $0x0;
	p2 =	por !p2, !p2;
	s0 =	simm.s32 @!p0 $0x0;
	s21 =	sshll.u32 s21, $0x8  }
0x397: {  	(xrf1) =	vsort.ascd.msk.f32 $0xffff, v5, v5;
	s31 =	sor.u32 s11, s8;
	(v2sf) =	vpush v10, $0x0;
	s8 =	simm.s32 $0x1;
	s3 =	sor.u32 s3, s21  }
0x398: {  	(xrf1) =	vsort.ascd.msk.f32 $0xffff, v6, v6;
	s1 =	sshrl.u32 s29, $0x4;
	s0 =	simm.s32 @p0 $0x1;
	(v2sf) =	vpush v11, $0x0;
	v5 =	vor.u32 s31, v4;
	s8 =	simm.s32 @!p2 $0x0;
	v6 =	vor.u32 s3, v4  }
0x399: {  	(xrf1) =	vsort.ascd.msk.f32 $0xffff, v8, v8;
	s26 =	simm.s32 $0x10803;
	[smem:$0x7F3] =	sst s0;
	(v2sf) =	vpush v13, $0x0;
	v5 =	vand.u32 $0x7FFF, v5;
	s25 =	ssub.s32 s1, s8;
	v7 =	vand.u32 $0x7FFF, v6;
	v6 =	vld.idx.msk [tilespmem:v12+s9+$0x0], $0xffff  }
0x39a: {  	_ =	sdelay $0x3  }
0x39b: {  	v8, _, _ =	vpop (xrf1)  }
0x39c: {  	v8 =	vperm.xlane v8, v1  }
0x39d: {  	v5 =	vld.idx.msk [tilespmem:v5+s9+$0x0], $0xffff  }
0x39e: {  	s0 =	sand.u32 $0xF, s23;
	s8 =	sshll.u32 s25, $0x8;
	v7 =	vld.idx.msk [tilespmem:v7+s9+$0x0], $0xffff;
	v8 =	vmax.f32 v3, v8  }
0x39f: {  	s0 =	sor.u32 s0, s8;
	s8 =	sand.u32 $0x7FFFFFFF, s22;
	v10 =	vmin.f32 v8, v3  }
0x3a0: {  	v12 =	vor.u32 s0, v4;
	v13 =	vld [tilespmem:s8+$0x10E00];
	v8 =	vmax.f32 v8, v3;
	v11 =	vmax.f32 v10, v3  }
0x3a1: {  	s20 =	simm.s32 $0x4;
	v14 =	vmin.f32 v8, v3;
	(xrf1) =	vsort.ascd.msk.f32 $0xffff, v11, v11;
	v11 =	vand.u32 $0x7FFF, v12;
	v12 =	vld [tilespmem:s8+$0x10A00]  }
0x3a2: {  	v5 =	vpsel !p4, $0xFF800000, v5;
	p4 =	sgt.s32 s17, $0x2;
	(xrf1) =	vsort.ascd.msk.f32 $0xffff, v14, v14;
	v14 =	vld [tilespmem:s8+$0x10C00];
	s8 =	simm.s32 $0x1;
	s21 =	spop (v2sf)  }
0x3a3: {  	v7 =	vpsel !p5, $0xFF800000, v7;
	s1 =	spop (v2sf);
	s3 =	sshra.s32 s21, $0x1F;
	p5 =	slt.s32 s21, $0x1  }
0x3a4: {  	s11 =	sshra.s32 s1, $0x1F;
	s28 =	spop (v2sf);
	s24 =	sand.u32 $0xF, s1  }
0x3a5: {  	p1 =	slt.s32 s1, $0x1;
	s25 =	sshrl.u32 s3, $0x1C;
	s29 =	spop (v2sf)  }
0x3a6: {  	s31 =	sshra.s32 s28, $0x1F;
	s23 =	sand.u32 $0xF, s28;
	s11 =	sshrl.u32 s11, $0x1C  }
0x3a7: {  	v9 =	vld [tilespmem:s26+$0x0];
	p0 =	slt.s32 s28, $0x1;
	s30 =	sshra.s32 s29, $0x1F;
	s11 =	sadd.s32 s11, s1  }
0x3a8: {  	s26 =	sshrl.u32 s31, $0x1C;
	s31 =	sand.u32 $0xFFFFFFF0, s11;
	s3 =	sshrl.u32 s30, $0x1C  }
0x3a9: {  	v15, _, _ =	vpop (xrf1);
	s26 =	sadd.s32 s26, s28;
	s30 =	sshrl.u32 s11, $0x4;
	s11 =	simm.s32 $0x1  }
0x3aa: {  	v10 =	vmin.f32 v10, v3;
	v15 =	vperm.xlane v15, v1;
	p2 =	sne.s32 s1, s31;
	s0 =	sadd.s32 s3, s29;
	s3 =	sshrl.u32 s26, $0x4  }
0x3ab: {  	(xrf1) =	vsort.ascd.msk.f32 $0xffff, v10, v10;
	s1 =	sand.u32 $0xFFFFFFF0, s26;
	s31 =	sand.u32 $0xF, s29;
	p1 =	por !p1, !p2  }
0x3ac: {  	v6 =	vpsel !p6, $0xFF800000, v6;
	(v2sf) =	vpush v9, $0x0;
	v10 =	vmax.f32 v3, v15;
	p2 =	slt.s32 s29, $0x1;
	s26 =	sshrl.u32 s0, $0x4;
	p6 =	sne.s32 s28, s1  }
0x3ad: {  	v8 =	vmax.f32 v8, v3;
	(xrf1) =	vsort.ascd.msk.f32 $0xffff, v6, v6;
	v6 =	vmin.f32 v10, v3;
	s0 =	sand.u32 $0xFFFFFFF0, s0;
	s28 =	sadd.s32 s25, s21;
	p1 =	por !p1, !p1  }
0x3ae: {  	(xrf1) =	vsort.ascd.msk.f32 $0xffff, v8, v8;
	v8 =	vld.idx.msk [tilespmem:v11+s9+$0x0], $0xffff;
	v9, _, _ =	vpop (xrf1);
	(v2sf) =	vpush v13, $0x0;
	v13 =	vmin.f32 v6, v3;
	s8 =	simm.s32 @!p1 $0x0;
	p1 =	por !p0, !p6;
	p0 =	sne.s32 s29, s0  }
0x3af: {  	v11, _, _ =	vpop (xrf1);
	(v2sf) =	vpush v12, $0x0;
	v10 =	vmax.f32 v10, v3;
	v6 =	vmax.f32 v6, v3;
	(xrf1) =	vsort.ascd.msk.f32 $0xffff, v13, v13;
	s29 =	sand.u32 $0xFFFFFFF0, s28;
	p1 =	por !p1, !p1;
	p2 =	por !p2, !p0  }
0x3b0: {  	v11 =	vperm.xlane v11, v1;
	(v2sf) =	vpush v14, $0x0;
	v12 =	vmin.f32 v10, v3;
	(xrf1) =	vsort.ascd.msk.f32 $0xffff, v6, v6;
	s1 =	ssub.s32 s30, s8;
	s8 =	simm.s32 $0x1;
	p6 =	sne.s32 s21, s29  }
0x3b1: {  	v6 =	vperm.xlane v9, v1;
	(xrf1) =	vsort.ascd.msk.f32 $0xffff, v12, v12;
	p0 =	por $0x1, $0x1;
	s11 =	simm.s32 @!p1 $0x0;
	s1 =	sshll.u32 s1, $0x8  }
0x3b2: {  	v9 =	vmax.f32 v10, v3;
	(xrf1) =	vsort.ascd.msk.f32 $0xffff, v5, v5;
	v5 =	vmax.f32 v3, v11;
	p1 =	por !p2, !p2;
	p2 =	sne.s32 s19, $0x4;
	s1 =	sor.u32 s24, s1  }
0x3b3: {  	v10 =	vmin.f32 v5, v3;
	v11 =	vmax.f32 v5, v3;
	(xrf1) =	vsort.ascd.msk.f32 $0xffff, v9, v9;
	s3 =	ssub.s32 s3, s11;
	s8 =	simm.s32 @!p1 $0x0;
	p1 =	por !p5, !p6;
	v5 =	vor.u32 s1, v4  }
0x3b4: {  	v6 =	vmax.f32 v3, v6;
	v9 =	vmin.f32 v10, v3;
	(xrf1) =	vsort.ascd.msk.f32 $0xffff, v7, v7;
	p5 =	sgt.s32 s16, $0x2;
	p6 =	sgt.s32 s18, $0x2;
	s8 =	ssub.s32 s26, s8;
	v14 =	vand.u32 $0x7FFF, v5  }
.Ltmp16:
0x3b5: {  	v15 =	vmin.f32 v6, v3;
	v6 =	vmax.f32 v6, v3;
	(xrf1) =	vsort.ascd.msk.f32 $0xffff, v9, v9;
	s3 =	sshll.u32 s3, $0x8;
	s8 =	sshll.u32 s8, $0x8;
	v5 =	vpsel !p3, $0xFF800000, v8;
	(pc) =	sbr.rel @!p2 .LBB2_30-.Ltmp16, $4  }
0x3b6: {  	v12 =	vmax.f32 v10, v3;
	v13 =	vmin.f32 v11, v3;
	p1 =	por !p1, !p1;
	s1 =	simm.s32 $0x1;
	s0 =	sor.u32 s31, s8;
	(xrf1) =	vsort.ascd.msk.f32 $0xffff, v5, v5  }
0x3b7: {  	v10 =	vmax.f32 v6, v3;
	v63 =	vmax.f32 v11, v3;
	s30 =	sor.u32 s23, s3;
	p3 =	sgt.s32 s15, $0x2;
	v8, _, _ =	vpop (xrf1);
	v16 =	vor.u32 s0, v4;
	(xrf1) =	vsort.ascd.msk.f32 $0xffff, v12, v12;
	s0 =	simm.s32 @!p0 $0x0  }
0x3b8: {  	v9 =	vmin.f32 v6, v3;
	s1 =	simm.s32 @!p1 $0x0;
	v7 =	vor.u32 s30, v4;
	s31 =	sshrl.u32 s28, $0x4;
	v11, _, _ =	vpop (xrf1);
	v12 =	vmin.f32 v15, v3;
	(xrf1) =	vsort.ascd.msk.f32 $0xffff, v13, v13;
	s0 =	simm.s32 @p0 $0x1  }
0x3b9: {  	s23 =	simm.s32 $0x10804;
	v5 =	vand.u32 $0x7FFF, v7;
	s25 =	ssub.s32 s31, s1;
	v7 =	vand.u32 $0x7FFF, v16;
	v13 =	vmax.f32 v15, v3;
	(xrf1) =	vsort.ascd.msk.f32 $0xffff, v63, v63;
	[smem:$0x7F4] =	sst s0;
	v6 =	vld.idx.msk [tilespmem:v14+s9+$0x0], $0xffff;
	v14, _, _ =	vpop (xrf1)  }
.LBB2_31:
0x3ba: {  	s0 =	sand.u32 $0xF, s21  }
0x3bb: {  	s21 =	spop (v2sf);
	s24 =	smov.u32 s22;
	s22 =	smov.u32 s20  }
0x3bc: {  	v15, _, _ =	vpop (xrf1);
	(xrf1) =	vsort.ascd.msk.f32 $0xffff, v10, v10;
	s20 =	sadd.s32 $0x1, s20;
	s8 =	sshll.u32 s25, $0x8;
	s1 =	sshra.s32 s21, $0x1F  }
0x3bd: {  	s3 =	spop (v2sf);
	v10 =	vperm.xlane v15, v1;
	(xrf1) =	vsort.ascd.msk.f32 $0xffff, v13, v13;
	v13, _, _ =	vpop (xrf1);
	s0 =	sor.u32 s0, s8;
	s8 =	sand.u32 $0x7FFFFFFF, s22  }
0x3be: {  	v15 =	vld [tilespmem:s23+$0x0];
	s11 =	sshra.s32 s3, $0x1F;
	s30 =	spop (v2sf);
	v16, _, _ =	vpop (xrf1);
	(xrf1) =	vsort.ascd.msk.f32 $0xffff, v12, v12;
	s26 =	sand.u32 $0xF, s3  }
0x3bf: {  	v12 =	vor.u32 s0, v4;
	p1 =	slt.s32 s3, $0x1;
	s29 =	sshrl.u32 s1, $0x1C;
	s28 =	spop (v2sf);
	v7 =	vld.idx.msk [tilespmem:v7+s9+$0x0], $0xffff;
	v10 =	vmax.f32 v14, v10;
	v14, _, _ =	vpop (xrf1);
	(xrf1) =	vsort.ascd.msk.f32 $0xffff, v9, v9  }
0x3c0: {  	s0 =	sshra.s32 s30, $0x1F;
	s25 =	sand.u32 $0xF, s30;
	s11 =	sshrl.u32 s11, $0x1C;
	v12 =	vand.u32 $0x7FFF, v12;
	v9 =	vld [tilespmem:s8+$0x10E00];
	v17 =	vmin.f32 v10, v11;
	v10 =	vmax.f32 v10, v11;
	v11, _, _ =	vpop (xrf1)  }
0x3c1: {  	p2 =	slt.s32 s30, $0x1;
	s31 =	sshra.s32 s28, $0x1F;
	s11 =	sadd.s32 s11, s3;
	v18 =	vld [tilespmem:s8+$0x10A00];
	v19 =	vmin.f32 v17, v8;
	v22 =	vmax.f32 v17, v8;
	v17 =	vmin.f32 v10, v13;
	v20, _, _ =	vpop (xrf1)  }
0x3c2: {  	s0 =	sshrl.u32 s0, $0x1C;
	s1 =	sshrl.u32 s31, $0x1C;
	v21 =	vld [tilespmem:s8+$0x10C00];
	s8 =	sand.u32 $0xFFFFFFF0, s11  }
0x3c3: {  	v6 =	vpsel !p6, $0xFF800000, v6;
	v10 =	vmax.f32 v10, v13;
	s0 =	sadd.s32 s0, s30;
	s31 =	simm.s32 $0x1;
	v20 =	vperm.xlane v20, v1;
	(xrf1) =	vsort.ascd.msk.f32 $0xffff, v22, v22;
	p6 =	sne.s32 s3, s8  }
0x3c4: {  	s1 =	sadd.s32 s1, s28;
	v5 =	vld.idx.msk [tilespmem:v5+s9+$0x0], $0xffff;
	(xrf1) =	vsort.ascd.msk.f32 $0xffff, v17, v17;
	v8, _, _ =	vpop (xrf1);
	s3 =	sshrl.u32 s0, $0x4;
	p1 =	por !p1, !p6  }
0x3c5: {  	s0 =	sand.u32 $0xFFFFFFF0, s0;
	s8 =	sshrl.u32 s1, $0x4;
	(v2sf) =	vpush v15, $0x0;
	v13 =	vmax.f32 v16, v20;
	v15, _, _ =	vpop (xrf1);
	(xrf1) =	vsort.ascd.msk.f32 $0xffff, v19, v19;
	p1 =	por !p1, !p1  }
0x3c6: {  	p6 =	slt.s32 s28, $0x1;
	(v2sf) =	vpush v9, $0x0;
	v9 =	vld.idx.msk [tilespmem:v12+s9+$0x0], $0xffff;
	(xrf1) =	vsort.ascd.msk.f32 $0xffff, v6, v6;
	v6 =	vmin.f32 v13, v11;
	v12, _, _ =	vpop (xrf1);
	s31 =	simm.s32 @!p1 $0x0;
	p1 =	sne.s32 s30, s0  }
0x3c7: {  	v15 =	vperm.xlane v15, v1;
	(v2sf) =	vpush v18, $0x0;
	v16 =	vmin.f32 v6, v14;
	v17, _, _ =	vpop (xrf1);
	(xrf1) =	vsort.ascd.msk.f32 $0xffff, v10, v10;
	s0 =	sand.u32 $0xFFFFFFF0, s1;
	s1 =	sshrl.u32 s11, $0x4;
	s11 =	simm.s32 $0x1  }
0x3c8: {  	v10 =	vmax.f32 v13, v11;
	v18 =	vmax.f32 v6, v14;
	(v2sf) =	vpush v21, $0x0;
	(xrf1) =	vsort.ascd.msk.f32 $0xffff, v16, v16;
	v11, _, _ =	vpop (xrf1);
	p1 =	por !p2, !p1;
	p2 =	sne.s32 s28, s0;
	s0 =	sand.u32 $0xF, s28  }
0x3c9: {  	v7 =	vpsel !p5, $0xFF800000, v7;
	v17 =	vperm.xlane v17, v1;
	v16 =	vmin.f32 v10, v8;
	s1 =	ssub.s32 s1, s31;
	(xrf1) =	vsort.ascd.msk.f32 $0xffff, v18, v18;
	v6, _, _ =	vpop (xrf1);
	p1 =	por !p1, !p1;
	p2 =	por !p6, !p2  }
0x3ca: {  	v8 =	vmax.f32 v10, v8;
	v5 =	vpsel !p4, $0xFF800000, v5;
	s1 =	sshll.u32 s1, $0x8;
	(xrf1) =	vsort.ascd.msk.f32 $0xffff, v16, v16;
	v14, _, _ =	vpop (xrf1);
	s11 =	simm.s32 @!p1 $0x0;
	p1 =	por !p2, !p2  }
0x3cb: {  	s1 =	sor.u32 s26, s1;
	(xrf1) =	vsort.ascd.msk.f32 $0xffff, v5, v5;
	v5 =	vmax.f32 v12, v17;
	v10, _, _ =	vpop (xrf1);
	s3 =	ssub.s32 s3, s11;
	s11 =	simm.s32 $0x1  }
0x3cc: {  	s26 =	sadd.s32 s29, s21;
	p2 =	sne.s32 s19, s20;
	v9 =	vpsel !p3, $0xFF800000, v9;
	s11 =	simm.s32 @!p1 $0x0;
	v12 =	vmin.f32 v5, v6;
	v6 =	vmax.f32 v5, v6;
	v13, _, _ =	vpop (xrf1)  }
0x3cd: {  	s3 =	sshll.u32 s3, $0x8;
	v5 =	vor.u32 s1, v4;
	s1 =	sand.u32 $0xFFFFFFF0, s26;
	s8 =	ssub.s32 s8, s11;
	v16 =	vmin.f32 v12, v11;
	v11 =	vmax.f32 v12, v11;
	(xrf1) =	vsort.ascd.msk.f32 $0xffff, v8, v8;
	v8, _, _ =	vpop (xrf1)  }
0x3ce: {  	p1 =	slt.s32 s21, $0x1;
	s3 =	sor.u32 s25, s3;
	v17 =	vand.u32 $0x7FFF, v5;
	v18 =	vmin.f32 v6, v14;
	s8 =	sshll.u32 s8, $0x8;
	(xrf1) =	vsort.ascd.msk.f32 $0xffff, v7, v7;
	v5 =	vmax.f32 v8, v15;
	v7, _, _ =	vpop (xrf1)  }
.Ltmp17:
0x3cf: {  	p3 =	sne.s32 s21, s1;
	v19 =	vor.u32 s3, v4;
	s0 =	sor.u32 s0, s8;
	v15 =	vmin.f32 v5, v7;
	v5 =	vmax.f32 v5, v7;
	(xrf1) =	vsort.ascd.msk.f32 $0xffff, v16, v16;
	(pc) =	sbr.rel @p2 .LBB2_31-.Ltmp17, $4  }
0x3d0: {  	p4 =	slt.s32 s24, s17;
	p1 =	por !p1, !p3;
	v7 =	vor.u32 s0, v4;
	(xrf1) =	vsort.ascd.msk.f32 $0xffff, v9, v9;
	v9 =	vmin.f32 v5, v10;
	v10 =	vmax.f32 v5, v10  }
0x3d1: {  	s1 =	simm.s32 $0x1;
	p3 =	slt.s32 s24, s15;
	p1 =	por !p1, !p1;
	v5 =	vand.u32 $0x7FFF, v19;
	v12 =	vmin.f32 v15, v13;
	v7 =	vand.u32 $0x7FFF, v7;
	(xrf1) =	vsort.ascd.msk.f32 $0xffff, v11, v11;
	v8, _, _ =	vpop (xrf1)  }
0x3d2: {  	p5 =	slt.s32 s24, s16;
	v16 =	vmax.f32 v6, v14;
	s0 =	sshrl.u32 s26, $0x4;
	s1 =	simm.s32 @!p1 $0x0;
	v13 =	vmax.f32 v15, v13;
	(xrf1) =	vsort.ascd.msk.f32 $0xffff, v18, v18;
	v11, _, _ =	vpop (xrf1)  }
0x3d3: {  	s23 =	sadd.s32 $0x1, s23;
	p6 =	slt.s32 s24, s18;
	s25 =	ssub.s32 s0, s1;
	v6 =	vld.idx.msk [tilespmem:v17+s9+$0x0], $0xffff;
	(xrf1) =	vsort.ascd.msk.f32 $0xffff, v16, v16;
	v14, _, _ =	vpop (xrf1)  }
0x3d4: {  	s20 =	smov.u32 s22  }
.LBB2_33:
0x3d5: {  	s19 =	sld [smem:$0x7F4]  }
0x3d6: {  	s0 =	sld [smem:$0x7F3]  }
0x3d7: {  	s22 =	sld [smem:$0x7F2]  }
0x3d8: {  	p1 =	seq.s32 s19, $0x1;
	s19 =	spop (v2sf)  }
0x3d9: {  	s23 =	spop (v2sf)  }
0x3da: {  	p0 =	seq.s32 s0, $0x1;
	p2 =	seq.s32 s22, $0x1;
	s3 =	sshra.s32 s23, $0x1F  }
0x3db: {  	s0 =	sand.u32 @p2 $0xF, s21;
	s1 =	sshll.u32 @p2 s25, $0x8;
	s24 =	sshrl.u32 s3, $0x1C  }
0x3dc: {  	v15, _, _ =	vpop @p0 (xrf1);
	s0 =	sor.u32 @p2 s0, s1;
	s24 =	sadd.s32 s24, s23  }
0x3dd: {  	(xrf1) =	vsort.ascd.msk.f32 @p1 $0xffff, v10, v10;
	p6 =	por !p6, !p2;
	v10 =	vperm.xlane @p0 v15, v1;
	v4 =	vor.u32 @p2 s0, v4;
	s0 =	simm.s32 @!p2 $0x0;
	s25 =	sand.u32 $0xFFFFFFF0, s24  }
0x3de: {  	v15, _, _ =	vpop @p1 (xrf1);
	(xrf1) =	vsort.ascd.msk.f32 @p1 $0xffff, v13, v13;
	v6 =	vpsel p6, $0xFF800000, v6;
	p6 =	slt.s32 s23, $0x1;
	v4 =	vand.u32 @p2 $0x7FFF, v4;
	s0 =	simm.s32 @p2 $0x1;
	p2 =	sne.s32 s23, s25  }
0x3df: {  	v13, _, _ =	vpop @p1 (xrf1);
	(xrf1) =	vsort.ascd.msk.f32 @p1 $0xffff, v12, v12;
	v15 =	vpsel p1, v15, v3;
	v10 =	vmax.f32 @p0 v14, v10;
	p2 =	por !p6, !p2  }
0x3e0: {  	s21 =	spop (v2sf);
	s1 =	simm.s32 $0x1;
	v12, _, _ =	vpop @p1 (xrf1);
	(xrf1) =	vsort.ascd.msk.f32 @p1 $0xffff, v9, v9;
	v9 =	vmin.f32 @p0 v10, v11;
	v10 =	vmax.f32 @p0 v10, v11;
	p2 =	por !p2, !p2  }
0x3e1: {  	v14, _, _ =	vpop @p1 (xrf1);
	[smem:$0x7F2] =	sst s0;
	v11 =	vmin.f32 @p0 v9, v8;
	v8 =	vmax.f32 @p0 v9, v8;
	v9 =	vmin.f32 @p0 v10, v15;
	s1 =	simm.s32 @!p2 $0x0;
	p2 =	slt.s32 s21, $0x1  }
0x3e2: {  	v16, _, _ =	vpop @p0 (xrf1);
	s29 =	sld [smem:$0x7F2];
	s11 =	simm.s32 @!p2 $0x0  }
0x3e3: {  	v16 =	vperm.xlane @p0 v16, v1;
	(xrf1) =	vsort.ascd.msk.f32 @p0 $0xffff, v8, v8;
	s11 =	simm.s32 @p2 $0x1  }
0x3e4: {  	s26 =	sshra.s32 s21, $0x1F;
	v12 =	vpsel p1, v12, v3;
	v8 =	vpsel p1, v13, v3;
	(xrf1) =	vsort.ascd.msk.f32 @p0 $0xffff, v9, v9;
	v9, _, _ =	vpop @p1 (xrf1);
	[smem:$0x7EC] =	sst s11  }
0x3e5: {  	s28 =	sshrl.u32 s26, $0x1C;
	v13 =	vpsel p1, v14, v3;
	v8 =	vmax.f32 @p0 v8, v16;
	p6 =	seq.s32 s29, $0x1;
	v14, _, _ =	vpop @p0 (xrf1);
	(xrf1) =	vsort.ascd.msk.f32 @p0 $0xffff, v11, v11;
	s31 =	sld [smem:$0x7EC]  }
0x3e6: {  	s0 =	sadd.s32 s28, s21;
	v10 =	vmax.f32 @p0 v10, v15;
	v11 =	vmin.f32 @p0 v8, v13;
	(xrf1) =	vsort.ascd.msk.f32 @p6 $0xffff, v6, v6;
	v6, _, _ =	vpop @p1 (xrf1);
	s11 =	sld [smem:$0x7F2]  }
0x3e7: {  	s8 =	sand.u32 $0xFFFFFFF0, s0;
	v5 =	vld.idx.msk @p6 [tilespmem:v5+s9+$0x0], $0xffff;
	v16, _, _ =	vpop @p0 (xrf1);
	(xrf1) =	vsort.ascd.msk.f32 @p0 $0xffff, v10, v10;
	v10 =	vmax.f32 @p0 v11, v12  }
0x3e8: {  	s22 =	spop (v2sf);
	v7 =	vld.idx.msk @p6 [tilespmem:v7+s9+$0x0], $0xffff;
	v9 =	vpsel p1, v9, v3;
	v15 =	vmin.f32 @p0 v11, v12;
	p2 =	sne.s32 s21, s8;
	v12 =	vperm.xlane @p0 v16, v1;
	p6 =	seq.s32 s31, $0x1  }
0x3e9: {  	s30 =	sshra.s32 s22, $0x1F;
	v6 =	vpsel p1, v6, v3;
	(xrf1) =	vsort.ascd.msk.f32 @p0 $0xffff, v15, v15;
	v11, _, _ =	vpop @p1 (xrf1);
	p2 =	por !p6, !p2;
	p6 =	seq.s32 s11, $0x1  }
0x3ea: {  	s3 =	sshrl.u32 s30, $0x1C;
	v8 =	vmax.f32 @p0 v8, v13;
	(xrf1) =	vsort.ascd.msk.f32 @p0 $0xffff, v10, v10;
	v10, _, _ =	vpop @p1 (xrf1);
	v6 =	vmax.f32 @p0 v6, v12;
	s8 =	simm.s32 @!p2 $0x0;
	v4 =	vld.idx.msk @p6 [tilespmem:v4+s9+$0x0], $0xffff  }
0x3eb: {  	v13 =	vmin.f32 @p0 v8, v9;
	v8 =	vmax.f32 @p0 v8, v9;
	v9, _, _ =	vpop @p1 (xrf1);
	v10 =	vpsel p1, v10, v3;
	p4 =	por !p4, !p6;
	s8 =	simm.s32 @p2 $0x1;
	p2 =	slt.s32 s22, $0x1  }
0x3ec: {  	s25 =	sadd.s32 s3, s22;
	v14 =	vperm.xlane @p0 v14, v1;
	(xrf1) =	vsort.ascd.msk.f32 @p0 $0xffff, v13, v13;
	v12, _, _ =	vpop @p1 (xrf1);
	v13 =	vmin.f32 @p0 v6, v10;
	v5 =	vpsel p4, $0xFF800000, v5;
	s3 =	simm.s32 @!p2 $0x0  }
0x3ed: {  	v11 =	vpsel p1, v11, v3;
	p4 =	por !p5, !p6;
	(xrf1) =	vsort.ascd.msk.f32 @p6 $0xffff, v5, v5;
	v5 =	vmax.f32 @p0 v6, v10;
	v6, _, _ =	vpop @p1 (xrf1);
	s3 =	simm.s32 @p2 $0x1  }
0x3ee: {  	s31 =	sshrl.u32 s24, $0x4;
	v9 =	vpsel p1, v9, v3;
	p3 =	por !p3, !p6;
	v10 =	vmin.f32 @p0 v13, v11;
	v7 =	vpsel p4, $0xFF800000, v7;
	(xrf1) =	vsort.ascd.msk.f32 @p0 $0xffff, v8, v8;
	v8, _, _ =	vpop @p1 (xrf1);
	[smem:$0x7EE] =	sst s3  }
0x3ef: {  	s1 =	ssub.s32 s31, s1;
	v11 =	vmax.f32 @p0 v13, v11;
	(xrf1) =	vsort.ascd.msk.f32 @p6 $0xffff, v7, v7;
	v8 =	vpsel p1, v8, v3;
	v13, _, _ =	vpop @p1 (xrf1);
	s28 =	sld [smem:$0x7EE];
	v4 =	vpsel p3, $0xFF800000, v4  }
0x3f0: {  	s30 =	sand.u32 $0xF, s23;
	s1 =	sshll.u32 s1, $0x8;
	v8 =	vmax.f32 @p0 v8, v14;
	v13 =	vpsel p1, v13, v3;
	(xrf1) =	vsort.ascd.msk.f32 @p0 $0xffff, v10, v10;
	v10 =	vmul.u32 $0x10, v0  }
0x3f1: {  	s26 =	sand.u32 $0xFFFFFFF0, s25;
	s1 =	sor.u32 s30, s1;
	[smem:$0x7ED] =	sst s8;
	v6 =	vpsel p1, v6, v3;
	v14 =	vmin.f32 @p0 v8, v13;
	(xrf1) =	vsort.ascd.msk.f32 @p6 $0xffff, v4, v4  }
0x3f2: {  	s8 =	sld [smem:$0x7ED];
	p2 =	sne.s32 s22, s26;
	v8 =	vmax.f32 @p0 v8, v13;
	v4 =	vpsel p1, v12, v3;
	(xrf1) =	vsort.ascd.msk.f32 @p0 $0xffff, v11, v11;
	v11 =	vor.u32 s1, v10;
	p4 =	seq.s32 s28, $0x1  }
0x3f3: {  	s0 =	sshrl.u32 s0, $0x4;
	v7 =	vmin.f32 @p0 v5, v9;
	v5 =	vmax.f32 @p0 v5, v9;
	v12 =	vmax.f32 @p0 v8, v4;
	p4 =	por !p4, !p2  }
0x3f4: {  	s23 =	simm.s32 $0x1;
	s25 =	sshrl.u32 s25, $0x4;
	v9 =	vmax.f32 @p0 v14, v6;
	v6 =	vmin.f32 @p0 v14, v6;
	v13, _, _ =	vpop @p0 (xrf1);
	(xrf1) =	vsort.ascd.msk.f32 @p0 $0xffff, v7, v7;
	p2 =	por !p4, !p4  }
0x3f5: {  	s29 =	sshra.s32 s19, $0x1F;
	p5 =	seq.s32 s8, $0x1;
	v7 =	vand.u32 $0x7FFF, v11;
	v9 =	vpsel p0, v9, v0;
	v11, _, _ =	vpop @p0 (xrf1);
	(xrf1) =	vsort.ascd.msk.f32 @p0 $0xffff, v5, v5;
	v5 =	vpsel p0, v12, v0;
	s23 =	simm.s32 @!p2 $0x0  }
0x3f6: {  	s8 =	simm.s32 $0x1;
	p5 =	por !p5, !p5;
	v12, _, _ =	vpop @p0 (xrf1);
	(xrf1) =	vsort.ascd.msk.f32 @p0 $0xffff, v5, v5;
	s1 =	ssub.s32 s25, s23  }
0x3f7: {  	v4 =	vmin.f32 @p0 v8, v4;
	s8 =	simm.s32 @!p5 $0x0;
	s28 =	sand.u32 $0xF, s22;
	v5 =	vpsel p0, v6, v0;
	v6, _, _ =	vpop @p6 (xrf1);
	(xrf1) =	vsort.ascd.msk.f32 @p0 $0xffff, v9, v9;
	s1 =	sshll.u32 s1, $0x8  }
0x3f8: {  	s3 =	sshrl.u32 s29, $0x1C;
	v4 =	vpsel p0, v4, v0;
	s0 =	ssub.s32 s0, s8;
	v6 =	vperm.xlane @p6 v6, v1;
	v9, _, _ =	vpop @p0 (xrf1);
	(xrf1) =	vsort.ascd.msk.f32 @p0 $0xffff, v5, v5;
	s29 =	sor.u32 s28, s1  }
0x3f9: {  	s26 =	sand.u32 $0xF, s21;
	s3 =	sadd.s32 s3, s19;
	s0 =	sshll.u32 s0, $0x8;
	v12 =	vpsel p0, v12, v3;
	v14, _, _ =	vpop @p0 (xrf1);
	(xrf1) =	vsort.ascd.msk.f32 @p0 $0xffff, v4, v4;
	v5 =	vor.u32 s29, v10  }
0x3fa: {  	s24 =	sand.u32 $0xFFFFFFF0, s3;
	s0 =	sor.u32 s26, s0;
	v6 =	vmax.f32 @p6 v12, v6;
	v4 =	vand.u32 $0x7FFF, v5;
	v5 =	vld.idx.msk [tilespmem:v7+s9+$0x0], $0xffff;
	v7 =	vpsel p0, v11, v3  }
0x3fb: {  	p5 =	sne.s32 s19, s24;
	p4 =	slt.s32 s19, $0x1;
	v8 =	vor.u32 s0, v10;
	v12 =	vpsel p0, v13, v3;
	v13 =	vmin.f32 @p6 v6, v7  }
0x3fc: {  	p1 =	por !p4, !p5;
	v8 =	vand.u32 $0x7FFF, v8;
	v11, _, _ =	vpop @p0 (xrf1)  }
0x3fd: {  	p1 =	por !p1, !p1;
	s1 =	simm.s32 $0x1;
	v6 =	vmax.f32 @p6 v6, v7;
	v7, _, _ =	vpop @p0 (xrf1)  }
0x3fe: {  	s30 =	sshrl.u32 s3, $0x4;
	v9 =	vpsel p0, v9, v3;
	s1 =	simm.s32 @!p1 $0x0;
	v15 =	vmin.f32 @p6 v13, v12;
	v12 =	vmax.f32 @p6 v13, v12;
	v13, _, _ =	vpop @p6 (xrf1)  }
0x3ff: {  	s0 =	ssub.s32 s30, s1;
	v16 =	vmin.f32 @p6 v6, v9;
	(xrf1) =	vsort.ascd.msk.f32 @p6 $0xffff, v12, v12;
	v13 =	vperm.xlane @p6 v13, v1  }
0x400: {  	s31 =	sand.u32 $0xF, s19;
	p2 =	slt.s32 s20, s18;
	s0 =	sshll.u32 s0, $0x8;
	v6 =	vmax.f32 @p6 v6, v9;
	(xrf1) =	vsort.ascd.msk.f32 @p6 $0xffff, v16, v16  }
0x401: {  	s0 =	sor.u32 s31, s0;
	v9 =	vpsel p0, v14, v3;
	v8 =	vld.idx.msk [tilespmem:v8+s9+$0x0], $0xffff;
	v12, _, _ =	vpop @p0 (xrf1);
	v5 =	vpsel !p2, $0xFF800000, v5;
	(xrf1) =	vsort.ascd.msk.f32 @p6 $0xffff, v15, v15  }
0x402: {  	v10 =	vor.u32 s0, v10;
	v7 =	vpsel p0, v7, v3;
	v14, _, _ =	vpop @p6 (xrf1);
	(xrf1) =	vsort.ascd.msk.f32 $0xffff, v5, v5;
	v9 =	vmax.f32 @p6 v9, v13  }
0x403: {  	v11 =	vpsel p0, v11, v3;
	v10 =	vand.u32 $0x7FFF, v10;
	(xrf1) =	vsort.ascd.msk.f32 @p6 $0xffff, v6, v6;
	v5 =	vmin.f32 @p6 v9, v7;
	v13, _, _ =	vpop @p0 (xrf1)  }
0x404: {  	v14 =	vperm.xlane @p6 v14, v1;
	v7 =	vmax.f32 @p6 v9, v7;
	v16 =	vmin.f32 @p6 v5, v11;
	v15, _, _ =	vpop @p6 (xrf1)  }
0x405: {  	v4 =	vld.idx.msk [tilespmem:v4+s9+$0x0], $0xffff;
	v9 =	vpsel p0, v12, v3;
	v5 =	vmax.f32 @p6 v5, v11;
	v6, _, _ =	vpop @p0 (xrf1);
	v12 =	vperm.xlane @p6 v15, v1  }
0x406: {  	p3 =	slt.s32 s20, s17;
	v15 =	vmin.f32 @p6 v7, v9;
	v11, _, _ =	vpop @p0 (xrf1);
	(xrf1) =	vsort.ascd.msk.f32 @p6 $0xffff, v16, v16;
	v6 =	vpsel p0, v6, v3  }
0x407: {  	v8 =	vpsel !p3, $0xFF800000, v8;
	v16, _, _ =	vpop @p0 (xrf1);
	(xrf1) =	vsort.ascd.msk.f32 @p6 $0xffff, v5, v5;
	v5 =	vmax.f32 @p6 v7, v9;
	v7 =	vpsel p0, v13, v3  }
0x408: {  	v10 =	vld.idx.msk [tilespmem:v10+s9+$0x0], $0xffff;
	v11 =	vpsel p0, v11, v3;
	v9, _, _ =	vpop @p0 (xrf1);
	(xrf1) =	vsort.ascd.msk.f32 @p6 $0xffff, v15, v15;
	v7 =	vmax.f32 @p6 v7, v12  }
0x409: {  	p4 =	slt.s32 s20, s16;
	v12, _, _ =	vpop @p0 (xrf1);
	(xrf1) =	vsort.ascd.msk.f32 $0xffff, v8, v8;
	v8 =	vmin.f32 @p6 v7, v11;
	v9 =	vpsel p0, v9, v3  }
0x40a: {  	v4 =	vpsel !p4, $0xFF800000, v4;
	v7 =	vmax.f32 @p6 v7, v11;
	v13, _, _ =	vpop @p0 (xrf1);
	(xrf1) =	vsort.ascd.msk.f32 @p6 $0xffff, v5, v5;
	v5 =	vpsel p0, v16, v3  }
0x40b: {  	v12 =	vpsel p0, v12, v3;
	v16 =	vmin.f32 @p6 v8, v6;
	v6 =	vmax.f32 @p6 v8, v6  }
0x40c: {  	p5 =	slt.s32 s20, s15;
	v13 =	vpsel p0, v13, v3;
	v15, _, _ =	vpop @p0 (xrf1);
	(xrf1) =	vsort.ascd.msk.f32 $0xffff, v4, v4;
	v8 =	vmin.f32 @p6 v7, v5  }
0x40d: {  	v4 =	vpsel !p5, $0xFF800000, v10;
	v15 =	vpsel p0, v15, v3;
	(xrf1) =	vsort.ascd.msk.f32 @p6 $0xffff, v16, v16;
	v10 =	vmax.f32 @p6 v13, v14  }
0x40e: {  	(xrf1) =	vsort.ascd.msk.f32 $0xffff, v4, v4;
	v4 =	vmin.f32 @p6 v10, v15;
	v10 =	vmax.f32 @p6 v10, v15  }
0x40f: {  	v5 =	vmax.f32 @p6 v7, v5;
	(xrf1) =	vsort.ascd.msk.f32 @p6 $0xffff, v6, v6;
	v6 =	vmax.f32 @p6 v10, v9  }
0x410: {  	v11, _, _ =	vpop @p6 (xrf1);
	v7 =	vmax.f32 @p6 v4, v12;
	v4 =	vmin.f32 @p6 v4, v12;
	(xrf1) =	vsort.ascd.msk.f32 @p6 $0xffff, v8, v8  }
0x411: {  	v8, _, _ =	vpop @p6 (xrf1);
	v7 =	vpsel p6, v7, v0;
	(xrf1) =	vsort.ascd.msk.f32 @p6 $0xffff, v5, v5;
	v5 =	vpsel p6, v6, v0  }
0x412: {  	v4 =	vpsel p6, v4, v0;
	v6, _, _ =	vpop @p6 (xrf1);
	(xrf1) =	vsort.ascd.msk.f32 @p6 $0xffff, v5, v5;
	v5 =	vmin.f32 @p6 v10, v9  }
0x413: {  	v9, _, _ =	vpop (xrf1);
	(xrf1) =	vsort.ascd.msk.f32 @p6 $0xffff, v7, v7;
	v5 =	vpsel p6, v5, v0  }
0x414: {  	v7, _, _ =	vpop @p6 (xrf1);
	(xrf1) =	vsort.ascd.msk.f32 @p6 $0xffff, v4, v4  }
0x415: {  	v4, _, _ =	vpop @p6 (xrf1);
	(xrf1) =	vsort.ascd.msk.f32 @p6 $0xffff, v5, v5  }
0x416: {  	v9 =	vperm.xlane v9, v1;
	v5, _, _ =	vpop @p6 (xrf1)  }
0x417: {  	v11 =	vpsel p6, v11, v3;
	v8 =	vpsel p6, v8, v3;
	v6 =	vpsel p6, v6, v3;
	v10, _, _ =	vpop @p6 (xrf1)  }
0x418: {  	v7 =	vpsel p6, v7, v3;
	v6 =	vmax.f32 v6, v9;
	v4 =	vpsel p6, v4, v3;
	v12, _, _ =	vpop (xrf1)  }
0x419: {  	v18 =	vmin.f32 v6, v8;
	v6 =	vmax.f32 v6, v8;
	v5 =	vpsel p6, v5, v3;
	v13, _, _ =	vpop @p6 (xrf1)  }
0x41a: {  	v8 =	vmax.f32 v18, v11;
	v10 =	vpsel p6, v10, v3;
	v11 =	vmin.f32 v18, v11;
	v14, _, _ =	vpop (xrf1)  }
0x41b: {  	v12 =	vperm.xlane v12, v1;
	(xrf1) =	vsort.ascd.msk.f32 $0xffff, v8, v8;
	v8 =	vmin.f32 v6, v7;
	v15, _, _ =	vpop @p6 (xrf1)  }
0x41c: {  	v6 =	vmax.f32 v6, v7;
	v13 =	vpsel p6, v13, v3;
	(xrf1) =	vsort.ascd.msk.f32 $0xffff, v8, v8;
	v16, _, _ =	vpop (xrf1)  }
0x41d: {  	v4 =	vmax.f32 v4, v12;
	(xrf1) =	vsort.ascd.msk.f32 $0xffff, v11, v11;
	v15 =	vpsel p6, v15, v3;
	v17, _, _ =	vpop @p6 (xrf1)  }
0x41e: {  	v7 =	vmin.f32 v4, v10;
	(xrf1) =	vsort.ascd.msk.f32 $0xffff, v6, v6;
	v4 =	vmax.f32 v4, v10;
	v9, _, _ =	vpop @p6 (xrf1)  }
0x41f: {  	v6 =	vmin.f32 v7, v5;
	v8 =	vperm.xlane v16, v1;
	v5 =	vmax.f32 v7, v5;
	v19, _, _ =	vpop @p6 (xrf1)  }
0x420: {  	v7 =	vperm.xlane v14, v1;
	v17 =	vpsel p6, v17, v3;
	(xrf1) =	vsort.ascd.msk.f32 $0xffff, v6, v6;
	v20, _, _ =	vpop @p6 (xrf1)  }
0x421: {  	v6 =	vmin.f32 v4, v13;
	v4 =	vmax.f32 v4, v13;
	v9 =	vpsel p6, v9, v3;
	v21, _, _ =	vpop @p6 (xrf1)  }
0x422: {  	(xrf1) =	vsort.ascd.msk.f32 $0xffff, v5, v5;
	v5 =	vmax.f32 v15, v8;
	v19 =	vpsel p6, v19, v3;
	v22, _, _ =	vpop @p6 (xrf1)  }
0x423: {  	v20 =	vpsel p6, v20, v3;
	v23, _, _ =	vpop @p6 (xrf1);
	v22 =	vpsel p6, v22, v3;
	(xrf1) =	vsort.ascd.msk.f32 $0xffff, v6, v6  }
0x424: {  	v6 =	vmin.f32 v5, v9;
	v23 =	vpsel p6, v23, v3;
	v3 =	vpsel p6, v21, v3  }
0x425: {  	v8 =	vmin.f32 v6, v17;
	(xrf1) =	vsort.ascd.msk.f32 $0xffff, v4, v4;
	v4 =	vmax.f32 v5, v9  }
0x426: {  	v5 =	vmax.f32 v6, v17;
	v7 =	vmax.f32 v22, v7;
	(xrf1) =	vsort.ascd.msk.f32 $0xffff, v8, v8  }
0x427: {  	v6 =	vmin.f32 v4, v19;
	v4 =	vmax.f32 v4, v19;
	(xrf1) =	vsort.ascd.msk.f32 $0xffff, v5, v5  }
0x428: {  	v5 =	vmax.f32 v7, v23;
	(xrf1) =	vsort.ascd.msk.f32 $0xffff, v6, v6;
	v6 =	vmin.f32 v7, v23  }
0x429: {  	v7 =	vmax.f32 v5, v20;
	(xrf1) =	vsort.ascd.msk.f32 $0xffff, v4, v4;
	v4 =	vmax.f32 v6, v3  }
0x42a: {  	(xrf1) =	vsort.ascd.msk.f32 $0xffff, v7, v7  }
0x42b: {  	v5 =	vmin.f32 v5, v20;
	v3 =	vmin.f32 v6, v3;
	(xrf1) =	vsort.ascd.msk.f32 $0xffff, v4, v4  }
0x42c: {  	v4, _, _ =	vpop (xrf1);
	(xrf1) =	vsort.ascd.msk.f32 $0xffff, v3, v3  }
0x42d: {  	v7, _, _ =	vpop (xrf1);
	(xrf1) =	vsort.ascd.msk.f32 $0xffff, v5, v5  }
0x42e: {  	v5, _, _ =	vpop (xrf1)  }
0x42f: {  	v11, _, _ =	vpop (xrf1)  }
0x430: {  	v13, _, _ =	vpop (xrf1)  }
0x431: {  	v16, _, _ =	vpop (xrf1)  }
0x432: {  	v17, _, _ =	vpop (xrf1)  }
0x433: {  	v18, _, _ =	vpop (xrf1)  }
0x434: {  	v3, _, _ =	vpop (xrf1)  }
0x435: {  	v12, _, _ =	vpop (xrf1)  }
0x436: {  	v14, _, _ =	vpop (xrf1)  }
.Ltmp18:
0x437: {  	v15, _, _ =	vpop (xrf1);
	(pc) =	sbr.rel .LBB2_34-.Ltmp18, $4  }
0x438: {  	v6, _, _ =	vpop (xrf1)  }
0x439: {  	v8, _, _ =	vpop (xrf1)  }
0x43a: {  	v9, _, _ =	vpop (xrf1)  }
0x43b: {  	v10, _, _ =	vpop (xrf1)  }
.LBB2_7:
.Ltmp19:
0x43c: {  	(pc) =	sbr.rel .LBB2_16-.Ltmp19, $4  }
0x43d: {  	p0 =	por $0x0, $0x0  }
0x43e: {  	s0 =	simm.s32 @!p0 $0x0  }
0x43f: {  	s0 =	simm.s32 @p0 $0x1  }
0x440: {  	v14 =	vimm.f32 $-Inf;
	v11 =	vimm.f32 $-Inf;
	v8 =	vimm.f32 $-Inf;
	[smem:$0x7FB] =	sst s0  }
.LBB2_24:
.Ltmp20:
0x441: {  	(pc) =	sbr.rel .LBB2_33-.Ltmp20, $4  }
0x442: {  	p0 =	por $0x0, $0x0  }
0x443: {  	s0 =	simm.s32 @!p0 $0x0  }
0x444: {  	s0 =	simm.s32 @p0 $0x1  }
0x445: {  	v14 =	vimm.f32 $-Inf;
	v11 =	vimm.f32 $-Inf;
	v8 =	vimm.f32 $-Inf;
	[smem:$0x7F2] =	sst s0  }
.LBB2_9:
.Ltmp21:
0x446: {  	(pc) =	sbr.rel .LBB2_16-.Ltmp21, $2  }
0x447: {  	_ =	sdelay $0x2  }
0x448: {  	s20 =	simm.s32 $0x1;
	v14 =	vimm.f32 $-Inf;
	v11 =	vimm.f32 $-Inf;
	v8 =	vimm.f32 $-Inf  }
.LBB2_26:
.Ltmp22:
0x449: {  	(pc) =	sbr.rel .LBB2_33-.Ltmp22, $2  }
0x44a: {  	_ =	sdelay $0x2  }
0x44b: {  	s20 =	simm.s32 $0x1;
	v14 =	vimm.f32 $-Inf;
	v11 =	vimm.f32 $-Inf;
	v8 =	vimm.f32 $-Inf  }
.LBB2_11:
.Ltmp23:
0x44c: {  	(pc) =	sbr.rel .LBB2_16-.Ltmp23, $2  }
0x44d: {  	_ =	sdelay $0x2  }
0x44e: {  	s21 =	smov.u32 s23;
	v14 =	vimm.f32 $-Inf;
	v11 =	vimm.f32 $-Inf;
	v8 =	vimm.f32 $-Inf  }
.LBB2_28:
.Ltmp24:
0x44f: {  	(pc) =	sbr.rel .LBB2_33-.Ltmp24, $2  }
0x450: {  	_ =	sdelay $0x2  }
0x451: {  	s21 =	smov.u32 s23;
	v14 =	vimm.f32 $-Inf;
	v11 =	vimm.f32 $-Inf;
	v8 =	vimm.f32 $-Inf  }
.LBB2_13:
.Ltmp25:
0x452: {  	(pc) =	sbr.rel .LBB2_16-.Ltmp25, $2  }
0x453: {  	_ =	sdelay $0x2  }
0x454: {  	s20 =	simm.s32 $0x3  }
.LBB2_30:
.Ltmp26:
0x455: {  	(pc) =	sbr.rel .LBB2_33-.Ltmp26, $2  }
0x456: {  	_ =	sdelay $0x2  }
0x457: {  	s20 =	simm.s32 $0x3  }
.LBB2_35:
0x458: {  	_ =	sfence.sel $0x180000  }
0x459: {  	[bflag:$0x0] =	sbarrier.arrive $0xFFFF  }
0x45a: {  	_ =	strace $0x90000047  }
0x45b: {  	s0 =	stileid.u32;
	[bflag:$0x2] =	sbarrier.arrive $0xFFFF  }
0x45c: {  	p0 =	sne.s32 s0, $0x0;
	s0 =	rddreg [dreg:$0x2]  }
0x45d: {  	s0 =	sadd.s32 @!p0 $0x100000, s0  }
0x45e: {  	[sflag:s0] =	ssyncadd.tile.s32 @!p0 $0x1;
	_ =	shalt  }
.Lfunc_end2:
_tile_overlayer_lowered:
.L_overlay_start_2:
0x45f: {  	(tag) =	ssettag $0x2  }
0x460: {  	s0 =	rddreg [dreg:$0x0];
	s2 =	stileid.u32  }
0x461: {  	s1 =	rddreg [dreg:$0x1];
	p0 =	sne.s32 s2, $0x0  }
0x462: {  	s3 =	rddreg [dreg:$0x2];
	[bflag:$0x3] =	sbarrier.arrive $0xFFFF;
	s2 =	simm.s32 @!p0 $0x1C03  }
0x463: {  	[timem:s3], [sflag:s2] =	dma.local @!p0 [hbm:s0], s1  }
0x464: {  	s0 =	simm.s32 @!p0 $0x3  }
0x465: {  	_ =	swait.ge @!p0 [sflag:s0], s1  }
0x466: {  	s1 =	ssub.s32 @!p0 $0x0, s1;
	[sflag:s0] =	ssyncset.done @!p0 $0x0  }
0x467: {  	[sflag:s0] =	ssyncadd.s32 @!p0 s1  }
0x468: {  	[bflag:$0x3] =	sbarrier.arrive $0xFFFF  }
0x469: {  	_ =	shalt  }

</sc_bundles>
